<compile_context>
chip_gen: v7x
topology: tpu7x:2x2x1
jax: 0.10.2.dev20260603
libtpu: 0.0.44.dev20260713+nightly
codegen_flags: <defaults>
</compile_context>

<pallas_src>
import functools

import jax
import jax.numpy as jnp
from jax import lax
from jax.experimental import pallas as pl
from jax.experimental.pallas import tpu as pltpu
from jax.experimental.pallas import tpu_sc as plsc

N = 10000
E = 320000
D_IN = 128
H = 128
C_OUT = 64
L = 4

NC = 2
NS = 16
NW = NC * NS

COLS = H // NC
ECH = 64
CPT = 320
QCH = 64
E_PAD = ECH * CPT * NS
NP16 = 10112
TROWS = NP16 // NS

BLK = 2000
BLKF = TROWS
GRID = N // BLK

_mesh = plsc.VectorSubcoreMesh(core_axis_name="c", subcore_axis_name="s")


def _sc_mega_body(h0p, srcv, dstv, hsum_out, t_flat,
                  idx_s, idx_d, rows0, rows1, rows2, no_v, ni_v, cc_v,
                  acc_sh, gsem0, gsem1, gsem2):
    c = lax.axis_index("c")
    s = lax.axis_index("s")
    base = s * TROWS
    NVH = H // 16

    zro16 = jnp.zeros((16,), jnp.float32)
    one16 = jnp.ones((16,), jnp.float32)
    mask0 = lax.broadcasted_iota(jnp.int32, (16,), 0) == 0

    def fill(buf, val16):
        @pl.loop(0, 64)
        def _f(i):
            for k in range(NVH):
                buf[i, pl.ds(k * 16, 16)] = val16

    def zero_acc_slice():
        @pl.loop(0, 9)
        def _z(k):
            pltpu.sync_copy(rows0.at[pl.ds(0, 64)],
                            acc_sh.at[pl.ds(base + k * 64, 64)])
        pltpu.sync_copy(rows0.at[pl.ds(0, 56)],
                        acc_sh.at[pl.ds(base + 576, 56)])

    def norm_block(lo, nr, p):
        pltpu.sync_copy(acc_sh.at[pl.ds(base + lo, nr)],
                        rows0.at[pl.ds(0, nr)])

        @pl.loop(0, nr)
        def _n(r):
            x = jnp.maximum(rows0[r, pl.ds(0, 16)], 1.0)
            iv = plsc.bitcast(x, jnp.int32)
            y = plsc.bitcast(jnp.int32(0x5F3759DF) - (iv >> 1), jnp.float32)
            for _ in range(3):
                y = y * (1.5 - 0.5 * x * y * y)
            ridx = jnp.full((16,), lo + r, jnp.int32)
            if p == 0:
                plsc.store_scatter(no_v, [ridx], y, mask=mask0)
            else:
                plsc.store_scatter(ni_v, [ridx], y, mask=mask0)
                nov = plsc.load_gather(no_v, [ridx])
                plsc.store_scatter(cc_v, [ridx], y * nov, mask=mask0)

    def stage_block(lo, nr):
        pltpu.sync_copy(h0p.at[pl.ds(base + lo, nr)], rows0.at[pl.ds(0, nr)])
        pltpu.sync_copy(rows0.at[pl.ds(0, nr)],
                        hsum_out.at[c, pl.ds(base + lo, nr)])

        @pl.loop(0, nr)
        def _t0(r):
            nov = plsc.load_gather(no_v, [jnp.full((16,), lo + r, jnp.int32)])
            for kk in range(NVH):
                sl = pl.ds(kk * 16, 16)
                rows0[r, sl] = rows0[r, sl] * nov

        pltpu.sync_copy(rows0.at[pl.ds(0, nr)],
                        t_flat.at[pl.ds(c * NP16 + base + lo, nr)])

    def edge_pass():
        coff = c * NP16

        @pl.loop(0, CPT // QCH)
        def _q(q):
            hb = s * CPT + q * QCH
            pltpu.sync_copy(srcv.at[pl.ds(hb, QCH)], idx_s)
            pltpu.sync_copy(dstv.at[pl.ds(hb, QCH)], idx_d)

            @pl.loop(0, QCH)
            def _off(r):
                for kk in range(ECH // 16):
                    sl = pl.ds(kk * 16, 16)
                    idx_s[r, sl] = idx_s[r, sl] + coff

            pltpu.make_async_copy(t_flat.at[idx_s.at[0]], rows0, gsem0).start()
            pltpu.make_async_copy(t_flat.at[idx_s.at[1]], rows1, gsem1).start()
            pltpu.make_async_copy(t_flat.at[idx_s.at[2]], rows2, gsem2).start()

            lanes = ((rows0, gsem0), (rows1, gsem1), (rows2, gsem2))

            @pl.loop(0, QCH - 1, step=3)
            def _edges(j0):
                for b, (rows, gsem) in enumerate(lanes):
                    j = j0 + b
                    pltpu.make_async_copy(
                        t_flat.at[idx_s.at[j]], rows, gsem).wait()
                    pltpu.sync_copy(rows, acc_sh.at[idx_d.at[j]], add=True)

                    @pl.when(j + 3 < QCH)
                    def _():
                        pltpu.make_async_copy(
                            t_flat.at[idx_s.at[j + 3]], rows, gsem).start()

            pltpu.make_async_copy(
                t_flat.at[idx_s.at[QCH - 1]], rows0, gsem0).wait()
            pltpu.sync_copy(rows0, acc_sh.at[idx_d.at[QCH - 1]], add=True)

    def scale_block(lo, nr, last):
        pltpu.sync_copy(acc_sh.at[pl.ds(base + lo, nr)],
                        rows0.at[pl.ds(0, nr)])
        pltpu.sync_copy(hsum_out.at[c, pl.ds(base + lo, nr)],
                        rows1.at[pl.ds(0, nr)])

        if last:
            @pl.loop(0, nr)
            def _upd_last(r):
                ridx = jnp.full((16,), lo + r, jnp.int32)
                niv = plsc.load_gather(ni_v, [ridx])
                for kk in range(NVH):
                    sl = pl.ds(kk * 16, 16)
                    rows1[r, sl] = rows1[r, sl] + niv * rows0[r, sl]
        else:
            @pl.loop(0, nr)
            def _upd(r):
                ridx = jnp.full((16,), lo + r, jnp.int32)
                niv = plsc.load_gather(ni_v, [ridx])
                ccv = plsc.load_gather(cc_v, [ridx])
                for kk in range(NVH):
                    sl = pl.ds(kk * 16, 16)
                    a = rows0[r, sl]
                    rows1[r, sl] = rows1[r, sl] + niv * a
                    rows0[r, sl] = ccv * a

        pltpu.sync_copy(rows1.at[pl.ds(0, nr)],
                        hsum_out.at[c, pl.ds(base + lo, nr)])
        if not last:
            pltpu.sync_copy(rows0.at[pl.ds(0, nr)],
                            t_flat.at[pl.ds(c * NP16 + base + lo, nr)])

    def scale_phase(last):
        @pl.loop(0, 9)
        def _sc(k):
            scale_block(k * 64, 64, last)

        scale_block(576, 56, last)
        if not last:
            fill(rows0, zro16)
            zero_acc_slice()

    fill(rows0, zro16)
    zero_acc_slice()
    plsc.subcore_barrier()

    for p in range(2):
        idxv = srcv if p == 0 else dstv
        fill(rows1, one16)

        @pl.loop(0, CPT // QCH)
        def _dq(q):
            pltpu.sync_copy(idxv.at[pl.ds(s * CPT + q * QCH, QCH)], idx_d)

            @pl.loop(0, QCH)
            def _deg_scatter(j):
                @pl.when(j >= 6)
                def _():
                    pltpu.make_async_copy(
                        rows1.at[pl.ds(0, ECH)],
                        acc_sh.at[idx_d.at[j - 6]], gsem0).wait()
                pltpu.async_copy(
                    rows1.at[pl.ds(0, ECH)],
                    acc_sh.at[idx_d.at[j]], gsem0, add=True)

            @pl.loop(0, 6)
            def _deg_drain(j):
                pltpu.make_async_copy(
                    rows1.at[pl.ds(0, ECH)],
                    acc_sh.at[idx_d.at[QCH - 6 + j]], gsem0).wait()

        plsc.subcore_barrier()

        @pl.loop(0, 9)
        def _nb(k):
            norm_block(k * 64, 64, p)

        norm_block(576, 56, p)

        fill(rows0, zro16)
        zero_acc_slice()
        plsc.subcore_barrier()

    @pl.loop(0, 9)
    def _stg(k):
        stage_block(k * 64, 64)

    stage_block(576, 56)
    plsc.subcore_barrier()

    @pl.loop(0, L - 1)
    def _layer(_):
        edge_pass()
        plsc.subcore_barrier()
        scale_phase(False)
        plsc.subcore_barrier()

    edge_pass()
    plsc.subcore_barrier()
    scale_phase(True)


_sc_mega = functools.partial(
    pl.kernel,
    out_type=[jax.ShapeDtypeStruct((NC, NP16, H), jnp.float32),
              jax.ShapeDtypeStruct((NC * NP16, H), jnp.float32)],
    mesh=_mesh,
    scratch_types=[
        pltpu.VMEM((QCH, ECH), jnp.int32),
        pltpu.VMEM((QCH, ECH), jnp.int32),
        pltpu.VMEM((ECH, H), jnp.float32),
        pltpu.VMEM((ECH, H), jnp.float32),
        pltpu.VMEM((ECH, H), jnp.float32),
        pltpu.VMEM((TROWS,), jnp.float32),
        pltpu.VMEM((TROWS,), jnp.float32),
        pltpu.VMEM((TROWS,), jnp.float32),
        pltpu.VMEM_SHARED((NP16, H), jnp.float32),
        pltpu.SemaphoreType.DMA,
        pltpu.SemaphoreType.DMA,
        pltpu.SemaphoreType.DMA,
    ],
    compiler_params=pltpu.CompilerParams(needs_layout_passes=False),
)(_sc_mega_body)


def _tc_fc_body(feat_ref, fcw_ref, fcb_ref, h0_ref):
    h0_ref[...] = jnp.dot(feat_ref[...], fcw_ref[...],
                          preferred_element_type=jnp.float32) + fcb_ref[...]


def _tc_fc(feat_pad, fc_w, fc_b):
    return pl.pallas_call(
        _tc_fc_body,
        grid=(NP16 // BLKF,),
        in_specs=[
            pl.BlockSpec((BLKF, D_IN), lambda i: (i, 0)),
            pl.BlockSpec((D_IN, H), lambda i: (0, 0)),
            pl.BlockSpec((1, H), lambda i: (0, 0)),
        ],
        out_specs=pl.BlockSpec((BLKF, H), lambda i: (i, 0)),
        out_shape=jax.ShapeDtypeStruct((NP16, H), jnp.float32),
    )(feat_pad, fc_w, fc_b)


def _tc_head_body(hs_ref, g0_ref, b0_ref, w1_ref, b1_ref, g1_ref, b1n_ref,
                  w2_ref, b2_ref, out_ref):
    hs = jnp.concatenate([hs_ref[0][:, :COLS], hs_ref[1][:, COLS:]], axis=1)
    x = hs * (1.0 / (L + 1.0))
    mu = jnp.mean(x, axis=1, keepdims=True)
    var = jnp.mean((x - mu) * (x - mu), axis=1, keepdims=True)
    x = (x - mu) * lax.rsqrt(var + 1e-5) * g0_ref[...] + b0_ref[...]
    y = jnp.dot(x, w1_ref[...], preferred_element_type=jnp.float32) + b1_ref[...]
    y = jnp.where(y > 0, y, jnp.exp(jnp.minimum(y, 0.0)) - 1.0)
    mu = jnp.mean(y, axis=1, keepdims=True)
    var = jnp.mean((y - mu) * (y - mu), axis=1, keepdims=True)
    y = (y - mu) * lax.rsqrt(var + 1e-5) * g1_ref[...] + b1n_ref[...]
    z = jnp.dot(y, w2_ref[...], preferred_element_type=jnp.float32) + b2_ref[...]
    nrm = jnp.sqrt(jnp.sum(z * z, axis=1, keepdims=True))
    out_ref[...] = z / jnp.maximum(nrm, 1e-12)


def _tc_head(hsum2, ln0_g, ln0_b, w1, b1, ln1_g, ln1_b, w2, b2):
    return pl.pallas_call(
        _tc_head_body,
        grid=(GRID,),
        in_specs=[
            pl.BlockSpec((NC, BLK, H), lambda i: (0, i, 0)),
            pl.BlockSpec((1, H), lambda i: (0, 0)),
            pl.BlockSpec((1, H), lambda i: (0, 0)),
            pl.BlockSpec((H, H), lambda i: (0, 0)),
            pl.BlockSpec((1, H), lambda i: (0, 0)),
            pl.BlockSpec((1, H), lambda i: (0, 0)),
            pl.BlockSpec((1, H), lambda i: (0, 0)),
            pl.BlockSpec((H, C_OUT), lambda i: (0, 0)),
            pl.BlockSpec((1, C_OUT), lambda i: (0, 0)),
        ],
        out_specs=pl.BlockSpec((BLK, C_OUT), lambda i: (i, 0)),
        out_shape=jax.ShapeDtypeStruct((N, C_OUT), jnp.float32),
    )(hsum2, ln0_g, ln0_b, w1, b1, ln1_g, ln1_b, w2, b2)


def kernel(features_0, edge_index, e_feat_org, fc_w, fc_b, ln0_g, ln0_b,
           w1, b1, ln1_g, ln1_b, w2, b2):
    src = edge_index[0]
    dst = edge_index[1]
    pad = E_PAD - E
    fill = (jnp.arange(pad, dtype=jnp.int32) % (NP16 - N)) + N
    srcv = jnp.concatenate([src, fill]).reshape(NS * CPT, ECH)
    dstv = jnp.concatenate([dst, fill]).reshape(NS * CPT, ECH)

    feat_pad = jnp.concatenate(
        [features_0, jnp.zeros((NP16 - N, D_IN), jnp.float32)])
    h0p = _tc_fc(feat_pad, fc_w, fc_b.reshape(1, H))
    hsum2, _ = _sc_mega(h0p, srcv, dstv)
    return _tc_head(hsum2, ln0_g.reshape(1, H), ln0_b.reshape(1, H),
                    w1, b1.reshape(1, H), ln1_g.reshape(1, H),
                    ln1_b.reshape(1, H), w2, b2.reshape(1, C_OUT))

# --- scband reference (transcript-rebuilt; emitter-appended) ---
"""Pipeline reference for scband-grand-13975823582076 (READ-ONLY COPY).

The authoritative reference and input builder live on the scoring server;
editing this copy changes nothing except your own understanding.
"""

import jax, jax.numpy as jnp
import numpy as np

N = 10000
E = 320000
D_IN = 128
H = 128
C = 64
L = 4

def _layer_norm(x, g, b, eps=1e-5):
    mu = jnp.mean(x, axis=-1, keepdims=True)
    var = jnp.var(x, axis=-1, keepdims=True)
    return (x - mu) / jnp.sqrt(var + eps) * g + b

def setup_inputs(seed: int = 0):
    key = jax.random.key(seed)
    ks = jax.random.split(key, 8)
    return {
        "features_0": jax.random.normal(ks[0], (N, D_IN), jnp.float32),
        "edge_index": jax.random.randint(ks[1], (2, E), 0, N, jnp.int32),
        "e_feat_org": jnp.zeros((E,), jnp.int32),
        "fc_w": jax.random.normal(ks[2], (D_IN, H), jnp.float32) * 0.05,
        "fc_b": jnp.zeros((H,), jnp.float32),
        "ln0_g": jnp.ones((H,), jnp.float32),
        "ln0_b": jnp.zeros((H,), jnp.float32),
        "w1": jax.random.normal(ks[3], (H, H), jnp.float32) * 0.05,
        "b1": jnp.zeros((H,), jnp.float32),
        "ln1_g": jnp.ones((H,), jnp.float32),
        "ln1_b": jnp.zeros((H,), jnp.float32),
        "w2": jax.random.normal(ks[4], (H, C), jnp.float32) * 0.05,
        "b2": jnp.zeros((C,), jnp.float32),
    }

def reference(features_0, edge_index, e_feat_org, fc_w, fc_b, ln0_g, ln0_b, w1, b1, ln1_g, ln1_b, w2, b2):
    # eval mode: dropnode mask == identity (scaled dropout is identity at eval)
    src = edge_index[0]
    dst = edge_index[1]
    ones_e = jnp.ones((E,), jnp.float32)
    deg_out = jax.ops.segment_sum(ones_e, src, num_segments=N)
    deg_in = jax.ops.segment_sum(ones_e, dst, num_segments=N)
    norm_out = 1.0 / jnp.sqrt(jnp.clip(deg_out, 1.0, None))
    norm_in = 1.0 / jnp.sqrt(jnp.clip(deg_in, 1.0, None))
    # fc projection (single feature type)
    h = features_0 @ fc_w + fc_b
    h_acc = h
    # GraphConv(weight=False, bias=False, norm='both') applied num_layers times
    for _ in range(L):
        m = (h * norm_out[:, None])[src]
        h = jax.ops.segment_sum(m, dst, num_segments=N) * norm_in[:, None]
        h_acc = h_acc + h
    h_acc = h_acc / (L + 1.0)
    h_acc = _layer_norm(h_acc, ln0_g, ln0_b)
    h_acc = jax.nn.elu(h_acc @ w1 + b1)
    h_acc = _layer_norm(h_acc, ln1_g, ln1_b)
    logits = h_acc @ w2 + b2
    nrm = jnp.linalg.norm(logits, axis=1, keepdims=True)
    return logits / jnp.maximum(nrm, 1e-12)

if __name__ == "__main__":
    import jax
    _d = setup_inputs()
    print(jax.jit(kernel)(*tuple(_d.values())))

</pallas_src>

<mosaic_0001>
#map = affine_map<(d0, d1) -> (0, 0)>
#map1 = affine_map<(d0, d1) -> (0, 0, 0)>
module attributes {stable_mosaic.version = 14 : i64} {
  func.func @_sc_mega_body(%arg0: i32, %arg1: i32, %arg2: memref<10112x128xf32, #tpu.memory_space<hbm>>, %arg3: memref<5120x64xi32, #tpu.memory_space<hbm>>, %arg4: memref<5120x64xi32, #tpu.memory_space<hbm>>, %arg5: memref<2x10112x128xf32, #tpu.memory_space<hbm>>, %arg6: memref<20224x128xf32, #tpu.memory_space<hbm>>, %arg7: memref<64x64xi32, #tpu.memory_space<vmem>>, %arg8: memref<64x64xi32, #tpu.memory_space<vmem>>, %arg9: memref<64x128xf32, #tpu.memory_space<vmem>>, %arg10: memref<64x128xf32, #tpu.memory_space<vmem>>, %arg11: memref<64x128xf32, #tpu.memory_space<vmem>>, %arg12: memref<632xf32, #tpu.memory_space<vmem>>, %arg13: memref<632xf32, #tpu.memory_space<vmem>>, %arg14: memref<632xf32, #tpu.memory_space<vmem>>, %arg15: memref<10112x128xf32, #tpu.memory_space<vmem_shared>>, %arg16: memref<!tpu.dma_semaphore, #tpu.memory_space<semaphore_mem>>, %arg17: memref<!tpu.dma_semaphore, #tpu.memory_space<semaphore_mem>>, %arg18: memref<!tpu.dma_semaphore, #tpu.memory_space<semaphore_mem>>) attributes {dimension_semantics = [#tpu.dimension_semantics<core_parallel>, #tpu.dimension_semantics<subcore_parallel>], iteration_bounds = array<i64: 2, 16>, scalar_prefetch = 0 : i64, scratch_operands = 12 : i64, tpu.core_type = #tpu.core_type<sc_vector_subcore>, window_params = [{transform_indices = #map}, {transform_indices = #map}, {transform_indices = #map}, {transform_indices = #map1}, {transform_indices = #map}]} {
    %mul3A = arith.constant 632 : i32
    %mul3A_0 = arith.muli %arg1, %mul3A : i32
    %broadcast_in_dim3A = arith.constant 0.000000e+00 : f32
    %broadcast_in_dim3A_1 = vector.broadcast %broadcast_in_dim3A : f32 to vector<16xf32>
    %broadcast_in_dim3A_2 = arith.constant 1.000000e+00 : f32
    %broadcast_in_dim3A_3 = vector.broadcast %broadcast_in_dim3A_2 : f32 to vector<16xf32>
    %iota3A = tpu.iota {dimensions = array<i32: 0>} : vector<16xi32>
    %eq3A = arith.constant 0 : i32
    %eq3A_4 = vector.broadcast %eq3A : i32 to vector<16xi32>
    %eq3A_5 = arith.cmpi eq, %iota3A, %eq3A_4 : vector<16xi32>
    %scan3A = arith.constant 0 : i32
    %scan3A_6 = arith.constant 64 : i32
    %scan3A_7 = arith.addi %scan3A, %scan3A_6 : i32
    %scan3A_8 = arith.constant 1 : i32
    scf.for %scan3A_137 = %scan3A to %scan3A_7 step %scan3A_8  : i32 {
      %mul3A_138 = arith.constant 1 : i32
      %mul3A_139 = arith.muli %scan3A_137, %mul3A_138 : i32
      %add3A_140 = arith.constant 0 : i32
      %add3A_141 = arith.addi %add3A_140, %mul3A_139 : i32
      %swap3A = arith.index_cast %add3A_141 : i32 to index
      %swap3A_142 = arith.constant 0 : index
      %swap3A_143 = tpu.vector_load %arg9[%swap3A, %swap3A_142] {strides = array<i32>} : memref<64x128xf32, #tpu.memory_space<vmem>>, vector<16xf32>,
      tpu.vector_store %arg9[%swap3A, %swap3A_142], %broadcast_in_dim3A_1 {strides = array<i32>} : memref<64x128xf32, #tpu.memory_space<vmem>>, vector<16xf32>,
      %swap3A_144 = arith.index_cast %add3A_141 : i32 to index
      %swap3A_145 = arith.constant 16 : index
      %swap3A_146 = tpu.vector_load %arg9[%swap3A_144, %swap3A_145] {strides = array<i32>} : memref<64x128xf32, #tpu.memory_space<vmem>>, vector<16xf32>,
      tpu.vector_store %arg9[%swap3A_144, %swap3A_145], %broadcast_in_dim3A_1 {strides = array<i32>} : memref<64x128xf32, #tpu.memory_space<vmem>>, vector<16xf32>,
      %swap3A_147 = arith.index_cast %add3A_141 : i32 to index
      %swap3A_148 = arith.constant 32 : index
      %swap3A_149 = tpu.vector_load %arg9[%swap3A_147, %swap3A_148] {strides = array<i32>} : memref<64x128xf32, #tpu.memory_space<vmem>>, vector<16xf32>,
      tpu.vector_store %arg9[%swap3A_147, %swap3A_148], %broadcast_in_dim3A_1 {strides = array<i32>} : memref<64x128xf32, #tpu.memory_space<vmem>>, vector<16xf32>,
      %swap3A_150 = arith.index_cast %add3A_141 : i32 to index
      %swap3A_151 = arith.constant 48 : index
      %swap3A_152 = tpu.vector_load %arg9[%swap3A_150, %swap3A_151] {strides = array<i32>} : memref<64x128xf32, #tpu.memory_space<vmem>>, vector<16xf32>,
      tpu.vector_store %arg9[%swap3A_150, %swap3A_151], %broadcast_in_dim3A_1 {strides = array<i32>} : memref<64x128xf32, #tpu.memory_space<vmem>>, vector<16xf32>,
      %swap3A_153 = arith.index_cast %add3A_141 : i32 to index
      %swap3A_154 = arith.constant 64 : index
      %swap3A_155 = tpu.vector_load %arg9[%swap3A_153, %swap3A_154] {strides = array<i32>} : memref<64x128xf32, #tpu.memory_space<vmem>>, vector<16xf32>,
      tpu.vector_store %arg9[%swap3A_153, %swap3A_154], %broadcast_in_dim3A_1 {strides = array<i32>} : memref<64x128xf32, #tpu.memory_space<vmem>>, vector<16xf32>,
      %swap3A_156 = arith.index_cast %add3A_141 : i32 to index
      %swap3A_157 = arith.constant 80 : index
      %swap3A_158 = tpu.vector_load %arg9[%swap3A_156, %swap3A_157] {strides = array<i32>} : memref<64x128xf32, #tpu.memory_space<vmem>>, vector<16xf32>,
      tpu.vector_store %arg9[%swap3A_156, %swap3A_157], %broadcast_in_dim3A_1 {strides = array<i32>} : memref<64x128xf32, #tpu.memory_space<vmem>>, vector<16xf32>,
      %swap3A_159 = arith.index_cast %add3A_141 : i32 to index
      %swap3A_160 = arith.constant 96 : index
      %swap3A_161 = tpu.vector_load %arg9[%swap3A_159, %swap3A_160] {strides = array<i32>} : memref<64x128xf32, #tpu.memory_space<vmem>>, vector<16xf32>,
      tpu.vector_store %arg9[%swap3A_159, %swap3A_160], %broadcast_in_dim3A_1 {strides = array<i32>} : memref<64x128xf32, #tpu.memory_space<vmem>>, vector<16xf32>,
      %swap3A_162 = arith.index_cast %add3A_141 : i32 to index
      %swap3A_163 = arith.constant 112 : index
      %swap3A_164 = tpu.vector_load %arg9[%swap3A_162, %swap3A_163] {strides = array<i32>} : memref<64x128xf32, #tpu.memory_space<vmem>>, vector<16xf32>,
      tpu.vector_store %arg9[%swap3A_162, %swap3A_163], %broadcast_in_dim3A_1 {strides = array<i32>} : memref<64x128xf32, #tpu.memory_space<vmem>>, vector<16xf32>,
    }
    %scan3A_9 = arith.constant 64 : i32
    %scan3A_10 = arith.constant 0 : i32
    %scan3A_11 = arith.constant 9 : i32
    %scan3A_12 = arith.addi %scan3A_10, %scan3A_11 : i32
    %scan3A_13 = arith.constant 1 : i32
    scf.for %scan3A_137 = %scan3A_10 to %scan3A_12 step %scan3A_13  : i32 {
      %mul3A_138 = arith.constant 1 : i32
      %mul3A_139 = arith.muli %scan3A_137, %mul3A_138 : i32
      %add3A_140 = arith.constant 0 : i32
      %add3A_141 = arith.addi %add3A_140, %mul3A_139 : i32
      %mul3A_142 = arith.constant 64 : i32
      %mul3A_143 = arith.muli %add3A_141, %mul3A_142 : i32
      %add3A_144 = arith.addi %mul3A_0, %mul3A_143 : i32
      "tpu.region"() ({
        %run_scoped3A = tpu.sem_alloc : memref<!tpu.dma_semaphore, #tpu.memory_space<semaphore_mem>>
        %dma_start3A = arith.constant 0 : i32
        %dma_start3A_145 = arith.constant 0 : i32
        %dma_start3A_146 = tpu.memref_slice %arg9[%dma_start3A, %dma_start3A_145] : memref<64x128xf32, #tpu.memory_space<vmem>> -> memref<64x128xf32, #tpu.memory_space<vmem>>
        %dma_start3A_147 = arith.constant 0 : i32
        %dma_start3A_148 = tpu.memref_slice %arg15[%add3A_144, %dma_start3A_147] : memref<10112x128xf32, #tpu.memory_space<vmem_shared>> -> memref<64x128xf32, #tpu.memory_space<vmem_shared>>
        %dma_start3A_149 = arith.constant 0 : i32
        %dma_start3A_150 = tpu.memref_slice %arg15[%add3A_144, %dma_start3A_149] : memref<10112x128xf32, #tpu.memory_space<vmem_shared>> -> memref<64x128xf32, #tpu.memory_space<vmem_shared>>
        %dma_start3A_151 = arith.constant 0 : i32
        %dma_start3A_152 = arith.constant 0 : i32
        %dma_start3A_153 = tpu.memref_slice %arg9[%dma_start3A_151, %dma_start3A_152] : memref<64x128xf32, #tpu.memory_space<vmem>> -> memref<64x128xf32, #tpu.memory_space<vmem>>
        tpu.enqueue_dma source(%dma_start3A_153 : memref<64x128xf32, #tpu.memory_space<vmem>>) target(%dma_start3A_150 : memref<64x128xf32, #tpu.memory_space<vmem_shared>>) target_semaphore(%run_scoped3A : memref<!tpu.dma_semaphore, #tpu.memory_space<semaphore_mem>>)
        %dma_wait3A = arith.constant 0 : i32
        %dma_wait3A_154 = arith.constant 0 : i32
        %dma_wait3A_155 = tpu.memref_slice %arg9[%dma_wait3A, %dma_wait3A_154] : memref<64x128xf32, #tpu.memory_space<vmem>> -> memref<64x128xf32, #tpu.memory_space<vmem>>
        %dma_wait3A_156 = arith.constant 0 : i32
        %dma_wait3A_157 = tpu.memref_slice %arg15[%add3A_144, %dma_wait3A_156] : memref<10112x128xf32, #tpu.memory_space<vmem_shared>> -> memref<64x128xf32, #tpu.memory_space<vmem_shared>>
        %dma_wait3A_158 = arith.constant 0 : i32
        %dma_wait3A_159 = tpu.memref_slice %arg15[%add3A_144, %dma_wait3A_158] : memref<10112x128xf32, #tpu.memory_space<vmem_shared>> -> memref<64x128xf32, #tpu.memory_space<vmem_shared>>
        %dma_wait3A_160 = arith.constant 0 : i32
        %dma_wait3A_161 = arith.constant 0 : i32
        %dma_wait3A_162 = tpu.memref_slice %arg9[%dma_wait3A_160, %dma_wait3A_161] : memref<64x128xf32, #tpu.memory_space<vmem>> -> memref<64x128xf32, #tpu.memory_space<vmem>>
        tpu.wait_dma2 semaphore(%run_scoped3A : memref<!tpu.dma_semaphore, #tpu.memory_space<semaphore_mem>>) src(%dma_wait3A_162 : memref<64x128xf32, #tpu.memory_space<vmem>>) dst(%dma_wait3A_159 : memref<64x128xf32, #tpu.memory_space<vmem_shared>>)
        tpu.yield
      }) : () -> ()
    }
    %scan3A_14 = arith.constant 9 : i32
    %add3A = arith.constant 576 : i32
    %add3A_15 = arith.addi %mul3A_0, %add3A : i32
    "tpu.region"() ({
      %run_scoped3A = tpu.sem_alloc : memref<!tpu.dma_semaphore, #tpu.memory_space<semaphore_mem>>
      %dma_start3A = arith.constant 0 : i32
      %dma_start3A_137 = arith.constant 0 : i32
      %dma_start3A_138 = tpu.memref_slice %arg9[%dma_start3A, %dma_start3A_137] : memref<64x128xf32, #tpu.memory_space<vmem>> -> memref<56x128xf32, #tpu.memory_space<vmem>>
      %dma_start3A_139 = arith.constant 0 : i32
      %dma_start3A_140 = tpu.memref_slice %arg15[%add3A_15, %dma_start3A_139] : memref<10112x128xf32, #tpu.memory_space<vmem_shared>> -> memref<56x128xf32, #tpu.memory_space<vmem_shared>>
      %dma_start3A_141 = arith.constant 0 : i32
      %dma_start3A_142 = tpu.memref_slice %arg15[%add3A_15, %dma_start3A_141] : memref<10112x128xf32, #tpu.memory_space<vmem_shared>> -> memref<56x128xf32, #tpu.memory_space<vmem_shared>>
      %dma_start3A_143 = arith.constant 0 : i32
      %dma_start3A_144 = arith.constant 0 : i32
      %dma_start3A_145 = tpu.memref_slice %arg9[%dma_start3A_143, %dma_start3A_144] : memref<64x128xf32, #tpu.memory_space<vmem>> -> memref<56x128xf32, #tpu.memory_space<vmem>>
      tpu.enqueue_dma source(%dma_start3A_145 : memref<56x128xf32, #tpu.memory_space<vmem>>) target(%dma_start3A_142 : memref<56x128xf32, #tpu.memory_space<vmem_shared>>) target_semaphore(%run_scoped3A : memref<!tpu.dma_semaphore, #tpu.memory_space<semaphore_mem>>)
      %dma_wait3A = arith.constant 0 : i32
      %dma_wait3A_146 = arith.constant 0 : i32
      %dma_wait3A_147 = tpu.memref_slice %arg9[%dma_wait3A, %dma_wait3A_146] : memref<64x128xf32, #tpu.memory_space<vmem>> -> memref<56x128xf32, #tpu.memory_space<vmem>>
      %dma_wait3A_148 = arith.constant 0 : i32
      %dma_wait3A_149 = tpu.memref_slice %arg15[%add3A_15, %dma_wait3A_148] : memref<10112x128xf32, #tpu.memory_space<vmem_shared>> -> memref<56x128xf32, #tpu.memory_space<vmem_shared>>
      %dma_wait3A_150 = arith.constant 0 : i32
      %dma_wait3A_151 = tpu.memref_slice %arg15[%add3A_15, %dma_wait3A_150] : memref<10112x128xf32, #tpu.memory_space<vmem_shared>> -> memref<56x128xf32, #tpu.memory_space<vmem_shared>>
      %dma_wait3A_152 = arith.constant 0 : i32
      %dma_wait3A_153 = arith.constant 0 : i32
      %dma_wait3A_154 = tpu.memref_slice %arg9[%dma_wait3A_152, %dma_wait3A_153] : memref<64x128xf32, #tpu.memory_space<vmem>> -> memref<56x128xf32, #tpu.memory_space<vmem>>
      tpu.wait_dma2 semaphore(%run_scoped3A : memref<!tpu.dma_semaphore, #tpu.memory_space<semaphore_mem>>) src(%dma_wait3A_154 : memref<56x128xf32, #tpu.memory_space<vmem>>) dst(%dma_wait3A_151 : memref<56x128xf32, #tpu.memory_space<vmem_shared>>)
      tpu.yield
    }) : () -> ()
    %barrier3A = arith.constant 0 : index
    tpu.barrier barrier_id(%barrier3A)
    %scan3A_16 = arith.constant 0 : i32
    %scan3A_17 = arith.constant 64 : i32
    %scan3A_18 = arith.addi %scan3A_16, %scan3A_17 : i32
    %scan3A_19 = arith.constant 1 : i32
    scf.for %scan3A_137 = %scan3A_16 to %scan3A_18 step %scan3A_19  : i32 {
      %mul3A_138 = arith.constant 1 : i32
      %mul3A_139 = arith.muli %scan3A_137, %mul3A_138 : i32
      %add3A_140 = arith.constant 0 : i32
      %add3A_141 = arith.addi %add3A_140, %mul3A_139 : i32
      %swap3A = arith.index_cast %add3A_141 : i32 to index
      %swap3A_142 = arith.constant 0 : index
      %swap3A_143 = tpu.vector_load %arg10[%swap3A, %swap3A_142] {strides = array<i32>} : memref<64x128xf32, #tpu.memory_space<vmem>>, vector<16xf32>,
      tpu.vector_store %arg10[%swap3A, %swap3A_142], %broadcast_in_dim3A_3 {strides = array<i32>} : memref<64x128xf32, #tpu.memory_space<vmem>>, vector<16xf32>,
      %swap3A_144 = arith.index_cast %add3A_141 : i32 to index
      %swap3A_145 = arith.constant 16 : index
      %swap3A_146 = tpu.vector_load %arg10[%swap3A_144, %swap3A_145] {strides = array<i32>} : memref<64x128xf32, #tpu.memory_space<vmem>>, vector<16xf32>,
      tpu.vector_store %arg10[%swap3A_144, %swap3A_145], %broadcast_in_dim3A_3 {strides = array<i32>} : memref<64x128xf32, #tpu.memory_space<vmem>>, vector<16xf32>,
      %swap3A_147 = arith.index_cast %add3A_141 : i32 to index
      %swap3A_148 = arith.constant 32 : index
      %swap3A_149 = tpu.vector_load %arg10[%swap3A_147, %swap3A_148] {strides = array<i32>} : memref<64x128xf32, #tpu.memory_space<vmem>>, vector<16xf32>,
      tpu.vector_store %arg10[%swap3A_147, %swap3A_148], %broadcast_in_dim3A_3 {strides = array<i32>} : memref<64x128xf32, #tpu.memory_space<vmem>>, vector<16xf32>,
      %swap3A_150 = arith.index_cast %add3A_141 : i32 to index
      %swap3A_151 = arith.constant 48 : index
      %swap3A_152 = tpu.vector_load %arg10[%swap3A_150, %swap3A_151] {strides = array<i32>} : memref<64x128xf32, #tpu.memory_space<vmem>>, vector<16xf32>,
      tpu.vector_store %arg10[%swap3A_150, %swap3A_151], %broadcast_in_dim3A_3 {strides = array<i32>} : memref<64x128xf32, #tpu.memory_space<vmem>>, vector<16xf32>,
      %swap3A_153 = arith.index_cast %add3A_141 : i32 to index
      %swap3A_154 = arith.constant 64 : index
      %swap3A_155 = tpu.vector_load %arg10[%swap3A_153, %swap3A_154] {strides = array<i32>} : memref<64x128xf32, #tpu.memory_space<vmem>>, vector<16xf32>,
      tpu.vector_store %arg10[%swap3A_153, %swap3A_154], %broadcast_in_dim3A_3 {strides = array<i32>} : memref<64x128xf32, #tpu.memory_space<vmem>>, vector<16xf32>,
      %swap3A_156 = arith.index_cast %add3A_141 : i32 to index
      %swap3A_157 = arith.constant 80 : index
      %swap3A_158 = tpu.vector_load %arg10[%swap3A_156, %swap3A_157] {strides = array<i32>} : memref<64x128xf32, #tpu.memory_space<vmem>>, vector<16xf32>,
      tpu.vector_store %arg10[%swap3A_156, %swap3A_157], %broadcast_in_dim3A_3 {strides = array<i32>} : memref<64x128xf32, #tpu.memory_space<vmem>>, vector<16xf32>,
      %swap3A_159 = arith.index_cast %add3A_141 : i32 to index
      %swap3A_160 = arith.constant 96 : index
      %swap3A_161 = tpu.vector_load %arg10[%swap3A_159, %swap3A_160] {strides = array<i32>} : memref<64x128xf32, #tpu.memory_space<vmem>>, vector<16xf32>,
      tpu.vector_store %arg10[%swap3A_159, %swap3A_160], %broadcast_in_dim3A_3 {strides = array<i32>} : memref<64x128xf32, #tpu.memory_space<vmem>>, vector<16xf32>,
      %swap3A_162 = arith.index_cast %add3A_141 : i32 to index
      %swap3A_163 = arith.constant 112 : index
      %swap3A_164 = tpu.vector_load %arg10[%swap3A_162, %swap3A_163] {strides = array<i32>} : memref<64x128xf32, #tpu.memory_space<vmem>>, vector<16xf32>,
      tpu.vector_store %arg10[%swap3A_162, %swap3A_163], %broadcast_in_dim3A_3 {strides = array<i32>} : memref<64x128xf32, #tpu.memory_space<vmem>>, vector<16xf32>,
    }
    %scan3A_20 = arith.constant 64 : i32
    %scan3A_21 = arith.constant 0 : i32
    %scan3A_22 = arith.constant 5 : i32
    %scan3A_23 = arith.addi %scan3A_21, %scan3A_22 : i32
    %scan3A_24 = arith.constant 1 : i32
    scf.for %scan3A_137 = %scan3A_21 to %scan3A_23 step %scan3A_24  : i32 {
      %mul3A_138 = arith.constant 1 : i32
      %mul3A_139 = arith.muli %scan3A_137, %mul3A_138 : i32
      %add3A_140 = arith.constant 0 : i32
      %add3A_141 = arith.addi %add3A_140, %mul3A_139 : i32
      %mul3A_142 = arith.constant 320 : i32
      %mul3A_143 = arith.muli %arg1, %mul3A_142 : i32
      %mul3A_144 = arith.constant 64 : i32
      %mul3A_145 = arith.muli %add3A_141, %mul3A_144 : i32
      %add3A_146 = arith.addi %mul3A_143, %mul3A_145 : i32
      "tpu.region"() ({
        %run_scoped3A = tpu.sem_alloc : memref<!tpu.dma_semaphore, #tpu.memory_space<semaphore_mem>>
        %dma_start3A = arith.constant 0 : i32
        %dma_start3A_157 = tpu.memref_slice %arg3[%add3A_146, %dma_start3A] : memref<5120x64xi32, #tpu.memory_space<hbm>> -> memref<64x64xi32, #tpu.memory_space<hbm>>
        %dma_start3A_158 = arith.constant 0 : i32
        %dma_start3A_159 = tpu.memref_slice %arg3[%add3A_146, %dma_start3A_158] : memref<5120x64xi32, #tpu.memory_space<hbm>> -> memref<64x64xi32, #tpu.memory_space<hbm>>
        tpu.enqueue_dma source(%dma_start3A_159 : memref<64x64xi32, #tpu.memory_space<hbm>>) target(%arg8 : memref<64x64xi32, #tpu.memory_space<vmem>>) target_semaphore(%run_scoped3A : memref<!tpu.dma_semaphore, #tpu.memory_space<semaphore_mem>>)
        %dma_wait3A = arith.constant 0 : i32
        %dma_wait3A_160 = tpu.memref_slice %arg3[%add3A_146, %dma_wait3A] : memref<5120x64xi32, #tpu.memory_space<hbm>> -> memref<64x64xi32, #tpu.memory_space<hbm>>
        %dma_wait3A_161 = arith.constant 0 : i32
        %dma_wait3A_162 = tpu.memref_slice %arg3[%add3A_146, %dma_wait3A_161] : memref<5120x64xi32, #tpu.memory_space<hbm>> -> memref<64x64xi32, #tpu.memory_space<hbm>>
        tpu.wait_dma2 semaphore(%run_scoped3A : memref<!tpu.dma_semaphore, #tpu.memory_space<semaphore_mem>>) src(%dma_wait3A_162 : memref<64x64xi32, #tpu.memory_space<hbm>>) dst(%arg8 : memref<64x64xi32, #tpu.memory_space<vmem>>)
        tpu.yield
      }) : () -> ()
      %scan3A_147 = arith.constant 0 : i32
      %scan3A_148 = arith.constant 64 : i32
      %scan3A_149 = arith.addi %scan3A_147, %scan3A_148 : i32
      %scan3A_150 = arith.constant 1 : i32
      scf.for %scan3A_157 = %scan3A_147 to %scan3A_149 step %scan3A_150  : i32 {
        %mul3A_158 = arith.constant 1 : i32
        %mul3A_159 = arith.muli %scan3A_157, %mul3A_158 : i32
        %add3A_160 = arith.constant 0 : i32
        %add3A_161 = arith.addi %add3A_160, %mul3A_159 : i32
        %ge3A = arith.constant 6 : i32
        %ge3A_162 = arith.cmpi sge, %add3A_161, %ge3A : i32
        %convert_element_type3A = arith.extui %ge3A_162 : i1 to i32
        %cond3A = arith.constant 0 : i32
        %cond3A_163 = arith.cmpi ne, %convert_element_type3A, %cond3A : i32
        scf.if %cond3A_163 {
          %sub3A = arith.constant 6 : i32
          %sub3A_172 = arith.subi %add3A_161, %sub3A : i32
          %dma_wait3A = arith.constant 0 : i32
          %dma_wait3A_173 = arith.constant 0 : i32
          %dma_wait3A_174 = tpu.memref_slice %arg10[%dma_wait3A, %dma_wait3A_173] : memref<64x128xf32, #tpu.memory_space<vmem>> -> memref<64x128xf32, #tpu.memory_space<vmem>>
          %dma_wait3A_175 = arith.constant 0 : i32
          %dma_wait3A_176 = tpu.memref_slice %arg8[%sub3A_172, %dma_wait3A_175] : memref<64x64xi32, #tpu.memory_space<vmem>> -> memref<1x64xi32, #tpu.memory_space<vmem>>
          %dma_wait3A_177 = tpu.memref_squeeze %dma_wait3A_176 : memref<1x64xi32, #tpu.memory_space<vmem>> -> memref<64xi32, #tpu.memory_space<vmem>>
          %dma_wait3A_178 = arith.constant 0 : i32
          %dma_wait3A_179 = arith.constant 0 : i32
          %dma_wait3A_180 = tpu.memref_slice %arg15[%dma_wait3A_178, %dma_wait3A_179] : memref<10112x128xf32, #tpu.memory_space<vmem_shared>> -> memref<10112x128xf32, #tpu.memory_space<vmem_shared>>
          tpu.wait_indirect_dma semaphore(%arg16 : memref<!tpu.dma_semaphore, #tpu.memory_space<semaphore_mem>>) src(%dma_wait3A_174 : memref<64x128xf32, #tpu.memory_space<vmem>>) dst(%dma_wait3A_180 : memref<10112x128xf32, #tpu.memory_space<vmem_shared>>)
        } else {
        }
        %dma_start3A = arith.constant 0 : i32
        %dma_start3A_164 = arith.constant 0 : i32
        %dma_start3A_165 = tpu.memref_slice %arg10[%dma_start3A, %dma_start3A_164] : memref<64x128xf32, #tpu.memory_space<vmem>> -> memref<64x128xf32, #tpu.memory_space<vmem>>
        %dma_start3A_166 = arith.constant 0 : i32
        %dma_start3A_167 = tpu.memref_slice %arg8[%add3A_161, %dma_start3A_166] : memref<64x64xi32, #tpu.memory_space<vmem>> -> memref<1x64xi32, #tpu.memory_space<vmem>>
        %dma_start3A_168 = tpu.memref_squeeze %dma_start3A_167 : memref<1x64xi32, #tpu.memory_space<vmem>> -> memref<64xi32, #tpu.memory_space<vmem>>
        %dma_start3A_169 = arith.constant 0 : i32
        %dma_start3A_170 = arith.constant 0 : i32
        %dma_start3A_171 = tpu.memref_slice %arg15[%dma_start3A_169, %dma_start3A_170] : memref<10112x128xf32, #tpu.memory_space<vmem_shared>> -> memref<10112x128xf32, #tpu.memory_space<vmem_shared>>
        tpu.enqueue_indirect_dma source(%dma_start3A_165 : memref<64x128xf32, #tpu.memory_space<vmem>>) target(%dma_start3A_171 : memref<10112x128xf32, #tpu.memory_space<vmem_shared>>) offsets(%dma_start3A_168 : memref<64xi32, #tpu.memory_space<vmem>>) semaphore(%arg16 : memref<!tpu.dma_semaphore, #tpu.memory_space<semaphore_mem>>) {add = true}
      }
      %scan3A_151 = arith.constant 64 : i32
      %scan3A_152 = arith.constant 0 : i32
      %scan3A_153 = arith.constant 6 : i32
      %scan3A_154 = arith.addi %scan3A_152, %scan3A_153 : i32
      %scan3A_155 = arith.constant 1 : i32
      scf.for %scan3A_157 = %scan3A_152 to %scan3A_154 step %scan3A_155  : i32 {
        %mul3A_158 = arith.constant 1 : i32
        %mul3A_159 = arith.muli %scan3A_157, %mul3A_158 : i32
        %add3A_160 = arith.constant 0 : i32
        %add3A_161 = arith.addi %add3A_160, %mul3A_159 : i32
        %add3A_162 = arith.constant 58 : i32
        %add3A_163 = arith.addi %add3A_162, %add3A_161 : i32
        %dma_wait3A = arith.constant 0 : i32
        %dma_wait3A_164 = arith.constant 0 : i32
        %dma_wait3A_165 = tpu.memref_slice %arg10[%dma_wait3A, %dma_wait3A_164] : memref<64x128xf32, #tpu.memory_space<vmem>> -> memref<64x128xf32, #tpu.memory_space<vmem>>
        %dma_wait3A_166 = arith.constant 0 : i32
        %dma_wait3A_167 = tpu.memref_slice %arg8[%add3A_163, %dma_wait3A_166] : memref<64x64xi32, #tpu.memory_space<vmem>> -> memref<1x64xi32, #tpu.memory_space<vmem>>
        %dma_wait3A_168 = tpu.memref_squeeze %dma_wait3A_167 : memref<1x64xi32, #tpu.memory_space<vmem>> -> memref<64xi32, #tpu.memory_space<vmem>>
        %dma_wait3A_169 = arith.constant 0 : i32
        %dma_wait3A_170 = arith.constant 0 : i32
        %dma_wait3A_171 = tpu.memref_slice %arg15[%dma_wait3A_169, %dma_wait3A_170] : memref<10112x128xf32, #tpu.memory_space<vmem_shared>> -> memref<10112x128xf32, #tpu.memory_space<vmem_shared>>
        tpu.wait_indirect_dma semaphore(%arg16 : memref<!tpu.dma_semaphore, #tpu.memory_space<semaphore_mem>>) src(%dma_wait3A_165 : memref<64x128xf32, #tpu.memory_space<vmem>>) dst(%dma_wait3A_171 : memref<10112x128xf32, #tpu.memory_space<vmem_shared>>)
      }
      %scan3A_156 = arith.constant 6 : i32
    }
    %scan3A_25 = arith.constant 5 : i32
    %barrier3A_26 = arith.constant 0 : index
    tpu.barrier barrier_id(%barrier3A_26)
    %scan3A_27 = arith.constant 0 : i32
    %scan3A_28 = arith.constant 9 : i32
    %scan3A_29 = arith.addi %scan3A_27, %scan3A_28 : i32
    %scan3A_30 = arith.constant 1 : i32
    scf.for %scan3A_137 = %scan3A_27 to %scan3A_29 step %scan3A_30  : i32 {
      %mul3A_138 = arith.constant 1 : i32
      %mul3A_139 = arith.muli %scan3A_137, %mul3A_138 : i32
      %add3A_140 = arith.constant 0 : i32
      %add3A_141 = arith.addi %add3A_140, %mul3A_139 : i32
      %mul3A_142 = arith.constant 64 : i32
      %mul3A_143 = arith.muli %add3A_141, %mul3A_142 : i32
      %add3A_144 = arith.addi %mul3A_0, %mul3A_143 : i32
      "tpu.region"() ({
        %run_scoped3A = tpu.sem_alloc : memref<!tpu.dma_semaphore, #tpu.memory_space<semaphore_mem>>
        %dma_start3A = arith.constant 0 : i32
        %dma_start3A_150 = arith.constant 0 : i32
        %dma_start3A_151 = tpu.memref_slice %arg9[%dma_start3A, %dma_start3A_150] : memref<64x128xf32, #tpu.memory_space<vmem>> -> memref<64x128xf32, #tpu.memory_space<vmem>>
        %dma_start3A_152 = arith.constant 0 : i32
        %dma_start3A_153 = tpu.memref_slice %arg15[%add3A_144, %dma_start3A_152] : memref<10112x128xf32, #tpu.memory_space<vmem_shared>> -> memref<64x128xf32, #tpu.memory_space<vmem_shared>>
        %dma_start3A_154 = arith.constant 0 : i32
        %dma_start3A_155 = arith.constant 0 : i32
        %dma_start3A_156 = tpu.memref_slice %arg9[%dma_start3A_154, %dma_start3A_155] : memref<64x128xf32, #tpu.memory_space<vmem>> -> memref<64x128xf32, #tpu.memory_space<vmem>>
        %dma_start3A_157 = arith.constant 0 : i32
        %dma_start3A_158 = tpu.memref_slice %arg15[%add3A_144, %dma_start3A_157] : memref<10112x128xf32, #tpu.memory_space<vmem_shared>> -> memref<64x128xf32, #tpu.memory_space<vmem_shared>>
        tpu.enqueue_dma source(%dma_start3A_158 : memref<64x128xf32, #tpu.memory_space<vmem_shared>>) target(%dma_start3A_156 : memref<64x128xf32, #tpu.memory_space<vmem>>) target_semaphore(%run_scoped3A : memref<!tpu.dma_semaphore, #tpu.memory_space<semaphore_mem>>)
        %dma_wait3A = arith.constant 0 : i32
        %dma_wait3A_159 = arith.constant 0 : i32
        %dma_wait3A_160 = tpu.memref_slice %arg9[%dma_wait3A, %dma_wait3A_159] : memref<64x128xf32, #tpu.memory_space<vmem>> -> memref<64x128xf32, #tpu.memory_space<vmem>>
        %dma_wait3A_161 = arith.constant 0 : i32
        %dma_wait3A_162 = tpu.memref_slice %arg15[%add3A_144, %dma_wait3A_161] : memref<10112x128xf32, #tpu.memory_space<vmem_shared>> -> memref<64x128xf32, #tpu.memory_space<vmem_shared>>
        %dma_wait3A_163 = arith.constant 0 : i32
        %dma_wait3A_164 = arith.constant 0 : i32
        %dma_wait3A_165 = tpu.memref_slice %arg9[%dma_wait3A_163, %dma_wait3A_164] : memref<64x128xf32, #tpu.memory_space<vmem>> -> memref<64x128xf32, #tpu.memory_space<vmem>>
        %dma_wait3A_166 = arith.constant 0 : i32
        %dma_wait3A_167 = tpu.memref_slice %arg15[%add3A_144, %dma_wait3A_166] : memref<10112x128xf32, #tpu.memory_space<vmem_shared>> -> memref<64x128xf32, #tpu.memory_space<vmem_shared>>
        tpu.wait_dma2 semaphore(%run_scoped3A : memref<!tpu.dma_semaphore, #tpu.memory_space<semaphore_mem>>) src(%dma_wait3A_167 : memref<64x128xf32, #tpu.memory_space<vmem_shared>>) dst(%dma_wait3A_165 : memref<64x128xf32, #tpu.memory_space<vmem>>)
        tpu.yield
      }) : () -> ()
      %scan3A_145 = arith.constant 0 : i32
      %scan3A_146 = arith.constant 64 : i32
      %scan3A_147 = arith.addi %scan3A_145, %scan3A_146 : i32
      %scan3A_148 = arith.constant 1 : i32
      scf.for %scan3A_150 = %scan3A_145 to %scan3A_147 step %scan3A_148  : i32 {
        %mul3A_151 = arith.constant 1 : i32
        %mul3A_152 = arith.muli %scan3A_150, %mul3A_151 : i32
        %add3A_153 = arith.constant 0 : i32
        %add3A_154 = arith.addi %add3A_153, %mul3A_152 : i32
        %get3A = arith.index_cast %add3A_154 : i32 to index
        %get3A_155 = arith.constant 0 : index
        %get3A_156 = tpu.vector_load %arg9[%get3A, %get3A_155] {strides = array<i32>} : memref<64x128xf32, #tpu.memory_space<vmem>>, vector<16xf32>,
        %max3A = arith.constant 1.000000e+00 : f32
        %max3A_157 = vector.broadcast %max3A : f32 to vector<16xf32>
        %max3A_158 = arith.maximumf %get3A_156, %max3A_157 : vector<16xf32>
        %bitcast3A = vector.bitcast %max3A_158 : vector<16xf32> to vector<16xi32>
        %shift_right_arithmetic3A = arith.constant 1 : i32
        %shift_right_arithmetic3A_159 = vector.broadcast %shift_right_arithmetic3A : i32 to vector<16xi32>
        %shift_right_arithmetic3A_160 = arith.shrsi %bitcast3A, %shift_right_arithmetic3A_159 : vector<16xi32>
        %sub3A = arith.constant 1597463007 : i32
        %sub3A_161 = vector.broadcast %sub3A : i32 to vector<16xi32>
        %sub3A_162 = arith.subi %sub3A_161, %shift_right_arithmetic3A_160 : vector<16xi32>
        %bitcast3A_163 = vector.bitcast %sub3A_162 : vector<16xi32> to vector<16xf32>
        %mul3A_164 = arith.constant 5.000000e-01 : f32
        %mul3A_165 = vector.broadcast %mul3A_164 : f32 to vector<16xf32>
        %mul3A_166 = arith.mulf %mul3A_165, %max3A_158 : vector<16xf32>
        %mul3A_167 = arith.mulf %mul3A_166, %bitcast3A_163 : vector<16xf32>
        %mul3A_168 = arith.mulf %mul3A_167, %bitcast3A_163 : vector<16xf32>
        %sub3A_169 = arith.constant 1.500000e+00 : f32
        %sub3A_170 = vector.broadcast %sub3A_169 : f32 to vector<16xf32>
        %sub3A_171 = arith.subf %sub3A_170, %mul3A_168 : vector<16xf32>
        %mul3A_172 = arith.mulf %bitcast3A_163, %sub3A_171 : vector<16xf32>
        %mul3A_173 = arith.constant 5.000000e-01 : f32
        %mul3A_174 = vector.broadcast %mul3A_173 : f32 to vector<16xf32>
        %mul3A_175 = arith.mulf %mul3A_174, %max3A_158 : vector<16xf32>
        %mul3A_176 = arith.mulf %mul3A_175, %mul3A_172 : vector<16xf32>
        %mul3A_177 = arith.mulf %mul3A_176, %mul3A_172 : vector<16xf32>
        %sub3A_178 = arith.constant 1.500000e+00 : f32
        %sub3A_179 = vector.broadcast %sub3A_178 : f32 to vector<16xf32>
        %sub3A_180 = arith.subf %sub3A_179, %mul3A_177 : vector<16xf32>
        %mul3A_181 = arith.mulf %mul3A_172, %sub3A_180 : vector<16xf32>
        %mul3A_182 = arith.constant 5.000000e-01 : f32
        %mul3A_183 = vector.broadcast %mul3A_182 : f32 to vector<16xf32>
        %mul3A_184 = arith.mulf %mul3A_183, %max3A_158 : vector<16xf32>
        %mul3A_185 = arith.mulf %mul3A_184, %mul3A_181 : vector<16xf32>
        %mul3A_186 = arith.mulf %mul3A_185, %mul3A_181 : vector<16xf32>
        %sub3A_187 = arith.constant 1.500000e+00 : f32
        %sub3A_188 = vector.broadcast %sub3A_187 : f32 to vector<16xf32>
        %sub3A_189 = arith.subf %sub3A_188, %mul3A_186 : vector<16xf32>
        %mul3A_190 = arith.mulf %mul3A_181, %sub3A_189 : vector<16xf32>
        %add3A_191 = arith.addi %mul3A_143, %add3A_154 : i32
        %broadcast_in_dim3A_192 = vector.broadcast %add3A_191 : i32 to vector<16xi32>
        tpu.vector_store_idx %arg12[%broadcast_in_dim3A_192], %mul3A_190 masked %eq3A_5 : memref<632xf32, #tpu.memory_space<vmem>>[vector<16xi32>], vector<16xf32>, vector<16xi1>
      }
      %scan3A_149 = arith.constant 64 : i32
    }
    %scan3A_31 = arith.constant 9 : i32
    %add3A_32 = arith.constant 576 : i32
    %add3A_33 = arith.addi %mul3A_0, %add3A_32 : i32
    "tpu.region"() ({
      %run_scoped3A = tpu.sem_alloc : memref<!tpu.dma_semaphore, #tpu.memory_space<semaphore_mem>>
      %dma_start3A = arith.constant 0 : i32
      %dma_start3A_137 = arith.constant 0 : i32
      %dma_start3A_138 = tpu.memref_slice %arg9[%dma_start3A, %dma_start3A_137] : memref<64x128xf32, #tpu.memory_space<vmem>> -> memref<56x128xf32, #tpu.memory_space<vmem>>
      %dma_start3A_139 = arith.constant 0 : i32
      %dma_start3A_140 = tpu.memref_slice %arg15[%add3A_33, %dma_start3A_139] : memref<10112x128xf32, #tpu.memory_space<vmem_shared>> -> memref<56x128xf32, #tpu.memory_space<vmem_shared>>
      %dma_start3A_141 = arith.constant 0 : i32
      %dma_start3A_142 = arith.constant 0 : i32
      %dma_start3A_143 = tpu.memref_slice %arg9[%dma_start3A_141, %dma_start3A_142] : memref<64x128xf32, #tpu.memory_space<vmem>> -> memref<56x128xf32, #tpu.memory_space<vmem>>
      %dma_start3A_144 = arith.constant 0 : i32
      %dma_start3A_145 = tpu.memref_slice %arg15[%add3A_33, %dma_start3A_144] : memref<10112x128xf32, #tpu.memory_space<vmem_shared>> -> memref<56x128xf32, #tpu.memory_space<vmem_shared>>
      tpu.enqueue_dma source(%dma_start3A_145 : memref<56x128xf32, #tpu.memory_space<vmem_shared>>) target(%dma_start3A_143 : memref<56x128xf32, #tpu.memory_space<vmem>>) target_semaphore(%run_scoped3A : memref<!tpu.dma_semaphore, #tpu.memory_space<semaphore_mem>>)
      %dma_wait3A = arith.constant 0 : i32
      %dma_wait3A_146 = arith.constant 0 : i32
      %dma_wait3A_147 = tpu.memref_slice %arg9[%dma_wait3A, %dma_wait3A_146] : memref<64x128xf32, #tpu.memory_space<vmem>> -> memref<56x128xf32, #tpu.memory_space<vmem>>
      %dma_wait3A_148 = arith.constant 0 : i32
      %dma_wait3A_149 = tpu.memref_slice %arg15[%add3A_33, %dma_wait3A_148] : memref<10112x128xf32, #tpu.memory_space<vmem_shared>> -> memref<56x128xf32, #tpu.memory_space<vmem_shared>>
      %dma_wait3A_150 = arith.constant 0 : i32
      %dma_wait3A_151 = arith.constant 0 : i32
      %dma_wait3A_152 = tpu.memref_slice %arg9[%dma_wait3A_150, %dma_wait3A_151] : memref<64x128xf32, #tpu.memory_space<vmem>> -> memref<56x128xf32, #tpu.memory_space<vmem>>
      %dma_wait3A_153 = arith.constant 0 : i32
      %dma_wait3A_154 = tpu.memref_slice %arg15[%add3A_33, %dma_wait3A_153] : memref<10112x128xf32, #tpu.memory_space<vmem_shared>> -> memref<56x128xf32, #tpu.memory_space<vmem_shared>>
      tpu.wait_dma2 semaphore(%run_scoped3A : memref<!tpu.dma_semaphore, #tpu.memory_space<semaphore_mem>>) src(%dma_wait3A_154 : memref<56x128xf32, #tpu.memory_space<vmem_shared>>) dst(%dma_wait3A_152 : memref<56x128xf32, #tpu.memory_space<vmem>>)
      tpu.yield
    }) : () -> ()
    %scan3A_34 = arith.constant 0 : i32
    %scan3A_35 = arith.constant 56 : i32
    %scan3A_36 = arith.addi %scan3A_34, %scan3A_35 : i32
    %scan3A_37 = arith.constant 1 : i32
    scf.for %scan3A_137 = %scan3A_34 to %scan3A_36 step %scan3A_37  : i32 {
      %mul3A_138 = arith.constant 1 : i32
      %mul3A_139 = arith.muli %scan3A_137, %mul3A_138 : i32
      %add3A_140 = arith.constant 0 : i32
      %add3A_141 = arith.addi %add3A_140, %mul3A_139 : i32
      %get3A = arith.index_cast %add3A_141 : i32 to index
      %get3A_142 = arith.constant 0 : index
      %get3A_143 = tpu.vector_load %arg9[%get3A, %get3A_142] {strides = array<i32>} : memref<64x128xf32, #tpu.memory_space<vmem>>, vector<16xf32>,
      %max3A = arith.constant 1.000000e+00 : f32
      %max3A_144 = vector.broadcast %max3A : f32 to vector<16xf32>
      %max3A_145 = arith.maximumf %get3A_143, %max3A_144 : vector<16xf32>
      %bitcast3A = vector.bitcast %max3A_145 : vector<16xf32> to vector<16xi32>
      %shift_right_arithmetic3A = arith.constant 1 : i32
      %shift_right_arithmetic3A_146 = vector.broadcast %shift_right_arithmetic3A : i32 to vector<16xi32>
      %shift_right_arithmetic3A_147 = arith.shrsi %bitcast3A, %shift_right_arithmetic3A_146 : vector<16xi32>
      %sub3A = arith.constant 1597463007 : i32
      %sub3A_148 = vector.broadcast %sub3A : i32 to vector<16xi32>
      %sub3A_149 = arith.subi %sub3A_148, %shift_right_arithmetic3A_147 : vector<16xi32>
      %bitcast3A_150 = vector.bitcast %sub3A_149 : vector<16xi32> to vector<16xf32>
      %mul3A_151 = arith.constant 5.000000e-01 : f32
      %mul3A_152 = vector.broadcast %mul3A_151 : f32 to vector<16xf32>
      %mul3A_153 = arith.mulf %mul3A_152, %max3A_145 : vector<16xf32>
      %mul3A_154 = arith.mulf %mul3A_153, %bitcast3A_150 : vector<16xf32>
      %mul3A_155 = arith.mulf %mul3A_154, %bitcast3A_150 : vector<16xf32>
      %sub3A_156 = arith.constant 1.500000e+00 : f32
      %sub3A_157 = vector.broadcast %sub3A_156 : f32 to vector<16xf32>
      %sub3A_158 = arith.subf %sub3A_157, %mul3A_155 : vector<16xf32>
      %mul3A_159 = arith.mulf %bitcast3A_150, %sub3A_158 : vector<16xf32>
      %mul3A_160 = arith.constant 5.000000e-01 : f32
      %mul3A_161 = vector.broadcast %mul3A_160 : f32 to vector<16xf32>
      %mul3A_162 = arith.mulf %mul3A_161, %max3A_145 : vector<16xf32>
      %mul3A_163 = arith.mulf %mul3A_162, %mul3A_159 : vector<16xf32>
      %mul3A_164 = arith.mulf %mul3A_163, %mul3A_159 : vector<16xf32>
      %sub3A_165 = arith.constant 1.500000e+00 : f32
      %sub3A_166 = vector.broadcast %sub3A_165 : f32 to vector<16xf32>
      %sub3A_167 = arith.subf %sub3A_166, %mul3A_164 : vector<16xf32>
      %mul3A_168 = arith.mulf %mul3A_159, %sub3A_167 : vector<16xf32>
      %mul3A_169 = arith.constant 5.000000e-01 : f32
      %mul3A_170 = vector.broadcast %mul3A_169 : f32 to vector<16xf32>
      %mul3A_171 = arith.mulf %mul3A_170, %max3A_145 : vector<16xf32>
      %mul3A_172 = arith.mulf %mul3A_171, %mul3A_168 : vector<16xf32>
      %mul3A_173 = arith.mulf %mul3A_172, %mul3A_168 : vector<16xf32>
      %sub3A_174 = arith.constant 1.500000e+00 : f32
      %sub3A_175 = vector.broadcast %sub3A_174 : f32 to vector<16xf32>
      %sub3A_176 = arith.subf %sub3A_175, %mul3A_173 : vector<16xf32>
      %mul3A_177 = arith.mulf %mul3A_168, %sub3A_176 : vector<16xf32>
      %add3A_178 = arith.constant 576 : i32
      %add3A_179 = arith.addi %add3A_178, %add3A_141 : i32
      %broadcast_in_dim3A_180 = vector.broadcast %add3A_179 : i32 to vector<16xi32>
      tpu.vector_store_idx %arg12[%broadcast_in_dim3A_180], %mul3A_177 masked %eq3A_5 : memref<632xf32, #tpu.memory_space<vmem>>[vector<16xi32>], vector<16xf32>, vector<16xi1>
    }
    %scan3A_38 = arith.constant 56 : i32
    %scan3A_39 = arith.constant 0 : i32
    %scan3A_40 = arith.constant 64 : i32
    %scan3A_41 = arith.addi %scan3A_39, %scan3A_40 : i32
    %scan3A_42 = arith.constant 1 : i32
    scf.for %scan3A_137 = %scan3A_39 to %scan3A_41 step %scan3A_42  : i32 {
      %mul3A_138 = arith.constant 1 : i32
      %mul3A_139 = arith.muli %scan3A_137, %mul3A_138 : i32
      %add3A_140 = arith.constant 0 : i32
      %add3A_141 = arith.addi %add3A_140, %mul3A_139 : i32
      %swap3A = arith.index_cast %add3A_141 : i32 to index
      %swap3A_142 = arith.constant 0 : index
      %swap3A_143 = tpu.vector_load %arg9[%swap3A, %swap3A_142] {strides = array<i32>} : memref<64x128xf32, #tpu.memory_space<vmem>>, vector<16xf32>,
      tpu.vector_store %arg9[%swap3A, %swap3A_142], %broadcast_in_dim3A_1 {strides = array<i32>} : memref<64x128xf32, #tpu.memory_space<vmem>>, vector<16xf32>,
      %swap3A_144 = arith.index_cast %add3A_141 : i32 to index
      %swap3A_145 = arith.constant 16 : index
      %swap3A_146 = tpu.vector_load %arg9[%swap3A_144, %swap3A_145] {strides = array<i32>} : memref<64x128xf32, #tpu.memory_space<vmem>>, vector<16xf32>,
      tpu.vector_store %arg9[%swap3A_144, %swap3A_145], %broadcast_in_dim3A_1 {strides = array<i32>} : memref<64x128xf32, #tpu.memory_space<vmem>>, vector<16xf32>,
      %swap3A_147 = arith.index_cast %add3A_141 : i32 to index
      %swap3A_148 = arith.constant 32 : index
      %swap3A_149 = tpu.vector_load %arg9[%swap3A_147, %swap3A_148] {strides = array<i32>} : memref<64x128xf32, #tpu.memory_space<vmem>>, vector<16xf32>,
      tpu.vector_store %arg9[%swap3A_147, %swap3A_148], %broadcast_in_dim3A_1 {strides = array<i32>} : memref<64x128xf32, #tpu.memory_space<vmem>>, vector<16xf32>,
      %swap3A_150 = arith.index_cast %add3A_141 : i32 to index
      %swap3A_151 = arith.constant 48 : index
      %swap3A_152 = tpu.vector_load %arg9[%swap3A_150, %swap3A_151] {strides = array<i32>} : memref<64x128xf32, #tpu.memory_space<vmem>>, vector<16xf32>,
      tpu.vector_store %arg9[%swap3A_150, %swap3A_151], %broadcast_in_dim3A_1 {strides = array<i32>} : memref<64x128xf32, #tpu.memory_space<vmem>>, vector<16xf32>,
      %swap3A_153 = arith.index_cast %add3A_141 : i32 to index
      %swap3A_154 = arith.constant 64 : index
      %swap3A_155 = tpu.vector_load %arg9[%swap3A_153, %swap3A_154] {strides = array<i32>} : memref<64x128xf32, #tpu.memory_space<vmem>>, vector<16xf32>,
      tpu.vector_store %arg9[%swap3A_153, %swap3A_154], %broadcast_in_dim3A_1 {strides = array<i32>} : memref<64x128xf32, #tpu.memory_space<vmem>>, vector<16xf32>,
      %swap3A_156 = arith.index_cast %add3A_141 : i32 to index
      %swap3A_157 = arith.constant 80 : index
      %swap3A_158 = tpu.vector_load %arg9[%swap3A_156, %swap3A_157] {strides = array<i32>} : memref<64x128xf32, #tpu.memory_space<vmem>>, vector<16xf32>,
      tpu.vector_store %arg9[%swap3A_156, %swap3A_157], %broadcast_in_dim3A_1 {strides = array<i32>} : memref<64x128xf32, #tpu.memory_space<vmem>>, vector<16xf32>,
      %swap3A_159 = arith.index_cast %add3A_141 : i32 to index
      %swap3A_160 = arith.constant 96 : index
      %swap3A_161 = tpu.vector_load %arg9[%swap3A_159, %swap3A_160] {strides = array<i32>} : memref<64x128xf32, #tpu.memory_space<vmem>>, vector<16xf32>,
      tpu.vector_store %arg9[%swap3A_159, %swap3A_160], %broadcast_in_dim3A_1 {strides = array<i32>} : memref<64x128xf32, #tpu.memory_space<vmem>>, vector<16xf32>,
      %swap3A_162 = arith.index_cast %add3A_141 : i32 to index
      %swap3A_163 = arith.constant 112 : index
      %swap3A_164 = tpu.vector_load %arg9[%swap3A_162, %swap3A_163] {strides = array<i32>} : memref<64x128xf32, #tpu.memory_space<vmem>>, vector<16xf32>,
      tpu.vector_store %arg9[%swap3A_162, %swap3A_163], %broadcast_in_dim3A_1 {strides = array<i32>} : memref<64x128xf32, #tpu.memory_space<vmem>>, vector<16xf32>,
    }
    %scan3A_43 = arith.constant 64 : i32
    %scan3A_44 = arith.constant 0 : i32
    %scan3A_45 = arith.constant 9 : i32
    %scan3A_46 = arith.addi %scan3A_44, %scan3A_45 : i32
    %scan3A_47 = arith.constant 1 : i32
    scf.for %scan3A_137 = %scan3A_44 to %scan3A_46 step %scan3A_47  : i32 {
      %mul3A_138 = arith.constant 1 : i32
      %mul3A_139 = arith.muli %scan3A_137, %mul3A_138 : i32
      %add3A_140 = arith.constant 0 : i32
      %add3A_141 = arith.addi %add3A_140, %mul3A_139 : i32
      %mul3A_142 = arith.constant 64 : i32
      %mul3A_143 = arith.muli %add3A_141, %mul3A_142 : i32
      %add3A_144 = arith.addi %mul3A_0, %mul3A_143 : i32
      "tpu.region"() ({
        %run_scoped3A = tpu.sem_alloc : memref<!tpu.dma_semaphore, #tpu.memory_space<semaphore_mem>>
        %dma_start3A = arith.constant 0 : i32
        %dma_start3A_145 = arith.constant 0 : i32
        %dma_start3A_146 = tpu.memref_slice %arg9[%dma_start3A, %dma_start3A_145] : memref<64x128xf32, #tpu.memory_space<vmem>> -> memref<64x128xf32, #tpu.memory_space<vmem>>
        %dma_start3A_147 = arith.constant 0 : i32
        %dma_start3A_148 = tpu.memref_slice %arg15[%add3A_144, %dma_start3A_147] : memref<10112x128xf32, #tpu.memory_space<vmem_shared>> -> memref<64x128xf32, #tpu.memory_space<vmem_shared>>
        %dma_start3A_149 = arith.constant 0 : i32
        %dma_start3A_150 = tpu.memref_slice %arg15[%add3A_144, %dma_start3A_149] : memref<10112x128xf32, #tpu.memory_space<vmem_shared>> -> memref<64x128xf32, #tpu.memory_space<vmem_shared>>
        %dma_start3A_151 = arith.constant 0 : i32
        %dma_start3A_152 = arith.constant 0 : i32
        %dma_start3A_153 = tpu.memref_slice %arg9[%dma_start3A_151, %dma_start3A_152] : memref<64x128xf32, #tpu.memory_space<vmem>> -> memref<64x128xf32, #tpu.memory_space<vmem>>
        tpu.enqueue_dma source(%dma_start3A_153 : memref<64x128xf32, #tpu.memory_space<vmem>>) target(%dma_start3A_150 : memref<64x128xf32, #tpu.memory_space<vmem_shared>>) target_semaphore(%run_scoped3A : memref<!tpu.dma_semaphore, #tpu.memory_space<semaphore_mem>>)
        %dma_wait3A = arith.constant 0 : i32
        %dma_wait3A_154 = arith.constant 0 : i32
        %dma_wait3A_155 = tpu.memref_slice %arg9[%dma_wait3A, %dma_wait3A_154] : memref<64x128xf32, #tpu.memory_space<vmem>> -> memref<64x128xf32, #tpu.memory_space<vmem>>
        %dma_wait3A_156 = arith.constant 0 : i32
        %dma_wait3A_157 = tpu.memref_slice %arg15[%add3A_144, %dma_wait3A_156] : memref<10112x128xf32, #tpu.memory_space<vmem_shared>> -> memref<64x128xf32, #tpu.memory_space<vmem_shared>>
        %dma_wait3A_158 = arith.constant 0 : i32
        %dma_wait3A_159 = tpu.memref_slice %arg15[%add3A_144, %dma_wait3A_158] : memref<10112x128xf32, #tpu.memory_space<vmem_shared>> -> memref<64x128xf32, #tpu.memory_space<vmem_shared>>
        %dma_wait3A_160 = arith.constant 0 : i32
        %dma_wait3A_161 = arith.constant 0 : i32
        %dma_wait3A_162 = tpu.memref_slice %arg9[%dma_wait3A_160, %dma_wait3A_161] : memref<64x128xf32, #tpu.memory_space<vmem>> -> memref<64x128xf32, #tpu.memory_space<vmem>>
        tpu.wait_dma2 semaphore(%run_scoped3A : memref<!tpu.dma_semaphore, #tpu.memory_space<semaphore_mem>>) src(%dma_wait3A_162 : memref<64x128xf32, #tpu.memory_space<vmem>>) dst(%dma_wait3A_159 : memref<64x128xf32, #tpu.memory_space<vmem_shared>>)
        tpu.yield
      }) : () -> ()
    }
    %scan3A_48 = arith.constant 9 : i32
    %add3A_49 = arith.constant 576 : i32
    %add3A_50 = arith.addi %mul3A_0, %add3A_49 : i32
    "tpu.region"() ({
      %run_scoped3A = tpu.sem_alloc : memref<!tpu.dma_semaphore, #tpu.memory_space<semaphore_mem>>
      %dma_start3A = arith.constant 0 : i32
      %dma_start3A_137 = arith.constant 0 : i32
      %dma_start3A_138 = tpu.memref_slice %arg9[%dma_start3A, %dma_start3A_137] : memref<64x128xf32, #tpu.memory_space<vmem>> -> memref<56x128xf32, #tpu.memory_space<vmem>>
      %dma_start3A_139 = arith.constant 0 : i32
      %dma_start3A_140 = tpu.memref_slice %arg15[%add3A_50, %dma_start3A_139] : memref<10112x128xf32, #tpu.memory_space<vmem_shared>> -> memref<56x128xf32, #tpu.memory_space<vmem_shared>>
      %dma_start3A_141 = arith.constant 0 : i32
      %dma_start3A_142 = tpu.memref_slice %arg15[%add3A_50, %dma_start3A_141] : memref<10112x128xf32, #tpu.memory_space<vmem_shared>> -> memref<56x128xf32, #tpu.memory_space<vmem_shared>>
      %dma_start3A_143 = arith.constant 0 : i32
      %dma_start3A_144 = arith.constant 0 : i32
      %dma_start3A_145 = tpu.memref_slice %arg9[%dma_start3A_143, %dma_start3A_144] : memref<64x128xf32, #tpu.memory_space<vmem>> -> memref<56x128xf32, #tpu.memory_space<vmem>>
      tpu.enqueue_dma source(%dma_start3A_145 : memref<56x128xf32, #tpu.memory_space<vmem>>) target(%dma_start3A_142 : memref<56x128xf32, #tpu.memory_space<vmem_shared>>) target_semaphore(%run_scoped3A : memref<!tpu.dma_semaphore, #tpu.memory_space<semaphore_mem>>)
      %dma_wait3A = arith.constant 0 : i32
      %dma_wait3A_146 = arith.constant 0 : i32
      %dma_wait3A_147 = tpu.memref_slice %arg9[%dma_wait3A, %dma_wait3A_146] : memref<64x128xf32, #tpu.memory_space<vmem>> -> memref<56x128xf32, #tpu.memory_space<vmem>>
      %dma_wait3A_148 = arith.constant 0 : i32
      %dma_wait3A_149 = tpu.memref_slice %arg15[%add3A_50, %dma_wait3A_148] : memref<10112x128xf32, #tpu.memory_space<vmem_shared>> -> memref<56x128xf32, #tpu.memory_space<vmem_shared>>
      %dma_wait3A_150 = arith.constant 0 : i32
      %dma_wait3A_151 = tpu.memref_slice %arg15[%add3A_50, %dma_wait3A_150] : memref<10112x128xf32, #tpu.memory_space<vmem_shared>> -> memref<56x128xf32, #tpu.memory_space<vmem_shared>>
      %dma_wait3A_152 = arith.constant 0 : i32
      %dma_wait3A_153 = arith.constant 0 : i32
      %dma_wait3A_154 = tpu.memref_slice %arg9[%dma_wait3A_152, %dma_wait3A_153] : memref<64x128xf32, #tpu.memory_space<vmem>> -> memref<56x128xf32, #tpu.memory_space<vmem>>
      tpu.wait_dma2 semaphore(%run_scoped3A : memref<!tpu.dma_semaphore, #tpu.memory_space<semaphore_mem>>) src(%dma_wait3A_154 : memref<56x128xf32, #tpu.memory_space<vmem>>) dst(%dma_wait3A_151 : memref<56x128xf32, #tpu.memory_space<vmem_shared>>)
      tpu.yield
    }) : () -> ()
    %barrier3A_51 = arith.constant 0 : index
    tpu.barrier barrier_id(%barrier3A_51)
    %scan3A_52 = arith.constant 0 : i32
    %scan3A_53 = arith.constant 64 : i32
    %scan3A_54 = arith.addi %scan3A_52, %scan3A_53 : i32
    %scan3A_55 = arith.constant 1 : i32
    scf.for %scan3A_137 = %scan3A_52 to %scan3A_54 step %scan3A_55  : i32 {
      %mul3A_138 = arith.constant 1 : i32
      %mul3A_139 = arith.muli %scan3A_137, %mul3A_138 : i32
      %add3A_140 = arith.constant 0 : i32
      %add3A_141 = arith.addi %add3A_140, %mul3A_139 : i32
      %swap3A = arith.index_cast %add3A_141 : i32 to index
      %swap3A_142 = arith.constant 0 : index
      %swap3A_143 = tpu.vector_load %arg10[%swap3A, %swap3A_142] {strides = array<i32>} : memref<64x128xf32, #tpu.memory_space<vmem>>, vector<16xf32>,
      tpu.vector_store %arg10[%swap3A, %swap3A_142], %broadcast_in_dim3A_3 {strides = array<i32>} : memref<64x128xf32, #tpu.memory_space<vmem>>, vector<16xf32>,
      %swap3A_144 = arith.index_cast %add3A_141 : i32 to index
      %swap3A_145 = arith.constant 16 : index
      %swap3A_146 = tpu.vector_load %arg10[%swap3A_144, %swap3A_145] {strides = array<i32>} : memref<64x128xf32, #tpu.memory_space<vmem>>, vector<16xf32>,
      tpu.vector_store %arg10[%swap3A_144, %swap3A_145], %broadcast_in_dim3A_3 {strides = array<i32>} : memref<64x128xf32, #tpu.memory_space<vmem>>, vector<16xf32>,
      %swap3A_147 = arith.index_cast %add3A_141 : i32 to index
      %swap3A_148 = arith.constant 32 : index
      %swap3A_149 = tpu.vector_load %arg10[%swap3A_147, %swap3A_148] {strides = array<i32>} : memref<64x128xf32, #tpu.memory_space<vmem>>, vector<16xf32>,
      tpu.vector_store %arg10[%swap3A_147, %swap3A_148], %broadcast_in_dim3A_3 {strides = array<i32>} : memref<64x128xf32, #tpu.memory_space<vmem>>, vector<16xf32>,
      %swap3A_150 = arith.index_cast %add3A_141 : i32 to index
      %swap3A_151 = arith.constant 48 : index
      %swap3A_152 = tpu.vector_load %arg10[%swap3A_150, %swap3A_151] {strides = array<i32>} : memref<64x128xf32, #tpu.memory_space<vmem>>, vector<16xf32>,
      tpu.vector_store %arg10[%swap3A_150, %swap3A_151], %broadcast_in_dim3A_3 {strides = array<i32>} : memref<64x128xf32, #tpu.memory_space<vmem>>, vector<16xf32>,
      %swap3A_153 = arith.index_cast %add3A_141 : i32 to index
      %swap3A_154 = arith.constant 64 : index
      %swap3A_155 = tpu.vector_load %arg10[%swap3A_153, %swap3A_154] {strides = array<i32>} : memref<64x128xf32, #tpu.memory_space<vmem>>, vector<16xf32>,
      tpu.vector_store %arg10[%swap3A_153, %swap3A_154], %broadcast_in_dim3A_3 {strides = array<i32>} : memref<64x128xf32, #tpu.memory_space<vmem>>, vector<16xf32>,
      %swap3A_156 = arith.index_cast %add3A_141 : i32 to index
      %swap3A_157 = arith.constant 80 : index
      %swap3A_158 = tpu.vector_load %arg10[%swap3A_156, %swap3A_157] {strides = array<i32>} : memref<64x128xf32, #tpu.memory_space<vmem>>, vector<16xf32>,
      tpu.vector_store %arg10[%swap3A_156, %swap3A_157], %broadcast_in_dim3A_3 {strides = array<i32>} : memref<64x128xf32, #tpu.memory_space<vmem>>, vector<16xf32>,
      %swap3A_159 = arith.index_cast %add3A_141 : i32 to index
      %swap3A_160 = arith.constant 96 : index
      %swap3A_161 = tpu.vector_load %arg10[%swap3A_159, %swap3A_160] {strides = array<i32>} : memref<64x128xf32, #tpu.memory_space<vmem>>, vector<16xf32>,
      tpu.vector_store %arg10[%swap3A_159, %swap3A_160], %broadcast_in_dim3A_3 {strides = array<i32>} : memref<64x128xf32, #tpu.memory_space<vmem>>, vector<16xf32>,
      %swap3A_162 = arith.index_cast %add3A_141 : i32 to index
      %swap3A_163 = arith.constant 112 : index
      %swap3A_164 = tpu.vector_load %arg10[%swap3A_162, %swap3A_163] {strides = array<i32>} : memref<64x128xf32, #tpu.memory_space<vmem>>, vector<16xf32>,
      tpu.vector_store %arg10[%swap3A_162, %swap3A_163], %broadcast_in_dim3A_3 {strides = array<i32>} : memref<64x128xf32, #tpu.memory_space<vmem>>, vector<16xf32>,
    }
    %scan3A_56 = arith.constant 64 : i32
    %scan3A_57 = arith.constant 0 : i32
    %scan3A_58 = arith.constant 5 : i32
    %scan3A_59 = arith.addi %scan3A_57, %scan3A_58 : i32
    %scan3A_60 = arith.constant 1 : i32
    scf.for %scan3A_137 = %scan3A_57 to %scan3A_59 step %scan3A_60  : i32 {
      %mul3A_138 = arith.constant 1 : i32
      %mul3A_139 = arith.muli %scan3A_137, %mul3A_138 : i32
      %add3A_140 = arith.constant 0 : i32
      %add3A_141 = arith.addi %add3A_140, %mul3A_139 : i32
      %mul3A_142 = arith.constant 320 : i32
      %mul3A_143 = arith.muli %arg1, %mul3A_142 : i32
      %mul3A_144 = arith.constant 64 : i32
      %mul3A_145 = arith.muli %add3A_141, %mul3A_144 : i32
      %add3A_146 = arith.addi %mul3A_143, %mul3A_145 : i32
      "tpu.region"() ({
        %run_scoped3A = tpu.sem_alloc : memref<!tpu.dma_semaphore, #tpu.memory_space<semaphore_mem>>
        %dma_start3A = arith.constant 0 : i32
        %dma_start3A_157 = tpu.memref_slice %arg4[%add3A_146, %dma_start3A] : memref<5120x64xi32, #tpu.memory_space<hbm>> -> memref<64x64xi32, #tpu.memory_space<hbm>>
        %dma_start3A_158 = arith.constant 0 : i32
        %dma_start3A_159 = tpu.memref_slice %arg4[%add3A_146, %dma_start3A_158] : memref<5120x64xi32, #tpu.memory_space<hbm>> -> memref<64x64xi32, #tpu.memory_space<hbm>>
        tpu.enqueue_dma source(%dma_start3A_159 : memref<64x64xi32, #tpu.memory_space<hbm>>) target(%arg8 : memref<64x64xi32, #tpu.memory_space<vmem>>) target_semaphore(%run_scoped3A : memref<!tpu.dma_semaphore, #tpu.memory_space<semaphore_mem>>)
        %dma_wait3A = arith.constant 0 : i32
        %dma_wait3A_160 = tpu.memref_slice %arg4[%add3A_146, %dma_wait3A] : memref<5120x64xi32, #tpu.memory_space<hbm>> -> memref<64x64xi32, #tpu.memory_space<hbm>>
        %dma_wait3A_161 = arith.constant 0 : i32
        %dma_wait3A_162 = tpu.memref_slice %arg4[%add3A_146, %dma_wait3A_161] : memref<5120x64xi32, #tpu.memory_space<hbm>> -> memref<64x64xi32, #tpu.memory_space<hbm>>
        tpu.wait_dma2 semaphore(%run_scoped3A : memref<!tpu.dma_semaphore, #tpu.memory_space<semaphore_mem>>) src(%dma_wait3A_162 : memref<64x64xi32, #tpu.memory_space<hbm>>) dst(%arg8 : memref<64x64xi32, #tpu.memory_space<vmem>>)
        tpu.yield
      }) : () -> ()
      %scan3A_147 = arith.constant 0 : i32
      %scan3A_148 = arith.constant 64 : i32
      %scan3A_149 = arith.addi %scan3A_147, %scan3A_148 : i32
      %scan3A_150 = arith.constant 1 : i32
      scf.for %scan3A_157 = %scan3A_147 to %scan3A_149 step %scan3A_150  : i32 {
        %mul3A_158 = arith.constant 1 : i32
        %mul3A_159 = arith.muli %scan3A_157, %mul3A_158 : i32
        %add3A_160 = arith.constant 0 : i32
        %add3A_161 = arith.addi %add3A_160, %mul3A_159 : i32
        %ge3A = arith.constant 6 : i32
        %ge3A_162 = arith.cmpi sge, %add3A_161, %ge3A : i32
        %convert_element_type3A = arith.extui %ge3A_162 : i1 to i32
        %cond3A = arith.constant 0 : i32
        %cond3A_163 = arith.cmpi ne, %convert_element_type3A, %cond3A : i32
        scf.if %cond3A_163 {
          %sub3A = arith.constant 6 : i32
          %sub3A_172 = arith.subi %add3A_161, %sub3A : i32
          %dma_wait3A = arith.constant 0 : i32
          %dma_wait3A_173 = arith.constant 0 : i32
          %dma_wait3A_174 = tpu.memref_slice %arg10[%dma_wait3A, %dma_wait3A_173] : memref<64x128xf32, #tpu.memory_space<vmem>> -> memref<64x128xf32, #tpu.memory_space<vmem>>
          %dma_wait3A_175 = arith.constant 0 : i32
          %dma_wait3A_176 = tpu.memref_slice %arg8[%sub3A_172, %dma_wait3A_175] : memref<64x64xi32, #tpu.memory_space<vmem>> -> memref<1x64xi32, #tpu.memory_space<vmem>>
          %dma_wait3A_177 = tpu.memref_squeeze %dma_wait3A_176 : memref<1x64xi32, #tpu.memory_space<vmem>> -> memref<64xi32, #tpu.memory_space<vmem>>
          %dma_wait3A_178 = arith.constant 0 : i32
          %dma_wait3A_179 = arith.constant 0 : i32
          %dma_wait3A_180 = tpu.memref_slice %arg15[%dma_wait3A_178, %dma_wait3A_179] : memref<10112x128xf32, #tpu.memory_space<vmem_shared>> -> memref<10112x128xf32, #tpu.memory_space<vmem_shared>>
          tpu.wait_indirect_dma semaphore(%arg16 : memref<!tpu.dma_semaphore, #tpu.memory_space<semaphore_mem>>) src(%dma_wait3A_174 : memref<64x128xf32, #tpu.memory_space<vmem>>) dst(%dma_wait3A_180 : memref<10112x128xf32, #tpu.memory_space<vmem_shared>>)
        } else {
        }
        %dma_start3A = arith.constant 0 : i32
        %dma_start3A_164 = arith.constant 0 : i32
        %dma_start3A_165 = tpu.memref_slice %arg10[%dma_start3A, %dma_start3A_164] : memref<64x128xf32, #tpu.memory_space<vmem>> -> memref<64x128xf32, #tpu.memory_space<vmem>>
        %dma_start3A_166 = arith.constant 0 : i32
        %dma_start3A_167 = tpu.memref_slice %arg8[%add3A_161, %dma_start3A_166] : memref<64x64xi32, #tpu.memory_space<vmem>> -> memref<1x64xi32, #tpu.memory_space<vmem>>
        %dma_start3A_168 = tpu.memref_squeeze %dma_start3A_167 : memref<1x64xi32, #tpu.memory_space<vmem>> -> memref<64xi32, #tpu.memory_space<vmem>>
        %dma_start3A_169 = arith.constant 0 : i32
        %dma_start3A_170 = arith.constant 0 : i32
        %dma_start3A_171 = tpu.memref_slice %arg15[%dma_start3A_169, %dma_start3A_170] : memref<10112x128xf32, #tpu.memory_space<vmem_shared>> -> memref<10112x128xf32, #tpu.memory_space<vmem_shared>>
        tpu.enqueue_indirect_dma source(%dma_start3A_165 : memref<64x128xf32, #tpu.memory_space<vmem>>) target(%dma_start3A_171 : memref<10112x128xf32, #tpu.memory_space<vmem_shared>>) offsets(%dma_start3A_168 : memref<64xi32, #tpu.memory_space<vmem>>) semaphore(%arg16 : memref<!tpu.dma_semaphore, #tpu.memory_space<semaphore_mem>>) {add = true}
      }
      %scan3A_151 = arith.constant 64 : i32
      %scan3A_152 = arith.constant 0 : i32
      %scan3A_153 = arith.constant 6 : i32
      %scan3A_154 = arith.addi %scan3A_152, %scan3A_153 : i32
      %scan3A_155 = arith.constant 1 : i32
      scf.for %scan3A_157 = %scan3A_152 to %scan3A_154 step %scan3A_155  : i32 {
        %mul3A_158 = arith.constant 1 : i32
        %mul3A_159 = arith.muli %scan3A_157, %mul3A_158 : i32
        %add3A_160 = arith.constant 0 : i32
        %add3A_161 = arith.addi %add3A_160, %mul3A_159 : i32
        %add3A_162 = arith.constant 58 : i32
        %add3A_163 = arith.addi %add3A_162, %add3A_161 : i32
        %dma_wait3A = arith.constant 0 : i32
        %dma_wait3A_164 = arith.constant 0 : i32
        %dma_wait3A_165 = tpu.memref_slice %arg10[%dma_wait3A, %dma_wait3A_164] : memref<64x128xf32, #tpu.memory_space<vmem>> -> memref<64x128xf32, #tpu.memory_space<vmem>>
        %dma_wait3A_166 = arith.constant 0 : i32
        %dma_wait3A_167 = tpu.memref_slice %arg8[%add3A_163, %dma_wait3A_166] : memref<64x64xi32, #tpu.memory_space<vmem>> -> memref<1x64xi32, #tpu.memory_space<vmem>>
        %dma_wait3A_168 = tpu.memref_squeeze %dma_wait3A_167 : memref<1x64xi32, #tpu.memory_space<vmem>> -> memref<64xi32, #tpu.memory_space<vmem>>
        %dma_wait3A_169 = arith.constant 0 : i32
        %dma_wait3A_170 = arith.constant 0 : i32
        %dma_wait3A_171 = tpu.memref_slice %arg15[%dma_wait3A_169, %dma_wait3A_170] : memref<10112x128xf32, #tpu.memory_space<vmem_shared>> -> memref<10112x128xf32, #tpu.memory_space<vmem_shared>>
        tpu.wait_indirect_dma semaphore(%arg16 : memref<!tpu.dma_semaphore, #tpu.memory_space<semaphore_mem>>) src(%dma_wait3A_165 : memref<64x128xf32, #tpu.memory_space<vmem>>) dst(%dma_wait3A_171 : memref<10112x128xf32, #tpu.memory_space<vmem_shared>>)
      }
      %scan3A_156 = arith.constant 6 : i32
    }
    %scan3A_61 = arith.constant 5 : i32
    %barrier3A_62 = arith.constant 0 : index
    tpu.barrier barrier_id(%barrier3A_62)
    %scan3A_63 = arith.constant 0 : i32
    %scan3A_64 = arith.constant 9 : i32
    %scan3A_65 = arith.addi %scan3A_63, %scan3A_64 : i32
    %scan3A_66 = arith.constant 1 : i32
    scf.for %scan3A_137 = %scan3A_63 to %scan3A_65 step %scan3A_66  : i32 {
      %mul3A_138 = arith.constant 1 : i32
      %mul3A_139 = arith.muli %scan3A_137, %mul3A_138 : i32
      %add3A_140 = arith.constant 0 : i32
      %add3A_141 = arith.addi %add3A_140, %mul3A_139 : i32
      %mul3A_142 = arith.constant 64 : i32
      %mul3A_143 = arith.muli %add3A_141, %mul3A_142 : i32
      %add3A_144 = arith.addi %mul3A_0, %mul3A_143 : i32
      "tpu.region"() ({
        %run_scoped3A = tpu.sem_alloc : memref<!tpu.dma_semaphore, #tpu.memory_space<semaphore_mem>>
        %dma_start3A = arith.constant 0 : i32
        %dma_start3A_150 = arith.constant 0 : i32
        %dma_start3A_151 = tpu.memref_slice %arg9[%dma_start3A, %dma_start3A_150] : memref<64x128xf32, #tpu.memory_space<vmem>> -> memref<64x128xf32, #tpu.memory_space<vmem>>
        %dma_start3A_152 = arith.constant 0 : i32
        %dma_start3A_153 = tpu.memref_slice %arg15[%add3A_144, %dma_start3A_152] : memref<10112x128xf32, #tpu.memory_space<vmem_shared>> -> memref<64x128xf32, #tpu.memory_space<vmem_shared>>
        %dma_start3A_154 = arith.constant 0 : i32
        %dma_start3A_155 = arith.constant 0 : i32
        %dma_start3A_156 = tpu.memref_slice %arg9[%dma_start3A_154, %dma_start3A_155] : memref<64x128xf32, #tpu.memory_space<vmem>> -> memref<64x128xf32, #tpu.memory_space<vmem>>
        %dma_start3A_157 = arith.constant 0 : i32
        %dma_start3A_158 = tpu.memref_slice %arg15[%add3A_144, %dma_start3A_157] : memref<10112x128xf32, #tpu.memory_space<vmem_shared>> -> memref<64x128xf32, #tpu.memory_space<vmem_shared>>
        tpu.enqueue_dma source(%dma_start3A_158 : memref<64x128xf32, #tpu.memory_space<vmem_shared>>) target(%dma_start3A_156 : memref<64x128xf32, #tpu.memory_space<vmem>>) target_semaphore(%run_scoped3A : memref<!tpu.dma_semaphore, #tpu.memory_space<semaphore_mem>>)
        %dma_wait3A = arith.constant 0 : i32
        %dma_wait3A_159 = arith.constant 0 : i32
        %dma_wait3A_160 = tpu.memref_slice %arg9[%dma_wait3A, %dma_wait3A_159] : memref<64x128xf32, #tpu.memory_space<vmem>> -> memref<64x128xf32, #tpu.memory_space<vmem>>
        %dma_wait3A_161 = arith.constant 0 : i32
        %dma_wait3A_162 = tpu.memref_slice %arg15[%add3A_144, %dma_wait3A_161] : memref<10112x128xf32, #tpu.memory_space<vmem_shared>> -> memref<64x128xf32, #tpu.memory_space<vmem_shared>>
        %dma_wait3A_163 = arith.constant 0 : i32
        %dma_wait3A_164 = arith.constant 0 : i32
        %dma_wait3A_165 = tpu.memref_slice %arg9[%dma_wait3A_163, %dma_wait3A_164] : memref<64x128xf32, #tpu.memory_space<vmem>> -> memref<64x128xf32, #tpu.memory_space<vmem>>
        %dma_wait3A_166 = arith.constant 0 : i32
        %dma_wait3A_167 = tpu.memref_slice %arg15[%add3A_144, %dma_wait3A_166] : memref<10112x128xf32, #tpu.memory_space<vmem_shared>> -> memref<64x128xf32, #tpu.memory_space<vmem_shared>>
        tpu.wait_dma2 semaphore(%run_scoped3A : memref<!tpu.dma_semaphore, #tpu.memory_space<semaphore_mem>>) src(%dma_wait3A_167 : memref<64x128xf32, #tpu.memory_space<vmem_shared>>) dst(%dma_wait3A_165 : memref<64x128xf32, #tpu.memory_space<vmem>>)
        tpu.yield
      }) : () -> ()
      %scan3A_145 = arith.constant 0 : i32
      %scan3A_146 = arith.constant 64 : i32
      %scan3A_147 = arith.addi %scan3A_145, %scan3A_146 : i32
      %scan3A_148 = arith.constant 1 : i32
      scf.for %scan3A_150 = %scan3A_145 to %scan3A_147 step %scan3A_148  : i32 {
        %mul3A_151 = arith.constant 1 : i32
        %mul3A_152 = arith.muli %scan3A_150, %mul3A_151 : i32
        %add3A_153 = arith.constant 0 : i32
        %add3A_154 = arith.addi %add3A_153, %mul3A_152 : i32
        %get3A = arith.index_cast %add3A_154 : i32 to index
        %get3A_155 = arith.constant 0 : index
        %get3A_156 = tpu.vector_load %arg9[%get3A, %get3A_155] {strides = array<i32>} : memref<64x128xf32, #tpu.memory_space<vmem>>, vector<16xf32>,
        %max3A = arith.constant 1.000000e+00 : f32
        %max3A_157 = vector.broadcast %max3A : f32 to vector<16xf32>
        %max3A_158 = arith.maximumf %get3A_156, %max3A_157 : vector<16xf32>
        %bitcast3A = vector.bitcast %max3A_158 : vector<16xf32> to vector<16xi32>
        %shift_right_arithmetic3A = arith.constant 1 : i32
        %shift_right_arithmetic3A_159 = vector.broadcast %shift_right_arithmetic3A : i32 to vector<16xi32>
        %shift_right_arithmetic3A_160 = arith.shrsi %bitcast3A, %shift_right_arithmetic3A_159 : vector<16xi32>
        %sub3A = arith.constant 1597463007 : i32
        %sub3A_161 = vector.broadcast %sub3A : i32 to vector<16xi32>
        %sub3A_162 = arith.subi %sub3A_161, %shift_right_arithmetic3A_160 : vector<16xi32>
        %bitcast3A_163 = vector.bitcast %sub3A_162 : vector<16xi32> to vector<16xf32>
        %mul3A_164 = arith.constant 5.000000e-01 : f32
        %mul3A_165 = vector.broadcast %mul3A_164 : f32 to vector<16xf32>
        %mul3A_166 = arith.mulf %mul3A_165, %max3A_158 : vector<16xf32>
        %mul3A_167 = arith.mulf %mul3A_166, %bitcast3A_163 : vector<16xf32>
        %mul3A_168 = arith.mulf %mul3A_167, %bitcast3A_163 : vector<16xf32>
        %sub3A_169 = arith.constant 1.500000e+00 : f32
        %sub3A_170 = vector.broadcast %sub3A_169 : f32 to vector<16xf32>
        %sub3A_171 = arith.subf %sub3A_170, %mul3A_168 : vector<16xf32>
        %mul3A_172 = arith.mulf %bitcast3A_163, %sub3A_171 : vector<16xf32>
        %mul3A_173 = arith.constant 5.000000e-01 : f32
        %mul3A_174 = vector.broadcast %mul3A_173 : f32 to vector<16xf32>
        %mul3A_175 = arith.mulf %mul3A_174, %max3A_158 : vector<16xf32>
        %mul3A_176 = arith.mulf %mul3A_175, %mul3A_172 : vector<16xf32>
        %mul3A_177 = arith.mulf %mul3A_176, %mul3A_172 : vector<16xf32>
        %sub3A_178 = arith.constant 1.500000e+00 : f32
        %sub3A_179 = vector.broadcast %sub3A_178 : f32 to vector<16xf32>
        %sub3A_180 = arith.subf %sub3A_179, %mul3A_177 : vector<16xf32>
        %mul3A_181 = arith.mulf %mul3A_172, %sub3A_180 : vector<16xf32>
        %mul3A_182 = arith.constant 5.000000e-01 : f32
        %mul3A_183 = vector.broadcast %mul3A_182 : f32 to vector<16xf32>
        %mul3A_184 = arith.mulf %mul3A_183, %max3A_158 : vector<16xf32>
        %mul3A_185 = arith.mulf %mul3A_184, %mul3A_181 : vector<16xf32>
        %mul3A_186 = arith.mulf %mul3A_185, %mul3A_181 : vector<16xf32>
        %sub3A_187 = arith.constant 1.500000e+00 : f32
        %sub3A_188 = vector.broadcast %sub3A_187 : f32 to vector<16xf32>
        %sub3A_189 = arith.subf %sub3A_188, %mul3A_186 : vector<16xf32>
        %mul3A_190 = arith.mulf %mul3A_181, %sub3A_189 : vector<16xf32>
        %add3A_191 = arith.addi %mul3A_143, %add3A_154 : i32
        %broadcast_in_dim3A_192 = vector.broadcast %add3A_191 : i32 to vector<16xi32>
        tpu.vector_store_idx %arg13[%broadcast_in_dim3A_192], %mul3A_190 masked %eq3A_5 : memref<632xf32, #tpu.memory_space<vmem>>[vector<16xi32>], vector<16xf32>, vector<16xi1>
        %gather3A = tpu.vector_load_idx %arg12[%broadcast_in_dim3A_192] : memref<632xf32, #tpu.memory_space<vmem>>[vector<16xi32>], vector<16xf32>,
        %mul3A_193 = arith.mulf %mul3A_190, %gather3A : vector<16xf32>
        tpu.vector_store_idx %arg14[%broadcast_in_dim3A_192], %mul3A_193 masked %eq3A_5 : memref<632xf32, #tpu.memory_space<vmem>>[vector<16xi32>], vector<16xf32>, vector<16xi1>
      }
      %scan3A_149 = arith.constant 64 : i32
    }
    %scan3A_67 = arith.constant 9 : i32
    %add3A_68 = arith.constant 576 : i32
    %add3A_69 = arith.addi %mul3A_0, %add3A_68 : i32
    "tpu.region"() ({
      %run_scoped3A = tpu.sem_alloc : memref<!tpu.dma_semaphore, #tpu.memory_space<semaphore_mem>>
      %dma_start3A = arith.constant 0 : i32
      %dma_start3A_137 = arith.constant 0 : i32
      %dma_start3A_138 = tpu.memref_slice %arg9[%dma_start3A, %dma_start3A_137] : memref<64x128xf32, #tpu.memory_space<vmem>> -> memref<56x128xf32, #tpu.memory_space<vmem>>
      %dma_start3A_139 = arith.constant 0 : i32
      %dma_start3A_140 = tpu.memref_slice %arg15[%add3A_69, %dma_start3A_139] : memref<10112x128xf32, #tpu.memory_space<vmem_shared>> -> memref<56x128xf32, #tpu.memory_space<vmem_shared>>
      %dma_start3A_141 = arith.constant 0 : i32
      %dma_start3A_142 = arith.constant 0 : i32
      %dma_start3A_143 = tpu.memref_slice %arg9[%dma_start3A_141, %dma_start3A_142] : memref<64x128xf32, #tpu.memory_space<vmem>> -> memref<56x128xf32, #tpu.memory_space<vmem>>
      %dma_start3A_144 = arith.constant 0 : i32
      %dma_start3A_145 = tpu.memref_slice %arg15[%add3A_69, %dma_start3A_144] : memref<10112x128xf32, #tpu.memory_space<vmem_shared>> -> memref<56x128xf32, #tpu.memory_space<vmem_shared>>
      tpu.enqueue_dma source(%dma_start3A_145 : memref<56x128xf32, #tpu.memory_space<vmem_shared>>) target(%dma_start3A_143 : memref<56x128xf32, #tpu.memory_space<vmem>>) target_semaphore(%run_scoped3A : memref<!tpu.dma_semaphore, #tpu.memory_space<semaphore_mem>>)
      %dma_wait3A = arith.constant 0 : i32
      %dma_wait3A_146 = arith.constant 0 : i32
      %dma_wait3A_147 = tpu.memref_slice %arg9[%dma_wait3A, %dma_wait3A_146] : memref<64x128xf32, #tpu.memory_space<vmem>> -> memref<56x128xf32, #tpu.memory_space<vmem>>
      %dma_wait3A_148 = arith.constant 0 : i32
      %dma_wait3A_149 = tpu.memref_slice %arg15[%add3A_69, %dma_wait3A_148] : memref<10112x128xf32, #tpu.memory_space<vmem_shared>> -> memref<56x128xf32, #tpu.memory_space<vmem_shared>>
      %dma_wait3A_150 = arith.constant 0 : i32
      %dma_wait3A_151 = arith.constant 0 : i32
      %dma_wait3A_152 = tpu.memref_slice %arg9[%dma_wait3A_150, %dma_wait3A_151] : memref<64x128xf32, #tpu.memory_space<vmem>> -> memref<56x128xf32, #tpu.memory_space<vmem>>
      %dma_wait3A_153 = arith.constant 0 : i32
      %dma_wait3A_154 = tpu.memref_slice %arg15[%add3A_69, %dma_wait3A_153] : memref<10112x128xf32, #tpu.memory_space<vmem_shared>> -> memref<56x128xf32, #tpu.memory_space<vmem_shared>>
      tpu.wait_dma2 semaphore(%run_scoped3A : memref<!tpu.dma_semaphore, #tpu.memory_space<semaphore_mem>>) src(%dma_wait3A_154 : memref<56x128xf32, #tpu.memory_space<vmem_shared>>) dst(%dma_wait3A_152 : memref<56x128xf32, #tpu.memory_space<vmem>>)
      tpu.yield
    }) : () -> ()
    %scan3A_70 = arith.constant 0 : i32
    %scan3A_71 = arith.constant 56 : i32
    %scan3A_72 = arith.addi %scan3A_70, %scan3A_71 : i32
    %scan3A_73 = arith.constant 1 : i32
    scf.for %scan3A_137 = %scan3A_70 to %scan3A_72 step %scan3A_73  : i32 {
      %mul3A_138 = arith.constant 1 : i32
      %mul3A_139 = arith.muli %scan3A_137, %mul3A_138 : i32
      %add3A_140 = arith.constant 0 : i32
      %add3A_141 = arith.addi %add3A_140, %mul3A_139 : i32
      %get3A = arith.index_cast %add3A_141 : i32 to index
      %get3A_142 = arith.constant 0 : index
      %get3A_143 = tpu.vector_load %arg9[%get3A, %get3A_142] {strides = array<i32>} : memref<64x128xf32, #tpu.memory_space<vmem>>, vector<16xf32>,
      %max3A = arith.constant 1.000000e+00 : f32
      %max3A_144 = vector.broadcast %max3A : f32 to vector<16xf32>
      %max3A_145 = arith.maximumf %get3A_143, %max3A_144 : vector<16xf32>
      %bitcast3A = vector.bitcast %max3A_145 : vector<16xf32> to vector<16xi32>
      %shift_right_arithmetic3A = arith.constant 1 : i32
      %shift_right_arithmetic3A_146 = vector.broadcast %shift_right_arithmetic3A : i32 to vector<16xi32>
      %shift_right_arithmetic3A_147 = arith.shrsi %bitcast3A, %shift_right_arithmetic3A_146 : vector<16xi32>
      %sub3A = arith.constant 1597463007 : i32
      %sub3A_148 = vector.broadcast %sub3A : i32 to vector<16xi32>
      %sub3A_149 = arith.subi %sub3A_148, %shift_right_arithmetic3A_147 : vector<16xi32>
      %bitcast3A_150 = vector.bitcast %sub3A_149 : vector<16xi32> to vector<16xf32>
      %mul3A_151 = arith.constant 5.000000e-01 : f32
      %mul3A_152 = vector.broadcast %mul3A_151 : f32 to vector<16xf32>
      %mul3A_153 = arith.mulf %mul3A_152, %max3A_145 : vector<16xf32>
      %mul3A_154 = arith.mulf %mul3A_153, %bitcast3A_150 : vector<16xf32>
      %mul3A_155 = arith.mulf %mul3A_154, %bitcast3A_150 : vector<16xf32>
      %sub3A_156 = arith.constant 1.500000e+00 : f32
      %sub3A_157 = vector.broadcast %sub3A_156 : f32 to vector<16xf32>
      %sub3A_158 = arith.subf %sub3A_157, %mul3A_155 : vector<16xf32>
      %mul3A_159 = arith.mulf %bitcast3A_150, %sub3A_158 : vector<16xf32>
      %mul3A_160 = arith.constant 5.000000e-01 : f32
      %mul3A_161 = vector.broadcast %mul3A_160 : f32 to vector<16xf32>
      %mul3A_162 = arith.mulf %mul3A_161, %max3A_145 : vector<16xf32>
      %mul3A_163 = arith.mulf %mul3A_162, %mul3A_159 : vector<16xf32>
      %mul3A_164 = arith.mulf %mul3A_163, %mul3A_159 : vector<16xf32>
      %sub3A_165 = arith.constant 1.500000e+00 : f32
      %sub3A_166 = vector.broadcast %sub3A_165 : f32 to vector<16xf32>
      %sub3A_167 = arith.subf %sub3A_166, %mul3A_164 : vector<16xf32>
      %mul3A_168 = arith.mulf %mul3A_159, %sub3A_167 : vector<16xf32>
      %mul3A_169 = arith.constant 5.000000e-01 : f32
      %mul3A_170 = vector.broadcast %mul3A_169 : f32 to vector<16xf32>
      %mul3A_171 = arith.mulf %mul3A_170, %max3A_145 : vector<16xf32>
      %mul3A_172 = arith.mulf %mul3A_171, %mul3A_168 : vector<16xf32>
      %mul3A_173 = arith.mulf %mul3A_172, %mul3A_168 : vector<16xf32>
      %sub3A_174 = arith.constant 1.500000e+00 : f32
      %sub3A_175 = vector.broadcast %sub3A_174 : f32 to vector<16xf32>
      %sub3A_176 = arith.subf %sub3A_175, %mul3A_173 : vector<16xf32>
      %mul3A_177 = arith.mulf %mul3A_168, %sub3A_176 : vector<16xf32>
      %add3A_178 = arith.constant 576 : i32
      %add3A_179 = arith.addi %add3A_178, %add3A_141 : i32
      %broadcast_in_dim3A_180 = vector.broadcast %add3A_179 : i32 to vector<16xi32>
      tpu.vector_store_idx %arg13[%broadcast_in_dim3A_180], %mul3A_177 masked %eq3A_5 : memref<632xf32, #tpu.memory_space<vmem>>[vector<16xi32>], vector<16xf32>, vector<16xi1>
      %gather3A = tpu.vector_load_idx %arg12[%broadcast_in_dim3A_180] : memref<632xf32, #tpu.memory_space<vmem>>[vector<16xi32>], vector<16xf32>,
      %mul3A_181 = arith.mulf %mul3A_177, %gather3A : vector<16xf32>
      tpu.vector_store_idx %arg14[%broadcast_in_dim3A_180], %mul3A_181 masked %eq3A_5 : memref<632xf32, #tpu.memory_space<vmem>>[vector<16xi32>], vector<16xf32>, vector<16xi1>
    }
    %scan3A_74 = arith.constant 56 : i32
    %scan3A_75 = arith.constant 0 : i32
    %scan3A_76 = arith.constant 64 : i32
    %scan3A_77 = arith.addi %scan3A_75, %scan3A_76 : i32
    %scan3A_78 = arith.constant 1 : i32
    scf.for %scan3A_137 = %scan3A_75 to %scan3A_77 step %scan3A_78  : i32 {
      %mul3A_138 = arith.constant 1 : i32
      %mul3A_139 = arith.muli %scan3A_137, %mul3A_138 : i32
      %add3A_140 = arith.constant 0 : i32
      %add3A_141 = arith.addi %add3A_140, %mul3A_139 : i32
      %swap3A = arith.index_cast %add3A_141 : i32 to index
      %swap3A_142 = arith.constant 0 : index
      %swap3A_143 = tpu.vector_load %arg9[%swap3A, %swap3A_142] {strides = array<i32>} : memref<64x128xf32, #tpu.memory_space<vmem>>, vector<16xf32>,
      tpu.vector_store %arg9[%swap3A, %swap3A_142], %broadcast_in_dim3A_1 {strides = array<i32>} : memref<64x128xf32, #tpu.memory_space<vmem>>, vector<16xf32>,
      %swap3A_144 = arith.index_cast %add3A_141 : i32 to index
      %swap3A_145 = arith.constant 16 : index
      %swap3A_146 = tpu.vector_load %arg9[%swap3A_144, %swap3A_145] {strides = array<i32>} : memref<64x128xf32, #tpu.memory_space<vmem>>, vector<16xf32>,
      tpu.vector_store %arg9[%swap3A_144, %swap3A_145], %broadcast_in_dim3A_1 {strides = array<i32>} : memref<64x128xf32, #tpu.memory_space<vmem>>, vector<16xf32>,
      %swap3A_147 = arith.index_cast %add3A_141 : i32 to index
      %swap3A_148 = arith.constant 32 : index
      %swap3A_149 = tpu.vector_load %arg9[%swap3A_147, %swap3A_148] {strides = array<i32>} : memref<64x128xf32, #tpu.memory_space<vmem>>, vector<16xf32>,
      tpu.vector_store %arg9[%swap3A_147, %swap3A_148], %broadcast_in_dim3A_1 {strides = array<i32>} : memref<64x128xf32, #tpu.memory_space<vmem>>, vector<16xf32>,
      %swap3A_150 = arith.index_cast %add3A_141 : i32 to index
      %swap3A_151 = arith.constant 48 : index
      %swap3A_152 = tpu.vector_load %arg9[%swap3A_150, %swap3A_151] {strides = array<i32>} : memref<64x128xf32, #tpu.memory_space<vmem>>, vector<16xf32>,
      tpu.vector_store %arg9[%swap3A_150, %swap3A_151], %broadcast_in_dim3A_1 {strides = array<i32>} : memref<64x128xf32, #tpu.memory_space<vmem>>, vector<16xf32>,
      %swap3A_153 = arith.index_cast %add3A_141 : i32 to index
      %swap3A_154 = arith.constant 64 : index
      %swap3A_155 = tpu.vector_load %arg9[%swap3A_153, %swap3A_154] {strides = array<i32>} : memref<64x128xf32, #tpu.memory_space<vmem>>, vector<16xf32>,
      tpu.vector_store %arg9[%swap3A_153, %swap3A_154], %broadcast_in_dim3A_1 {strides = array<i32>} : memref<64x128xf32, #tpu.memory_space<vmem>>, vector<16xf32>,
      %swap3A_156 = arith.index_cast %add3A_141 : i32 to index
      %swap3A_157 = arith.constant 80 : index
      %swap3A_158 = tpu.vector_load %arg9[%swap3A_156, %swap3A_157] {strides = array<i32>} : memref<64x128xf32, #tpu.memory_space<vmem>>, vector<16xf32>,
      tpu.vector_store %arg9[%swap3A_156, %swap3A_157], %broadcast_in_dim3A_1 {strides = array<i32>} : memref<64x128xf32, #tpu.memory_space<vmem>>, vector<16xf32>,
      %swap3A_159 = arith.index_cast %add3A_141 : i32 to index
      %swap3A_160 = arith.constant 96 : index
      %swap3A_161 = tpu.vector_load %arg9[%swap3A_159, %swap3A_160] {strides = array<i32>} : memref<64x128xf32, #tpu.memory_space<vmem>>, vector<16xf32>,
      tpu.vector_store %arg9[%swap3A_159, %swap3A_160], %broadcast_in_dim3A_1 {strides = array<i32>} : memref<64x128xf32, #tpu.memory_space<vmem>>, vector<16xf32>,
      %swap3A_162 = arith.index_cast %add3A_141 : i32 to index
      %swap3A_163 = arith.constant 112 : index
      %swap3A_164 = tpu.vector_load %arg9[%swap3A_162, %swap3A_163] {strides = array<i32>} : memref<64x128xf32, #tpu.memory_space<vmem>>, vector<16xf32>,
      tpu.vector_store %arg9[%swap3A_162, %swap3A_163], %broadcast_in_dim3A_1 {strides = array<i32>} : memref<64x128xf32, #tpu.memory_space<vmem>>, vector<16xf32>,
    }
    %scan3A_79 = arith.constant 64 : i32
    %scan3A_80 = arith.constant 0 : i32
    %scan3A_81 = arith.constant 9 : i32
    %scan3A_82 = arith.addi %scan3A_80, %scan3A_81 : i32
    %scan3A_83 = arith.constant 1 : i32
    scf.for %scan3A_137 = %scan3A_80 to %scan3A_82 step %scan3A_83  : i32 {
      %mul3A_138 = arith.constant 1 : i32
      %mul3A_139 = arith.muli %scan3A_137, %mul3A_138 : i32
      %add3A_140 = arith.constant 0 : i32
      %add3A_141 = arith.addi %add3A_140, %mul3A_139 : i32
      %mul3A_142 = arith.constant 64 : i32
      %mul3A_143 = arith.muli %add3A_141, %mul3A_142 : i32
      %add3A_144 = arith.addi %mul3A_0, %mul3A_143 : i32
      "tpu.region"() ({
        %run_scoped3A = tpu.sem_alloc : memref<!tpu.dma_semaphore, #tpu.memory_space<semaphore_mem>>
        %dma_start3A = arith.constant 0 : i32
        %dma_start3A_145 = arith.constant 0 : i32
        %dma_start3A_146 = tpu.memref_slice %arg9[%dma_start3A, %dma_start3A_145] : memref<64x128xf32, #tpu.memory_space<vmem>> -> memref<64x128xf32, #tpu.memory_space<vmem>>
        %dma_start3A_147 = arith.constant 0 : i32
        %dma_start3A_148 = tpu.memref_slice %arg15[%add3A_144, %dma_start3A_147] : memref<10112x128xf32, #tpu.memory_space<vmem_shared>> -> memref<64x128xf32, #tpu.memory_space<vmem_shared>>
        %dma_start3A_149 = arith.constant 0 : i32
        %dma_start3A_150 = tpu.memref_slice %arg15[%add3A_144, %dma_start3A_149] : memref<10112x128xf32, #tpu.memory_space<vmem_shared>> -> memref<64x128xf32, #tpu.memory_space<vmem_shared>>
        %dma_start3A_151 = arith.constant 0 : i32
        %dma_start3A_152 = arith.constant 0 : i32
        %dma_start3A_153 = tpu.memref_slice %arg9[%dma_start3A_151, %dma_start3A_152] : memref<64x128xf32, #tpu.memory_space<vmem>> -> memref<64x128xf32, #tpu.memory_space<vmem>>
        tpu.enqueue_dma source(%dma_start3A_153 : memref<64x128xf32, #tpu.memory_space<vmem>>) target(%dma_start3A_150 : memref<64x128xf32, #tpu.memory_space<vmem_shared>>) target_semaphore(%run_scoped3A : memref<!tpu.dma_semaphore, #tpu.memory_space<semaphore_mem>>)
        %dma_wait3A = arith.constant 0 : i32
        %dma_wait3A_154 = arith.constant 0 : i32
        %dma_wait3A_155 = tpu.memref_slice %arg9[%dma_wait3A, %dma_wait3A_154] : memref<64x128xf32, #tpu.memory_space<vmem>> -> memref<64x128xf32, #tpu.memory_space<vmem>>
        %dma_wait3A_156 = arith.constant 0 : i32
        %dma_wait3A_157 = tpu.memref_slice %arg15[%add3A_144, %dma_wait3A_156] : memref<10112x128xf32, #tpu.memory_space<vmem_shared>> -> memref<64x128xf32, #tpu.memory_space<vmem_shared>>
        %dma_wait3A_158 = arith.constant 0 : i32
        %dma_wait3A_159 = tpu.memref_slice %arg15[%add3A_144, %dma_wait3A_158] : memref<10112x128xf32, #tpu.memory_space<vmem_shared>> -> memref<64x128xf32, #tpu.memory_space<vmem_shared>>
        %dma_wait3A_160 = arith.constant 0 : i32
        %dma_wait3A_161 = arith.constant 0 : i32
        %dma_wait3A_162 = tpu.memref_slice %arg9[%dma_wait3A_160, %dma_wait3A_161] : memref<64x128xf32, #tpu.memory_space<vmem>> -> memref<64x128xf32, #tpu.memory_space<vmem>>
        tpu.wait_dma2 semaphore(%run_scoped3A : memref<!tpu.dma_semaphore, #tpu.memory_space<semaphore_mem>>) src(%dma_wait3A_162 : memref<64x128xf32, #tpu.memory_space<vmem>>) dst(%dma_wait3A_159 : memref<64x128xf32, #tpu.memory_space<vmem_shared>>)
        tpu.yield
      }) : () -> ()
    }
    %scan3A_84 = arith.constant 9 : i32
    %add3A_85 = arith.constant 576 : i32
    %add3A_86 = arith.addi %mul3A_0, %add3A_85 : i32
    "tpu.region"() ({
      %run_scoped3A = tpu.sem_alloc : memref<!tpu.dma_semaphore, #tpu.memory_space<semaphore_mem>>
      %dma_start3A = arith.constant 0 : i32
      %dma_start3A_137 = arith.constant 0 : i32
      %dma_start3A_138 = tpu.memref_slice %arg9[%dma_start3A, %dma_start3A_137] : memref<64x128xf32, #tpu.memory_space<vmem>> -> memref<56x128xf32, #tpu.memory_space<vmem>>
      %dma_start3A_139 = arith.constant 0 : i32
      %dma_start3A_140 = tpu.memref_slice %arg15[%add3A_86, %dma_start3A_139] : memref<10112x128xf32, #tpu.memory_space<vmem_shared>> -> memref<56x128xf32, #tpu.memory_space<vmem_shared>>
      %dma_start3A_141 = arith.constant 0 : i32
      %dma_start3A_142 = tpu.memref_slice %arg15[%add3A_86, %dma_start3A_141] : memref<10112x128xf32, #tpu.memory_space<vmem_shared>> -> memref<56x128xf32, #tpu.memory_space<vmem_shared>>
      %dma_start3A_143 = arith.constant 0 : i32
      %dma_start3A_144 = arith.constant 0 : i32
      %dma_start3A_145 = tpu.memref_slice %arg9[%dma_start3A_143, %dma_start3A_144] : memref<64x128xf32, #tpu.memory_space<vmem>> -> memref<56x128xf32, #tpu.memory_space<vmem>>
      tpu.enqueue_dma source(%dma_start3A_145 : memref<56x128xf32, #tpu.memory_space<vmem>>) target(%dma_start3A_142 : memref<56x128xf32, #tpu.memory_space<vmem_shared>>) target_semaphore(%run_scoped3A : memref<!tpu.dma_semaphore, #tpu.memory_space<semaphore_mem>>)
      %dma_wait3A = arith.constant 0 : i32
      %dma_wait3A_146 = arith.constant 0 : i32
      %dma_wait3A_147 = tpu.memref_slice %arg9[%dma_wait3A, %dma_wait3A_146] : memref<64x128xf32, #tpu.memory_space<vmem>> -> memref<56x128xf32, #tpu.memory_space<vmem>>
      %dma_wait3A_148 = arith.constant 0 : i32
      %dma_wait3A_149 = tpu.memref_slice %arg15[%add3A_86, %dma_wait3A_148] : memref<10112x128xf32, #tpu.memory_space<vmem_shared>> -> memref<56x128xf32, #tpu.memory_space<vmem_shared>>
      %dma_wait3A_150 = arith.constant 0 : i32
      %dma_wait3A_151 = tpu.memref_slice %arg15[%add3A_86, %dma_wait3A_150] : memref<10112x128xf32, #tpu.memory_space<vmem_shared>> -> memref<56x128xf32, #tpu.memory_space<vmem_shared>>
      %dma_wait3A_152 = arith.constant 0 : i32
      %dma_wait3A_153 = arith.constant 0 : i32
      %dma_wait3A_154 = tpu.memref_slice %arg9[%dma_wait3A_152, %dma_wait3A_153] : memref<64x128xf32, #tpu.memory_space<vmem>> -> memref<56x128xf32, #tpu.memory_space<vmem>>
      tpu.wait_dma2 semaphore(%run_scoped3A : memref<!tpu.dma_semaphore, #tpu.memory_space<semaphore_mem>>) src(%dma_wait3A_154 : memref<56x128xf32, #tpu.memory_space<vmem>>) dst(%dma_wait3A_151 : memref<56x128xf32, #tpu.memory_space<vmem_shared>>)
      tpu.yield
    }) : () -> ()
    %barrier3A_87 = arith.constant 0 : index
    tpu.barrier barrier_id(%barrier3A_87)
    %scan3A_88 = arith.constant 0 : i32
    %scan3A_89 = arith.constant 9 : i32
    %scan3A_90 = arith.addi %scan3A_88, %scan3A_89 : i32
    %scan3A_91 = arith.constant 1 : i32
    scf.for %scan3A_137 = %scan3A_88 to %scan3A_90 step %scan3A_91  : i32 {
      %mul3A_138 = arith.constant 1 : i32
      %mul3A_139 = arith.muli %scan3A_137, %mul3A_138 : i32
      %add3A_140 = arith.constant 0 : i32
      %add3A_141 = arith.addi %add3A_140, %mul3A_139 : i32
      %mul3A_142 = arith.constant 64 : i32
      %mul3A_143 = arith.muli %add3A_141, %mul3A_142 : i32
      %add3A_144 = arith.addi %mul3A_0, %mul3A_143 : i32
      "tpu.region"() ({
        %run_scoped3A = tpu.sem_alloc : memref<!tpu.dma_semaphore, #tpu.memory_space<semaphore_mem>>
        %dma_start3A = arith.constant 0 : i32
        %dma_start3A_155 = arith.constant 0 : i32
        %dma_start3A_156 = tpu.memref_slice %arg9[%dma_start3A, %dma_start3A_155] : memref<64x128xf32, #tpu.memory_space<vmem>> -> memref<64x128xf32, #tpu.memory_space<vmem>>
        %dma_start3A_157 = arith.constant 0 : i32
        %dma_start3A_158 = tpu.memref_slice %arg2[%add3A_144, %dma_start3A_157] : memref<10112x128xf32, #tpu.memory_space<hbm>> -> memref<64x128xf32, #tpu.memory_space<hbm>>
        %dma_start3A_159 = arith.constant 0 : i32
        %dma_start3A_160 = arith.constant 0 : i32
        %dma_start3A_161 = tpu.memref_slice %arg9[%dma_start3A_159, %dma_start3A_160] : memref<64x128xf32, #tpu.memory_space<vmem>> -> memref<64x128xf32, #tpu.memory_space<vmem>>
        %dma_start3A_162 = arith.constant 0 : i32
        %dma_start3A_163 = tpu.memref_slice %arg2[%add3A_144, %dma_start3A_162] : memref<10112x128xf32, #tpu.memory_space<hbm>> -> memref<64x128xf32, #tpu.memory_space<hbm>>
        tpu.enqueue_dma source(%dma_start3A_163 : memref<64x128xf32, #tpu.memory_space<hbm>>) target(%dma_start3A_161 : memref<64x128xf32, #tpu.memory_space<vmem>>) target_semaphore(%run_scoped3A : memref<!tpu.dma_semaphore, #tpu.memory_space<semaphore_mem>>)
        %dma_wait3A = arith.constant 0 : i32
        %dma_wait3A_164 = arith.constant 0 : i32
        %dma_wait3A_165 = tpu.memref_slice %arg9[%dma_wait3A, %dma_wait3A_164] : memref<64x128xf32, #tpu.memory_space<vmem>> -> memref<64x128xf32, #tpu.memory_space<vmem>>
        %dma_wait3A_166 = arith.constant 0 : i32
        %dma_wait3A_167 = tpu.memref_slice %arg2[%add3A_144, %dma_wait3A_166] : memref<10112x128xf32, #tpu.memory_space<hbm>> -> memref<64x128xf32, #tpu.memory_space<hbm>>
        %dma_wait3A_168 = arith.constant 0 : i32
        %dma_wait3A_169 = arith.constant 0 : i32
        %dma_wait3A_170 = tpu.memref_slice %arg9[%dma_wait3A_168, %dma_wait3A_169] : memref<64x128xf32, #tpu.memory_space<vmem>> -> memref<64x128xf32, #tpu.memory_space<vmem>>
        %dma_wait3A_171 = arith.constant 0 : i32
        %dma_wait3A_172 = tpu.memref_slice %arg2[%add3A_144, %dma_wait3A_171] : memref<10112x128xf32, #tpu.memory_space<hbm>> -> memref<64x128xf32, #tpu.memory_space<hbm>>
        tpu.wait_dma2 semaphore(%run_scoped3A : memref<!tpu.dma_semaphore, #tpu.memory_space<semaphore_mem>>) src(%dma_wait3A_172 : memref<64x128xf32, #tpu.memory_space<hbm>>) dst(%dma_wait3A_170 : memref<64x128xf32, #tpu.memory_space<vmem>>)
        tpu.yield
      }) : () -> ()
      %add3A_145 = arith.addi %mul3A_0, %mul3A_143 : i32
      "tpu.region"() ({
        %run_scoped3A = tpu.sem_alloc : memref<!tpu.dma_semaphore, #tpu.memory_space<semaphore_mem>>
        %dma_start3A = arith.constant 0 : i32
        %dma_start3A_155 = arith.constant 0 : i32
        %dma_start3A_156 = tpu.memref_slice %arg9[%dma_start3A, %dma_start3A_155] : memref<64x128xf32, #tpu.memory_space<vmem>> -> memref<64x128xf32, #tpu.memory_space<vmem>>
        %dma_start3A_157 = arith.constant 0 : i32
        %dma_start3A_158 = tpu.memref_slice %arg5[%arg0, %add3A_145, %dma_start3A_157] : memref<2x10112x128xf32, #tpu.memory_space<hbm>> -> memref<1x64x128xf32, #tpu.memory_space<hbm>>
        %dma_start3A_159 = tpu.memref_squeeze %dma_start3A_158 : memref<1x64x128xf32, #tpu.memory_space<hbm>> -> memref<64x128xf32, #tpu.memory_space<hbm>>
        %dma_start3A_160 = arith.constant 0 : i32
        %dma_start3A_161 = tpu.memref_slice %arg5[%arg0, %add3A_145, %dma_start3A_160] : memref<2x10112x128xf32, #tpu.memory_space<hbm>> -> memref<1x64x128xf32, #tpu.memory_space<hbm>>
        %dma_start3A_162 = tpu.memref_squeeze %dma_start3A_161 : memref<1x64x128xf32, #tpu.memory_space<hbm>> -> memref<64x128xf32, #tpu.memory_space<hbm>>
        %dma_start3A_163 = arith.constant 0 : i32
        %dma_start3A_164 = arith.constant 0 : i32
        %dma_start3A_165 = tpu.memref_slice %arg9[%dma_start3A_163, %dma_start3A_164] : memref<64x128xf32, #tpu.memory_space<vmem>> -> memref<64x128xf32, #tpu.memory_space<vmem>>
        tpu.enqueue_dma source(%dma_start3A_165 : memref<64x128xf32, #tpu.memory_space<vmem>>) target(%dma_start3A_162 : memref<64x128xf32, #tpu.memory_space<hbm>>) target_semaphore(%run_scoped3A : memref<!tpu.dma_semaphore, #tpu.memory_space<semaphore_mem>>)
        %dma_wait3A = arith.constant 0 : i32
        %dma_wait3A_166 = arith.constant 0 : i32
        %dma_wait3A_167 = tpu.memref_slice %arg9[%dma_wait3A, %dma_wait3A_166] : memref<64x128xf32, #tpu.memory_space<vmem>> -> memref<64x128xf32, #tpu.memory_space<vmem>>
        %dma_wait3A_168 = arith.constant 0 : i32
        %dma_wait3A_169 = tpu.memref_slice %arg5[%arg0, %add3A_145, %dma_wait3A_168] : memref<2x10112x128xf32, #tpu.memory_space<hbm>> -> memref<1x64x128xf32, #tpu.memory_space<hbm>>
        %dma_wait3A_170 = tpu.memref_squeeze %dma_wait3A_169 : memref<1x64x128xf32, #tpu.memory_space<hbm>> -> memref<64x128xf32, #tpu.memory_space<hbm>>
        %dma_wait3A_171 = arith.constant 0 : i32
        %dma_wait3A_172 = tpu.memref_slice %arg5[%arg0, %add3A_145, %dma_wait3A_171] : memref<2x10112x128xf32, #tpu.memory_space<hbm>> -> memref<1x64x128xf32, #tpu.memory_space<hbm>>
        %dma_wait3A_173 = tpu.memref_squeeze %dma_wait3A_172 : memref<1x64x128xf32, #tpu.memory_space<hbm>> -> memref<64x128xf32, #tpu.memory_space<hbm>>
        %dma_wait3A_174 = arith.constant 0 : i32
        %dma_wait3A_175 = arith.constant 0 : i32
        %dma_wait3A_176 = tpu.memref_slice %arg9[%dma_wait3A_174, %dma_wait3A_175] : memref<64x128xf32, #tpu.memory_space<vmem>> -> memref<64x128xf32, #tpu.memory_space<vmem>>
        tpu.wait_dma2 semaphore(%run_scoped3A : memref<!tpu.dma_semaphore, #tpu.memory_space<semaphore_mem>>) src(%dma_wait3A_176 : memref<64x128xf32, #tpu.memory_space<vmem>>) dst(%dma_wait3A_173 : memref<64x128xf32, #tpu.memory_space<hbm>>)
        tpu.yield
      }) : () -> ()
      %scan3A_146 = arith.constant 0 : i32
      %scan3A_147 = arith.constant 64 : i32
      %scan3A_148 = arith.addi %scan3A_146, %scan3A_147 : i32
      %scan3A_149 = arith.constant 1 : i32
      scf.for %scan3A_155 = %scan3A_146 to %scan3A_148 step %scan3A_149  : i32 {
        %mul3A_156 = arith.constant 1 : i32
        %mul3A_157 = arith.muli %scan3A_155, %mul3A_156 : i32
        %add3A_158 = arith.constant 0 : i32
        %add3A_159 = arith.addi %add3A_158, %mul3A_157 : i32
        %add3A_160 = arith.addi %mul3A_143, %add3A_159 : i32
        %broadcast_in_dim3A_161 = vector.broadcast %add3A_160 : i32 to vector<16xi32>
        %gather3A = tpu.vector_load_idx %arg12[%broadcast_in_dim3A_161] : memref<632xf32, #tpu.memory_space<vmem>>[vector<16xi32>], vector<16xf32>,
        %get3A = arith.index_cast %add3A_159 : i32 to index
        %get3A_162 = arith.constant 0 : index
        %get3A_163 = tpu.vector_load %arg9[%get3A, %get3A_162] {strides = array<i32>} : memref<64x128xf32, #tpu.memory_space<vmem>>, vector<16xf32>,
        %mul3A_164 = arith.mulf %get3A_163, %gather3A : vector<16xf32>
        %swap3A = arith.index_cast %add3A_159 : i32 to index
        %swap3A_165 = arith.constant 0 : index
        %swap3A_166 = tpu.vector_load %arg9[%swap3A, %swap3A_165] {strides = array<i32>} : memref<64x128xf32, #tpu.memory_space<vmem>>, vector<16xf32>,
        tpu.vector_store %arg9[%swap3A, %swap3A_165], %mul3A_164 {strides = array<i32>} : memref<64x128xf32, #tpu.memory_space<vmem>>, vector<16xf32>,
        %get3A_167 = arith.index_cast %add3A_159 : i32 to index
        %get3A_168 = arith.constant 16 : index
        %get3A_169 = tpu.vector_load %arg9[%get3A_167, %get3A_168] {strides = array<i32>} : memref<64x128xf32, #tpu.memory_space<vmem>>, vector<16xf32>,
        %mul3A_170 = arith.mulf %get3A_169, %gather3A : vector<16xf32>
        %swap3A_171 = arith.index_cast %add3A_159 : i32 to index
        %swap3A_172 = arith.constant 16 : index
        %swap3A_173 = tpu.vector_load %arg9[%swap3A_171, %swap3A_172] {strides = array<i32>} : memref<64x128xf32, #tpu.memory_space<vmem>>, vector<16xf32>,
        tpu.vector_store %arg9[%swap3A_171, %swap3A_172], %mul3A_170 {strides = array<i32>} : memref<64x128xf32, #tpu.memory_space<vmem>>, vector<16xf32>,
        %get3A_174 = arith.index_cast %add3A_159 : i32 to index
        %get3A_175 = arith.constant 32 : index
        %get3A_176 = tpu.vector_load %arg9[%get3A_174, %get3A_175] {strides = array<i32>} : memref<64x128xf32, #tpu.memory_space<vmem>>, vector<16xf32>,
        %mul3A_177 = arith.mulf %get3A_176, %gather3A : vector<16xf32>
        %swap3A_178 = arith.index_cast %add3A_159 : i32 to index
        %swap3A_179 = arith.constant 32 : index
        %swap3A_180 = tpu.vector_load %arg9[%swap3A_178, %swap3A_179] {strides = array<i32>} : memref<64x128xf32, #tpu.memory_space<vmem>>, vector<16xf32>,
        tpu.vector_store %arg9[%swap3A_178, %swap3A_179], %mul3A_177 {strides = array<i32>} : memref<64x128xf32, #tpu.memory_space<vmem>>, vector<16xf32>,
        %get3A_181 = arith.index_cast %add3A_159 : i32 to index
        %get3A_182 = arith.constant 48 : index
        %get3A_183 = tpu.vector_load %arg9[%get3A_181, %get3A_182] {strides = array<i32>} : memref<64x128xf32, #tpu.memory_space<vmem>>, vector<16xf32>,
        %mul3A_184 = arith.mulf %get3A_183, %gather3A : vector<16xf32>
        %swap3A_185 = arith.index_cast %add3A_159 : i32 to index
        %swap3A_186 = arith.constant 48 : index
        %swap3A_187 = tpu.vector_load %arg9[%swap3A_185, %swap3A_186] {strides = array<i32>} : memref<64x128xf32, #tpu.memory_space<vmem>>, vector<16xf32>,
        tpu.vector_store %arg9[%swap3A_185, %swap3A_186], %mul3A_184 {strides = array<i32>} : memref<64x128xf32, #tpu.memory_space<vmem>>, vector<16xf32>,
        %get3A_188 = arith.index_cast %add3A_159 : i32 to index
        %get3A_189 = arith.constant 64 : index
        %get3A_190 = tpu.vector_load %arg9[%get3A_188, %get3A_189] {strides = array<i32>} : memref<64x128xf32, #tpu.memory_space<vmem>>, vector<16xf32>,
        %mul3A_191 = arith.mulf %get3A_190, %gather3A : vector<16xf32>
        %swap3A_192 = arith.index_cast %add3A_159 : i32 to index
        %swap3A_193 = arith.constant 64 : index
        %swap3A_194 = tpu.vector_load %arg9[%swap3A_192, %swap3A_193] {strides = array<i32>} : memref<64x128xf32, #tpu.memory_space<vmem>>, vector<16xf32>,
        tpu.vector_store %arg9[%swap3A_192, %swap3A_193], %mul3A_191 {strides = array<i32>} : memref<64x128xf32, #tpu.memory_space<vmem>>, vector<16xf32>,
        %get3A_195 = arith.index_cast %add3A_159 : i32 to index
        %get3A_196 = arith.constant 80 : index
        %get3A_197 = tpu.vector_load %arg9[%get3A_195, %get3A_196] {strides = array<i32>} : memref<64x128xf32, #tpu.memory_space<vmem>>, vector<16xf32>,
        %mul3A_198 = arith.mulf %get3A_197, %gather3A : vector<16xf32>
        %swap3A_199 = arith.index_cast %add3A_159 : i32 to index
        %swap3A_200 = arith.constant 80 : index
        %swap3A_201 = tpu.vector_load %arg9[%swap3A_199, %swap3A_200] {strides = array<i32>} : memref<64x128xf32, #tpu.memory_space<vmem>>, vector<16xf32>,
        tpu.vector_store %arg9[%swap3A_199, %swap3A_200], %mul3A_198 {strides = array<i32>} : memref<64x128xf32, #tpu.memory_space<vmem>>, vector<16xf32>,
        %get3A_202 = arith.index_cast %add3A_159 : i32 to index
        %get3A_203 = arith.constant 96 : index
        %get3A_204 = tpu.vector_load %arg9[%get3A_202, %get3A_203] {strides = array<i32>} : memref<64x128xf32, #tpu.memory_space<vmem>>, vector<16xf32>,
        %mul3A_205 = arith.mulf %get3A_204, %gather3A : vector<16xf32>
        %swap3A_206 = arith.index_cast %add3A_159 : i32 to index
        %swap3A_207 = arith.constant 96 : index
        %swap3A_208 = tpu.vector_load %arg9[%swap3A_206, %swap3A_207] {strides = array<i32>} : memref<64x128xf32, #tpu.memory_space<vmem>>, vector<16xf32>,
        tpu.vector_store %arg9[%swap3A_206, %swap3A_207], %mul3A_205 {strides = array<i32>} : memref<64x128xf32, #tpu.memory_space<vmem>>, vector<16xf32>,
        %get3A_209 = arith.index_cast %add3A_159 : i32 to index
        %get3A_210 = arith.constant 112 : index
        %get3A_211 = tpu.vector_load %arg9[%get3A_209, %get3A_210] {strides = array<i32>} : memref<64x128xf32, #tpu.memory_space<vmem>>, vector<16xf32>,
        %mul3A_212 = arith.mulf %get3A_211, %gather3A : vector<16xf32>
        %swap3A_213 = arith.index_cast %add3A_159 : i32 to index
        %swap3A_214 = arith.constant 112 : index
        %swap3A_215 = tpu.vector_load %arg9[%swap3A_213, %swap3A_214] {strides = array<i32>} : memref<64x128xf32, #tpu.memory_space<vmem>>, vector<16xf32>,
        tpu.vector_store %arg9[%swap3A_213, %swap3A_214], %mul3A_212 {strides = array<i32>} : memref<64x128xf32, #tpu.memory_space<vmem>>, vector<16xf32>,
      }
      %scan3A_150 = arith.constant 64 : i32
      %mul3A_151 = arith.constant 10112 : i32
      %mul3A_152 = arith.muli %arg0, %mul3A_151 : i32
      %add3A_153 = arith.addi %mul3A_152, %mul3A_0 : i32
      %add3A_154 = arith.addi %add3A_153, %mul3A_143 : i32
      "tpu.region"() ({
        %run_scoped3A = tpu.sem_alloc : memref<!tpu.dma_semaphore, #tpu.memory_space<semaphore_mem>>
        %dma_start3A = arith.constant 0 : i32
        %dma_start3A_155 = arith.constant 0 : i32
        %dma_start3A_156 = tpu.memref_slice %arg9[%dma_start3A, %dma_start3A_155] : memref<64x128xf32, #tpu.memory_space<vmem>> -> memref<64x128xf32, #tpu.memory_space<vmem>>
        %dma_start3A_157 = arith.constant 0 : i32
        %dma_start3A_158 = tpu.memref_slice %arg6[%add3A_154, %dma_start3A_157] : memref<20224x128xf32, #tpu.memory_space<hbm>> -> memref<64x128xf32, #tpu.memory_space<hbm>>
        %dma_start3A_159 = arith.constant 0 : i32
        %dma_start3A_160 = tpu.memref_slice %arg6[%add3A_154, %dma_start3A_159] : memref<20224x128xf32, #tpu.memory_space<hbm>> -> memref<64x128xf32, #tpu.memory_space<hbm>>
        %dma_start3A_161 = arith.constant 0 : i32
        %dma_start3A_162 = arith.constant 0 : i32
        %dma_start3A_163 = tpu.memref_slice %arg9[%dma_start3A_161, %dma_start3A_162] : memref<64x128xf32, #tpu.memory_space<vmem>> -> memref<64x128xf32, #tpu.memory_space<vmem>>
        tpu.enqueue_dma source(%dma_start3A_163 : memref<64x128xf32, #tpu.memory_space<vmem>>) target(%dma_start3A_160 : memref<64x128xf32, #tpu.memory_space<hbm>>) target_semaphore(%run_scoped3A : memref<!tpu.dma_semaphore, #tpu.memory_space<semaphore_mem>>)
        %dma_wait3A = arith.constant 0 : i32
        %dma_wait3A_164 = arith.constant 0 : i32
        %dma_wait3A_165 = tpu.memref_slice %arg9[%dma_wait3A, %dma_wait3A_164] : memref<64x128xf32, #tpu.memory_space<vmem>> -> memref<64x128xf32, #tpu.memory_space<vmem>>
        %dma_wait3A_166 = arith.constant 0 : i32
        %dma_wait3A_167 = tpu.memref_slice %arg6[%add3A_154, %dma_wait3A_166] : memref<20224x128xf32, #tpu.memory_space<hbm>> -> memref<64x128xf32, #tpu.memory_space<hbm>>
        %dma_wait3A_168 = arith.constant 0 : i32
        %dma_wait3A_169 = tpu.memref_slice %arg6[%add3A_154, %dma_wait3A_168] : memref<20224x128xf32, #tpu.memory_space<hbm>> -> memref<64x128xf32, #tpu.memory_space<hbm>>
        %dma_wait3A_170 = arith.constant 0 : i32
        %dma_wait3A_171 = arith.constant 0 : i32
        %dma_wait3A_172 = tpu.memref_slice %arg9[%dma_wait3A_170, %dma_wait3A_171] : memref<64x128xf32, #tpu.memory_space<vmem>> -> memref<64x128xf32, #tpu.memory_space<vmem>>
        tpu.wait_dma2 semaphore(%run_scoped3A : memref<!tpu.dma_semaphore, #tpu.memory_space<semaphore_mem>>) src(%dma_wait3A_172 : memref<64x128xf32, #tpu.memory_space<vmem>>) dst(%dma_wait3A_169 : memref<64x128xf32, #tpu.memory_space<hbm>>)
        tpu.yield
      }) : () -> ()
    }
    %scan3A_92 = arith.constant 9 : i32
    %add3A_93 = arith.constant 576 : i32
    %add3A_94 = arith.addi %mul3A_0, %add3A_93 : i32
    "tpu.region"() ({
      %run_scoped3A = tpu.sem_alloc : memref<!tpu.dma_semaphore, #tpu.memory_space<semaphore_mem>>
      %dma_start3A = arith.constant 0 : i32
      %dma_start3A_137 = arith.constant 0 : i32
      %dma_start3A_138 = tpu.memref_slice %arg9[%dma_start3A, %dma_start3A_137] : memref<64x128xf32, #tpu.memory_space<vmem>> -> memref<56x128xf32, #tpu.memory_space<vmem>>
      %dma_start3A_139 = arith.constant 0 : i32
      %dma_start3A_140 = tpu.memref_slice %arg2[%add3A_94, %dma_start3A_139] : memref<10112x128xf32, #tpu.memory_space<hbm>> -> memref<56x128xf32, #tpu.memory_space<hbm>>
      %dma_start3A_141 = arith.constant 0 : i32
      %dma_start3A_142 = arith.constant 0 : i32
      %dma_start3A_143 = tpu.memref_slice %arg9[%dma_start3A_141, %dma_start3A_142] : memref<64x128xf32, #tpu.memory_space<vmem>> -> memref<56x128xf32, #tpu.memory_space<vmem>>
      %dma_start3A_144 = arith.constant 0 : i32
      %dma_start3A_145 = tpu.memref_slice %arg2[%add3A_94, %dma_start3A_144] : memref<10112x128xf32, #tpu.memory_space<hbm>> -> memref<56x128xf32, #tpu.memory_space<hbm>>
      tpu.enqueue_dma source(%dma_start3A_145 : memref<56x128xf32, #tpu.memory_space<hbm>>) target(%dma_start3A_143 : memref<56x128xf32, #tpu.memory_space<vmem>>) target_semaphore(%run_scoped3A : memref<!tpu.dma_semaphore, #tpu.memory_space<semaphore_mem>>)
      %dma_wait3A = arith.constant 0 : i32
      %dma_wait3A_146 = arith.constant 0 : i32
      %dma_wait3A_147 = tpu.memref_slice %arg9[%dma_wait3A, %dma_wait3A_146] : memref<64x128xf32, #tpu.memory_space<vmem>> -> memref<56x128xf32, #tpu.memory_space<vmem>>
      %dma_wait3A_148 = arith.constant 0 : i32
      %dma_wait3A_149 = tpu.memref_slice %arg2[%add3A_94, %dma_wait3A_148] : memref<10112x128xf32, #tpu.memory_space<hbm>> -> memref<56x128xf32, #tpu.memory_space<hbm>>
      %dma_wait3A_150 = arith.constant 0 : i32
      %dma_wait3A_151 = arith.constant 0 : i32
      %dma_wait3A_152 = tpu.memref_slice %arg9[%dma_wait3A_150, %dma_wait3A_151] : memref<64x128xf32, #tpu.memory_space<vmem>> -> memref<56x128xf32, #tpu.memory_space<vmem>>
      %dma_wait3A_153 = arith.constant 0 : i32
      %dma_wait3A_154 = tpu.memref_slice %arg2[%add3A_94, %dma_wait3A_153] : memref<10112x128xf32, #tpu.memory_space<hbm>> -> memref<56x128xf32, #tpu.memory_space<hbm>>
      tpu.wait_dma2 semaphore(%run_scoped3A : memref<!tpu.dma_semaphore, #tpu.memory_space<semaphore_mem>>) src(%dma_wait3A_154 : memref<56x128xf32, #tpu.memory_space<hbm>>) dst(%dma_wait3A_152 : memref<56x128xf32, #tpu.memory_space<vmem>>)
      tpu.yield
    }) : () -> ()
    %add3A_95 = arith.constant 576 : i32
    %add3A_96 = arith.addi %mul3A_0, %add3A_95 : i32
    "tpu.region"() ({
      %run_scoped3A = tpu.sem_alloc : memref<!tpu.dma_semaphore, #tpu.memory_space<semaphore_mem>>
      %dma_start3A = arith.constant 0 : i32
      %dma_start3A_137 = arith.constant 0 : i32
      %dma_start3A_138 = tpu.memref_slice %arg9[%dma_start3A, %dma_start3A_137] : memref<64x128xf32, #tpu.memory_space<vmem>> -> memref<56x128xf32, #tpu.memory_space<vmem>>
      %dma_start3A_139 = arith.constant 0 : i32
      %dma_start3A_140 = tpu.memref_slice %arg5[%arg0, %add3A_96, %dma_start3A_139] : memref<2x10112x128xf32, #tpu.memory_space<hbm>> -> memref<1x56x128xf32, #tpu.memory_space<hbm>>
      %dma_start3A_141 = tpu.memref_squeeze %dma_start3A_140 : memref<1x56x128xf32, #tpu.memory_space<hbm>> -> memref<56x128xf32, #tpu.memory_space<hbm>>
      %dma_start3A_142 = arith.constant 0 : i32
      %dma_start3A_143 = tpu.memref_slice %arg5[%arg0, %add3A_96, %dma_start3A_142] : memref<2x10112x128xf32, #tpu.memory_space<hbm>> -> memref<1x56x128xf32, #tpu.memory_space<hbm>>
      %dma_start3A_144 = tpu.memref_squeeze %dma_start3A_143 : memref<1x56x128xf32, #tpu.memory_space<hbm>> -> memref<56x128xf32, #tpu.memory_space<hbm>>
      %dma_start3A_145 = arith.constant 0 : i32
      %dma_start3A_146 = arith.constant 0 : i32
      %dma_start3A_147 = tpu.memref_slice %arg9[%dma_start3A_145, %dma_start3A_146] : memref<64x128xf32, #tpu.memory_space<vmem>> -> memref<56x128xf32, #tpu.memory_space<vmem>>
      tpu.enqueue_dma source(%dma_start3A_147 : memref<56x128xf32, #tpu.memory_space<vmem>>) target(%dma_start3A_144 : memref<56x128xf32, #tpu.memory_space<hbm>>) target_semaphore(%run_scoped3A : memref<!tpu.dma_semaphore, #tpu.memory_space<semaphore_mem>>)
      %dma_wait3A = arith.constant 0 : i32
      %dma_wait3A_148 = arith.constant 0 : i32
      %dma_wait3A_149 = tpu.memref_slice %arg9[%dma_wait3A, %dma_wait3A_148] : memref<64x128xf32, #tpu.memory_space<vmem>> -> memref<56x128xf32, #tpu.memory_space<vmem>>
      %dma_wait3A_150 = arith.constant 0 : i32
      %dma_wait3A_151 = tpu.memref_slice %arg5[%arg0, %add3A_96, %dma_wait3A_150] : memref<2x10112x128xf32, #tpu.memory_space<hbm>> -> memref<1x56x128xf32, #tpu.memory_space<hbm>>
      %dma_wait3A_152 = tpu.memref_squeeze %dma_wait3A_151 : memref<1x56x128xf32, #tpu.memory_space<hbm>> -> memref<56x128xf32, #tpu.memory_space<hbm>>
      %dma_wait3A_153 = arith.constant 0 : i32
      %dma_wait3A_154 = tpu.memref_slice %arg5[%arg0, %add3A_96, %dma_wait3A_153] : memref<2x10112x128xf32, #tpu.memory_space<hbm>> -> memref<1x56x128xf32, #tpu.memory_space<hbm>>
      %dma_wait3A_155 = tpu.memref_squeeze %dma_wait3A_154 : memref<1x56x128xf32, #tpu.memory_space<hbm>> -> memref<56x128xf32, #tpu.memory_space<hbm>>
      %dma_wait3A_156 = arith.constant 0 : i32
      %dma_wait3A_157 = arith.constant 0 : i32
      %dma_wait3A_158 = tpu.memref_slice %arg9[%dma_wait3A_156, %dma_wait3A_157] : memref<64x128xf32, #tpu.memory_space<vmem>> -> memref<56x128xf32, #tpu.memory_space<vmem>>
      tpu.wait_dma2 semaphore(%run_scoped3A : memref<!tpu.dma_semaphore, #tpu.memory_space<semaphore_mem>>) src(%dma_wait3A_158 : memref<56x128xf32, #tpu.memory_space<vmem>>) dst(%dma_wait3A_155 : memref<56x128xf32, #tpu.memory_space<hbm>>)
      tpu.yield
    }) : () -> ()
    %scan3A_97 = arith.constant 0 : i32
    %scan3A_98 = arith.constant 56 : i32
    %scan3A_99 = arith.addi %scan3A_97, %scan3A_98 : i32
    %scan3A_100 = arith.constant 1 : i32
    scf.for %scan3A_137 = %scan3A_97 to %scan3A_99 step %scan3A_100  : i32 {
      %mul3A_138 = arith.constant 1 : i32
      %mul3A_139 = arith.muli %scan3A_137, %mul3A_138 : i32
      %add3A_140 = arith.constant 0 : i32
      %add3A_141 = arith.addi %add3A_140, %mul3A_139 : i32
      %add3A_142 = arith.constant 576 : i32
      %add3A_143 = arith.addi %add3A_142, %add3A_141 : i32
      %broadcast_in_dim3A_144 = vector.broadcast %add3A_143 : i32 to vector<16xi32>
      %gather3A = tpu.vector_load_idx %arg12[%broadcast_in_dim3A_144] : memref<632xf32, #tpu.memory_space<vmem>>[vector<16xi32>], vector<16xf32>,
      %get3A = arith.index_cast %add3A_141 : i32 to index
      %get3A_145 = arith.constant 0 : index
      %get3A_146 = tpu.vector_load %arg9[%get3A, %get3A_145] {strides = array<i32>} : memref<64x128xf32, #tpu.memory_space<vmem>>, vector<16xf32>,
      %mul3A_147 = arith.mulf %get3A_146, %gather3A : vector<16xf32>
      %swap3A = arith.index_cast %add3A_141 : i32 to index
      %swap3A_148 = arith.constant 0 : index
      %swap3A_149 = tpu.vector_load %arg9[%swap3A, %swap3A_148] {strides = array<i32>} : memref<64x128xf32, #tpu.memory_space<vmem>>, vector<16xf32>,
      tpu.vector_store %arg9[%swap3A, %swap3A_148], %mul3A_147 {strides = array<i32>} : memref<64x128xf32, #tpu.memory_space<vmem>>, vector<16xf32>,
      %get3A_150 = arith.index_cast %add3A_141 : i32 to index
      %get3A_151 = arith.constant 16 : index
      %get3A_152 = tpu.vector_load %arg9[%get3A_150, %get3A_151] {strides = array<i32>} : memref<64x128xf32, #tpu.memory_space<vmem>>, vector<16xf32>,
      %mul3A_153 = arith.mulf %get3A_152, %gather3A : vector<16xf32>
      %swap3A_154 = arith.index_cast %add3A_141 : i32 to index
      %swap3A_155 = arith.constant 16 : index
      %swap3A_156 = tpu.vector_load %arg9[%swap3A_154, %swap3A_155] {strides = array<i32>} : memref<64x128xf32, #tpu.memory_space<vmem>>, vector<16xf32>,
      tpu.vector_store %arg9[%swap3A_154, %swap3A_155], %mul3A_153 {strides = array<i32>} : memref<64x128xf32, #tpu.memory_space<vmem>>, vector<16xf32>,
      %get3A_157 = arith.index_cast %add3A_141 : i32 to index
      %get3A_158 = arith.constant 32 : index
      %get3A_159 = tpu.vector_load %arg9[%get3A_157, %get3A_158] {strides = array<i32>} : memref<64x128xf32, #tpu.memory_space<vmem>>, vector<16xf32>,
      %mul3A_160 = arith.mulf %get3A_159, %gather3A : vector<16xf32>
      %swap3A_161 = arith.index_cast %add3A_141 : i32 to index
      %swap3A_162 = arith.constant 32 : index
      %swap3A_163 = tpu.vector_load %arg9[%swap3A_161, %swap3A_162] {strides = array<i32>} : memref<64x128xf32, #tpu.memory_space<vmem>>, vector<16xf32>,
      tpu.vector_store %arg9[%swap3A_161, %swap3A_162], %mul3A_160 {strides = array<i32>} : memref<64x128xf32, #tpu.memory_space<vmem>>, vector<16xf32>,
      %get3A_164 = arith.index_cast %add3A_141 : i32 to index
      %get3A_165 = arith.constant 48 : index
      %get3A_166 = tpu.vector_load %arg9[%get3A_164, %get3A_165] {strides = array<i32>} : memref<64x128xf32, #tpu.memory_space<vmem>>, vector<16xf32>,
      %mul3A_167 = arith.mulf %get3A_166, %gather3A : vector<16xf32>
      %swap3A_168 = arith.index_cast %add3A_141 : i32 to index
      %swap3A_169 = arith.constant 48 : index
      %swap3A_170 = tpu.vector_load %arg9[%swap3A_168, %swap3A_169] {strides = array<i32>} : memref<64x128xf32, #tpu.memory_space<vmem>>, vector<16xf32>,
      tpu.vector_store %arg9[%swap3A_168, %swap3A_169], %mul3A_167 {strides = array<i32>} : memref<64x128xf32, #tpu.memory_space<vmem>>, vector<16xf32>,
      %get3A_171 = arith.index_cast %add3A_141 : i32 to index
      %get3A_172 = arith.constant 64 : index
      %get3A_173 = tpu.vector_load %arg9[%get3A_171, %get3A_172] {strides = array<i32>} : memref<64x128xf32, #tpu.memory_space<vmem>>, vector<16xf32>,
      %mul3A_174 = arith.mulf %get3A_173, %gather3A : vector<16xf32>
      %swap3A_175 = arith.index_cast %add3A_141 : i32 to index
      %swap3A_176 = arith.constant 64 : index
      %swap3A_177 = tpu.vector_load %arg9[%swap3A_175, %swap3A_176] {strides = array<i32>} : memref<64x128xf32, #tpu.memory_space<vmem>>, vector<16xf32>,
      tpu.vector_store %arg9[%swap3A_175, %swap3A_176], %mul3A_174 {strides = array<i32>} : memref<64x128xf32, #tpu.memory_space<vmem>>, vector<16xf32>,
      %get3A_178 = arith.index_cast %add3A_141 : i32 to index
      %get3A_179 = arith.constant 80 : index
      %get3A_180 = tpu.vector_load %arg9[%get3A_178, %get3A_179] {strides = array<i32>} : memref<64x128xf32, #tpu.memory_space<vmem>>, vector<16xf32>,
      %mul3A_181 = arith.mulf %get3A_180, %gather3A : vector<16xf32>
      %swap3A_182 = arith.index_cast %add3A_141 : i32 to index
      %swap3A_183 = arith.constant 80 : index
      %swap3A_184 = tpu.vector_load %arg9[%swap3A_182, %swap3A_183] {strides = array<i32>} : memref<64x128xf32, #tpu.memory_space<vmem>>, vector<16xf32>,
      tpu.vector_store %arg9[%swap3A_182, %swap3A_183], %mul3A_181 {strides = array<i32>} : memref<64x128xf32, #tpu.memory_space<vmem>>, vector<16xf32>,
      %get3A_185 = arith.index_cast %add3A_141 : i32 to index
      %get3A_186 = arith.constant 96 : index
      %get3A_187 = tpu.vector_load %arg9[%get3A_185, %get3A_186] {strides = array<i32>} : memref<64x128xf32, #tpu.memory_space<vmem>>, vector<16xf32>,
      %mul3A_188 = arith.mulf %get3A_187, %gather3A : vector<16xf32>
      %swap3A_189 = arith.index_cast %add3A_141 : i32 to index
      %swap3A_190 = arith.constant 96 : index
      %swap3A_191 = tpu.vector_load %arg9[%swap3A_189, %swap3A_190] {strides = array<i32>} : memref<64x128xf32, #tpu.memory_space<vmem>>, vector<16xf32>,
      tpu.vector_store %arg9[%swap3A_189, %swap3A_190], %mul3A_188 {strides = array<i32>} : memref<64x128xf32, #tpu.memory_space<vmem>>, vector<16xf32>,
      %get3A_192 = arith.index_cast %add3A_141 : i32 to index
      %get3A_193 = arith.constant 112 : index
      %get3A_194 = tpu.vector_load %arg9[%get3A_192, %get3A_193] {strides = array<i32>} : memref<64x128xf32, #tpu.memory_space<vmem>>, vector<16xf32>,
      %mul3A_195 = arith.mulf %get3A_194, %gather3A : vector<16xf32>
      %swap3A_196 = arith.index_cast %add3A_141 : i32 to index
      %swap3A_197 = arith.constant 112 : index
      %swap3A_198 = tpu.vector_load %arg9[%swap3A_196, %swap3A_197] {strides = array<i32>} : memref<64x128xf32, #tpu.memory_space<vmem>>, vector<16xf32>,
      tpu.vector_store %arg9[%swap3A_196, %swap3A_197], %mul3A_195 {strides = array<i32>} : memref<64x128xf32, #tpu.memory_space<vmem>>, vector<16xf32>,
    }
    %scan3A_101 = arith.constant 56 : i32
    %mul3A_102 = arith.constant 10112 : i32
    %mul3A_103 = arith.muli %arg0, %mul3A_102 : i32
    %add3A_104 = arith.addi %mul3A_103, %mul3A_0 : i32
    %add3A_105 = arith.constant 576 : i32
    %add3A_106 = arith.addi %add3A_104, %add3A_105 : i32
    "tpu.region"() ({
      %run_scoped3A = tpu.sem_alloc : memref<!tpu.dma_semaphore, #tpu.memory_space<semaphore_mem>>
      %dma_start3A = arith.constant 0 : i32
      %dma_start3A_137 = arith.constant 0 : i32
      %dma_start3A_138 = tpu.memref_slice %arg9[%dma_start3A, %dma_start3A_137] : memref<64x128xf32, #tpu.memory_space<vmem>> -> memref<56x128xf32, #tpu.memory_space<vmem>>
      %dma_start3A_139 = arith.constant 0 : i32
      %dma_start3A_140 = tpu.memref_slice %arg6[%add3A_106, %dma_start3A_139] : memref<20224x128xf32, #tpu.memory_space<hbm>> -> memref<56x128xf32, #tpu.memory_space<hbm>>
      %dma_start3A_141 = arith.constant 0 : i32
      %dma_start3A_142 = tpu.memref_slice %arg6[%add3A_106, %dma_start3A_141] : memref<20224x128xf32, #tpu.memory_space<hbm>> -> memref<56x128xf32, #tpu.memory_space<hbm>>
      %dma_start3A_143 = arith.constant 0 : i32
      %dma_start3A_144 = arith.constant 0 : i32
      %dma_start3A_145 = tpu.memref_slice %arg9[%dma_start3A_143, %dma_start3A_144] : memref<64x128xf32, #tpu.memory_space<vmem>> -> memref<56x128xf32, #tpu.memory_space<vmem>>
      tpu.enqueue_dma source(%dma_start3A_145 : memref<56x128xf32, #tpu.memory_space<vmem>>) target(%dma_start3A_142 : memref<56x128xf32, #tpu.memory_space<hbm>>) target_semaphore(%run_scoped3A : memref<!tpu.dma_semaphore, #tpu.memory_space<semaphore_mem>>)
      %dma_wait3A = arith.constant 0 : i32
      %dma_wait3A_146 = arith.constant 0 : i32
      %dma_wait3A_147 = tpu.memref_slice %arg9[%dma_wait3A, %dma_wait3A_146] : memref<64x128xf32, #tpu.memory_space<vmem>> -> memref<56x128xf32, #tpu.memory_space<vmem>>
      %dma_wait3A_148 = arith.constant 0 : i32
      %dma_wait3A_149 = tpu.memref_slice %arg6[%add3A_106, %dma_wait3A_148] : memref<20224x128xf32, #tpu.memory_space<hbm>> -> memref<56x128xf32, #tpu.memory_space<hbm>>
      %dma_wait3A_150 = arith.constant 0 : i32
      %dma_wait3A_151 = tpu.memref_slice %arg6[%add3A_106, %dma_wait3A_150] : memref<20224x128xf32, #tpu.memory_space<hbm>> -> memref<56x128xf32, #tpu.memory_space<hbm>>
      %dma_wait3A_152 = arith.constant 0 : i32
      %dma_wait3A_153 = arith.constant 0 : i32
      %dma_wait3A_154 = tpu.memref_slice %arg9[%dma_wait3A_152, %dma_wait3A_153] : memref<64x128xf32, #tpu.memory_space<vmem>> -> memref<56x128xf32, #tpu.memory_space<vmem>>
      tpu.wait_dma2 semaphore(%run_scoped3A : memref<!tpu.dma_semaphore, #tpu.memory_space<semaphore_mem>>) src(%dma_wait3A_154 : memref<56x128xf32, #tpu.memory_space<vmem>>) dst(%dma_wait3A_151 : memref<56x128xf32, #tpu.memory_space<hbm>>)
      tpu.yield
    }) : () -> ()
    %barrier3A_107 = arith.constant 0 : index
    tpu.barrier barrier_id(%barrier3A_107)
    %scan3A_108 = arith.constant 0 : i32
    %scan3A_109 = arith.constant 3 : i32
    %scan3A_110 = arith.addi %scan3A_108, %scan3A_109 : i32
    %scan3A_111 = arith.constant 1 : i32
    scf.for %scan3A_137 = %scan3A_108 to %scan3A_110 step %scan3A_111  : i32 {
      %mul3A_138 = arith.constant 1 : i32
      %mul3A_139 = arith.muli %scan3A_137, %mul3A_138 : i32
      %add3A_140 = arith.constant 0 : i32
      %add3A_141 = arith.addi %add3A_140, %mul3A_139 : i32
      %mul3A_142 = arith.constant 10112 : i32
      %mul3A_143 = arith.muli %arg0, %mul3A_142 : i32
      %scan3A_144 = arith.constant 0 : i32
      %scan3A_145 = arith.constant 5 : i32
      %scan3A_146 = arith.addi %scan3A_144, %scan3A_145 : i32
      %scan3A_147 = arith.constant 1 : i32
      scf.for %scan3A_184 = %scan3A_144 to %scan3A_146 step %scan3A_147  : i32 {
        %mul3A_185 = arith.constant 1 : i32
        %mul3A_186 = arith.muli %scan3A_184, %mul3A_185 : i32
        %add3A_187 = arith.constant 0 : i32
        %add3A_188 = arith.addi %add3A_187, %mul3A_186 : i32
        %mul3A_189 = arith.constant 320 : i32
        %mul3A_190 = arith.muli %arg1, %mul3A_189 : i32
        %mul3A_191 = arith.constant 64 : i32
        %mul3A_192 = arith.muli %add3A_188, %mul3A_191 : i32
        %add3A_193 = arith.addi %mul3A_190, %mul3A_192 : i32
        "tpu.region"() ({
          %run_scoped3A_230 = tpu.sem_alloc : memref<!tpu.dma_semaphore, #tpu.memory_space<semaphore_mem>>
          %dma_start3A_231 = arith.constant 0 : i32
          %dma_start3A_232 = tpu.memref_slice %arg3[%add3A_193, %dma_start3A_231] : memref<5120x64xi32, #tpu.memory_space<hbm>> -> memref<64x64xi32, #tpu.memory_space<hbm>>
          %dma_start3A_233 = arith.constant 0 : i32
          %dma_start3A_234 = tpu.memref_slice %arg3[%add3A_193, %dma_start3A_233] : memref<5120x64xi32, #tpu.memory_space<hbm>> -> memref<64x64xi32, #tpu.memory_space<hbm>>
          tpu.enqueue_dma source(%dma_start3A_234 : memref<64x64xi32, #tpu.memory_space<hbm>>) target(%arg7 : memref<64x64xi32, #tpu.memory_space<vmem>>) target_semaphore(%run_scoped3A_230 : memref<!tpu.dma_semaphore, #tpu.memory_space<semaphore_mem>>)
          %dma_wait3A_235 = arith.constant 0 : i32
          %dma_wait3A_236 = tpu.memref_slice %arg3[%add3A_193, %dma_wait3A_235] : memref<5120x64xi32, #tpu.memory_space<hbm>> -> memref<64x64xi32, #tpu.memory_space<hbm>>
          %dma_wait3A_237 = arith.constant 0 : i32
          %dma_wait3A_238 = tpu.memref_slice %arg3[%add3A_193, %dma_wait3A_237] : memref<5120x64xi32, #tpu.memory_space<hbm>> -> memref<64x64xi32, #tpu.memory_space<hbm>>
          tpu.wait_dma2 semaphore(%run_scoped3A_230 : memref<!tpu.dma_semaphore, #tpu.memory_space<semaphore_mem>>) src(%dma_wait3A_238 : memref<64x64xi32, #tpu.memory_space<hbm>>) dst(%arg7 : memref<64x64xi32, #tpu.memory_space<vmem>>)
          tpu.yield
        }) : () -> ()
        "tpu.region"() ({
          %run_scoped3A_230 = tpu.sem_alloc : memref<!tpu.dma_semaphore, #tpu.memory_space<semaphore_mem>>
          %dma_start3A_231 = arith.constant 0 : i32
          %dma_start3A_232 = tpu.memref_slice %arg4[%add3A_193, %dma_start3A_231] : memref<5120x64xi32, #tpu.memory_space<hbm>> -> memref<64x64xi32, #tpu.memory_space<hbm>>
          %dma_start3A_233 = arith.constant 0 : i32
          %dma_start3A_234 = tpu.memref_slice %arg4[%add3A_193, %dma_start3A_233] : memref<5120x64xi32, #tpu.memory_space<hbm>> -> memref<64x64xi32, #tpu.memory_space<hbm>>
          tpu.enqueue_dma source(%dma_start3A_234 : memref<64x64xi32, #tpu.memory_space<hbm>>) target(%arg8 : memref<64x64xi32, #tpu.memory_space<vmem>>) target_semaphore(%run_scoped3A_230 : memref<!tpu.dma_semaphore, #tpu.memory_space<semaphore_mem>>)
          %dma_wait3A_235 = arith.constant 0 : i32
          %dma_wait3A_236 = tpu.memref_slice %arg4[%add3A_193, %dma_wait3A_235] : memref<5120x64xi32, #tpu.memory_space<hbm>> -> memref<64x64xi32, #tpu.memory_space<hbm>>
          %dma_wait3A_237 = arith.constant 0 : i32
          %dma_wait3A_238 = tpu.memref_slice %arg4[%add3A_193, %dma_wait3A_237] : memref<5120x64xi32, #tpu.memory_space<hbm>> -> memref<64x64xi32, #tpu.memory_space<hbm>>
          tpu.wait_dma2 semaphore(%run_scoped3A_230 : memref<!tpu.dma_semaphore, #tpu.memory_space<semaphore_mem>>) src(%dma_wait3A_238 : memref<64x64xi32, #tpu.memory_space<hbm>>) dst(%arg8 : memref<64x64xi32, #tpu.memory_space<vmem>>)
          tpu.yield
        }) : () -> ()
        %scan3A_194 = arith.constant 0 : i32
        %scan3A_195 = arith.constant 64 : i32
        %scan3A_196 = arith.addi %scan3A_194, %scan3A_195 : i32
        %scan3A_197 = arith.constant 1 : i32
        scf.for %scan3A_230 = %scan3A_194 to %scan3A_196 step %scan3A_197  : i32 {
          %mul3A_231 = arith.constant 1 : i32
          %mul3A_232 = arith.muli %scan3A_230, %mul3A_231 : i32
          %add3A_233 = arith.constant 0 : i32
          %add3A_234 = arith.addi %add3A_233, %mul3A_232 : i32
          %get3A = arith.index_cast %add3A_234 : i32 to index
          %get3A_235 = arith.constant 0 : index
          %get3A_236 = tpu.vector_load %arg7[%get3A, %get3A_235] {strides = array<i32>} : memref<64x64xi32, #tpu.memory_space<vmem>>, vector<16xi32>,
          %add3A_237 = vector.broadcast %mul3A_143 : i32 to vector<16xi32>
          %add3A_238 = arith.addi %get3A_236, %add3A_237 : vector<16xi32>
          %swap3A = arith.index_cast %add3A_234 : i32 to index
          %swap3A_239 = arith.constant 0 : index
          %swap3A_240 = tpu.vector_load %arg7[%swap3A, %swap3A_239] {strides = array<i32>} : memref<64x64xi32, #tpu.memory_space<vmem>>, vector<16xi32>,
          tpu.vector_store %arg7[%swap3A, %swap3A_239], %add3A_238 {strides = array<i32>} : memref<64x64xi32, #tpu.memory_space<vmem>>, vector<16xi32>,
          %get3A_241 = arith.index_cast %add3A_234 : i32 to index
          %get3A_242 = arith.constant 16 : index
          %get3A_243 = tpu.vector_load %arg7[%get3A_241, %get3A_242] {strides = array<i32>} : memref<64x64xi32, #tpu.memory_space<vmem>>, vector<16xi32>,
          %add3A_244 = vector.broadcast %mul3A_143 : i32 to vector<16xi32>
          %add3A_245 = arith.addi %get3A_243, %add3A_244 : vector<16xi32>
          %swap3A_246 = arith.index_cast %add3A_234 : i32 to index
          %swap3A_247 = arith.constant 16 : index
          %swap3A_248 = tpu.vector_load %arg7[%swap3A_246, %swap3A_247] {strides = array<i32>} : memref<64x64xi32, #tpu.memory_space<vmem>>, vector<16xi32>,
          tpu.vector_store %arg7[%swap3A_246, %swap3A_247], %add3A_245 {strides = array<i32>} : memref<64x64xi32, #tpu.memory_space<vmem>>, vector<16xi32>,
          %get3A_249 = arith.index_cast %add3A_234 : i32 to index
          %get3A_250 = arith.constant 32 : index
          %get3A_251 = tpu.vector_load %arg7[%get3A_249, %get3A_250] {strides = array<i32>} : memref<64x64xi32, #tpu.memory_space<vmem>>, vector<16xi32>,
          %add3A_252 = vector.broadcast %mul3A_143 : i32 to vector<16xi32>
          %add3A_253 = arith.addi %get3A_251, %add3A_252 : vector<16xi32>
          %swap3A_254 = arith.index_cast %add3A_234 : i32 to index
          %swap3A_255 = arith.constant 32 : index
          %swap3A_256 = tpu.vector_load %arg7[%swap3A_254, %swap3A_255] {strides = array<i32>} : memref<64x64xi32, #tpu.memory_space<vmem>>, vector<16xi32>,
          tpu.vector_store %arg7[%swap3A_254, %swap3A_255], %add3A_253 {strides = array<i32>} : memref<64x64xi32, #tpu.memory_space<vmem>>, vector<16xi32>,
          %get3A_257 = arith.index_cast %add3A_234 : i32 to index
          %get3A_258 = arith.constant 48 : index
          %get3A_259 = tpu.vector_load %arg7[%get3A_257, %get3A_258] {strides = array<i32>} : memref<64x64xi32, #tpu.memory_space<vmem>>, vector<16xi32>,
          %add3A_260 = vector.broadcast %mul3A_143 : i32 to vector<16xi32>
          %add3A_261 = arith.addi %get3A_259, %add3A_260 : vector<16xi32>
          %swap3A_262 = arith.index_cast %add3A_234 : i32 to index
          %swap3A_263 = arith.constant 48 : index
          %swap3A_264 = tpu.vector_load %arg7[%swap3A_262, %swap3A_263] {strides = array<i32>} : memref<64x64xi32, #tpu.memory_space<vmem>>, vector<16xi32>,
          tpu.vector_store %arg7[%swap3A_262, %swap3A_263], %add3A_261 {strides = array<i32>} : memref<64x64xi32, #tpu.memory_space<vmem>>, vector<16xi32>,
        }
        %scan3A_198 = arith.constant 64 : i32
        %dma_start3A = arith.constant 0 : i32
        %dma_start3A_199 = arith.constant 0 : i32
        %dma_start3A_200 = tpu.memref_slice %arg7[%dma_start3A, %dma_start3A_199] : memref<64x64xi32, #tpu.memory_space<vmem>> -> memref<1x64xi32, #tpu.memory_space<vmem>>
        %dma_start3A_201 = tpu.memref_squeeze %dma_start3A_200 : memref<1x64xi32, #tpu.memory_space<vmem>> -> memref<64xi32, #tpu.memory_space<vmem>>
        %dma_start3A_202 = arith.constant 0 : i32
        %dma_start3A_203 = arith.constant 0 : i32
        %dma_start3A_204 = tpu.memref_slice %arg6[%dma_start3A_202, %dma_start3A_203] : memref<20224x128xf32, #tpu.memory_space<hbm>> -> memref<20224x128xf32, #tpu.memory_space<hbm>>
        tpu.enqueue_indirect_dma source(%dma_start3A_204 : memref<20224x128xf32, #tpu.memory_space<hbm>>) target(%arg9 : memref<64x128xf32, #tpu.memory_space<vmem>>) offsets(%dma_start3A_201 : memref<64xi32, #tpu.memory_space<vmem>>) semaphore(%arg16 : memref<!tpu.dma_semaphore, #tpu.memory_space<semaphore_mem>>)
        %dma_start3A_205 = arith.constant 1 : i32
        %dma_start3A_206 = arith.constant 0 : i32
        %dma_start3A_207 = tpu.memref_slice %arg7[%dma_start3A_205, %dma_start3A_206] : memref<64x64xi32, #tpu.memory_space<vmem>> -> memref<1x64xi32, #tpu.memory_space<vmem>>
        %dma_start3A_208 = tpu.memref_squeeze %dma_start3A_207 : memref<1x64xi32, #tpu.memory_space<vmem>> -> memref<64xi32, #tpu.memory_space<vmem>>
        %dma_start3A_209 = arith.constant 0 : i32
        %dma_start3A_210 = arith.constant 0 : i32
        %dma_start3A_211 = tpu.memref_slice %arg6[%dma_start3A_209, %dma_start3A_210] : memref<20224x128xf32, #tpu.memory_space<hbm>> -> memref<20224x128xf32, #tpu.memory_space<hbm>>
        tpu.enqueue_indirect_dma source(%dma_start3A_211 : memref<20224x128xf32, #tpu.memory_space<hbm>>) target(%arg10 : memref<64x128xf32, #tpu.memory_space<vmem>>) offsets(%dma_start3A_208 : memref<64xi32, #tpu.memory_space<vmem>>) semaphore(%arg17 : memref<!tpu.dma_semaphore, #tpu.memory_space<semaphore_mem>>)
        %dma_start3A_212 = arith.constant 2 : i32
        %dma_start3A_213 = arith.constant 0 : i32
        %dma_start3A_214 = tpu.memref_slice %arg7[%dma_start3A_212, %dma_start3A_213] : memref<64x64xi32, #tpu.memory_space<vmem>> -> memref<1x64xi32, #tpu.memory_space<vmem>>
        %dma_start3A_215 = tpu.memref_squeeze %dma_start3A_214 : memref<1x64xi32, #tpu.memory_space<vmem>> -> memref<64xi32, #tpu.memory_space<vmem>>
        %dma_start3A_216 = arith.constant 0 : i32
        %dma_start3A_217 = arith.constant 0 : i32
        %dma_start3A_218 = tpu.memref_slice %arg6[%dma_start3A_216, %dma_start3A_217] : memref<20224x128xf32, #tpu.memory_space<hbm>> -> memref<20224x128xf32, #tpu.memory_space<hbm>>
        tpu.enqueue_indirect_dma source(%dma_start3A_218 : memref<20224x128xf32, #tpu.memory_space<hbm>>) target(%arg11 : memref<64x128xf32, #tpu.memory_space<vmem>>) offsets(%dma_start3A_215 : memref<64xi32, #tpu.memory_space<vmem>>) semaphore(%arg18 : memref<!tpu.dma_semaphore, #tpu.memory_space<semaphore_mem>>)
        %scan3A_219 = arith.constant 0 : i32
        %scan3A_220 = arith.constant 21 : i32
        %scan3A_221 = arith.addi %scan3A_219, %scan3A_220 : i32
        %scan3A_222 = arith.constant 1 : i32
        scf.for %scan3A_230 = %scan3A_219 to %scan3A_221 step %scan3A_222  : i32 {
          %mul3A_231 = arith.constant 3 : i32
          %mul3A_232 = arith.muli %scan3A_230, %mul3A_231 : i32
          %add3A_233 = arith.constant 0 : i32
          %add3A_234 = arith.addi %add3A_233, %mul3A_232 : i32
          %add3A_235 = arith.constant 0 : i32
          %add3A_236 = arith.addi %add3A_234, %add3A_235 : i32
          %dma_wait3A_237 = arith.constant 0 : i32
          %dma_wait3A_238 = tpu.memref_slice %arg7[%add3A_236, %dma_wait3A_237] : memref<64x64xi32, #tpu.memory_space<vmem>> -> memref<1x64xi32, #tpu.memory_space<vmem>>
          %dma_wait3A_239 = tpu.memref_squeeze %dma_wait3A_238 : memref<1x64xi32, #tpu.memory_space<vmem>> -> memref<64xi32, #tpu.memory_space<vmem>>
          %dma_wait3A_240 = arith.constant 0 : i32
          %dma_wait3A_241 = arith.constant 0 : i32
          %dma_wait3A_242 = tpu.memref_slice %arg6[%dma_wait3A_240, %dma_wait3A_241] : memref<20224x128xf32, #tpu.memory_space<hbm>> -> memref<20224x128xf32, #tpu.memory_space<hbm>>
          tpu.wait_indirect_dma semaphore(%arg16 : memref<!tpu.dma_semaphore, #tpu.memory_space<semaphore_mem>>) src(%dma_wait3A_242 : memref<20224x128xf32, #tpu.memory_space<hbm>>) dst(%arg9 : memref<64x128xf32, #tpu.memory_space<vmem>>)
          "tpu.region"() ({
            %run_scoped3A_277 = tpu.sem_alloc : memref<!tpu.dma_semaphore, #tpu.memory_space<semaphore_mem>>
            %dma_start3A_278 = arith.constant 0 : i32
            %dma_start3A_279 = tpu.memref_slice %arg8[%add3A_236, %dma_start3A_278] : memref<64x64xi32, #tpu.memory_space<vmem>> -> memref<1x64xi32, #tpu.memory_space<vmem>>
            %dma_start3A_280 = tpu.memref_squeeze %dma_start3A_279 : memref<1x64xi32, #tpu.memory_space<vmem>> -> memref<64xi32, #tpu.memory_space<vmem>>
            %dma_start3A_281 = arith.constant 0 : i32
            %dma_start3A_282 = arith.constant 0 : i32
            %dma_start3A_283 = tpu.memref_slice %arg15[%dma_start3A_281, %dma_start3A_282] : memref<10112x128xf32, #tpu.memory_space<vmem_shared>> -> memref<10112x128xf32, #tpu.memory_space<vmem_shared>>
            tpu.enqueue_indirect_dma source(%arg9 : memref<64x128xf32, #tpu.memory_space<vmem>>) target(%dma_start3A_283 : memref<10112x128xf32, #tpu.memory_space<vmem_shared>>) offsets(%dma_start3A_280 : memref<64xi32, #tpu.memory_space<vmem>>) semaphore(%run_scoped3A_277 : memref<!tpu.dma_semaphore, #tpu.memory_space<semaphore_mem>>) {add = true}
            %dma_wait3A_284 = arith.constant 0 : i32
            %dma_wait3A_285 = tpu.memref_slice %arg8[%add3A_236, %dma_wait3A_284] : memref<64x64xi32, #tpu.memory_space<vmem>> -> memref<1x64xi32, #tpu.memory_space<vmem>>
            %dma_wait3A_286 = tpu.memref_squeeze %dma_wait3A_285 : memref<1x64xi32, #tpu.memory_space<vmem>> -> memref<64xi32, #tpu.memory_space<vmem>>
            %dma_wait3A_287 = arith.constant 0 : i32
            %dma_wait3A_288 = arith.constant 0 : i32
            %dma_wait3A_289 = tpu.memref_slice %arg15[%dma_wait3A_287, %dma_wait3A_288] : memref<10112x128xf32, #tpu.memory_space<vmem_shared>> -> memref<10112x128xf32, #tpu.memory_space<vmem_shared>>
            tpu.wait_indirect_dma semaphore(%run_scoped3A_277 : memref<!tpu.dma_semaphore, #tpu.memory_space<semaphore_mem>>) src(%arg9 : memref<64x128xf32, #tpu.memory_space<vmem>>) dst(%dma_wait3A_289 : memref<10112x128xf32, #tpu.memory_space<vmem_shared>>)
            tpu.yield
          }) : () -> ()
          %add3A_243 = arith.constant 3 : i32
          %add3A_244 = arith.addi %add3A_236, %add3A_243 : i32
          %lt3A = arith.constant 64 : i32
          %lt3A_245 = arith.cmpi slt, %add3A_244, %lt3A : i32
          %convert_element_type3A = arith.extui %lt3A_245 : i1 to i32
          %cond3A = arith.constant 0 : i32
          %cond3A_246 = arith.cmpi ne, %convert_element_type3A, %cond3A : i32
          scf.if %cond3A_246 {
            %add3A_277 = arith.constant 3 : i32
            %add3A_278 = arith.addi %add3A_236, %add3A_277 : i32
            %dma_start3A_279 = arith.constant 0 : i32
            %dma_start3A_280 = tpu.memref_slice %arg7[%add3A_278, %dma_start3A_279] : memref<64x64xi32, #tpu.memory_space<vmem>> -> memref<1x64xi32, #tpu.memory_space<vmem>>
            %dma_start3A_281 = tpu.memref_squeeze %dma_start3A_280 : memref<1x64xi32, #tpu.memory_space<vmem>> -> memref<64xi32, #tpu.memory_space<vmem>>
            %dma_start3A_282 = arith.constant 0 : i32
            %dma_start3A_283 = arith.constant 0 : i32
            %dma_start3A_284 = tpu.memref_slice %arg6[%dma_start3A_282, %dma_start3A_283] : memref<20224x128xf32, #tpu.memory_space<hbm>> -> memref<20224x128xf32, #tpu.memory_space<hbm>>
            tpu.enqueue_indirect_dma source(%dma_start3A_284 : memref<20224x128xf32, #tpu.memory_space<hbm>>) target(%arg9 : memref<64x128xf32, #tpu.memory_space<vmem>>) offsets(%dma_start3A_281 : memref<64xi32, #tpu.memory_space<vmem>>) semaphore(%arg16 : memref<!tpu.dma_semaphore, #tpu.memory_space<semaphore_mem>>)
          } else {
          }
          %add3A_247 = arith.constant 1 : i32
          %add3A_248 = arith.addi %add3A_234, %add3A_247 : i32
          %dma_wait3A_249 = arith.constant 0 : i32
          %dma_wait3A_250 = tpu.memref_slice %arg7[%add3A_248, %dma_wait3A_249] : memref<64x64xi32, #tpu.memory_space<vmem>> -> memref<1x64xi32, #tpu.memory_space<vmem>>
          %dma_wait3A_251 = tpu.memref_squeeze %dma_wait3A_250 : memref<1x64xi32, #tpu.memory_space<vmem>> -> memref<64xi32, #tpu.memory_space<vmem>>
          %dma_wait3A_252 = arith.constant 0 : i32
          %dma_wait3A_253 = arith.constant 0 : i32
          %dma_wait3A_254 = tpu.memref_slice %arg6[%dma_wait3A_252, %dma_wait3A_253] : memref<20224x128xf32, #tpu.memory_space<hbm>> -> memref<20224x128xf32, #tpu.memory_space<hbm>>
          tpu.wait_indirect_dma semaphore(%arg17 : memref<!tpu.dma_semaphore, #tpu.memory_space<semaphore_mem>>) src(%dma_wait3A_254 : memref<20224x128xf32, #tpu.memory_space<hbm>>) dst(%arg10 : memref<64x128xf32, #tpu.memory_space<vmem>>)
          "tpu.region"() ({
            %run_scoped3A_277 = tpu.sem_alloc : memref<!tpu.dma_semaphore, #tpu.memory_space<semaphore_mem>>
            %dma_start3A_278 = arith.constant 0 : i32
            %dma_start3A_279 = tpu.memref_slice %arg8[%add3A_248, %dma_start3A_278] : memref<64x64xi32, #tpu.memory_space<vmem>> -> memref<1x64xi32, #tpu.memory_space<vmem>>
            %dma_start3A_280 = tpu.memref_squeeze %dma_start3A_279 : memref<1x64xi32, #tpu.memory_space<vmem>> -> memref<64xi32, #tpu.memory_space<vmem>>
            %dma_start3A_281 = arith.constant 0 : i32
            %dma_start3A_282 = arith.constant 0 : i32
            %dma_start3A_283 = tpu.memref_slice %arg15[%dma_start3A_281, %dma_start3A_282] : memref<10112x128xf32, #tpu.memory_space<vmem_shared>> -> memref<10112x128xf32, #tpu.memory_space<vmem_shared>>
            tpu.enqueue_indirect_dma source(%arg10 : memref<64x128xf32, #tpu.memory_space<vmem>>) target(%dma_start3A_283 : memref<10112x128xf32, #tpu.memory_space<vmem_shared>>) offsets(%dma_start3A_280 : memref<64xi32, #tpu.memory_space<vmem>>) semaphore(%run_scoped3A_277 : memref<!tpu.dma_semaphore, #tpu.memory_space<semaphore_mem>>) {add = true}
            %dma_wait3A_284 = arith.constant 0 : i32
            %dma_wait3A_285 = tpu.memref_slice %arg8[%add3A_248, %dma_wait3A_284] : memref<64x64xi32, #tpu.memory_space<vmem>> -> memref<1x64xi32, #tpu.memory_space<vmem>>
            %dma_wait3A_286 = tpu.memref_squeeze %dma_wait3A_285 : memref<1x64xi32, #tpu.memory_space<vmem>> -> memref<64xi32, #tpu.memory_space<vmem>>
            %dma_wait3A_287 = arith.constant 0 : i32
            %dma_wait3A_288 = arith.constant 0 : i32
            %dma_wait3A_289 = tpu.memref_slice %arg15[%dma_wait3A_287, %dma_wait3A_288] : memref<10112x128xf32, #tpu.memory_space<vmem_shared>> -> memref<10112x128xf32, #tpu.memory_space<vmem_shared>>
            tpu.wait_indirect_dma semaphore(%run_scoped3A_277 : memref<!tpu.dma_semaphore, #tpu.memory_space<semaphore_mem>>) src(%arg10 : memref<64x128xf32, #tpu.memory_space<vmem>>) dst(%dma_wait3A_289 : memref<10112x128xf32, #tpu.memory_space<vmem_shared>>)
            tpu.yield
          }) : () -> ()
          %add3A_255 = arith.constant 3 : i32
          %add3A_256 = arith.addi %add3A_248, %add3A_255 : i32
          %lt3A_257 = arith.constant 64 : i32
          %lt3A_258 = arith.cmpi slt, %add3A_256, %lt3A_257 : i32
          %convert_element_type3A_259 = arith.extui %lt3A_258 : i1 to i32
          %cond3A_260 = arith.constant 0 : i32
          %cond3A_261 = arith.cmpi ne, %convert_element_type3A_259, %cond3A_260 : i32
          scf.if %cond3A_261 {
            %add3A_277 = arith.constant 3 : i32
            %add3A_278 = arith.addi %add3A_248, %add3A_277 : i32
            %dma_start3A_279 = arith.constant 0 : i32
            %dma_start3A_280 = tpu.memref_slice %arg7[%add3A_278, %dma_start3A_279] : memref<64x64xi32, #tpu.memory_space<vmem>> -> memref<1x64xi32, #tpu.memory_space<vmem>>
            %dma_start3A_281 = tpu.memref_squeeze %dma_start3A_280 : memref<1x64xi32, #tpu.memory_space<vmem>> -> memref<64xi32, #tpu.memory_space<vmem>>
            %dma_start3A_282 = arith.constant 0 : i32
            %dma_start3A_283 = arith.constant 0 : i32
            %dma_start3A_284 = tpu.memref_slice %arg6[%dma_start3A_282, %dma_start3A_283] : memref<20224x128xf32, #tpu.memory_space<hbm>> -> memref<20224x128xf32, #tpu.memory_space<hbm>>
            tpu.enqueue_indirect_dma source(%dma_start3A_284 : memref<20224x128xf32, #tpu.memory_space<hbm>>) target(%arg10 : memref<64x128xf32, #tpu.memory_space<vmem>>) offsets(%dma_start3A_281 : memref<64xi32, #tpu.memory_space<vmem>>) semaphore(%arg17 : memref<!tpu.dma_semaphore, #tpu.memory_space<semaphore_mem>>)
          } else {
          }
          %add3A_262 = arith.constant 2 : i32
          %add3A_263 = arith.addi %add3A_234, %add3A_262 : i32
          %dma_wait3A_264 = arith.constant 0 : i32
          %dma_wait3A_265 = tpu.memref_slice %arg7[%add3A_263, %dma_wait3A_264] : memref<64x64xi32, #tpu.memory_space<vmem>> -> memref<1x64xi32, #tpu.memory_space<vmem>>
          %dma_wait3A_266 = tpu.memref_squeeze %dma_wait3A_265 : memref<1x64xi32, #tpu.memory_space<vmem>> -> memref<64xi32, #tpu.memory_space<vmem>>
          %dma_wait3A_267 = arith.constant 0 : i32
          %dma_wait3A_268 = arith.constant 0 : i32
          %dma_wait3A_269 = tpu.memref_slice %arg6[%dma_wait3A_267, %dma_wait3A_268] : memref<20224x128xf32, #tpu.memory_space<hbm>> -> memref<20224x128xf32, #tpu.memory_space<hbm>>
          tpu.wait_indirect_dma semaphore(%arg18 : memref<!tpu.dma_semaphore, #tpu.memory_space<semaphore_mem>>) src(%dma_wait3A_269 : memref<20224x128xf32, #tpu.memory_space<hbm>>) dst(%arg11 : memref<64x128xf32, #tpu.memory_space<vmem>>)
          "tpu.region"() ({
            %run_scoped3A_277 = tpu.sem_alloc : memref<!tpu.dma_semaphore, #tpu.memory_space<semaphore_mem>>
            %dma_start3A_278 = arith.constant 0 : i32
            %dma_start3A_279 = tpu.memref_slice %arg8[%add3A_263, %dma_start3A_278] : memref<64x64xi32, #tpu.memory_space<vmem>> -> memref<1x64xi32, #tpu.memory_space<vmem>>
            %dma_start3A_280 = tpu.memref_squeeze %dma_start3A_279 : memref<1x64xi32, #tpu.memory_space<vmem>> -> memref<64xi32, #tpu.memory_space<vmem>>
            %dma_start3A_281 = arith.constant 0 : i32
            %dma_start3A_282 = arith.constant 0 : i32
            %dma_start3A_283 = tpu.memref_slice %arg15[%dma_start3A_281, %dma_start3A_282] : memref<10112x128xf32, #tpu.memory_space<vmem_shared>> -> memref<10112x128xf32, #tpu.memory_space<vmem_shared>>
            tpu.enqueue_indirect_dma source(%arg11 : memref<64x128xf32, #tpu.memory_space<vmem>>) target(%dma_start3A_283 : memref<10112x128xf32, #tpu.memory_space<vmem_shared>>) offsets(%dma_start3A_280 : memref<64xi32, #tpu.memory_space<vmem>>) semaphore(%run_scoped3A_277 : memref<!tpu.dma_semaphore, #tpu.memory_space<semaphore_mem>>) {add = true}
            %dma_wait3A_284 = arith.constant 0 : i32
            %dma_wait3A_285 = tpu.memref_slice %arg8[%add3A_263, %dma_wait3A_284] : memref<64x64xi32, #tpu.memory_space<vmem>> -> memref<1x64xi32, #tpu.memory_space<vmem>>
            %dma_wait3A_286 = tpu.memref_squeeze %dma_wait3A_285 : memref<1x64xi32, #tpu.memory_space<vmem>> -> memref<64xi32, #tpu.memory_space<vmem>>
            %dma_wait3A_287 = arith.constant 0 : i32
            %dma_wait3A_288 = arith.constant 0 : i32
            %dma_wait3A_289 = tpu.memref_slice %arg15[%dma_wait3A_287, %dma_wait3A_288] : memref<10112x128xf32, #tpu.memory_space<vmem_shared>> -> memref<10112x128xf32, #tpu.memory_space<vmem_shared>>
            tpu.wait_indirect_dma semaphore(%run_scoped3A_277 : memref<!tpu.dma_semaphore, #tpu.memory_space<semaphore_mem>>) src(%arg11 : memref<64x128xf32, #tpu.memory_space<vmem>>) dst(%dma_wait3A_289 : memref<10112x128xf32, #tpu.memory_space<vmem_shared>>)
            tpu.yield
          }) : () -> ()
          %add3A_270 = arith.constant 3 : i32
          %add3A_271 = arith.addi %add3A_263, %add3A_270 : i32
          %lt3A_272 = arith.constant 64 : i32
          %lt3A_273 = arith.cmpi slt, %add3A_271, %lt3A_272 : i32
          %convert_element_type3A_274 = arith.extui %lt3A_273 : i1 to i32
          %cond3A_275 = arith.constant 0 : i32
          %cond3A_276 = arith.cmpi ne, %convert_element_type3A_274, %cond3A_275 : i32
          scf.if %cond3A_276 {
            %add3A_277 = arith.constant 3 : i32
            %add3A_278 = arith.addi %add3A_263, %add3A_277 : i32
            %dma_start3A_279 = arith.constant 0 : i32
            %dma_start3A_280 = tpu.memref_slice %arg7[%add3A_278, %dma_start3A_279] : memref<64x64xi32, #tpu.memory_space<vmem>> -> memref<1x64xi32, #tpu.memory_space<vmem>>
            %dma_start3A_281 = tpu.memref_squeeze %dma_start3A_280 : memref<1x64xi32, #tpu.memory_space<vmem>> -> memref<64xi32, #tpu.memory_space<vmem>>
            %dma_start3A_282 = arith.constant 0 : i32
            %dma_start3A_283 = arith.constant 0 : i32
            %dma_start3A_284 = tpu.memref_slice %arg6[%dma_start3A_282, %dma_start3A_283] : memref<20224x128xf32, #tpu.memory_space<hbm>> -> memref<20224x128xf32, #tpu.memory_space<hbm>>
            tpu.enqueue_indirect_dma source(%dma_start3A_284 : memref<20224x128xf32, #tpu.memory_space<hbm>>) target(%arg11 : memref<64x128xf32, #tpu.memory_space<vmem>>) offsets(%dma_start3A_281 : memref<64xi32, #tpu.memory_space<vmem>>) semaphore(%arg18 : memref<!tpu.dma_semaphore, #tpu.memory_space<semaphore_mem>>)
          } else {
          }
        }
        %scan3A_223 = arith.constant 21 : i32
        %dma_wait3A = arith.constant 63 : i32
        %dma_wait3A_224 = arith.constant 0 : i32
        %dma_wait3A_225 = tpu.memref_slice %arg7[%dma_wait3A, %dma_wait3A_224] : memref<64x64xi32, #tpu.memory_space<vmem>> -> memref<1x64xi32, #tpu.memory_space<vmem>>
        %dma_wait3A_226 = tpu.memref_squeeze %dma_wait3A_225 : memref<1x64xi32, #tpu.memory_space<vmem>> -> memref<64xi32, #tpu.memory_space<vmem>>
        %dma_wait3A_227 = arith.constant 0 : i32
        %dma_wait3A_228 = arith.constant 0 : i32
        %dma_wait3A_229 = tpu.memref_slice %arg6[%dma_wait3A_227, %dma_wait3A_228] : memref<20224x128xf32, #tpu.memory_space<hbm>> -> memref<20224x128xf32, #tpu.memory_space<hbm>>
        tpu.wait_indirect_dma semaphore(%arg16 : memref<!tpu.dma_semaphore, #tpu.memory_space<semaphore_mem>>) src(%dma_wait3A_229 : memref<20224x128xf32, #tpu.memory_space<hbm>>) dst(%arg9 : memref<64x128xf32, #tpu.memory_space<vmem>>)
        %run_scoped3A = arith.constant 63 : i32
        "tpu.region"() ({
          %run_scoped3A_230 = tpu.sem_alloc : memref<!tpu.dma_semaphore, #tpu.memory_space<semaphore_mem>>
          %dma_start3A_231 = arith.constant 0 : i32
          %dma_start3A_232 = tpu.memref_slice %arg8[%run_scoped3A, %dma_start3A_231] : memref<64x64xi32, #tpu.memory_space<vmem>> -> memref<1x64xi32, #tpu.memory_space<vmem>>
          %dma_start3A_233 = tpu.memref_squeeze %dma_start3A_232 : memref<1x64xi32, #tpu.memory_space<vmem>> -> memref<64xi32, #tpu.memory_space<vmem>>
          %dma_start3A_234 = arith.constant 0 : i32
          %dma_start3A_235 = arith.constant 0 : i32
          %dma_start3A_236 = tpu.memref_slice %arg15[%dma_start3A_234, %dma_start3A_235] : memref<10112x128xf32, #tpu.memory_space<vmem_shared>> -> memref<10112x128xf32, #tpu.memory_space<vmem_shared>>
          tpu.enqueue_indirect_dma source(%arg9 : memref<64x128xf32, #tpu.memory_space<vmem>>) target(%dma_start3A_236 : memref<10112x128xf32, #tpu.memory_space<vmem_shared>>) offsets(%dma_start3A_233 : memref<64xi32, #tpu.memory_space<vmem>>) semaphore(%run_scoped3A_230 : memref<!tpu.dma_semaphore, #tpu.memory_space<semaphore_mem>>) {add = true}
          %dma_wait3A_237 = arith.constant 0 : i32
          %dma_wait3A_238 = tpu.memref_slice %arg8[%run_scoped3A, %dma_wait3A_237] : memref<64x64xi32, #tpu.memory_space<vmem>> -> memref<1x64xi32, #tpu.memory_space<vmem>>
          %dma_wait3A_239 = tpu.memref_squeeze %dma_wait3A_238 : memref<1x64xi32, #tpu.memory_space<vmem>> -> memref<64xi32, #tpu.memory_space<vmem>>
          %dma_wait3A_240 = arith.constant 0 : i32
          %dma_wait3A_241 = arith.constant 0 : i32
          %dma_wait3A_242 = tpu.memref_slice %arg15[%dma_wait3A_240, %dma_wait3A_241] : memref<10112x128xf32, #tpu.memory_space<vmem_shared>> -> memref<10112x128xf32, #tpu.memory_space<vmem_shared>>
          tpu.wait_indirect_dma semaphore(%run_scoped3A_230 : memref<!tpu.dma_semaphore, #tpu.memory_space<semaphore_mem>>) src(%arg9 : memref<64x128xf32, #tpu.memory_space<vmem>>) dst(%dma_wait3A_242 : memref<10112x128xf32, #tpu.memory_space<vmem_shared>>)
          tpu.yield
        }) : () -> ()
      }
      %scan3A_148 = arith.constant 5 : i32
      %barrier3A_149 = arith.constant 0 : index
      tpu.barrier barrier_id(%barrier3A_149)
      %scan3A_150 = arith.constant 0 : i32
      %scan3A_151 = arith.constant 9 : i32
      %scan3A_152 = arith.addi %scan3A_150, %scan3A_151 : i32
      %scan3A_153 = arith.constant 1 : i32
      scf.for %scan3A_184 = %scan3A_150 to %scan3A_152 step %scan3A_153  : i32 {
        %mul3A_185 = arith.constant 1 : i32
        %mul3A_186 = arith.muli %scan3A_184, %mul3A_185 : i32
        %add3A_187 = arith.constant 0 : i32
        %add3A_188 = arith.addi %add3A_187, %mul3A_186 : i32
        %mul3A_189 = arith.constant 64 : i32
        %mul3A_190 = arith.muli %add3A_188, %mul3A_189 : i32
        %add3A_191 = arith.addi %mul3A_0, %mul3A_190 : i32
        "tpu.region"() ({
          %run_scoped3A = tpu.sem_alloc : memref<!tpu.dma_semaphore, #tpu.memory_space<semaphore_mem>>
          %dma_start3A = arith.constant 0 : i32
          %dma_start3A_203 = arith.constant 0 : i32
          %dma_start3A_204 = tpu.memref_slice %arg9[%dma_start3A, %dma_start3A_203] : memref<64x128xf32, #tpu.memory_space<vmem>> -> memref<64x128xf32, #tpu.memory_space<vmem>>
          %dma_start3A_205 = arith.constant 0 : i32
          %dma_start3A_206 = tpu.memref_slice %arg15[%add3A_191, %dma_start3A_205] : memref<10112x128xf32, #tpu.memory_space<vmem_shared>> -> memref<64x128xf32, #tpu.memory_space<vmem_shared>>
          %dma_start3A_207 = arith.constant 0 : i32
          %dma_start3A_208 = arith.constant 0 : i32
          %dma_start3A_209 = tpu.memref_slice %arg9[%dma_start3A_207, %dma_start3A_208] : memref<64x128xf32, #tpu.memory_space<vmem>> -> memref<64x128xf32, #tpu.memory_space<vmem>>
          %dma_start3A_210 = arith.constant 0 : i32
          %dma_start3A_211 = tpu.memref_slice %arg15[%add3A_191, %dma_start3A_210] : memref<10112x128xf32, #tpu.memory_space<vmem_shared>> -> memref<64x128xf32, #tpu.memory_space<vmem_shared>>
          tpu.enqueue_dma source(%dma_start3A_211 : memref<64x128xf32, #tpu.memory_space<vmem_shared>>) target(%dma_start3A_209 : memref<64x128xf32, #tpu.memory_space<vmem>>) target_semaphore(%run_scoped3A : memref<!tpu.dma_semaphore, #tpu.memory_space<semaphore_mem>>)
          %dma_wait3A = arith.constant 0 : i32
          %dma_wait3A_212 = arith.constant 0 : i32
          %dma_wait3A_213 = tpu.memref_slice %arg9[%dma_wait3A, %dma_wait3A_212] : memref<64x128xf32, #tpu.memory_space<vmem>> -> memref<64x128xf32, #tpu.memory_space<vmem>>
          %dma_wait3A_214 = arith.constant 0 : i32
          %dma_wait3A_215 = tpu.memref_slice %arg15[%add3A_191, %dma_wait3A_214] : memref<10112x128xf32, #tpu.memory_space<vmem_shared>> -> memref<64x128xf32, #tpu.memory_space<vmem_shared>>
          %dma_wait3A_216 = arith.constant 0 : i32
          %dma_wait3A_217 = arith.constant 0 : i32
          %dma_wait3A_218 = tpu.memref_slice %arg9[%dma_wait3A_216, %dma_wait3A_217] : memref<64x128xf32, #tpu.memory_space<vmem>> -> memref<64x128xf32, #tpu.memory_space<vmem>>
          %dma_wait3A_219 = arith.constant 0 : i32
          %dma_wait3A_220 = tpu.memref_slice %arg15[%add3A_191, %dma_wait3A_219] : memref<10112x128xf32, #tpu.memory_space<vmem_shared>> -> memref<64x128xf32, #tpu.memory_space<vmem_shared>>
          tpu.wait_dma2 semaphore(%run_scoped3A : memref<!tpu.dma_semaphore, #tpu.memory_space<semaphore_mem>>) src(%dma_wait3A_220 : memref<64x128xf32, #tpu.memory_space<vmem_shared>>) dst(%dma_wait3A_218 : memref<64x128xf32, #tpu.memory_space<vmem>>)
          tpu.yield
        }) : () -> ()
        %add3A_192 = arith.addi %mul3A_0, %mul3A_190 : i32
        "tpu.region"() ({
          %run_scoped3A = tpu.sem_alloc : memref<!tpu.dma_semaphore, #tpu.memory_space<semaphore_mem>>
          %dma_start3A = arith.constant 0 : i32
          %dma_start3A_203 = arith.constant 0 : i32
          %dma_start3A_204 = tpu.memref_slice %arg10[%dma_start3A, %dma_start3A_203] : memref<64x128xf32, #tpu.memory_space<vmem>> -> memref<64x128xf32, #tpu.memory_space<vmem>>
          %dma_start3A_205 = arith.constant 0 : i32
          %dma_start3A_206 = tpu.memref_slice %arg5[%arg0, %add3A_192, %dma_start3A_205] : memref<2x10112x128xf32, #tpu.memory_space<hbm>> -> memref<1x64x128xf32, #tpu.memory_space<hbm>>
          %dma_start3A_207 = tpu.memref_squeeze %dma_start3A_206 : memref<1x64x128xf32, #tpu.memory_space<hbm>> -> memref<64x128xf32, #tpu.memory_space<hbm>>
          %dma_start3A_208 = arith.constant 0 : i32
          %dma_start3A_209 = arith.constant 0 : i32
          %dma_start3A_210 = tpu.memref_slice %arg10[%dma_start3A_208, %dma_start3A_209] : memref<64x128xf32, #tpu.memory_space<vmem>> -> memref<64x128xf32, #tpu.memory_space<vmem>>
          %dma_start3A_211 = arith.constant 0 : i32
          %dma_start3A_212 = tpu.memref_slice %arg5[%arg0, %add3A_192, %dma_start3A_211] : memref<2x10112x128xf32, #tpu.memory_space<hbm>> -> memref<1x64x128xf32, #tpu.memory_space<hbm>>
          %dma_start3A_213 = tpu.memref_squeeze %dma_start3A_212 : memref<1x64x128xf32, #tpu.memory_space<hbm>> -> memref<64x128xf32, #tpu.memory_space<hbm>>
          tpu.enqueue_dma source(%dma_start3A_213 : memref<64x128xf32, #tpu.memory_space<hbm>>) target(%dma_start3A_210 : memref<64x128xf32, #tpu.memory_space<vmem>>) target_semaphore(%run_scoped3A : memref<!tpu.dma_semaphore, #tpu.memory_space<semaphore_mem>>)
          %dma_wait3A = arith.constant 0 : i32
          %dma_wait3A_214 = arith.constant 0 : i32
          %dma_wait3A_215 = tpu.memref_slice %arg10[%dma_wait3A, %dma_wait3A_214] : memref<64x128xf32, #tpu.memory_space<vmem>> -> memref<64x128xf32, #tpu.memory_space<vmem>>
          %dma_wait3A_216 = arith.constant 0 : i32
          %dma_wait3A_217 = tpu.memref_slice %arg5[%arg0, %add3A_192, %dma_wait3A_216] : memref<2x10112x128xf32, #tpu.memory_space<hbm>> -> memref<1x64x128xf32, #tpu.memory_space<hbm>>
          %dma_wait3A_218 = tpu.memref_squeeze %dma_wait3A_217 : memref<1x64x128xf32, #tpu.memory_space<hbm>> -> memref<64x128xf32, #tpu.memory_space<hbm>>
          %dma_wait3A_219 = arith.constant 0 : i32
          %dma_wait3A_220 = arith.constant 0 : i32
          %dma_wait3A_221 = tpu.memref_slice %arg10[%dma_wait3A_219, %dma_wait3A_220] : memref<64x128xf32, #tpu.memory_space<vmem>> -> memref<64x128xf32, #tpu.memory_space<vmem>>
          %dma_wait3A_222 = arith.constant 0 : i32
          %dma_wait3A_223 = tpu.memref_slice %arg5[%arg0, %add3A_192, %dma_wait3A_222] : memref<2x10112x128xf32, #tpu.memory_space<hbm>> -> memref<1x64x128xf32, #tpu.memory_space<hbm>>
          %dma_wait3A_224 = tpu.memref_squeeze %dma_wait3A_223 : memref<1x64x128xf32, #tpu.memory_space<hbm>> -> memref<64x128xf32, #tpu.memory_space<hbm>>
          tpu.wait_dma2 semaphore(%run_scoped3A : memref<!tpu.dma_semaphore, #tpu.memory_space<semaphore_mem>>) src(%dma_wait3A_224 : memref<64x128xf32, #tpu.memory_space<hbm>>) dst(%dma_wait3A_221 : memref<64x128xf32, #tpu.memory_space<vmem>>)
          tpu.yield
        }) : () -> ()
        %scan3A_193 = arith.constant 0 : i32
        %scan3A_194 = arith.constant 64 : i32
        %scan3A_195 = arith.addi %scan3A_193, %scan3A_194 : i32
        %scan3A_196 = arith.constant 1 : i32
        scf.for %scan3A_203 = %scan3A_193 to %scan3A_195 step %scan3A_196  : i32 {
          %mul3A_204 = arith.constant 1 : i32
          %mul3A_205 = arith.muli %scan3A_203, %mul3A_204 : i32
          %add3A_206 = arith.constant 0 : i32
          %add3A_207 = arith.addi %add3A_206, %mul3A_205 : i32
          %add3A_208 = arith.addi %mul3A_190, %add3A_207 : i32
          %broadcast_in_dim3A_209 = vector.broadcast %add3A_208 : i32 to vector<16xi32>
          %gather3A = tpu.vector_load_idx %arg13[%broadcast_in_dim3A_209] : memref<632xf32, #tpu.memory_space<vmem>>[vector<16xi32>], vector<16xf32>,
          %gather3A_210 = tpu.vector_load_idx %arg14[%broadcast_in_dim3A_209] : memref<632xf32, #tpu.memory_space<vmem>>[vector<16xi32>], vector<16xf32>,
          %get3A = arith.index_cast %add3A_207 : i32 to index
          %get3A_211 = arith.constant 0 : index
          %get3A_212 = tpu.vector_load %arg9[%get3A, %get3A_211] {strides = array<i32>} : memref<64x128xf32, #tpu.memory_space<vmem>>, vector<16xf32>,
          %get3A_213 = arith.index_cast %add3A_207 : i32 to index
          %get3A_214 = arith.constant 0 : index
          %get3A_215 = tpu.vector_load %arg10[%get3A_213, %get3A_214] {strides = array<i32>} : memref<64x128xf32, #tpu.memory_space<vmem>>, vector<16xf32>,
          %mul3A_216 = arith.mulf %gather3A, %get3A_212 : vector<16xf32>
          %add3A_217 = arith.addf %get3A_215, %mul3A_216 : vector<16xf32>
          %swap3A = arith.index_cast %add3A_207 : i32 to index
          %swap3A_218 = arith.constant 0 : index
          %swap3A_219 = tpu.vector_load %arg10[%swap3A, %swap3A_218] {strides = array<i32>} : memref<64x128xf32, #tpu.memory_space<vmem>>, vector<16xf32>,
          tpu.vector_store %arg10[%swap3A, %swap3A_218], %add3A_217 {strides = array<i32>} : memref<64x128xf32, #tpu.memory_space<vmem>>, vector<16xf32>,
          %mul3A_220 = arith.mulf %gather3A_210, %get3A_212 : vector<16xf32>
          %swap3A_221 = arith.index_cast %add3A_207 : i32 to index
          %swap3A_222 = arith.constant 0 : index
          %swap3A_223 = tpu.vector_load %arg9[%swap3A_221, %swap3A_222] {strides = array<i32>} : memref<64x128xf32, #tpu.memory_space<vmem>>, vector<16xf32>,
          tpu.vector_store %arg9[%swap3A_221, %swap3A_222], %mul3A_220 {strides = array<i32>} : memref<64x128xf32, #tpu.memory_space<vmem>>, vector<16xf32>,
          %get3A_224 = arith.index_cast %add3A_207 : i32 to index
          %get3A_225 = arith.constant 16 : index
          %get3A_226 = tpu.vector_load %arg9[%get3A_224, %get3A_225] {strides = array<i32>} : memref<64x128xf32, #tpu.memory_space<vmem>>, vector<16xf32>,
          %get3A_227 = arith.index_cast %add3A_207 : i32 to index
          %get3A_228 = arith.constant 16 : index
          %get3A_229 = tpu.vector_load %arg10[%get3A_227, %get3A_228] {strides = array<i32>} : memref<64x128xf32, #tpu.memory_space<vmem>>, vector<16xf32>,
          %mul3A_230 = arith.mulf %gather3A, %get3A_226 : vector<16xf32>
          %add3A_231 = arith.addf %get3A_229, %mul3A_230 : vector<16xf32>
          %swap3A_232 = arith.index_cast %add3A_207 : i32 to index
          %swap3A_233 = arith.constant 16 : index
          %swap3A_234 = tpu.vector_load %arg10[%swap3A_232, %swap3A_233] {strides = array<i32>} : memref<64x128xf32, #tpu.memory_space<vmem>>, vector<16xf32>,
          tpu.vector_store %arg10[%swap3A_232, %swap3A_233], %add3A_231 {strides = array<i32>} : memref<64x128xf32, #tpu.memory_space<vmem>>, vector<16xf32>,
          %mul3A_235 = arith.mulf %gather3A_210, %get3A_226 : vector<16xf32>
          %swap3A_236 = arith.index_cast %add3A_207 : i32 to index
          %swap3A_237 = arith.constant 16 : index
          %swap3A_238 = tpu.vector_load %arg9[%swap3A_236, %swap3A_237] {strides = array<i32>} : memref<64x128xf32, #tpu.memory_space<vmem>>, vector<16xf32>,
          tpu.vector_store %arg9[%swap3A_236, %swap3A_237], %mul3A_235 {strides = array<i32>} : memref<64x128xf32, #tpu.memory_space<vmem>>, vector<16xf32>,
          %get3A_239 = arith.index_cast %add3A_207 : i32 to index
          %get3A_240 = arith.constant 32 : index
          %get3A_241 = tpu.vector_load %arg9[%get3A_239, %get3A_240] {strides = array<i32>} : memref<64x128xf32, #tpu.memory_space<vmem>>, vector<16xf32>,
          %get3A_242 = arith.index_cast %add3A_207 : i32 to index
          %get3A_243 = arith.constant 32 : index
          %get3A_244 = tpu.vector_load %arg10[%get3A_242, %get3A_243] {strides = array<i32>} : memref<64x128xf32, #tpu.memory_space<vmem>>, vector<16xf32>,
          %mul3A_245 = arith.mulf %gather3A, %get3A_241 : vector<16xf32>
          %add3A_246 = arith.addf %get3A_244, %mul3A_245 : vector<16xf32>
          %swap3A_247 = arith.index_cast %add3A_207 : i32 to index
          %swap3A_248 = arith.constant 32 : index
          %swap3A_249 = tpu.vector_load %arg10[%swap3A_247, %swap3A_248] {strides = array<i32>} : memref<64x128xf32, #tpu.memory_space<vmem>>, vector<16xf32>,
          tpu.vector_store %arg10[%swap3A_247, %swap3A_248], %add3A_246 {strides = array<i32>} : memref<64x128xf32, #tpu.memory_space<vmem>>, vector<16xf32>,
          %mul3A_250 = arith.mulf %gather3A_210, %get3A_241 : vector<16xf32>
          %swap3A_251 = arith.index_cast %add3A_207 : i32 to index
          %swap3A_252 = arith.constant 32 : index
          %swap3A_253 = tpu.vector_load %arg9[%swap3A_251, %swap3A_252] {strides = array<i32>} : memref<64x128xf32, #tpu.memory_space<vmem>>, vector<16xf32>,
          tpu.vector_store %arg9[%swap3A_251, %swap3A_252], %mul3A_250 {strides = array<i32>} : memref<64x128xf32, #tpu.memory_space<vmem>>, vector<16xf32>,
          %get3A_254 = arith.index_cast %add3A_207 : i32 to index
          %get3A_255 = arith.constant 48 : index
          %get3A_256 = tpu.vector_load %arg9[%get3A_254, %get3A_255] {strides = array<i32>} : memref<64x128xf32, #tpu.memory_space<vmem>>, vector<16xf32>,
          %get3A_257 = arith.index_cast %add3A_207 : i32 to index
          %get3A_258 = arith.constant 48 : index
          %get3A_259 = tpu.vector_load %arg10[%get3A_257, %get3A_258] {strides = array<i32>} : memref<64x128xf32, #tpu.memory_space<vmem>>, vector<16xf32>,
          %mul3A_260 = arith.mulf %gather3A, %get3A_256 : vector<16xf32>
          %add3A_261 = arith.addf %get3A_259, %mul3A_260 : vector<16xf32>
          %swap3A_262 = arith.index_cast %add3A_207 : i32 to index
          %swap3A_263 = arith.constant 48 : index
          %swap3A_264 = tpu.vector_load %arg10[%swap3A_262, %swap3A_263] {strides = array<i32>} : memref<64x128xf32, #tpu.memory_space<vmem>>, vector<16xf32>,
          tpu.vector_store %arg10[%swap3A_262, %swap3A_263], %add3A_261 {strides = array<i32>} : memref<64x128xf32, #tpu.memory_space<vmem>>, vector<16xf32>,
          %mul3A_265 = arith.mulf %gather3A_210, %get3A_256 : vector<16xf32>
          %swap3A_266 = arith.index_cast %add3A_207 : i32 to index
          %swap3A_267 = arith.constant 48 : index
          %swap3A_268 = tpu.vector_load %arg9[%swap3A_266, %swap3A_267] {strides = array<i32>} : memref<64x128xf32, #tpu.memory_space<vmem>>, vector<16xf32>,
          tpu.vector_store %arg9[%swap3A_266, %swap3A_267], %mul3A_265 {strides = array<i32>} : memref<64x128xf32, #tpu.memory_space<vmem>>, vector<16xf32>,
          %get3A_269 = arith.index_cast %add3A_207 : i32 to index
          %get3A_270 = arith.constant 64 : index
          %get3A_271 = tpu.vector_load %arg9[%get3A_269, %get3A_270] {strides = array<i32>} : memref<64x128xf32, #tpu.memory_space<vmem>>, vector<16xf32>,
          %get3A_272 = arith.index_cast %add3A_207 : i32 to index
          %get3A_273 = arith.constant 64 : index
          %get3A_274 = tpu.vector_load %arg10[%get3A_272, %get3A_273] {strides = array<i32>} : memref<64x128xf32, #tpu.memory_space<vmem>>, vector<16xf32>,
          %mul3A_275 = arith.mulf %gather3A, %get3A_271 : vector<16xf32>
          %add3A_276 = arith.addf %get3A_274, %mul3A_275 : vector<16xf32>
          %swap3A_277 = arith.index_cast %add3A_207 : i32 to index
          %swap3A_278 = arith.constant 64 : index
          %swap3A_279 = tpu.vector_load %arg10[%swap3A_277, %swap3A_278] {strides = array<i32>} : memref<64x128xf32, #tpu.memory_space<vmem>>, vector<16xf32>,
          tpu.vector_store %arg10[%swap3A_277, %swap3A_278], %add3A_276 {strides = array<i32>} : memref<64x128xf32, #tpu.memory_space<vmem>>, vector<16xf32>,
          %mul3A_280 = arith.mulf %gather3A_210, %get3A_271 : vector<16xf32>
          %swap3A_281 = arith.index_cast %add3A_207 : i32 to index
          %swap3A_282 = arith.constant 64 : index
          %swap3A_283 = tpu.vector_load %arg9[%swap3A_281, %swap3A_282] {strides = array<i32>} : memref<64x128xf32, #tpu.memory_space<vmem>>, vector<16xf32>,
          tpu.vector_store %arg9[%swap3A_281, %swap3A_282], %mul3A_280 {strides = array<i32>} : memref<64x128xf32, #tpu.memory_space<vmem>>, vector<16xf32>,
          %get3A_284 = arith.index_cast %add3A_207 : i32 to index
          %get3A_285 = arith.constant 80 : index
          %get3A_286 = tpu.vector_load %arg9[%get3A_284, %get3A_285] {strides = array<i32>} : memref<64x128xf32, #tpu.memory_space<vmem>>, vector<16xf32>,
          %get3A_287 = arith.index_cast %add3A_207 : i32 to index
          %get3A_288 = arith.constant 80 : index
          %get3A_289 = tpu.vector_load %arg10[%get3A_287, %get3A_288] {strides = array<i32>} : memref<64x128xf32, #tpu.memory_space<vmem>>, vector<16xf32>,
          %mul3A_290 = arith.mulf %gather3A, %get3A_286 : vector<16xf32>
          %add3A_291 = arith.addf %get3A_289, %mul3A_290 : vector<16xf32>
          %swap3A_292 = arith.index_cast %add3A_207 : i32 to index
          %swap3A_293 = arith.constant 80 : index
          %swap3A_294 = tpu.vector_load %arg10[%swap3A_292, %swap3A_293] {strides = array<i32>} : memref<64x128xf32, #tpu.memory_space<vmem>>, vector<16xf32>,
          tpu.vector_store %arg10[%swap3A_292, %swap3A_293], %add3A_291 {strides = array<i32>} : memref<64x128xf32, #tpu.memory_space<vmem>>, vector<16xf32>,
          %mul3A_295 = arith.mulf %gather3A_210, %get3A_286 : vector<16xf32>
          %swap3A_296 = arith.index_cast %add3A_207 : i32 to index
          %swap3A_297 = arith.constant 80 : index
          %swap3A_298 = tpu.vector_load %arg9[%swap3A_296, %swap3A_297] {strides = array<i32>} : memref<64x128xf32, #tpu.memory_space<vmem>>, vector<16xf32>,
          tpu.vector_store %arg9[%swap3A_296, %swap3A_297], %mul3A_295 {strides = array<i32>} : memref<64x128xf32, #tpu.memory_space<vmem>>, vector<16xf32>,
          %get3A_299 = arith.index_cast %add3A_207 : i32 to index
          %get3A_300 = arith.constant 96 : index
          %get3A_301 = tpu.vector_load %arg9[%get3A_299, %get3A_300] {strides = array<i32>} : memref<64x128xf32, #tpu.memory_space<vmem>>, vector<16xf32>,
          %get3A_302 = arith.index_cast %add3A_207 : i32 to index
          %get3A_303 = arith.constant 96 : index
          %get3A_304 = tpu.vector_load %arg10[%get3A_302, %get3A_303] {strides = array<i32>} : memref<64x128xf32, #tpu.memory_space<vmem>>, vector<16xf32>,
          %mul3A_305 = arith.mulf %gather3A, %get3A_301 : vector<16xf32>
          %add3A_306 = arith.addf %get3A_304, %mul3A_305 : vector<16xf32>
          %swap3A_307 = arith.index_cast %add3A_207 : i32 to index
          %swap3A_308 = arith.constant 96 : index
          %swap3A_309 = tpu.vector_load %arg10[%swap3A_307, %swap3A_308] {strides = array<i32>} : memref<64x128xf32, #tpu.memory_space<vmem>>, vector<16xf32>,
          tpu.vector_store %arg10[%swap3A_307, %swap3A_308], %add3A_306 {strides = array<i32>} : memref<64x128xf32, #tpu.memory_space<vmem>>, vector<16xf32>,
          %mul3A_310 = arith.mulf %gather3A_210, %get3A_301 : vector<16xf32>
          %swap3A_311 = arith.index_cast %add3A_207 : i32 to index
          %swap3A_312 = arith.constant 96 : index
          %swap3A_313 = tpu.vector_load %arg9[%swap3A_311, %swap3A_312] {strides = array<i32>} : memref<64x128xf32, #tpu.memory_space<vmem>>, vector<16xf32>,
          tpu.vector_store %arg9[%swap3A_311, %swap3A_312], %mul3A_310 {strides = array<i32>} : memref<64x128xf32, #tpu.memory_space<vmem>>, vector<16xf32>,
          %get3A_314 = arith.index_cast %add3A_207 : i32 to index
          %get3A_315 = arith.constant 112 : index
          %get3A_316 = tpu.vector_load %arg9[%get3A_314, %get3A_315] {strides = array<i32>} : memref<64x128xf32, #tpu.memory_space<vmem>>, vector<16xf32>,
          %get3A_317 = arith.index_cast %add3A_207 : i32 to index
          %get3A_318 = arith.constant 112 : index
          %get3A_319 = tpu.vector_load %arg10[%get3A_317, %get3A_318] {strides = array<i32>} : memref<64x128xf32, #tpu.memory_space<vmem>>, vector<16xf32>,
          %mul3A_320 = arith.mulf %gather3A, %get3A_316 : vector<16xf32>
          %add3A_321 = arith.addf %get3A_319, %mul3A_320 : vector<16xf32>
          %swap3A_322 = arith.index_cast %add3A_207 : i32 to index
          %swap3A_323 = arith.constant 112 : index
          %swap3A_324 = tpu.vector_load %arg10[%swap3A_322, %swap3A_323] {strides = array<i32>} : memref<64x128xf32, #tpu.memory_space<vmem>>, vector<16xf32>,
          tpu.vector_store %arg10[%swap3A_322, %swap3A_323], %add3A_321 {strides = array<i32>} : memref<64x128xf32, #tpu.memory_space<vmem>>, vector<16xf32>,
          %mul3A_325 = arith.mulf %gather3A_210, %get3A_316 : vector<16xf32>
          %swap3A_326 = arith.index_cast %add3A_207 : i32 to index
          %swap3A_327 = arith.constant 112 : index
          %swap3A_328 = tpu.vector_load %arg9[%swap3A_326, %swap3A_327] {strides = array<i32>} : memref<64x128xf32, #tpu.memory_space<vmem>>, vector<16xf32>,
          tpu.vector_store %arg9[%swap3A_326, %swap3A_327], %mul3A_325 {strides = array<i32>} : memref<64x128xf32, #tpu.memory_space<vmem>>, vector<16xf32>,
        }
        %scan3A_197 = arith.constant 64 : i32
        %add3A_198 = arith.addi %mul3A_0, %mul3A_190 : i32
        "tpu.region"() ({
          %run_scoped3A = tpu.sem_alloc : memref<!tpu.dma_semaphore, #tpu.memory_space<semaphore_mem>>
          %dma_start3A = arith.constant 0 : i32
          %dma_start3A_203 = arith.constant 0 : i32
          %dma_start3A_204 = tpu.memref_slice %arg10[%dma_start3A, %dma_start3A_203] : memref<64x128xf32, #tpu.memory_space<vmem>> -> memref<64x128xf32, #tpu.memory_space<vmem>>
          %dma_start3A_205 = arith.constant 0 : i32
          %dma_start3A_206 = tpu.memref_slice %arg5[%arg0, %add3A_198, %dma_start3A_205] : memref<2x10112x128xf32, #tpu.memory_space<hbm>> -> memref<1x64x128xf32, #tpu.memory_space<hbm>>
          %dma_start3A_207 = tpu.memref_squeeze %dma_start3A_206 : memref<1x64x128xf32, #tpu.memory_space<hbm>> -> memref<64x128xf32, #tpu.memory_space<hbm>>
          %dma_start3A_208 = arith.constant 0 : i32
          %dma_start3A_209 = tpu.memref_slice %arg5[%arg0, %add3A_198, %dma_start3A_208] : memref<2x10112x128xf32, #tpu.memory_space<hbm>> -> memref<1x64x128xf32, #tpu.memory_space<hbm>>
          %dma_start3A_210 = tpu.memref_squeeze %dma_start3A_209 : memref<1x64x128xf32, #tpu.memory_space<hbm>> -> memref<64x128xf32, #tpu.memory_space<hbm>>
          %dma_start3A_211 = arith.constant 0 : i32
          %dma_start3A_212 = arith.constant 0 : i32
          %dma_start3A_213 = tpu.memref_slice %arg10[%dma_start3A_211, %dma_start3A_212] : memref<64x128xf32, #tpu.memory_space<vmem>> -> memref<64x128xf32, #tpu.memory_space<vmem>>
          tpu.enqueue_dma source(%dma_start3A_213 : memref<64x128xf32, #tpu.memory_space<vmem>>) target(%dma_start3A_210 : memref<64x128xf32, #tpu.memory_space<hbm>>) target_semaphore(%run_scoped3A : memref<!tpu.dma_semaphore, #tpu.memory_space<semaphore_mem>>)
          %dma_wait3A = arith.constant 0 : i32
          %dma_wait3A_214 = arith.constant 0 : i32
          %dma_wait3A_215 = tpu.memref_slice %arg10[%dma_wait3A, %dma_wait3A_214] : memref<64x128xf32, #tpu.memory_space<vmem>> -> memref<64x128xf32, #tpu.memory_space<vmem>>
          %dma_wait3A_216 = arith.constant 0 : i32
          %dma_wait3A_217 = tpu.memref_slice %arg5[%arg0, %add3A_198, %dma_wait3A_216] : memref<2x10112x128xf32, #tpu.memory_space<hbm>> -> memref<1x64x128xf32, #tpu.memory_space<hbm>>
          %dma_wait3A_218 = tpu.memref_squeeze %dma_wait3A_217 : memref<1x64x128xf32, #tpu.memory_space<hbm>> -> memref<64x128xf32, #tpu.memory_space<hbm>>
          %dma_wait3A_219 = arith.constant 0 : i32
          %dma_wait3A_220 = tpu.memref_slice %arg5[%arg0, %add3A_198, %dma_wait3A_219] : memref<2x10112x128xf32, #tpu.memory_space<hbm>> -> memref<1x64x128xf32, #tpu.memory_space<hbm>>
          %dma_wait3A_221 = tpu.memref_squeeze %dma_wait3A_220 : memref<1x64x128xf32, #tpu.memory_space<hbm>> -> memref<64x128xf32, #tpu.memory_space<hbm>>
          %dma_wait3A_222 = arith.constant 0 : i32
          %dma_wait3A_223 = arith.constant 0 : i32
          %dma_wait3A_224 = tpu.memref_slice %arg10[%dma_wait3A_222, %dma_wait3A_223] : memref<64x128xf32, #tpu.memory_space<vmem>> -> memref<64x128xf32, #tpu.memory_space<vmem>>
          tpu.wait_dma2 semaphore(%run_scoped3A : memref<!tpu.dma_semaphore, #tpu.memory_space<semaphore_mem>>) src(%dma_wait3A_224 : memref<64x128xf32, #tpu.memory_space<vmem>>) dst(%dma_wait3A_221 : memref<64x128xf32, #tpu.memory_space<hbm>>)
          tpu.yield
        }) : () -> ()
        %mul3A_199 = arith.constant 10112 : i32
        %mul3A_200 = arith.muli %arg0, %mul3A_199 : i32
        %add3A_201 = arith.addi %mul3A_200, %mul3A_0 : i32
        %add3A_202 = arith.addi %add3A_201, %mul3A_190 : i32
        "tpu.region"() ({
          %run_scoped3A = tpu.sem_alloc : memref<!tpu.dma_semaphore, #tpu.memory_space<semaphore_mem>>
          %dma_start3A = arith.constant 0 : i32
          %dma_start3A_203 = arith.constant 0 : i32
          %dma_start3A_204 = tpu.memref_slice %arg9[%dma_start3A, %dma_start3A_203] : memref<64x128xf32, #tpu.memory_space<vmem>> -> memref<64x128xf32, #tpu.memory_space<vmem>>
          %dma_start3A_205 = arith.constant 0 : i32
          %dma_start3A_206 = tpu.memref_slice %arg6[%add3A_202, %dma_start3A_205] : memref<20224x128xf32, #tpu.memory_space<hbm>> -> memref<64x128xf32, #tpu.memory_space<hbm>>
          %dma_start3A_207 = arith.constant 0 : i32
          %dma_start3A_208 = tpu.memref_slice %arg6[%add3A_202, %dma_start3A_207] : memref<20224x128xf32, #tpu.memory_space<hbm>> -> memref<64x128xf32, #tpu.memory_space<hbm>>
          %dma_start3A_209 = arith.constant 0 : i32
          %dma_start3A_210 = arith.constant 0 : i32
          %dma_start3A_211 = tpu.memref_slice %arg9[%dma_start3A_209, %dma_start3A_210] : memref<64x128xf32, #tpu.memory_space<vmem>> -> memref<64x128xf32, #tpu.memory_space<vmem>>
          tpu.enqueue_dma source(%dma_start3A_211 : memref<64x128xf32, #tpu.memory_space<vmem>>) target(%dma_start3A_208 : memref<64x128xf32, #tpu.memory_space<hbm>>) target_semaphore(%run_scoped3A : memref<!tpu.dma_semaphore, #tpu.memory_space<semaphore_mem>>)
          %dma_wait3A = arith.constant 0 : i32
          %dma_wait3A_212 = arith.constant 0 : i32
          %dma_wait3A_213 = tpu.memref_slice %arg9[%dma_wait3A, %dma_wait3A_212] : memref<64x128xf32, #tpu.memory_space<vmem>> -> memref<64x128xf32, #tpu.memory_space<vmem>>
          %dma_wait3A_214 = arith.constant 0 : i32
          %dma_wait3A_215 = tpu.memref_slice %arg6[%add3A_202, %dma_wait3A_214] : memref<20224x128xf32, #tpu.memory_space<hbm>> -> memref<64x128xf32, #tpu.memory_space<hbm>>
          %dma_wait3A_216 = arith.constant 0 : i32
          %dma_wait3A_217 = tpu.memref_slice %arg6[%add3A_202, %dma_wait3A_216] : memref<20224x128xf32, #tpu.memory_space<hbm>> -> memref<64x128xf32, #tpu.memory_space<hbm>>
          %dma_wait3A_218 = arith.constant 0 : i32
          %dma_wait3A_219 = arith.constant 0 : i32
          %dma_wait3A_220 = tpu.memref_slice %arg9[%dma_wait3A_218, %dma_wait3A_219] : memref<64x128xf32, #tpu.memory_space<vmem>> -> memref<64x128xf32, #tpu.memory_space<vmem>>
          tpu.wait_dma2 semaphore(%run_scoped3A : memref<!tpu.dma_semaphore, #tpu.memory_space<semaphore_mem>>) src(%dma_wait3A_220 : memref<64x128xf32, #tpu.memory_space<vmem>>) dst(%dma_wait3A_217 : memref<64x128xf32, #tpu.memory_space<hbm>>)
          tpu.yield
        }) : () -> ()
      }
      %scan3A_154 = arith.constant 9 : i32
      %add3A_155 = arith.constant 576 : i32
      %add3A_156 = arith.addi %mul3A_0, %add3A_155 : i32
      "tpu.region"() ({
        %run_scoped3A = tpu.sem_alloc : memref<!tpu.dma_semaphore, #tpu.memory_space<semaphore_mem>>
        %dma_start3A = arith.constant 0 : i32
        %dma_start3A_184 = arith.constant 0 : i32
        %dma_start3A_185 = tpu.memref_slice %arg9[%dma_start3A, %dma_start3A_184] : memref<64x128xf32, #tpu.memory_space<vmem>> -> memref<56x128xf32, #tpu.memory_space<vmem>>
        %dma_start3A_186 = arith.constant 0 : i32
        %dma_start3A_187 = tpu.memref_slice %arg15[%add3A_156, %dma_start3A_186] : memref<10112x128xf32, #tpu.memory_space<vmem_shared>> -> memref<56x128xf32, #tpu.memory_space<vmem_shared>>
        %dma_start3A_188 = arith.constant 0 : i32
        %dma_start3A_189 = arith.constant 0 : i32
        %dma_start3A_190 = tpu.memref_slice %arg9[%dma_start3A_188, %dma_start3A_189] : memref<64x128xf32, #tpu.memory_space<vmem>> -> memref<56x128xf32, #tpu.memory_space<vmem>>
        %dma_start3A_191 = arith.constant 0 : i32
        %dma_start3A_192 = tpu.memref_slice %arg15[%add3A_156, %dma_start3A_191] : memref<10112x128xf32, #tpu.memory_space<vmem_shared>> -> memref<56x128xf32, #tpu.memory_space<vmem_shared>>
        tpu.enqueue_dma source(%dma_start3A_192 : memref<56x128xf32, #tpu.memory_space<vmem_shared>>) target(%dma_start3A_190 : memref<56x128xf32, #tpu.memory_space<vmem>>) target_semaphore(%run_scoped3A : memref<!tpu.dma_semaphore, #tpu.memory_space<semaphore_mem>>)
        %dma_wait3A = arith.constant 0 : i32
        %dma_wait3A_193 = arith.constant 0 : i32
        %dma_wait3A_194 = tpu.memref_slice %arg9[%dma_wait3A, %dma_wait3A_193] : memref<64x128xf32, #tpu.memory_space<vmem>> -> memref<56x128xf32, #tpu.memory_space<vmem>>
        %dma_wait3A_195 = arith.constant 0 : i32
        %dma_wait3A_196 = tpu.memref_slice %arg15[%add3A_156, %dma_wait3A_195] : memref<10112x128xf32, #tpu.memory_space<vmem_shared>> -> memref<56x128xf32, #tpu.memory_space<vmem_shared>>
        %dma_wait3A_197 = arith.constant 0 : i32
        %dma_wait3A_198 = arith.constant 0 : i32
        %dma_wait3A_199 = tpu.memref_slice %arg9[%dma_wait3A_197, %dma_wait3A_198] : memref<64x128xf32, #tpu.memory_space<vmem>> -> memref<56x128xf32, #tpu.memory_space<vmem>>
        %dma_wait3A_200 = arith.constant 0 : i32
        %dma_wait3A_201 = tpu.memref_slice %arg15[%add3A_156, %dma_wait3A_200] : memref<10112x128xf32, #tpu.memory_space<vmem_shared>> -> memref<56x128xf32, #tpu.memory_space<vmem_shared>>
        tpu.wait_dma2 semaphore(%run_scoped3A : memref<!tpu.dma_semaphore, #tpu.memory_space<semaphore_mem>>) src(%dma_wait3A_201 : memref<56x128xf32, #tpu.memory_space<vmem_shared>>) dst(%dma_wait3A_199 : memref<56x128xf32, #tpu.memory_space<vmem>>)
        tpu.yield
      }) : () -> ()
      %add3A_157 = arith.constant 576 : i32
      %add3A_158 = arith.addi %mul3A_0, %add3A_157 : i32
      "tpu.region"() ({
        %run_scoped3A = tpu.sem_alloc : memref<!tpu.dma_semaphore, #tpu.memory_space<semaphore_mem>>
        %dma_start3A = arith.constant 0 : i32
        %dma_start3A_184 = arith.constant 0 : i32
        %dma_start3A_185 = tpu.memref_slice %arg10[%dma_start3A, %dma_start3A_184] : memref<64x128xf32, #tpu.memory_space<vmem>> -> memref<56x128xf32, #tpu.memory_space<vmem>>
        %dma_start3A_186 = arith.constant 0 : i32
        %dma_start3A_187 = tpu.memref_slice %arg5[%arg0, %add3A_158, %dma_start3A_186] : memref<2x10112x128xf32, #tpu.memory_space<hbm>> -> memref<1x56x128xf32, #tpu.memory_space<hbm>>
        %dma_start3A_188 = tpu.memref_squeeze %dma_start3A_187 : memref<1x56x128xf32, #tpu.memory_space<hbm>> -> memref<56x128xf32, #tpu.memory_space<hbm>>
        %dma_start3A_189 = arith.constant 0 : i32
        %dma_start3A_190 = arith.constant 0 : i32
        %dma_start3A_191 = tpu.memref_slice %arg10[%dma_start3A_189, %dma_start3A_190] : memref<64x128xf32, #tpu.memory_space<vmem>> -> memref<56x128xf32, #tpu.memory_space<vmem>>
        %dma_start3A_192 = arith.constant 0 : i32
        %dma_start3A_193 = tpu.memref_slice %arg5[%arg0, %add3A_158, %dma_start3A_192] : memref<2x10112x128xf32, #tpu.memory_space<hbm>> -> memref<1x56x128xf32, #tpu.memory_space<hbm>>
        %dma_start3A_194 = tpu.memref_squeeze %dma_start3A_193 : memref<1x56x128xf32, #tpu.memory_space<hbm>> -> memref<56x128xf32, #tpu.memory_space<hbm>>
        tpu.enqueue_dma source(%dma_start3A_194 : memref<56x128xf32, #tpu.memory_space<hbm>>) target(%dma_start3A_191 : memref<56x128xf32, #tpu.memory_space<vmem>>) target_semaphore(%run_scoped3A : memref<!tpu.dma_semaphore, #tpu.memory_space<semaphore_mem>>)
        %dma_wait3A = arith.constant 0 : i32
        %dma_wait3A_195 = arith.constant 0 : i32
        %dma_wait3A_196 = tpu.memref_slice %arg10[%dma_wait3A, %dma_wait3A_195] : memref<64x128xf32, #tpu.memory_space<vmem>> -> memref<56x128xf32, #tpu.memory_space<vmem>>
        %dma_wait3A_197 = arith.constant 0 : i32
        %dma_wait3A_198 = tpu.memref_slice %arg5[%arg0, %add3A_158, %dma_wait3A_197] : memref<2x10112x128xf32, #tpu.memory_space<hbm>> -> memref<1x56x128xf32, #tpu.memory_space<hbm>>
        %dma_wait3A_199 = tpu.memref_squeeze %dma_wait3A_198 : memref<1x56x128xf32, #tpu.memory_space<hbm>> -> memref<56x128xf32, #tpu.memory_space<hbm>>
        %dma_wait3A_200 = arith.constant 0 : i32
        %dma_wait3A_201 = arith.constant 0 : i32
        %dma_wait3A_202 = tpu.memref_slice %arg10[%dma_wait3A_200, %dma_wait3A_201] : memref<64x128xf32, #tpu.memory_space<vmem>> -> memref<56x128xf32, #tpu.memory_space<vmem>>
        %dma_wait3A_203 = arith.constant 0 : i32
        %dma_wait3A_204 = tpu.memref_slice %arg5[%arg0, %add3A_158, %dma_wait3A_203] : memref<2x10112x128xf32, #tpu.memory_space<hbm>> -> memref<1x56x128xf32, #tpu.memory_space<hbm>>
        %dma_wait3A_205 = tpu.memref_squeeze %dma_wait3A_204 : memref<1x56x128xf32, #tpu.memory_space<hbm>> -> memref<56x128xf32, #tpu.memory_space<hbm>>
        tpu.wait_dma2 semaphore(%run_scoped3A : memref<!tpu.dma_semaphore, #tpu.memory_space<semaphore_mem>>) src(%dma_wait3A_205 : memref<56x128xf32, #tpu.memory_space<hbm>>) dst(%dma_wait3A_202 : memref<56x128xf32, #tpu.memory_space<vmem>>)
        tpu.yield
      }) : () -> ()
      %scan3A_159 = arith.constant 0 : i32
      %scan3A_160 = arith.constant 56 : i32
      %scan3A_161 = arith.addi %scan3A_159, %scan3A_160 : i32
      %scan3A_162 = arith.constant 1 : i32
      scf.for %scan3A_184 = %scan3A_159 to %scan3A_161 step %scan3A_162  : i32 {
        %mul3A_185 = arith.constant 1 : i32
        %mul3A_186 = arith.muli %scan3A_184, %mul3A_185 : i32
        %add3A_187 = arith.constant 0 : i32
        %add3A_188 = arith.addi %add3A_187, %mul3A_186 : i32
        %add3A_189 = arith.constant 576 : i32
        %add3A_190 = arith.addi %add3A_189, %add3A_188 : i32
        %broadcast_in_dim3A_191 = vector.broadcast %add3A_190 : i32 to vector<16xi32>
        %gather3A = tpu.vector_load_idx %arg13[%broadcast_in_dim3A_191] : memref<632xf32, #tpu.memory_space<vmem>>[vector<16xi32>], vector<16xf32>,
        %gather3A_192 = tpu.vector_load_idx %arg14[%broadcast_in_dim3A_191] : memref<632xf32, #tpu.memory_space<vmem>>[vector<16xi32>], vector<16xf32>,
        %get3A = arith.index_cast %add3A_188 : i32 to index
        %get3A_193 = arith.constant 0 : index
        %get3A_194 = tpu.vector_load %arg9[%get3A, %get3A_193] {strides = array<i32>} : memref<64x128xf32, #tpu.memory_space<vmem>>, vector<16xf32>,
        %get3A_195 = arith.index_cast %add3A_188 : i32 to index
        %get3A_196 = arith.constant 0 : index
        %get3A_197 = tpu.vector_load %arg10[%get3A_195, %get3A_196] {strides = array<i32>} : memref<64x128xf32, #tpu.memory_space<vmem>>, vector<16xf32>,
        %mul3A_198 = arith.mulf %gather3A, %get3A_194 : vector<16xf32>
        %add3A_199 = arith.addf %get3A_197, %mul3A_198 : vector<16xf32>
        %swap3A = arith.index_cast %add3A_188 : i32 to index
        %swap3A_200 = arith.constant 0 : index
        %swap3A_201 = tpu.vector_load %arg10[%swap3A, %swap3A_200] {strides = array<i32>} : memref<64x128xf32, #tpu.memory_space<vmem>>, vector<16xf32>,
        tpu.vector_store %arg10[%swap3A, %swap3A_200], %add3A_199 {strides = array<i32>} : memref<64x128xf32, #tpu.memory_space<vmem>>, vector<16xf32>,
        %mul3A_202 = arith.mulf %gather3A_192, %get3A_194 : vector<16xf32>
        %swap3A_203 = arith.index_cast %add3A_188 : i32 to index
        %swap3A_204 = arith.constant 0 : index
        %swap3A_205 = tpu.vector_load %arg9[%swap3A_203, %swap3A_204] {strides = array<i32>} : memref<64x128xf32, #tpu.memory_space<vmem>>, vector<16xf32>,
        tpu.vector_store %arg9[%swap3A_203, %swap3A_204], %mul3A_202 {strides = array<i32>} : memref<64x128xf32, #tpu.memory_space<vmem>>, vector<16xf32>,
        %get3A_206 = arith.index_cast %add3A_188 : i32 to index
        %get3A_207 = arith.constant 16 : index
        %get3A_208 = tpu.vector_load %arg9[%get3A_206, %get3A_207] {strides = array<i32>} : memref<64x128xf32, #tpu.memory_space<vmem>>, vector<16xf32>,
        %get3A_209 = arith.index_cast %add3A_188 : i32 to index
        %get3A_210 = arith.constant 16 : index
        %get3A_211 = tpu.vector_load %arg10[%get3A_209, %get3A_210] {strides = array<i32>} : memref<64x128xf32, #tpu.memory_space<vmem>>, vector<16xf32>,
        %mul3A_212 = arith.mulf %gather3A, %get3A_208 : vector<16xf32>
        %add3A_213 = arith.addf %get3A_211, %mul3A_212 : vector<16xf32>
        %swap3A_214 = arith.index_cast %add3A_188 : i32 to index
        %swap3A_215 = arith.constant 16 : index
        %swap3A_216 = tpu.vector_load %arg10[%swap3A_214, %swap3A_215] {strides = array<i32>} : memref<64x128xf32, #tpu.memory_space<vmem>>, vector<16xf32>,
        tpu.vector_store %arg10[%swap3A_214, %swap3A_215], %add3A_213 {strides = array<i32>} : memref<64x128xf32, #tpu.memory_space<vmem>>, vector<16xf32>,
        %mul3A_217 = arith.mulf %gather3A_192, %get3A_208 : vector<16xf32>
        %swap3A_218 = arith.index_cast %add3A_188 : i32 to index
        %swap3A_219 = arith.constant 16 : index
        %swap3A_220 = tpu.vector_load %arg9[%swap3A_218, %swap3A_219] {strides = array<i32>} : memref<64x128xf32, #tpu.memory_space<vmem>>, vector<16xf32>,
        tpu.vector_store %arg9[%swap3A_218, %swap3A_219], %mul3A_217 {strides = array<i32>} : memref<64x128xf32, #tpu.memory_space<vmem>>, vector<16xf32>,
        %get3A_221 = arith.index_cast %add3A_188 : i32 to index
        %get3A_222 = arith.constant 32 : index
        %get3A_223 = tpu.vector_load %arg9[%get3A_221, %get3A_222] {strides = array<i32>} : memref<64x128xf32, #tpu.memory_space<vmem>>, vector<16xf32>,
        %get3A_224 = arith.index_cast %add3A_188 : i32 to index
        %get3A_225 = arith.constant 32 : index
        %get3A_226 = tpu.vector_load %arg10[%get3A_224, %get3A_225] {strides = array<i32>} : memref<64x128xf32, #tpu.memory_space<vmem>>, vector<16xf32>,
        %mul3A_227 = arith.mulf %gather3A, %get3A_223 : vector<16xf32>
        %add3A_228 = arith.addf %get3A_226, %mul3A_227 : vector<16xf32>
        %swap3A_229 = arith.index_cast %add3A_188 : i32 to index
        %swap3A_230 = arith.constant 32 : index
        %swap3A_231 = tpu.vector_load %arg10[%swap3A_229, %swap3A_230] {strides = array<i32>} : memref<64x128xf32, #tpu.memory_space<vmem>>, vector<16xf32>,
        tpu.vector_store %arg10[%swap3A_229, %swap3A_230], %add3A_228 {strides = array<i32>} : memref<64x128xf32, #tpu.memory_space<vmem>>, vector<16xf32>,
        %mul3A_232 = arith.mulf %gather3A_192, %get3A_223 : vector<16xf32>
        %swap3A_233 = arith.index_cast %add3A_188 : i32 to index
        %swap3A_234 = arith.constant 32 : index
        %swap3A_235 = tpu.vector_load %arg9[%swap3A_233, %swap3A_234] {strides = array<i32>} : memref<64x128xf32, #tpu.memory_space<vmem>>, vector<16xf32>,
        tpu.vector_store %arg9[%swap3A_233, %swap3A_234], %mul3A_232 {strides = array<i32>} : memref<64x128xf32, #tpu.memory_space<vmem>>, vector<16xf32>,
        %get3A_236 = arith.index_cast %add3A_188 : i32 to index
        %get3A_237 = arith.constant 48 : index
        %get3A_238 = tpu.vector_load %arg9[%get3A_236, %get3A_237] {strides = array<i32>} : memref<64x128xf32, #tpu.memory_space<vmem>>, vector<16xf32>,
        %get3A_239 = arith.index_cast %add3A_188 : i32 to index
        %get3A_240 = arith.constant 48 : index
        %get3A_241 = tpu.vector_load %arg10[%get3A_239, %get3A_240] {strides = array<i32>} : memref<64x128xf32, #tpu.memory_space<vmem>>, vector<16xf32>,
        %mul3A_242 = arith.mulf %gather3A, %get3A_238 : vector<16xf32>
        %add3A_243 = arith.addf %get3A_241, %mul3A_242 : vector<16xf32>
        %swap3A_244 = arith.index_cast %add3A_188 : i32 to index
        %swap3A_245 = arith.constant 48 : index
        %swap3A_246 = tpu.vector_load %arg10[%swap3A_244, %swap3A_245] {strides = array<i32>} : memref<64x128xf32, #tpu.memory_space<vmem>>, vector<16xf32>,
        tpu.vector_store %arg10[%swap3A_244, %swap3A_245], %add3A_243 {strides = array<i32>} : memref<64x128xf32, #tpu.memory_space<vmem>>, vector<16xf32>,
        %mul3A_247 = arith.mulf %gather3A_192, %get3A_238 : vector<16xf32>
        %swap3A_248 = arith.index_cast %add3A_188 : i32 to index
        %swap3A_249 = arith.constant 48 : index
        %swap3A_250 = tpu.vector_load %arg9[%swap3A_248, %swap3A_249] {strides = array<i32>} : memref<64x128xf32, #tpu.memory_space<vmem>>, vector<16xf32>,
        tpu.vector_store %arg9[%swap3A_248, %swap3A_249], %mul3A_247 {strides = array<i32>} : memref<64x128xf32, #tpu.memory_space<vmem>>, vector<16xf32>,
        %get3A_251 = arith.index_cast %add3A_188 : i32 to index
        %get3A_252 = arith.constant 64 : index
        %get3A_253 = tpu.vector_load %arg9[%get3A_251, %get3A_252] {strides = array<i32>} : memref<64x128xf32, #tpu.memory_space<vmem>>, vector<16xf32>,
        %get3A_254 = arith.index_cast %add3A_188 : i32 to index
        %get3A_255 = arith.constant 64 : index
        %get3A_256 = tpu.vector_load %arg10[%get3A_254, %get3A_255] {strides = array<i32>} : memref<64x128xf32, #tpu.memory_space<vmem>>, vector<16xf32>,
        %mul3A_257 = arith.mulf %gather3A, %get3A_253 : vector<16xf32>
        %add3A_258 = arith.addf %get3A_256, %mul3A_257 : vector<16xf32>
        %swap3A_259 = arith.index_cast %add3A_188 : i32 to index
        %swap3A_260 = arith.constant 64 : index
        %swap3A_261 = tpu.vector_load %arg10[%swap3A_259, %swap3A_260] {strides = array<i32>} : memref<64x128xf32, #tpu.memory_space<vmem>>, vector<16xf32>,
        tpu.vector_store %arg10[%swap3A_259, %swap3A_260], %add3A_258 {strides = array<i32>} : memref<64x128xf32, #tpu.memory_space<vmem>>, vector<16xf32>,
        %mul3A_262 = arith.mulf %gather3A_192, %get3A_253 : vector<16xf32>
        %swap3A_263 = arith.index_cast %add3A_188 : i32 to index
        %swap3A_264 = arith.constant 64 : index
        %swap3A_265 = tpu.vector_load %arg9[%swap3A_263, %swap3A_264] {strides = array<i32>} : memref<64x128xf32, #tpu.memory_space<vmem>>, vector<16xf32>,
        tpu.vector_store %arg9[%swap3A_263, %swap3A_264], %mul3A_262 {strides = array<i32>} : memref<64x128xf32, #tpu.memory_space<vmem>>, vector<16xf32>,
        %get3A_266 = arith.index_cast %add3A_188 : i32 to index
        %get3A_267 = arith.constant 80 : index
        %get3A_268 = tpu.vector_load %arg9[%get3A_266, %get3A_267] {strides = array<i32>} : memref<64x128xf32, #tpu.memory_space<vmem>>, vector<16xf32>,
        %get3A_269 = arith.index_cast %add3A_188 : i32 to index
        %get3A_270 = arith.constant 80 : index
        %get3A_271 = tpu.vector_load %arg10[%get3A_269, %get3A_270] {strides = array<i32>} : memref<64x128xf32, #tpu.memory_space<vmem>>, vector<16xf32>,
        %mul3A_272 = arith.mulf %gather3A, %get3A_268 : vector<16xf32>
        %add3A_273 = arith.addf %get3A_271, %mul3A_272 : vector<16xf32>
        %swap3A_274 = arith.index_cast %add3A_188 : i32 to index
        %swap3A_275 = arith.constant 80 : index
        %swap3A_276 = tpu.vector_load %arg10[%swap3A_274, %swap3A_275] {strides = array<i32>} : memref<64x128xf32, #tpu.memory_space<vmem>>, vector<16xf32>,
        tpu.vector_store %arg10[%swap3A_274, %swap3A_275], %add3A_273 {strides = array<i32>} : memref<64x128xf32, #tpu.memory_space<vmem>>, vector<16xf32>,
        %mul3A_277 = arith.mulf %gather3A_192, %get3A_268 : vector<16xf32>
        %swap3A_278 = arith.index_cast %add3A_188 : i32 to index
        %swap3A_279 = arith.constant 80 : index
        %swap3A_280 = tpu.vector_load %arg9[%swap3A_278, %swap3A_279] {strides = array<i32>} : memref<64x128xf32, #tpu.memory_space<vmem>>, vector<16xf32>,
        tpu.vector_store %arg9[%swap3A_278, %swap3A_279], %mul3A_277 {strides = array<i32>} : memref<64x128xf32, #tpu.memory_space<vmem>>, vector<16xf32>,
        %get3A_281 = arith.index_cast %add3A_188 : i32 to index
        %get3A_282 = arith.constant 96 : index
        %get3A_283 = tpu.vector_load %arg9[%get3A_281, %get3A_282] {strides = array<i32>} : memref<64x128xf32, #tpu.memory_space<vmem>>, vector<16xf32>,
        %get3A_284 = arith.index_cast %add3A_188 : i32 to index
        %get3A_285 = arith.constant 96 : index
        %get3A_286 = tpu.vector_load %arg10[%get3A_284, %get3A_285] {strides = array<i32>} : memref<64x128xf32, #tpu.memory_space<vmem>>, vector<16xf32>,
        %mul3A_287 = arith.mulf %gather3A, %get3A_283 : vector<16xf32>
        %add3A_288 = arith.addf %get3A_286, %mul3A_287 : vector<16xf32>
        %swap3A_289 = arith.index_cast %add3A_188 : i32 to index
        %swap3A_290 = arith.constant 96 : index
        %swap3A_291 = tpu.vector_load %arg10[%swap3A_289, %swap3A_290] {strides = array<i32>} : memref<64x128xf32, #tpu.memory_space<vmem>>, vector<16xf32>,
        tpu.vector_store %arg10[%swap3A_289, %swap3A_290], %add3A_288 {strides = array<i32>} : memref<64x128xf32, #tpu.memory_space<vmem>>, vector<16xf32>,
        %mul3A_292 = arith.mulf %gather3A_192, %get3A_283 : vector<16xf32>
        %swap3A_293 = arith.index_cast %add3A_188 : i32 to index
        %swap3A_294 = arith.constant 96 : index
        %swap3A_295 = tpu.vector_load %arg9[%swap3A_293, %swap3A_294] {strides = array<i32>} : memref<64x128xf32, #tpu.memory_space<vmem>>, vector<16xf32>,
        tpu.vector_store %arg9[%swap3A_293, %swap3A_294], %mul3A_292 {strides = array<i32>} : memref<64x128xf32, #tpu.memory_space<vmem>>, vector<16xf32>,
        %get3A_296 = arith.index_cast %add3A_188 : i32 to index
        %get3A_297 = arith.constant 112 : index
        %get3A_298 = tpu.vector_load %arg9[%get3A_296, %get3A_297] {strides = array<i32>} : memref<64x128xf32, #tpu.memory_space<vmem>>, vector<16xf32>,
        %get3A_299 = arith.index_cast %add3A_188 : i32 to index
        %get3A_300 = arith.constant 112 : index
        %get3A_301 = tpu.vector_load %arg10[%get3A_299, %get3A_300] {strides = array<i32>} : memref<64x128xf32, #tpu.memory_space<vmem>>, vector<16xf32>,
        %mul3A_302 = arith.mulf %gather3A, %get3A_298 : vector<16xf32>
        %add3A_303 = arith.addf %get3A_301, %mul3A_302 : vector<16xf32>
        %swap3A_304 = arith.index_cast %add3A_188 : i32 to index
        %swap3A_305 = arith.constant 112 : index
        %swap3A_306 = tpu.vector_load %arg10[%swap3A_304, %swap3A_305] {strides = array<i32>} : memref<64x128xf32, #tpu.memory_space<vmem>>, vector<16xf32>,
        tpu.vector_store %arg10[%swap3A_304, %swap3A_305], %add3A_303 {strides = array<i32>} : memref<64x128xf32, #tpu.memory_space<vmem>>, vector<16xf32>,
        %mul3A_307 = arith.mulf %gather3A_192, %get3A_298 : vector<16xf32>
        %swap3A_308 = arith.index_cast %add3A_188 : i32 to index
        %swap3A_309 = arith.constant 112 : index
        %swap3A_310 = tpu.vector_load %arg9[%swap3A_308, %swap3A_309] {strides = array<i32>} : memref<64x128xf32, #tpu.memory_space<vmem>>, vector<16xf32>,
        tpu.vector_store %arg9[%swap3A_308, %swap3A_309], %mul3A_307 {strides = array<i32>} : memref<64x128xf32, #tpu.memory_space<vmem>>, vector<16xf32>,
      }
      %scan3A_163 = arith.constant 56 : i32
      %add3A_164 = arith.constant 576 : i32
      %add3A_165 = arith.addi %mul3A_0, %add3A_164 : i32
      "tpu.region"() ({
        %run_scoped3A = tpu.sem_alloc : memref<!tpu.dma_semaphore, #tpu.memory_space<semaphore_mem>>
        %dma_start3A = arith.constant 0 : i32
        %dma_start3A_184 = arith.constant 0 : i32
        %dma_start3A_185 = tpu.memref_slice %arg10[%dma_start3A, %dma_start3A_184] : memref<64x128xf32, #tpu.memory_space<vmem>> -> memref<56x128xf32, #tpu.memory_space<vmem>>
        %dma_start3A_186 = arith.constant 0 : i32
        %dma_start3A_187 = tpu.memref_slice %arg5[%arg0, %add3A_165, %dma_start3A_186] : memref<2x10112x128xf32, #tpu.memory_space<hbm>> -> memref<1x56x128xf32, #tpu.memory_space<hbm>>
        %dma_start3A_188 = tpu.memref_squeeze %dma_start3A_187 : memref<1x56x128xf32, #tpu.memory_space<hbm>> -> memref<56x128xf32, #tpu.memory_space<hbm>>
        %dma_start3A_189 = arith.constant 0 : i32
        %dma_start3A_190 = tpu.memref_slice %arg5[%arg0, %add3A_165, %dma_start3A_189] : memref<2x10112x128xf32, #tpu.memory_space<hbm>> -> memref<1x56x128xf32, #tpu.memory_space<hbm>>
        %dma_start3A_191 = tpu.memref_squeeze %dma_start3A_190 : memref<1x56x128xf32, #tpu.memory_space<hbm>> -> memref<56x128xf32, #tpu.memory_space<hbm>>
        %dma_start3A_192 = arith.constant 0 : i32
        %dma_start3A_193 = arith.constant 0 : i32
        %dma_start3A_194 = tpu.memref_slice %arg10[%dma_start3A_192, %dma_start3A_193] : memref<64x128xf32, #tpu.memory_space<vmem>> -> memref<56x128xf32, #tpu.memory_space<vmem>>
        tpu.enqueue_dma source(%dma_start3A_194 : memref<56x128xf32, #tpu.memory_space<vmem>>) target(%dma_start3A_191 : memref<56x128xf32, #tpu.memory_space<hbm>>) target_semaphore(%run_scoped3A : memref<!tpu.dma_semaphore, #tpu.memory_space<semaphore_mem>>)
        %dma_wait3A = arith.constant 0 : i32
        %dma_wait3A_195 = arith.constant 0 : i32
        %dma_wait3A_196 = tpu.memref_slice %arg10[%dma_wait3A, %dma_wait3A_195] : memref<64x128xf32, #tpu.memory_space<vmem>> -> memref<56x128xf32, #tpu.memory_space<vmem>>
        %dma_wait3A_197 = arith.constant 0 : i32
        %dma_wait3A_198 = tpu.memref_slice %arg5[%arg0, %add3A_165, %dma_wait3A_197] : memref<2x10112x128xf32, #tpu.memory_space<hbm>> -> memref<1x56x128xf32, #tpu.memory_space<hbm>>
        %dma_wait3A_199 = tpu.memref_squeeze %dma_wait3A_198 : memref<1x56x128xf32, #tpu.memory_space<hbm>> -> memref<56x128xf32, #tpu.memory_space<hbm>>
        %dma_wait3A_200 = arith.constant 0 : i32
        %dma_wait3A_201 = tpu.memref_slice %arg5[%arg0, %add3A_165, %dma_wait3A_200] : memref<2x10112x128xf32, #tpu.memory_space<hbm>> -> memref<1x56x128xf32, #tpu.memory_space<hbm>>
        %dma_wait3A_202 = tpu.memref_squeeze %dma_wait3A_201 : memref<1x56x128xf32, #tpu.memory_space<hbm>> -> memref<56x128xf32, #tpu.memory_space<hbm>>
        %dma_wait3A_203 = arith.constant 0 : i32
        %dma_wait3A_204 = arith.constant 0 : i32
        %dma_wait3A_205 = tpu.memref_slice %arg10[%dma_wait3A_203, %dma_wait3A_204] : memref<64x128xf32, #tpu.memory_space<vmem>> -> memref<56x128xf32, #tpu.memory_space<vmem>>
        tpu.wait_dma2 semaphore(%run_scoped3A : memref<!tpu.dma_semaphore, #tpu.memory_space<semaphore_mem>>) src(%dma_wait3A_205 : memref<56x128xf32, #tpu.memory_space<vmem>>) dst(%dma_wait3A_202 : memref<56x128xf32, #tpu.memory_space<hbm>>)
        tpu.yield
      }) : () -> ()
      %mul3A_166 = arith.constant 10112 : i32
      %mul3A_167 = arith.muli %arg0, %mul3A_166 : i32
      %add3A_168 = arith.addi %mul3A_167, %mul3A_0 : i32
      %add3A_169 = arith.constant 576 : i32
      %add3A_170 = arith.addi %add3A_168, %add3A_169 : i32
      "tpu.region"() ({
        %run_scoped3A = tpu.sem_alloc : memref<!tpu.dma_semaphore, #tpu.memory_space<semaphore_mem>>
        %dma_start3A = arith.constant 0 : i32
        %dma_start3A_184 = arith.constant 0 : i32
        %dma_start3A_185 = tpu.memref_slice %arg9[%dma_start3A, %dma_start3A_184] : memref<64x128xf32, #tpu.memory_space<vmem>> -> memref<56x128xf32, #tpu.memory_space<vmem>>
        %dma_start3A_186 = arith.constant 0 : i32
        %dma_start3A_187 = tpu.memref_slice %arg6[%add3A_170, %dma_start3A_186] : memref<20224x128xf32, #tpu.memory_space<hbm>> -> memref<56x128xf32, #tpu.memory_space<hbm>>
        %dma_start3A_188 = arith.constant 0 : i32
        %dma_start3A_189 = tpu.memref_slice %arg6[%add3A_170, %dma_start3A_188] : memref<20224x128xf32, #tpu.memory_space<hbm>> -> memref<56x128xf32, #tpu.memory_space<hbm>>
        %dma_start3A_190 = arith.constant 0 : i32
        %dma_start3A_191 = arith.constant 0 : i32
        %dma_start3A_192 = tpu.memref_slice %arg9[%dma_start3A_190, %dma_start3A_191] : memref<64x128xf32, #tpu.memory_space<vmem>> -> memref<56x128xf32, #tpu.memory_space<vmem>>
        tpu.enqueue_dma source(%dma_start3A_192 : memref<56x128xf32, #tpu.memory_space<vmem>>) target(%dma_start3A_189 : memref<56x128xf32, #tpu.memory_space<hbm>>) target_semaphore(%run_scoped3A : memref<!tpu.dma_semaphore, #tpu.memory_space<semaphore_mem>>)
        %dma_wait3A = arith.constant 0 : i32
        %dma_wait3A_193 = arith.constant 0 : i32
        %dma_wait3A_194 = tpu.memref_slice %arg9[%dma_wait3A, %dma_wait3A_193] : memref<64x128xf32, #tpu.memory_space<vmem>> -> memref<56x128xf32, #tpu.memory_space<vmem>>
        %dma_wait3A_195 = arith.constant 0 : i32
        %dma_wait3A_196 = tpu.memref_slice %arg6[%add3A_170, %dma_wait3A_195] : memref<20224x128xf32, #tpu.memory_space<hbm>> -> memref<56x128xf32, #tpu.memory_space<hbm>>
        %dma_wait3A_197 = arith.constant 0 : i32
        %dma_wait3A_198 = tpu.memref_slice %arg6[%add3A_170, %dma_wait3A_197] : memref<20224x128xf32, #tpu.memory_space<hbm>> -> memref<56x128xf32, #tpu.memory_space<hbm>>
        %dma_wait3A_199 = arith.constant 0 : i32
        %dma_wait3A_200 = arith.constant 0 : i32
        %dma_wait3A_201 = tpu.memref_slice %arg9[%dma_wait3A_199, %dma_wait3A_200] : memref<64x128xf32, #tpu.memory_space<vmem>> -> memref<56x128xf32, #tpu.memory_space<vmem>>
        tpu.wait_dma2 semaphore(%run_scoped3A : memref<!tpu.dma_semaphore, #tpu.memory_space<semaphore_mem>>) src(%dma_wait3A_201 : memref<56x128xf32, #tpu.memory_space<vmem>>) dst(%dma_wait3A_198 : memref<56x128xf32, #tpu.memory_space<hbm>>)
        tpu.yield
      }) : () -> ()
      %scan3A_171 = arith.constant 0 : i32
      %scan3A_172 = arith.constant 64 : i32
      %scan3A_173 = arith.addi %scan3A_171, %scan3A_172 : i32
      %scan3A_174 = arith.constant 1 : i32
      scf.for %scan3A_184 = %scan3A_171 to %scan3A_173 step %scan3A_174  : i32 {
        %mul3A_185 = arith.constant 1 : i32
        %mul3A_186 = arith.muli %scan3A_184, %mul3A_185 : i32
        %add3A_187 = arith.constant 0 : i32
        %add3A_188 = arith.addi %add3A_187, %mul3A_186 : i32
        %swap3A = arith.index_cast %add3A_188 : i32 to index
        %swap3A_189 = arith.constant 0 : index
        %swap3A_190 = tpu.vector_load %arg9[%swap3A, %swap3A_189] {strides = array<i32>} : memref<64x128xf32, #tpu.memory_space<vmem>>, vector<16xf32>,
        tpu.vector_store %arg9[%swap3A, %swap3A_189], %broadcast_in_dim3A_1 {strides = array<i32>} : memref<64x128xf32, #tpu.memory_space<vmem>>, vector<16xf32>,
        %swap3A_191 = arith.index_cast %add3A_188 : i32 to index
        %swap3A_192 = arith.constant 16 : index
        %swap3A_193 = tpu.vector_load %arg9[%swap3A_191, %swap3A_192] {strides = array<i32>} : memref<64x128xf32, #tpu.memory_space<vmem>>, vector<16xf32>,
        tpu.vector_store %arg9[%swap3A_191, %swap3A_192], %broadcast_in_dim3A_1 {strides = array<i32>} : memref<64x128xf32, #tpu.memory_space<vmem>>, vector<16xf32>,
        %swap3A_194 = arith.index_cast %add3A_188 : i32 to index
        %swap3A_195 = arith.constant 32 : index
        %swap3A_196 = tpu.vector_load %arg9[%swap3A_194, %swap3A_195] {strides = array<i32>} : memref<64x128xf32, #tpu.memory_space<vmem>>, vector<16xf32>,
        tpu.vector_store %arg9[%swap3A_194, %swap3A_195], %broadcast_in_dim3A_1 {strides = array<i32>} : memref<64x128xf32, #tpu.memory_space<vmem>>, vector<16xf32>,
        %swap3A_197 = arith.index_cast %add3A_188 : i32 to index
        %swap3A_198 = arith.constant 48 : index
        %swap3A_199 = tpu.vector_load %arg9[%swap3A_197, %swap3A_198] {strides = array<i32>} : memref<64x128xf32, #tpu.memory_space<vmem>>, vector<16xf32>,
        tpu.vector_store %arg9[%swap3A_197, %swap3A_198], %broadcast_in_dim3A_1 {strides = array<i32>} : memref<64x128xf32, #tpu.memory_space<vmem>>, vector<16xf32>,
        %swap3A_200 = arith.index_cast %add3A_188 : i32 to index
        %swap3A_201 = arith.constant 64 : index
        %swap3A_202 = tpu.vector_load %arg9[%swap3A_200, %swap3A_201] {strides = array<i32>} : memref<64x128xf32, #tpu.memory_space<vmem>>, vector<16xf32>,
        tpu.vector_store %arg9[%swap3A_200, %swap3A_201], %broadcast_in_dim3A_1 {strides = array<i32>} : memref<64x128xf32, #tpu.memory_space<vmem>>, vector<16xf32>,
        %swap3A_203 = arith.index_cast %add3A_188 : i32 to index
        %swap3A_204 = arith.constant 80 : index
        %swap3A_205 = tpu.vector_load %arg9[%swap3A_203, %swap3A_204] {strides = array<i32>} : memref<64x128xf32, #tpu.memory_space<vmem>>, vector<16xf32>,
        tpu.vector_store %arg9[%swap3A_203, %swap3A_204], %broadcast_in_dim3A_1 {strides = array<i32>} : memref<64x128xf32, #tpu.memory_space<vmem>>, vector<16xf32>,
        %swap3A_206 = arith.index_cast %add3A_188 : i32 to index
        %swap3A_207 = arith.constant 96 : index
        %swap3A_208 = tpu.vector_load %arg9[%swap3A_206, %swap3A_207] {strides = array<i32>} : memref<64x128xf32, #tpu.memory_space<vmem>>, vector<16xf32>,
        tpu.vector_store %arg9[%swap3A_206, %swap3A_207], %broadcast_in_dim3A_1 {strides = array<i32>} : memref<64x128xf32, #tpu.memory_space<vmem>>, vector<16xf32>,
        %swap3A_209 = arith.index_cast %add3A_188 : i32 to index
        %swap3A_210 = arith.constant 112 : index
        %swap3A_211 = tpu.vector_load %arg9[%swap3A_209, %swap3A_210] {strides = array<i32>} : memref<64x128xf32, #tpu.memory_space<vmem>>, vector<16xf32>,
        tpu.vector_store %arg9[%swap3A_209, %swap3A_210], %broadcast_in_dim3A_1 {strides = array<i32>} : memref<64x128xf32, #tpu.memory_space<vmem>>, vector<16xf32>,
      }
      %scan3A_175 = arith.constant 64 : i32
      %scan3A_176 = arith.constant 0 : i32
      %scan3A_177 = arith.constant 9 : i32
      %scan3A_178 = arith.addi %scan3A_176, %scan3A_177 : i32
      %scan3A_179 = arith.constant 1 : i32
      scf.for %scan3A_184 = %scan3A_176 to %scan3A_178 step %scan3A_179  : i32 {
        %mul3A_185 = arith.constant 1 : i32
        %mul3A_186 = arith.muli %scan3A_184, %mul3A_185 : i32
        %add3A_187 = arith.constant 0 : i32
        %add3A_188 = arith.addi %add3A_187, %mul3A_186 : i32
        %mul3A_189 = arith.constant 64 : i32
        %mul3A_190 = arith.muli %add3A_188, %mul3A_189 : i32
        %add3A_191 = arith.addi %mul3A_0, %mul3A_190 : i32
        "tpu.region"() ({
          %run_scoped3A = tpu.sem_alloc : memref<!tpu.dma_semaphore, #tpu.memory_space<semaphore_mem>>
          %dma_start3A = arith.constant 0 : i32
          %dma_start3A_192 = arith.constant 0 : i32
          %dma_start3A_193 = tpu.memref_slice %arg9[%dma_start3A, %dma_start3A_192] : memref<64x128xf32, #tpu.memory_space<vmem>> -> memref<64x128xf32, #tpu.memory_space<vmem>>
          %dma_start3A_194 = arith.constant 0 : i32
          %dma_start3A_195 = tpu.memref_slice %arg15[%add3A_191, %dma_start3A_194] : memref<10112x128xf32, #tpu.memory_space<vmem_shared>> -> memref<64x128xf32, #tpu.memory_space<vmem_shared>>
          %dma_start3A_196 = arith.constant 0 : i32
          %dma_start3A_197 = tpu.memref_slice %arg15[%add3A_191, %dma_start3A_196] : memref<10112x128xf32, #tpu.memory_space<vmem_shared>> -> memref<64x128xf32, #tpu.memory_space<vmem_shared>>
          %dma_start3A_198 = arith.constant 0 : i32
          %dma_start3A_199 = arith.constant 0 : i32
          %dma_start3A_200 = tpu.memref_slice %arg9[%dma_start3A_198, %dma_start3A_199] : memref<64x128xf32, #tpu.memory_space<vmem>> -> memref<64x128xf32, #tpu.memory_space<vmem>>
          tpu.enqueue_dma source(%dma_start3A_200 : memref<64x128xf32, #tpu.memory_space<vmem>>) target(%dma_start3A_197 : memref<64x128xf32, #tpu.memory_space<vmem_shared>>) target_semaphore(%run_scoped3A : memref<!tpu.dma_semaphore, #tpu.memory_space<semaphore_mem>>)
          %dma_wait3A = arith.constant 0 : i32
          %dma_wait3A_201 = arith.constant 0 : i32
          %dma_wait3A_202 = tpu.memref_slice %arg9[%dma_wait3A, %dma_wait3A_201] : memref<64x128xf32, #tpu.memory_space<vmem>> -> memref<64x128xf32, #tpu.memory_space<vmem>>
          %dma_wait3A_203 = arith.constant 0 : i32
          %dma_wait3A_204 = tpu.memref_slice %arg15[%add3A_191, %dma_wait3A_203] : memref<10112x128xf32, #tpu.memory_space<vmem_shared>> -> memref<64x128xf32, #tpu.memory_space<vmem_shared>>
          %dma_wait3A_205 = arith.constant 0 : i32
          %dma_wait3A_206 = tpu.memref_slice %arg15[%add3A_191, %dma_wait3A_205] : memref<10112x128xf32, #tpu.memory_space<vmem_shared>> -> memref<64x128xf32, #tpu.memory_space<vmem_shared>>
          %dma_wait3A_207 = arith.constant 0 : i32
          %dma_wait3A_208 = arith.constant 0 : i32
          %dma_wait3A_209 = tpu.memref_slice %arg9[%dma_wait3A_207, %dma_wait3A_208] : memref<64x128xf32, #tpu.memory_space<vmem>> -> memref<64x128xf32, #tpu.memory_space<vmem>>
          tpu.wait_dma2 semaphore(%run_scoped3A : memref<!tpu.dma_semaphore, #tpu.memory_space<semaphore_mem>>) src(%dma_wait3A_209 : memref<64x128xf32, #tpu.memory_space<vmem>>) dst(%dma_wait3A_206 : memref<64x128xf32, #tpu.memory_space<vmem_shared>>)
          tpu.yield
        }) : () -> ()
      }
      %scan3A_180 = arith.constant 9 : i32
      %add3A_181 = arith.constant 576 : i32
      %add3A_182 = arith.addi %mul3A_0, %add3A_181 : i32
      "tpu.region"() ({
        %run_scoped3A = tpu.sem_alloc : memref<!tpu.dma_semaphore, #tpu.memory_space<semaphore_mem>>
        %dma_start3A = arith.constant 0 : i32
        %dma_start3A_184 = arith.constant 0 : i32
        %dma_start3A_185 = tpu.memref_slice %arg9[%dma_start3A, %dma_start3A_184] : memref<64x128xf32, #tpu.memory_space<vmem>> -> memref<56x128xf32, #tpu.memory_space<vmem>>
        %dma_start3A_186 = arith.constant 0 : i32
        %dma_start3A_187 = tpu.memref_slice %arg15[%add3A_182, %dma_start3A_186] : memref<10112x128xf32, #tpu.memory_space<vmem_shared>> -> memref<56x128xf32, #tpu.memory_space<vmem_shared>>
        %dma_start3A_188 = arith.constant 0 : i32
        %dma_start3A_189 = tpu.memref_slice %arg15[%add3A_182, %dma_start3A_188] : memref<10112x128xf32, #tpu.memory_space<vmem_shared>> -> memref<56x128xf32, #tpu.memory_space<vmem_shared>>
        %dma_start3A_190 = arith.constant 0 : i32
        %dma_start3A_191 = arith.constant 0 : i32
        %dma_start3A_192 = tpu.memref_slice %arg9[%dma_start3A_190, %dma_start3A_191] : memref<64x128xf32, #tpu.memory_space<vmem>> -> memref<56x128xf32, #tpu.memory_space<vmem>>
        tpu.enqueue_dma source(%dma_start3A_192 : memref<56x128xf32, #tpu.memory_space<vmem>>) target(%dma_start3A_189 : memref<56x128xf32, #tpu.memory_space<vmem_shared>>) target_semaphore(%run_scoped3A : memref<!tpu.dma_semaphore, #tpu.memory_space<semaphore_mem>>)
        %dma_wait3A = arith.constant 0 : i32
        %dma_wait3A_193 = arith.constant 0 : i32
        %dma_wait3A_194 = tpu.memref_slice %arg9[%dma_wait3A, %dma_wait3A_193] : memref<64x128xf32, #tpu.memory_space<vmem>> -> memref<56x128xf32, #tpu.memory_space<vmem>>
        %dma_wait3A_195 = arith.constant 0 : i32
        %dma_wait3A_196 = tpu.memref_slice %arg15[%add3A_182, %dma_wait3A_195] : memref<10112x128xf32, #tpu.memory_space<vmem_shared>> -> memref<56x128xf32, #tpu.memory_space<vmem_shared>>
        %dma_wait3A_197 = arith.constant 0 : i32
        %dma_wait3A_198 = tpu.memref_slice %arg15[%add3A_182, %dma_wait3A_197] : memref<10112x128xf32, #tpu.memory_space<vmem_shared>> -> memref<56x128xf32, #tpu.memory_space<vmem_shared>>
        %dma_wait3A_199 = arith.constant 0 : i32
        %dma_wait3A_200 = arith.constant 0 : i32
        %dma_wait3A_201 = tpu.memref_slice %arg9[%dma_wait3A_199, %dma_wait3A_200] : memref<64x128xf32, #tpu.memory_space<vmem>> -> memref<56x128xf32, #tpu.memory_space<vmem>>
        tpu.wait_dma2 semaphore(%run_scoped3A : memref<!tpu.dma_semaphore, #tpu.memory_space<semaphore_mem>>) src(%dma_wait3A_201 : memref<56x128xf32, #tpu.memory_space<vmem>>) dst(%dma_wait3A_198 : memref<56x128xf32, #tpu.memory_space<vmem_shared>>)
        tpu.yield
      }) : () -> ()
      %barrier3A_183 = arith.constant 0 : index
      tpu.barrier barrier_id(%barrier3A_183)
    }
    %scan3A_112 = arith.constant 3 : i32
    %mul3A_113 = arith.constant 10112 : i32
    %mul3A_114 = arith.muli %arg0, %mul3A_113 : i32
    %scan3A_115 = arith.constant 0 : i32
    %scan3A_116 = arith.constant 5 : i32
    %scan3A_117 = arith.addi %scan3A_115, %scan3A_116 : i32
    %scan3A_118 = arith.constant 1 : i32
    scf.for %scan3A_137 = %scan3A_115 to %scan3A_117 step %scan3A_118  : i32 {
      %mul3A_138 = arith.constant 1 : i32
      %mul3A_139 = arith.muli %scan3A_137, %mul3A_138 : i32
      %add3A_140 = arith.constant 0 : i32
      %add3A_141 = arith.addi %add3A_140, %mul3A_139 : i32
      %mul3A_142 = arith.constant 320 : i32
      %mul3A_143 = arith.muli %arg1, %mul3A_142 : i32
      %mul3A_144 = arith.constant 64 : i32
      %mul3A_145 = arith.muli %add3A_141, %mul3A_144 : i32
      %add3A_146 = arith.addi %mul3A_143, %mul3A_145 : i32
      "tpu.region"() ({
        %run_scoped3A_183 = tpu.sem_alloc : memref<!tpu.dma_semaphore, #tpu.memory_space<semaphore_mem>>
        %dma_start3A_184 = arith.constant 0 : i32
        %dma_start3A_185 = tpu.memref_slice %arg3[%add3A_146, %dma_start3A_184] : memref<5120x64xi32, #tpu.memory_space<hbm>> -> memref<64x64xi32, #tpu.memory_space<hbm>>
        %dma_start3A_186 = arith.constant 0 : i32
        %dma_start3A_187 = tpu.memref_slice %arg3[%add3A_146, %dma_start3A_186] : memref<5120x64xi32, #tpu.memory_space<hbm>> -> memref<64x64xi32, #tpu.memory_space<hbm>>
        tpu.enqueue_dma source(%dma_start3A_187 : memref<64x64xi32, #tpu.memory_space<hbm>>) target(%arg7 : memref<64x64xi32, #tpu.memory_space<vmem>>) target_semaphore(%run_scoped3A_183 : memref<!tpu.dma_semaphore, #tpu.memory_space<semaphore_mem>>)
        %dma_wait3A_188 = arith.constant 0 : i32
        %dma_wait3A_189 = tpu.memref_slice %arg3[%add3A_146, %dma_wait3A_188] : memref<5120x64xi32, #tpu.memory_space<hbm>> -> memref<64x64xi32, #tpu.memory_space<hbm>>
        %dma_wait3A_190 = arith.constant 0 : i32
        %dma_wait3A_191 = tpu.memref_slice %arg3[%add3A_146, %dma_wait3A_190] : memref<5120x64xi32, #tpu.memory_space<hbm>> -> memref<64x64xi32, #tpu.memory_space<hbm>>
        tpu.wait_dma2 semaphore(%run_scoped3A_183 : memref<!tpu.dma_semaphore, #tpu.memory_space<semaphore_mem>>) src(%dma_wait3A_191 : memref<64x64xi32, #tpu.memory_space<hbm>>) dst(%arg7 : memref<64x64xi32, #tpu.memory_space<vmem>>)
        tpu.yield
      }) : () -> ()
      "tpu.region"() ({
        %run_scoped3A_183 = tpu.sem_alloc : memref<!tpu.dma_semaphore, #tpu.memory_space<semaphore_mem>>
        %dma_start3A_184 = arith.constant 0 : i32
        %dma_start3A_185 = tpu.memref_slice %arg4[%add3A_146, %dma_start3A_184] : memref<5120x64xi32, #tpu.memory_space<hbm>> -> memref<64x64xi32, #tpu.memory_space<hbm>>
        %dma_start3A_186 = arith.constant 0 : i32
        %dma_start3A_187 = tpu.memref_slice %arg4[%add3A_146, %dma_start3A_186] : memref<5120x64xi32, #tpu.memory_space<hbm>> -> memref<64x64xi32, #tpu.memory_space<hbm>>
        tpu.enqueue_dma source(%dma_start3A_187 : memref<64x64xi32, #tpu.memory_space<hbm>>) target(%arg8 : memref<64x64xi32, #tpu.memory_space<vmem>>) target_semaphore(%run_scoped3A_183 : memref<!tpu.dma_semaphore, #tpu.memory_space<semaphore_mem>>)
        %dma_wait3A_188 = arith.constant 0 : i32
        %dma_wait3A_189 = tpu.memref_slice %arg4[%add3A_146, %dma_wait3A_188] : memref<5120x64xi32, #tpu.memory_space<hbm>> -> memref<64x64xi32, #tpu.memory_space<hbm>>
        %dma_wait3A_190 = arith.constant 0 : i32
        %dma_wait3A_191 = tpu.memref_slice %arg4[%add3A_146, %dma_wait3A_190] : memref<5120x64xi32, #tpu.memory_space<hbm>> -> memref<64x64xi32, #tpu.memory_space<hbm>>
        tpu.wait_dma2 semaphore(%run_scoped3A_183 : memref<!tpu.dma_semaphore, #tpu.memory_space<semaphore_mem>>) src(%dma_wait3A_191 : memref<64x64xi32, #tpu.memory_space<hbm>>) dst(%arg8 : memref<64x64xi32, #tpu.memory_space<vmem>>)
        tpu.yield
      }) : () -> ()
      %scan3A_147 = arith.constant 0 : i32
      %scan3A_148 = arith.constant 64 : i32
      %scan3A_149 = arith.addi %scan3A_147, %scan3A_148 : i32
      %scan3A_150 = arith.constant 1 : i32
      scf.for %scan3A_183 = %scan3A_147 to %scan3A_149 step %scan3A_150  : i32 {
        %mul3A_184 = arith.constant 1 : i32
        %mul3A_185 = arith.muli %scan3A_183, %mul3A_184 : i32
        %add3A_186 = arith.constant 0 : i32
        %add3A_187 = arith.addi %add3A_186, %mul3A_185 : i32
        %get3A = arith.index_cast %add3A_187 : i32 to index
        %get3A_188 = arith.constant 0 : index
        %get3A_189 = tpu.vector_load %arg7[%get3A, %get3A_188] {strides = array<i32>} : memref<64x64xi32, #tpu.memory_space<vmem>>, vector<16xi32>,
        %add3A_190 = vector.broadcast %mul3A_114 : i32 to vector<16xi32>
        %add3A_191 = arith.addi %get3A_189, %add3A_190 : vector<16xi32>
        %swap3A = arith.index_cast %add3A_187 : i32 to index
        %swap3A_192 = arith.constant 0 : index
        %swap3A_193 = tpu.vector_load %arg7[%swap3A, %swap3A_192] {strides = array<i32>} : memref<64x64xi32, #tpu.memory_space<vmem>>, vector<16xi32>,
        tpu.vector_store %arg7[%swap3A, %swap3A_192], %add3A_191 {strides = array<i32>} : memref<64x64xi32, #tpu.memory_space<vmem>>, vector<16xi32>,
        %get3A_194 = arith.index_cast %add3A_187 : i32 to index
        %get3A_195 = arith.constant 16 : index
        %get3A_196 = tpu.vector_load %arg7[%get3A_194, %get3A_195] {strides = array<i32>} : memref<64x64xi32, #tpu.memory_space<vmem>>, vector<16xi32>,
        %add3A_197 = vector.broadcast %mul3A_114 : i32 to vector<16xi32>
        %add3A_198 = arith.addi %get3A_196, %add3A_197 : vector<16xi32>
        %swap3A_199 = arith.index_cast %add3A_187 : i32 to index
        %swap3A_200 = arith.constant 16 : index
        %swap3A_201 = tpu.vector_load %arg7[%swap3A_199, %swap3A_200] {strides = array<i32>} : memref<64x64xi32, #tpu.memory_space<vmem>>, vector<16xi32>,
        tpu.vector_store %arg7[%swap3A_199, %swap3A_200], %add3A_198 {strides = array<i32>} : memref<64x64xi32, #tpu.memory_space<vmem>>, vector<16xi32>,
        %get3A_202 = arith.index_cast %add3A_187 : i32 to index
        %get3A_203 = arith.constant 32 : index
        %get3A_204 = tpu.vector_load %arg7[%get3A_202, %get3A_203] {strides = array<i32>} : memref<64x64xi32, #tpu.memory_space<vmem>>, vector<16xi32>,
        %add3A_205 = vector.broadcast %mul3A_114 : i32 to vector<16xi32>
        %add3A_206 = arith.addi %get3A_204, %add3A_205 : vector<16xi32>
        %swap3A_207 = arith.index_cast %add3A_187 : i32 to index
        %swap3A_208 = arith.constant 32 : index
        %swap3A_209 = tpu.vector_load %arg7[%swap3A_207, %swap3A_208] {strides = array<i32>} : memref<64x64xi32, #tpu.memory_space<vmem>>, vector<16xi32>,
        tpu.vector_store %arg7[%swap3A_207, %swap3A_208], %add3A_206 {strides = array<i32>} : memref<64x64xi32, #tpu.memory_space<vmem>>, vector<16xi32>,
        %get3A_210 = arith.index_cast %add3A_187 : i32 to index
        %get3A_211 = arith.constant 48 : index
        %get3A_212 = tpu.vector_load %arg7[%get3A_210, %get3A_211] {strides = array<i32>} : memref<64x64xi32, #tpu.memory_space<vmem>>, vector<16xi32>,
        %add3A_213 = vector.broadcast %mul3A_114 : i32 to vector<16xi32>
        %add3A_214 = arith.addi %get3A_212, %add3A_213 : vector<16xi32>
        %swap3A_215 = arith.index_cast %add3A_187 : i32 to index
        %swap3A_216 = arith.constant 48 : index
        %swap3A_217 = tpu.vector_load %arg7[%swap3A_215, %swap3A_216] {strides = array<i32>} : memref<64x64xi32, #tpu.memory_space<vmem>>, vector<16xi32>,
        tpu.vector_store %arg7[%swap3A_215, %swap3A_216], %add3A_214 {strides = array<i32>} : memref<64x64xi32, #tpu.memory_space<vmem>>, vector<16xi32>,
      }
      %scan3A_151 = arith.constant 64 : i32
      %dma_start3A = arith.constant 0 : i32
      %dma_start3A_152 = arith.constant 0 : i32
      %dma_start3A_153 = tpu.memref_slice %arg7[%dma_start3A, %dma_start3A_152] : memref<64x64xi32, #tpu.memory_space<vmem>> -> memref<1x64xi32, #tpu.memory_space<vmem>>
      %dma_start3A_154 = tpu.memref_squeeze %dma_start3A_153 : memref<1x64xi32, #tpu.memory_space<vmem>> -> memref<64xi32, #tpu.memory_space<vmem>>
      %dma_start3A_155 = arith.constant 0 : i32
      %dma_start3A_156 = arith.constant 0 : i32
      %dma_start3A_157 = tpu.memref_slice %arg6[%dma_start3A_155, %dma_start3A_156] : memref<20224x128xf32, #tpu.memory_space<hbm>> -> memref<20224x128xf32, #tpu.memory_space<hbm>>
      tpu.enqueue_indirect_dma source(%dma_start3A_157 : memref<20224x128xf32, #tpu.memory_space<hbm>>) target(%arg9 : memref<64x128xf32, #tpu.memory_space<vmem>>) offsets(%dma_start3A_154 : memref<64xi32, #tpu.memory_space<vmem>>) semaphore(%arg16 : memref<!tpu.dma_semaphore, #tpu.memory_space<semaphore_mem>>)
      %dma_start3A_158 = arith.constant 1 : i32
      %dma_start3A_159 = arith.constant 0 : i32
      %dma_start3A_160 = tpu.memref_slice %arg7[%dma_start3A_158, %dma_start3A_159] : memref<64x64xi32, #tpu.memory_space<vmem>> -> memref<1x64xi32, #tpu.memory_space<vmem>>
      %dma_start3A_161 = tpu.memref_squeeze %dma_start3A_160 : memref<1x64xi32, #tpu.memory_space<vmem>> -> memref<64xi32, #tpu.memory_space<vmem>>
      %dma_start3A_162 = arith.constant 0 : i32
      %dma_start3A_163 = arith.constant 0 : i32
      %dma_start3A_164 = tpu.memref_slice %arg6[%dma_start3A_162, %dma_start3A_163] : memref<20224x128xf32, #tpu.memory_space<hbm>> -> memref<20224x128xf32, #tpu.memory_space<hbm>>
      tpu.enqueue_indirect_dma source(%dma_start3A_164 : memref<20224x128xf32, #tpu.memory_space<hbm>>) target(%arg10 : memref<64x128xf32, #tpu.memory_space<vmem>>) offsets(%dma_start3A_161 : memref<64xi32, #tpu.memory_space<vmem>>) semaphore(%arg17 : memref<!tpu.dma_semaphore, #tpu.memory_space<semaphore_mem>>)
      %dma_start3A_165 = arith.constant 2 : i32
      %dma_start3A_166 = arith.constant 0 : i32
      %dma_start3A_167 = tpu.memref_slice %arg7[%dma_start3A_165, %dma_start3A_166] : memref<64x64xi32, #tpu.memory_space<vmem>> -> memref<1x64xi32, #tpu.memory_space<vmem>>
      %dma_start3A_168 = tpu.memref_squeeze %dma_start3A_167 : memref<1x64xi32, #tpu.memory_space<vmem>> -> memref<64xi32, #tpu.memory_space<vmem>>
      %dma_start3A_169 = arith.constant 0 : i32
      %dma_start3A_170 = arith.constant 0 : i32
      %dma_start3A_171 = tpu.memref_slice %arg6[%dma_start3A_169, %dma_start3A_170] : memref<20224x128xf32, #tpu.memory_space<hbm>> -> memref<20224x128xf32, #tpu.memory_space<hbm>>
      tpu.enqueue_indirect_dma source(%dma_start3A_171 : memref<20224x128xf32, #tpu.memory_space<hbm>>) target(%arg11 : memref<64x128xf32, #tpu.memory_space<vmem>>) offsets(%dma_start3A_168 : memref<64xi32, #tpu.memory_space<vmem>>) semaphore(%arg18 : memref<!tpu.dma_semaphore, #tpu.memory_space<semaphore_mem>>)
      %scan3A_172 = arith.constant 0 : i32
      %scan3A_173 = arith.constant 21 : i32
      %scan3A_174 = arith.addi %scan3A_172, %scan3A_173 : i32
      %scan3A_175 = arith.constant 1 : i32
      scf.for %scan3A_183 = %scan3A_172 to %scan3A_174 step %scan3A_175  : i32 {
        %mul3A_184 = arith.constant 3 : i32
        %mul3A_185 = arith.muli %scan3A_183, %mul3A_184 : i32
        %add3A_186 = arith.constant 0 : i32
        %add3A_187 = arith.addi %add3A_186, %mul3A_185 : i32
        %add3A_188 = arith.constant 0 : i32
        %add3A_189 = arith.addi %add3A_187, %add3A_188 : i32
        %dma_wait3A_190 = arith.constant 0 : i32
        %dma_wait3A_191 = tpu.memref_slice %arg7[%add3A_189, %dma_wait3A_190] : memref<64x64xi32, #tpu.memory_space<vmem>> -> memref<1x64xi32, #tpu.memory_space<vmem>>
        %dma_wait3A_192 = tpu.memref_squeeze %dma_wait3A_191 : memref<1x64xi32, #tpu.memory_space<vmem>> -> memref<64xi32, #tpu.memory_space<vmem>>
        %dma_wait3A_193 = arith.constant 0 : i32
        %dma_wait3A_194 = arith.constant 0 : i32
        %dma_wait3A_195 = tpu.memref_slice %arg6[%dma_wait3A_193, %dma_wait3A_194] : memref<20224x128xf32, #tpu.memory_space<hbm>> -> memref<20224x128xf32, #tpu.memory_space<hbm>>
        tpu.wait_indirect_dma semaphore(%arg16 : memref<!tpu.dma_semaphore, #tpu.memory_space<semaphore_mem>>) src(%dma_wait3A_195 : memref<20224x128xf32, #tpu.memory_space<hbm>>) dst(%arg9 : memref<64x128xf32, #tpu.memory_space<vmem>>)
        "tpu.region"() ({
          %run_scoped3A_230 = tpu.sem_alloc : memref<!tpu.dma_semaphore, #tpu.memory_space<semaphore_mem>>
          %dma_start3A_231 = arith.constant 0 : i32
          %dma_start3A_232 = tpu.memref_slice %arg8[%add3A_189, %dma_start3A_231] : memref<64x64xi32, #tpu.memory_space<vmem>> -> memref<1x64xi32, #tpu.memory_space<vmem>>
          %dma_start3A_233 = tpu.memref_squeeze %dma_start3A_232 : memref<1x64xi32, #tpu.memory_space<vmem>> -> memref<64xi32, #tpu.memory_space<vmem>>
          %dma_start3A_234 = arith.constant 0 : i32
          %dma_start3A_235 = arith.constant 0 : i32
          %dma_start3A_236 = tpu.memref_slice %arg15[%dma_start3A_234, %dma_start3A_235] : memref<10112x128xf32, #tpu.memory_space<vmem_shared>> -> memref<10112x128xf32, #tpu.memory_space<vmem_shared>>
          tpu.enqueue_indirect_dma source(%arg9 : memref<64x128xf32, #tpu.memory_space<vmem>>) target(%dma_start3A_236 : memref<10112x128xf32, #tpu.memory_space<vmem_shared>>) offsets(%dma_start3A_233 : memref<64xi32, #tpu.memory_space<vmem>>) semaphore(%run_scoped3A_230 : memref<!tpu.dma_semaphore, #tpu.memory_space<semaphore_mem>>) {add = true}
          %dma_wait3A_237 = arith.constant 0 : i32
          %dma_wait3A_238 = tpu.memref_slice %arg8[%add3A_189, %dma_wait3A_237] : memref<64x64xi32, #tpu.memory_space<vmem>> -> memref<1x64xi32, #tpu.memory_space<vmem>>
          %dma_wait3A_239 = tpu.memref_squeeze %dma_wait3A_238 : memref<1x64xi32, #tpu.memory_space<vmem>> -> memref<64xi32, #tpu.memory_space<vmem>>
          %dma_wait3A_240 = arith.constant 0 : i32
          %dma_wait3A_241 = arith.constant 0 : i32
          %dma_wait3A_242 = tpu.memref_slice %arg15[%dma_wait3A_240, %dma_wait3A_241] : memref<10112x128xf32, #tpu.memory_space<vmem_shared>> -> memref<10112x128xf32, #tpu.memory_space<vmem_shared>>
          tpu.wait_indirect_dma semaphore(%run_scoped3A_230 : memref<!tpu.dma_semaphore, #tpu.memory_space<semaphore_mem>>) src(%arg9 : memref<64x128xf32, #tpu.memory_space<vmem>>) dst(%dma_wait3A_242 : memref<10112x128xf32, #tpu.memory_space<vmem_shared>>)
          tpu.yield
        }) : () -> ()
        %add3A_196 = arith.constant 3 : i32
        %add3A_197 = arith.addi %add3A_189, %add3A_196 : i32
        %lt3A = arith.constant 64 : i32
        %lt3A_198 = arith.cmpi slt, %add3A_197, %lt3A : i32
        %convert_element_type3A = arith.extui %lt3A_198 : i1 to i32
        %cond3A = arith.constant 0 : i32
        %cond3A_199 = arith.cmpi ne, %convert_element_type3A, %cond3A : i32
        scf.if %cond3A_199 {
          %add3A_230 = arith.constant 3 : i32
          %add3A_231 = arith.addi %add3A_189, %add3A_230 : i32
          %dma_start3A_232 = arith.constant 0 : i32
          %dma_start3A_233 = tpu.memref_slice %arg7[%add3A_231, %dma_start3A_232] : memref<64x64xi32, #tpu.memory_space<vmem>> -> memref<1x64xi32, #tpu.memory_space<vmem>>
          %dma_start3A_234 = tpu.memref_squeeze %dma_start3A_233 : memref<1x64xi32, #tpu.memory_space<vmem>> -> memref<64xi32, #tpu.memory_space<vmem>>
          %dma_start3A_235 = arith.constant 0 : i32
          %dma_start3A_236 = arith.constant 0 : i32
          %dma_start3A_237 = tpu.memref_slice %arg6[%dma_start3A_235, %dma_start3A_236] : memref<20224x128xf32, #tpu.memory_space<hbm>> -> memref<20224x128xf32, #tpu.memory_space<hbm>>
          tpu.enqueue_indirect_dma source(%dma_start3A_237 : memref<20224x128xf32, #tpu.memory_space<hbm>>) target(%arg9 : memref<64x128xf32, #tpu.memory_space<vmem>>) offsets(%dma_start3A_234 : memref<64xi32, #tpu.memory_space<vmem>>) semaphore(%arg16 : memref<!tpu.dma_semaphore, #tpu.memory_space<semaphore_mem>>)
        } else {
        }
        %add3A_200 = arith.constant 1 : i32
        %add3A_201 = arith.addi %add3A_187, %add3A_200 : i32
        %dma_wait3A_202 = arith.constant 0 : i32
        %dma_wait3A_203 = tpu.memref_slice %arg7[%add3A_201, %dma_wait3A_202] : memref<64x64xi32, #tpu.memory_space<vmem>> -> memref<1x64xi32, #tpu.memory_space<vmem>>
        %dma_wait3A_204 = tpu.memref_squeeze %dma_wait3A_203 : memref<1x64xi32, #tpu.memory_space<vmem>> -> memref<64xi32, #tpu.memory_space<vmem>>
        %dma_wait3A_205 = arith.constant 0 : i32
        %dma_wait3A_206 = arith.constant 0 : i32
        %dma_wait3A_207 = tpu.memref_slice %arg6[%dma_wait3A_205, %dma_wait3A_206] : memref<20224x128xf32, #tpu.memory_space<hbm>> -> memref<20224x128xf32, #tpu.memory_space<hbm>>
        tpu.wait_indirect_dma semaphore(%arg17 : memref<!tpu.dma_semaphore, #tpu.memory_space<semaphore_mem>>) src(%dma_wait3A_207 : memref<20224x128xf32, #tpu.memory_space<hbm>>) dst(%arg10 : memref<64x128xf32, #tpu.memory_space<vmem>>)
        "tpu.region"() ({
          %run_scoped3A_230 = tpu.sem_alloc : memref<!tpu.dma_semaphore, #tpu.memory_space<semaphore_mem>>
          %dma_start3A_231 = arith.constant 0 : i32
          %dma_start3A_232 = tpu.memref_slice %arg8[%add3A_201, %dma_start3A_231] : memref<64x64xi32, #tpu.memory_space<vmem>> -> memref<1x64xi32, #tpu.memory_space<vmem>>
          %dma_start3A_233 = tpu.memref_squeeze %dma_start3A_232 : memref<1x64xi32, #tpu.memory_space<vmem>> -> memref<64xi32, #tpu.memory_space<vmem>>
          %dma_start3A_234 = arith.constant 0 : i32
          %dma_start3A_235 = arith.constant 0 : i32
          %dma_start3A_236 = tpu.memref_slice %arg15[%dma_start3A_234, %dma_start3A_235] : memref<10112x128xf32, #tpu.memory_space<vmem_shared>> -> memref<10112x128xf32, #tpu.memory_space<vmem_shared>>
          tpu.enqueue_indirect_dma source(%arg10 : memref<64x128xf32, #tpu.memory_space<vmem>>) target(%dma_start3A_236 : memref<10112x128xf32, #tpu.memory_space<vmem_shared>>) offsets(%dma_start3A_233 : memref<64xi32, #tpu.memory_space<vmem>>) semaphore(%run_scoped3A_230 : memref<!tpu.dma_semaphore, #tpu.memory_space<semaphore_mem>>) {add = true}
          %dma_wait3A_237 = arith.constant 0 : i32
          %dma_wait3A_238 = tpu.memref_slice %arg8[%add3A_201, %dma_wait3A_237] : memref<64x64xi32, #tpu.memory_space<vmem>> -> memref<1x64xi32, #tpu.memory_space<vmem>>
          %dma_wait3A_239 = tpu.memref_squeeze %dma_wait3A_238 : memref<1x64xi32, #tpu.memory_space<vmem>> -> memref<64xi32, #tpu.memory_space<vmem>>
          %dma_wait3A_240 = arith.constant 0 : i32
          %dma_wait3A_241 = arith.constant 0 : i32
          %dma_wait3A_242 = tpu.memref_slice %arg15[%dma_wait3A_240, %dma_wait3A_241] : memref<10112x128xf32, #tpu.memory_space<vmem_shared>> -> memref<10112x128xf32, #tpu.memory_space<vmem_shared>>
          tpu.wait_indirect_dma semaphore(%run_scoped3A_230 : memref<!tpu.dma_semaphore, #tpu.memory_space<semaphore_mem>>) src(%arg10 : memref<64x128xf32, #tpu.memory_space<vmem>>) dst(%dma_wait3A_242 : memref<10112x128xf32, #tpu.memory_space<vmem_shared>>)
          tpu.yield
        }) : () -> ()
        %add3A_208 = arith.constant 3 : i32
        %add3A_209 = arith.addi %add3A_201, %add3A_208 : i32
        %lt3A_210 = arith.constant 64 : i32
        %lt3A_211 = arith.cmpi slt, %add3A_209, %lt3A_210 : i32
        %convert_element_type3A_212 = arith.extui %lt3A_211 : i1 to i32
        %cond3A_213 = arith.constant 0 : i32
        %cond3A_214 = arith.cmpi ne, %convert_element_type3A_212, %cond3A_213 : i32
        scf.if %cond3A_214 {
          %add3A_230 = arith.constant 3 : i32
          %add3A_231 = arith.addi %add3A_201, %add3A_230 : i32
          %dma_start3A_232 = arith.constant 0 : i32
          %dma_start3A_233 = tpu.memref_slice %arg7[%add3A_231, %dma_start3A_232] : memref<64x64xi32, #tpu.memory_space<vmem>> -> memref<1x64xi32, #tpu.memory_space<vmem>>
          %dma_start3A_234 = tpu.memref_squeeze %dma_start3A_233 : memref<1x64xi32, #tpu.memory_space<vmem>> -> memref<64xi32, #tpu.memory_space<vmem>>
          %dma_start3A_235 = arith.constant 0 : i32
          %dma_start3A_236 = arith.constant 0 : i32
          %dma_start3A_237 = tpu.memref_slice %arg6[%dma_start3A_235, %dma_start3A_236] : memref<20224x128xf32, #tpu.memory_space<hbm>> -> memref<20224x128xf32, #tpu.memory_space<hbm>>
          tpu.enqueue_indirect_dma source(%dma_start3A_237 : memref<20224x128xf32, #tpu.memory_space<hbm>>) target(%arg10 : memref<64x128xf32, #tpu.memory_space<vmem>>) offsets(%dma_start3A_234 : memref<64xi32, #tpu.memory_space<vmem>>) semaphore(%arg17 : memref<!tpu.dma_semaphore, #tpu.memory_space<semaphore_mem>>)
        } else {
        }
        %add3A_215 = arith.constant 2 : i32
        %add3A_216 = arith.addi %add3A_187, %add3A_215 : i32
        %dma_wait3A_217 = arith.constant 0 : i32
        %dma_wait3A_218 = tpu.memref_slice %arg7[%add3A_216, %dma_wait3A_217] : memref<64x64xi32, #tpu.memory_space<vmem>> -> memref<1x64xi32, #tpu.memory_space<vmem>>
        %dma_wait3A_219 = tpu.memref_squeeze %dma_wait3A_218 : memref<1x64xi32, #tpu.memory_space<vmem>> -> memref<64xi32, #tpu.memory_space<vmem>>
        %dma_wait3A_220 = arith.constant 0 : i32
        %dma_wait3A_221 = arith.constant 0 : i32
        %dma_wait3A_222 = tpu.memref_slice %arg6[%dma_wait3A_220, %dma_wait3A_221] : memref<20224x128xf32, #tpu.memory_space<hbm>> -> memref<20224x128xf32, #tpu.memory_space<hbm>>
        tpu.wait_indirect_dma semaphore(%arg18 : memref<!tpu.dma_semaphore, #tpu.memory_space<semaphore_mem>>) src(%dma_wait3A_222 : memref<20224x128xf32, #tpu.memory_space<hbm>>) dst(%arg11 : memref<64x128xf32, #tpu.memory_space<vmem>>)
        "tpu.region"() ({
          %run_scoped3A_230 = tpu.sem_alloc : memref<!tpu.dma_semaphore, #tpu.memory_space<semaphore_mem>>
          %dma_start3A_231 = arith.constant 0 : i32
          %dma_start3A_232 = tpu.memref_slice %arg8[%add3A_216, %dma_start3A_231] : memref<64x64xi32, #tpu.memory_space<vmem>> -> memref<1x64xi32, #tpu.memory_space<vmem>>
          %dma_start3A_233 = tpu.memref_squeeze %dma_start3A_232 : memref<1x64xi32, #tpu.memory_space<vmem>> -> memref<64xi32, #tpu.memory_space<vmem>>
          %dma_start3A_234 = arith.constant 0 : i32
          %dma_start3A_235 = arith.constant 0 : i32
          %dma_start3A_236 = tpu.memref_slice %arg15[%dma_start3A_234, %dma_start3A_235] : memref<10112x128xf32, #tpu.memory_space<vmem_shared>> -> memref<10112x128xf32, #tpu.memory_space<vmem_shared>>
          tpu.enqueue_indirect_dma source(%arg11 : memref<64x128xf32, #tpu.memory_space<vmem>>) target(%dma_start3A_236 : memref<10112x128xf32, #tpu.memory_space<vmem_shared>>) offsets(%dma_start3A_233 : memref<64xi32, #tpu.memory_space<vmem>>) semaphore(%run_scoped3A_230 : memref<!tpu.dma_semaphore, #tpu.memory_space<semaphore_mem>>) {add = true}
          %dma_wait3A_237 = arith.constant 0 : i32
          %dma_wait3A_238 = tpu.memref_slice %arg8[%add3A_216, %dma_wait3A_237] : memref<64x64xi32, #tpu.memory_space<vmem>> -> memref<1x64xi32, #tpu.memory_space<vmem>>
          %dma_wait3A_239 = tpu.memref_squeeze %dma_wait3A_238 : memref<1x64xi32, #tpu.memory_space<vmem>> -> memref<64xi32, #tpu.memory_space<vmem>>
          %dma_wait3A_240 = arith.constant 0 : i32
          %dma_wait3A_241 = arith.constant 0 : i32
          %dma_wait3A_242 = tpu.memref_slice %arg15[%dma_wait3A_240, %dma_wait3A_241] : memref<10112x128xf32, #tpu.memory_space<vmem_shared>> -> memref<10112x128xf32, #tpu.memory_space<vmem_shared>>
          tpu.wait_indirect_dma semaphore(%run_scoped3A_230 : memref<!tpu.dma_semaphore, #tpu.memory_space<semaphore_mem>>) src(%arg11 : memref<64x128xf32, #tpu.memory_space<vmem>>) dst(%dma_wait3A_242 : memref<10112x128xf32, #tpu.memory_space<vmem_shared>>)
          tpu.yield
        }) : () -> ()
        %add3A_223 = arith.constant 3 : i32
        %add3A_224 = arith.addi %add3A_216, %add3A_223 : i32
        %lt3A_225 = arith.constant 64 : i32
        %lt3A_226 = arith.cmpi slt, %add3A_224, %lt3A_225 : i32
        %convert_element_type3A_227 = arith.extui %lt3A_226 : i1 to i32
        %cond3A_228 = arith.constant 0 : i32
        %cond3A_229 = arith.cmpi ne, %convert_element_type3A_227, %cond3A_228 : i32
        scf.if %cond3A_229 {
          %add3A_230 = arith.constant 3 : i32
          %add3A_231 = arith.addi %add3A_216, %add3A_230 : i32
          %dma_start3A_232 = arith.constant 0 : i32
          %dma_start3A_233 = tpu.memref_slice %arg7[%add3A_231, %dma_start3A_232] : memref<64x64xi32, #tpu.memory_space<vmem>> -> memref<1x64xi32, #tpu.memory_space<vmem>>
          %dma_start3A_234 = tpu.memref_squeeze %dma_start3A_233 : memref<1x64xi32, #tpu.memory_space<vmem>> -> memref<64xi32, #tpu.memory_space<vmem>>
          %dma_start3A_235 = arith.constant 0 : i32
          %dma_start3A_236 = arith.constant 0 : i32
          %dma_start3A_237 = tpu.memref_slice %arg6[%dma_start3A_235, %dma_start3A_236] : memref<20224x128xf32, #tpu.memory_space<hbm>> -> memref<20224x128xf32, #tpu.memory_space<hbm>>
          tpu.enqueue_indirect_dma source(%dma_start3A_237 : memref<20224x128xf32, #tpu.memory_space<hbm>>) target(%arg11 : memref<64x128xf32, #tpu.memory_space<vmem>>) offsets(%dma_start3A_234 : memref<64xi32, #tpu.memory_space<vmem>>) semaphore(%arg18 : memref<!tpu.dma_semaphore, #tpu.memory_space<semaphore_mem>>)
        } else {
        }
      }
      %scan3A_176 = arith.constant 21 : i32
      %dma_wait3A = arith.constant 63 : i32
      %dma_wait3A_177 = arith.constant 0 : i32
      %dma_wait3A_178 = tpu.memref_slice %arg7[%dma_wait3A, %dma_wait3A_177] : memref<64x64xi32, #tpu.memory_space<vmem>> -> memref<1x64xi32, #tpu.memory_space<vmem>>
      %dma_wait3A_179 = tpu.memref_squeeze %dma_wait3A_178 : memref<1x64xi32, #tpu.memory_space<vmem>> -> memref<64xi32, #tpu.memory_space<vmem>>
      %dma_wait3A_180 = arith.constant 0 : i32
      %dma_wait3A_181 = arith.constant 0 : i32
      %dma_wait3A_182 = tpu.memref_slice %arg6[%dma_wait3A_180, %dma_wait3A_181] : memref<20224x128xf32, #tpu.memory_space<hbm>> -> memref<20224x128xf32, #tpu.memory_space<hbm>>
      tpu.wait_indirect_dma semaphore(%arg16 : memref<!tpu.dma_semaphore, #tpu.memory_space<semaphore_mem>>) src(%dma_wait3A_182 : memref<20224x128xf32, #tpu.memory_space<hbm>>) dst(%arg9 : memref<64x128xf32, #tpu.memory_space<vmem>>)
      %run_scoped3A = arith.constant 63 : i32
      "tpu.region"() ({
        %run_scoped3A_183 = tpu.sem_alloc : memref<!tpu.dma_semaphore, #tpu.memory_space<semaphore_mem>>
        %dma_start3A_184 = arith.constant 0 : i32
        %dma_start3A_185 = tpu.memref_slice %arg8[%run_scoped3A, %dma_start3A_184] : memref<64x64xi32, #tpu.memory_space<vmem>> -> memref<1x64xi32, #tpu.memory_space<vmem>>
        %dma_start3A_186 = tpu.memref_squeeze %dma_start3A_185 : memref<1x64xi32, #tpu.memory_space<vmem>> -> memref<64xi32, #tpu.memory_space<vmem>>
        %dma_start3A_187 = arith.constant 0 : i32
        %dma_start3A_188 = arith.constant 0 : i32
        %dma_start3A_189 = tpu.memref_slice %arg15[%dma_start3A_187, %dma_start3A_188] : memref<10112x128xf32, #tpu.memory_space<vmem_shared>> -> memref<10112x128xf32, #tpu.memory_space<vmem_shared>>
        tpu.enqueue_indirect_dma source(%arg9 : memref<64x128xf32, #tpu.memory_space<vmem>>) target(%dma_start3A_189 : memref<10112x128xf32, #tpu.memory_space<vmem_shared>>) offsets(%dma_start3A_186 : memref<64xi32, #tpu.memory_space<vmem>>) semaphore(%run_scoped3A_183 : memref<!tpu.dma_semaphore, #tpu.memory_space<semaphore_mem>>) {add = true}
        %dma_wait3A_190 = arith.constant 0 : i32
        %dma_wait3A_191 = tpu.memref_slice %arg8[%run_scoped3A, %dma_wait3A_190] : memref<64x64xi32, #tpu.memory_space<vmem>> -> memref<1x64xi32, #tpu.memory_space<vmem>>
        %dma_wait3A_192 = tpu.memref_squeeze %dma_wait3A_191 : memref<1x64xi32, #tpu.memory_space<vmem>> -> memref<64xi32, #tpu.memory_space<vmem>>
        %dma_wait3A_193 = arith.constant 0 : i32
        %dma_wait3A_194 = arith.constant 0 : i32
        %dma_wait3A_195 = tpu.memref_slice %arg15[%dma_wait3A_193, %dma_wait3A_194] : memref<10112x128xf32, #tpu.memory_space<vmem_shared>> -> memref<10112x128xf32, #tpu.memory_space<vmem_shared>>
        tpu.wait_indirect_dma semaphore(%run_scoped3A_183 : memref<!tpu.dma_semaphore, #tpu.memory_space<semaphore_mem>>) src(%arg9 : memref<64x128xf32, #tpu.memory_space<vmem>>) dst(%dma_wait3A_195 : memref<10112x128xf32, #tpu.memory_space<vmem_shared>>)
        tpu.yield
      }) : () -> ()
    }
    %scan3A_119 = arith.constant 5 : i32
    %barrier3A_120 = arith.constant 0 : index
    tpu.barrier barrier_id(%barrier3A_120)
    %scan3A_121 = arith.constant 0 : i32
    %scan3A_122 = arith.constant 9 : i32
    %scan3A_123 = arith.addi %scan3A_121, %scan3A_122 : i32
    %scan3A_124 = arith.constant 1 : i32
    scf.for %scan3A_137 = %scan3A_121 to %scan3A_123 step %scan3A_124  : i32 {
      %mul3A_138 = arith.constant 1 : i32
      %mul3A_139 = arith.muli %scan3A_137, %mul3A_138 : i32
      %add3A_140 = arith.constant 0 : i32
      %add3A_141 = arith.addi %add3A_140, %mul3A_139 : i32
      %mul3A_142 = arith.constant 64 : i32
      %mul3A_143 = arith.muli %add3A_141, %mul3A_142 : i32
      %add3A_144 = arith.addi %mul3A_0, %mul3A_143 : i32
      "tpu.region"() ({
        %run_scoped3A = tpu.sem_alloc : memref<!tpu.dma_semaphore, #tpu.memory_space<semaphore_mem>>
        %dma_start3A = arith.constant 0 : i32
        %dma_start3A_152 = arith.constant 0 : i32
        %dma_start3A_153 = tpu.memref_slice %arg9[%dma_start3A, %dma_start3A_152] : memref<64x128xf32, #tpu.memory_space<vmem>> -> memref<64x128xf32, #tpu.memory_space<vmem>>
        %dma_start3A_154 = arith.constant 0 : i32
        %dma_start3A_155 = tpu.memref_slice %arg15[%add3A_144, %dma_start3A_154] : memref<10112x128xf32, #tpu.memory_space<vmem_shared>> -> memref<64x128xf32, #tpu.memory_space<vmem_shared>>
        %dma_start3A_156 = arith.constant 0 : i32
        %dma_start3A_157 = arith.constant 0 : i32
        %dma_start3A_158 = tpu.memref_slice %arg9[%dma_start3A_156, %dma_start3A_157] : memref<64x128xf32, #tpu.memory_space<vmem>> -> memref<64x128xf32, #tpu.memory_space<vmem>>
        %dma_start3A_159 = arith.constant 0 : i32
        %dma_start3A_160 = tpu.memref_slice %arg15[%add3A_144, %dma_start3A_159] : memref<10112x128xf32, #tpu.memory_space<vmem_shared>> -> memref<64x128xf32, #tpu.memory_space<vmem_shared>>
        tpu.enqueue_dma source(%dma_start3A_160 : memref<64x128xf32, #tpu.memory_space<vmem_shared>>) target(%dma_start3A_158 : memref<64x128xf32, #tpu.memory_space<vmem>>) target_semaphore(%run_scoped3A : memref<!tpu.dma_semaphore, #tpu.memory_space<semaphore_mem>>)
        %dma_wait3A = arith.constant 0 : i32
        %dma_wait3A_161 = arith.constant 0 : i32
        %dma_wait3A_162 = tpu.memref_slice %arg9[%dma_wait3A, %dma_wait3A_161] : memref<64x128xf32, #tpu.memory_space<vmem>> -> memref<64x128xf32, #tpu.memory_space<vmem>>
        %dma_wait3A_163 = arith.constant 0 : i32
        %dma_wait3A_164 = tpu.memref_slice %arg15[%add3A_144, %dma_wait3A_163] : memref<10112x128xf32, #tpu.memory_space<vmem_shared>> -> memref<64x128xf32, #tpu.memory_space<vmem_shared>>
        %dma_wait3A_165 = arith.constant 0 : i32
        %dma_wait3A_166 = arith.constant 0 : i32
        %dma_wait3A_167 = tpu.memref_slice %arg9[%dma_wait3A_165, %dma_wait3A_166] : memref<64x128xf32, #tpu.memory_space<vmem>> -> memref<64x128xf32, #tpu.memory_space<vmem>>
        %dma_wait3A_168 = arith.constant 0 : i32
        %dma_wait3A_169 = tpu.memref_slice %arg15[%add3A_144, %dma_wait3A_168] : memref<10112x128xf32, #tpu.memory_space<vmem_shared>> -> memref<64x128xf32, #tpu.memory_space<vmem_shared>>
        tpu.wait_dma2 semaphore(%run_scoped3A : memref<!tpu.dma_semaphore, #tpu.memory_space<semaphore_mem>>) src(%dma_wait3A_169 : memref<64x128xf32, #tpu.memory_space<vmem_shared>>) dst(%dma_wait3A_167 : memref<64x128xf32, #tpu.memory_space<vmem>>)
        tpu.yield
      }) : () -> ()
      %add3A_145 = arith.addi %mul3A_0, %mul3A_143 : i32
      "tpu.region"() ({
        %run_scoped3A = tpu.sem_alloc : memref<!tpu.dma_semaphore, #tpu.memory_space<semaphore_mem>>
        %dma_start3A = arith.constant 0 : i32
        %dma_start3A_152 = arith.constant 0 : i32
        %dma_start3A_153 = tpu.memref_slice %arg10[%dma_start3A, %dma_start3A_152] : memref<64x128xf32, #tpu.memory_space<vmem>> -> memref<64x128xf32, #tpu.memory_space<vmem>>
        %dma_start3A_154 = arith.constant 0 : i32
        %dma_start3A_155 = tpu.memref_slice %arg5[%arg0, %add3A_145, %dma_start3A_154] : memref<2x10112x128xf32, #tpu.memory_space<hbm>> -> memref<1x64x128xf32, #tpu.memory_space<hbm>>
        %dma_start3A_156 = tpu.memref_squeeze %dma_start3A_155 : memref<1x64x128xf32, #tpu.memory_space<hbm>> -> memref<64x128xf32, #tpu.memory_space<hbm>>
        %dma_start3A_157 = arith.constant 0 : i32
        %dma_start3A_158 = arith.constant 0 : i32
        %dma_start3A_159 = tpu.memref_slice %arg10[%dma_start3A_157, %dma_start3A_158] : memref<64x128xf32, #tpu.memory_space<vmem>> -> memref<64x128xf32, #tpu.memory_space<vmem>>
        %dma_start3A_160 = arith.constant 0 : i32
        %dma_start3A_161 = tpu.memref_slice %arg5[%arg0, %add3A_145, %dma_start3A_160] : memref<2x10112x128xf32, #tpu.memory_space<hbm>> -> memref<1x64x128xf32, #tpu.memory_space<hbm>>
        %dma_start3A_162 = tpu.memref_squeeze %dma_start3A_161 : memref<1x64x128xf32, #tpu.memory_space<hbm>> -> memref<64x128xf32, #tpu.memory_space<hbm>>
        tpu.enqueue_dma source(%dma_start3A_162 : memref<64x128xf32, #tpu.memory_space<hbm>>) target(%dma_start3A_159 : memref<64x128xf32, #tpu.memory_space<vmem>>) target_semaphore(%run_scoped3A : memref<!tpu.dma_semaphore, #tpu.memory_space<semaphore_mem>>)
        %dma_wait3A = arith.constant 0 : i32
        %dma_wait3A_163 = arith.constant 0 : i32
        %dma_wait3A_164 = tpu.memref_slice %arg10[%dma_wait3A, %dma_wait3A_163] : memref<64x128xf32, #tpu.memory_space<vmem>> -> memref<64x128xf32, #tpu.memory_space<vmem>>
        %dma_wait3A_165 = arith.constant 0 : i32
        %dma_wait3A_166 = tpu.memref_slice %arg5[%arg0, %add3A_145, %dma_wait3A_165] : memref<2x10112x128xf32, #tpu.memory_space<hbm>> -> memref<1x64x128xf32, #tpu.memory_space<hbm>>
        %dma_wait3A_167 = tpu.memref_squeeze %dma_wait3A_166 : memref<1x64x128xf32, #tpu.memory_space<hbm>> -> memref<64x128xf32, #tpu.memory_space<hbm>>
        %dma_wait3A_168 = arith.constant 0 : i32
        %dma_wait3A_169 = arith.constant 0 : i32
        %dma_wait3A_170 = tpu.memref_slice %arg10[%dma_wait3A_168, %dma_wait3A_169] : memref<64x128xf32, #tpu.memory_space<vmem>> -> memref<64x128xf32, #tpu.memory_space<vmem>>
        %dma_wait3A_171 = arith.constant 0 : i32
        %dma_wait3A_172 = tpu.memref_slice %arg5[%arg0, %add3A_145, %dma_wait3A_171] : memref<2x10112x128xf32, #tpu.memory_space<hbm>> -> memref<1x64x128xf32, #tpu.memory_space<hbm>>
        %dma_wait3A_173 = tpu.memref_squeeze %dma_wait3A_172 : memref<1x64x128xf32, #tpu.memory_space<hbm>> -> memref<64x128xf32, #tpu.memory_space<hbm>>
        tpu.wait_dma2 semaphore(%run_scoped3A : memref<!tpu.dma_semaphore, #tpu.memory_space<semaphore_mem>>) src(%dma_wait3A_173 : memref<64x128xf32, #tpu.memory_space<hbm>>) dst(%dma_wait3A_170 : memref<64x128xf32, #tpu.memory_space<vmem>>)
        tpu.yield
      }) : () -> ()
      %scan3A_146 = arith.constant 0 : i32
      %scan3A_147 = arith.constant 64 : i32
      %scan3A_148 = arith.addi %scan3A_146, %scan3A_147 : i32
      %scan3A_149 = arith.constant 1 : i32
      scf.for %scan3A_152 = %scan3A_146 to %scan3A_148 step %scan3A_149  : i32 {
        %mul3A_153 = arith.constant 1 : i32
        %mul3A_154 = arith.muli %scan3A_152, %mul3A_153 : i32
        %add3A_155 = arith.constant 0 : i32
        %add3A_156 = arith.addi %add3A_155, %mul3A_154 : i32
        %add3A_157 = arith.addi %mul3A_143, %add3A_156 : i32
        %broadcast_in_dim3A_158 = vector.broadcast %add3A_157 : i32 to vector<16xi32>
        %gather3A = tpu.vector_load_idx %arg13[%broadcast_in_dim3A_158] : memref<632xf32, #tpu.memory_space<vmem>>[vector<16xi32>], vector<16xf32>,
        %get3A = arith.index_cast %add3A_156 : i32 to index
        %get3A_159 = arith.constant 0 : index
        %get3A_160 = tpu.vector_load %arg10[%get3A, %get3A_159] {strides = array<i32>} : memref<64x128xf32, #tpu.memory_space<vmem>>, vector<16xf32>,
        %get3A_161 = arith.index_cast %add3A_156 : i32 to index
        %get3A_162 = arith.constant 0 : index
        %get3A_163 = tpu.vector_load %arg9[%get3A_161, %get3A_162] {strides = array<i32>} : memref<64x128xf32, #tpu.memory_space<vmem>>, vector<16xf32>,
        %mul3A_164 = arith.mulf %gather3A, %get3A_163 : vector<16xf32>
        %add3A_165 = arith.addf %get3A_160, %mul3A_164 : vector<16xf32>
        %swap3A = arith.index_cast %add3A_156 : i32 to index
        %swap3A_166 = arith.constant 0 : index
        %swap3A_167 = tpu.vector_load %arg10[%swap3A, %swap3A_166] {strides = array<i32>} : memref<64x128xf32, #tpu.memory_space<vmem>>, vector<16xf32>,
        tpu.vector_store %arg10[%swap3A, %swap3A_166], %add3A_165 {strides = array<i32>} : memref<64x128xf32, #tpu.memory_space<vmem>>, vector<16xf32>,
        %get3A_168 = arith.index_cast %add3A_156 : i32 to index
        %get3A_169 = arith.constant 16 : index
        %get3A_170 = tpu.vector_load %arg10[%get3A_168, %get3A_169] {strides = array<i32>} : memref<64x128xf32, #tpu.memory_space<vmem>>, vector<16xf32>,
        %get3A_171 = arith.index_cast %add3A_156 : i32 to index
        %get3A_172 = arith.constant 16 : index
        %get3A_173 = tpu.vector_load %arg9[%get3A_171, %get3A_172] {strides = array<i32>} : memref<64x128xf32, #tpu.memory_space<vmem>>, vector<16xf32>,
        %mul3A_174 = arith.mulf %gather3A, %get3A_173 : vector<16xf32>
        %add3A_175 = arith.addf %get3A_170, %mul3A_174 : vector<16xf32>
        %swap3A_176 = arith.index_cast %add3A_156 : i32 to index
        %swap3A_177 = arith.constant 16 : index
        %swap3A_178 = tpu.vector_load %arg10[%swap3A_176, %swap3A_177] {strides = array<i32>} : memref<64x128xf32, #tpu.memory_space<vmem>>, vector<16xf32>,
        tpu.vector_store %arg10[%swap3A_176, %swap3A_177], %add3A_175 {strides = array<i32>} : memref<64x128xf32, #tpu.memory_space<vmem>>, vector<16xf32>,
        %get3A_179 = arith.index_cast %add3A_156 : i32 to index
        %get3A_180 = arith.constant 32 : index
        %get3A_181 = tpu.vector_load %arg10[%get3A_179, %get3A_180] {strides = array<i32>} : memref<64x128xf32, #tpu.memory_space<vmem>>, vector<16xf32>,
        %get3A_182 = arith.index_cast %add3A_156 : i32 to index
        %get3A_183 = arith.constant 32 : index
        %get3A_184 = tpu.vector_load %arg9[%get3A_182, %get3A_183] {strides = array<i32>} : memref<64x128xf32, #tpu.memory_space<vmem>>, vector<16xf32>,
        %mul3A_185 = arith.mulf %gather3A, %get3A_184 : vector<16xf32>
        %add3A_186 = arith.addf %get3A_181, %mul3A_185 : vector<16xf32>
        %swap3A_187 = arith.index_cast %add3A_156 : i32 to index
        %swap3A_188 = arith.constant 32 : index
        %swap3A_189 = tpu.vector_load %arg10[%swap3A_187, %swap3A_188] {strides = array<i32>} : memref<64x128xf32, #tpu.memory_space<vmem>>, vector<16xf32>,
        tpu.vector_store %arg10[%swap3A_187, %swap3A_188], %add3A_186 {strides = array<i32>} : memref<64x128xf32, #tpu.memory_space<vmem>>, vector<16xf32>,
        %get3A_190 = arith.index_cast %add3A_156 : i32 to index
        %get3A_191 = arith.constant 48 : index
        %get3A_192 = tpu.vector_load %arg10[%get3A_190, %get3A_191] {strides = array<i32>} : memref<64x128xf32, #tpu.memory_space<vmem>>, vector<16xf32>,
        %get3A_193 = arith.index_cast %add3A_156 : i32 to index
        %get3A_194 = arith.constant 48 : index
        %get3A_195 = tpu.vector_load %arg9[%get3A_193, %get3A_194] {strides = array<i32>} : memref<64x128xf32, #tpu.memory_space<vmem>>, vector<16xf32>,
        %mul3A_196 = arith.mulf %gather3A, %get3A_195 : vector<16xf32>
        %add3A_197 = arith.addf %get3A_192, %mul3A_196 : vector<16xf32>
        %swap3A_198 = arith.index_cast %add3A_156 : i32 to index
        %swap3A_199 = arith.constant 48 : index
        %swap3A_200 = tpu.vector_load %arg10[%swap3A_198, %swap3A_199] {strides = array<i32>} : memref<64x128xf32, #tpu.memory_space<vmem>>, vector<16xf32>,
        tpu.vector_store %arg10[%swap3A_198, %swap3A_199], %add3A_197 {strides = array<i32>} : memref<64x128xf32, #tpu.memory_space<vmem>>, vector<16xf32>,
        %get3A_201 = arith.index_cast %add3A_156 : i32 to index
        %get3A_202 = arith.constant 64 : index
        %get3A_203 = tpu.vector_load %arg10[%get3A_201, %get3A_202] {strides = array<i32>} : memref<64x128xf32, #tpu.memory_space<vmem>>, vector<16xf32>,
        %get3A_204 = arith.index_cast %add3A_156 : i32 to index
        %get3A_205 = arith.constant 64 : index
        %get3A_206 = tpu.vector_load %arg9[%get3A_204, %get3A_205] {strides = array<i32>} : memref<64x128xf32, #tpu.memory_space<vmem>>, vector<16xf32>,
        %mul3A_207 = arith.mulf %gather3A, %get3A_206 : vector<16xf32>
        %add3A_208 = arith.addf %get3A_203, %mul3A_207 : vector<16xf32>
        %swap3A_209 = arith.index_cast %add3A_156 : i32 to index
        %swap3A_210 = arith.constant 64 : index
        %swap3A_211 = tpu.vector_load %arg10[%swap3A_209, %swap3A_210] {strides = array<i32>} : memref<64x128xf32, #tpu.memory_space<vmem>>, vector<16xf32>,
        tpu.vector_store %arg10[%swap3A_209, %swap3A_210], %add3A_208 {strides = array<i32>} : memref<64x128xf32, #tpu.memory_space<vmem>>, vector<16xf32>,
        %get3A_212 = arith.index_cast %add3A_156 : i32 to index
        %get3A_213 = arith.constant 80 : index
        %get3A_214 = tpu.vector_load %arg10[%get3A_212, %get3A_213] {strides = array<i32>} : memref<64x128xf32, #tpu.memory_space<vmem>>, vector<16xf32>,
        %get3A_215 = arith.index_cast %add3A_156 : i32 to index
        %get3A_216 = arith.constant 80 : index
        %get3A_217 = tpu.vector_load %arg9[%get3A_215, %get3A_216] {strides = array<i32>} : memref<64x128xf32, #tpu.memory_space<vmem>>, vector<16xf32>,
        %mul3A_218 = arith.mulf %gather3A, %get3A_217 : vector<16xf32>
        %add3A_219 = arith.addf %get3A_214, %mul3A_218 : vector<16xf32>
        %swap3A_220 = arith.index_cast %add3A_156 : i32 to index
        %swap3A_221 = arith.constant 80 : index
        %swap3A_222 = tpu.vector_load %arg10[%swap3A_220, %swap3A_221] {strides = array<i32>} : memref<64x128xf32, #tpu.memory_space<vmem>>, vector<16xf32>,
        tpu.vector_store %arg10[%swap3A_220, %swap3A_221], %add3A_219 {strides = array<i32>} : memref<64x128xf32, #tpu.memory_space<vmem>>, vector<16xf32>,
        %get3A_223 = arith.index_cast %add3A_156 : i32 to index
        %get3A_224 = arith.constant 96 : index
        %get3A_225 = tpu.vector_load %arg10[%get3A_223, %get3A_224] {strides = array<i32>} : memref<64x128xf32, #tpu.memory_space<vmem>>, vector<16xf32>,
        %get3A_226 = arith.index_cast %add3A_156 : i32 to index
        %get3A_227 = arith.constant 96 : index
        %get3A_228 = tpu.vector_load %arg9[%get3A_226, %get3A_227] {strides = array<i32>} : memref<64x128xf32, #tpu.memory_space<vmem>>, vector<16xf32>,
        %mul3A_229 = arith.mulf %gather3A, %get3A_228 : vector<16xf32>
        %add3A_230 = arith.addf %get3A_225, %mul3A_229 : vector<16xf32>
        %swap3A_231 = arith.index_cast %add3A_156 : i32 to index
        %swap3A_232 = arith.constant 96 : index
        %swap3A_233 = tpu.vector_load %arg10[%swap3A_231, %swap3A_232] {strides = array<i32>} : memref<64x128xf32, #tpu.memory_space<vmem>>, vector<16xf32>,
        tpu.vector_store %arg10[%swap3A_231, %swap3A_232], %add3A_230 {strides = array<i32>} : memref<64x128xf32, #tpu.memory_space<vmem>>, vector<16xf32>,
        %get3A_234 = arith.index_cast %add3A_156 : i32 to index
        %get3A_235 = arith.constant 112 : index
        %get3A_236 = tpu.vector_load %arg10[%get3A_234, %get3A_235] {strides = array<i32>} : memref<64x128xf32, #tpu.memory_space<vmem>>, vector<16xf32>,
        %get3A_237 = arith.index_cast %add3A_156 : i32 to index
        %get3A_238 = arith.constant 112 : index
        %get3A_239 = tpu.vector_load %arg9[%get3A_237, %get3A_238] {strides = array<i32>} : memref<64x128xf32, #tpu.memory_space<vmem>>, vector<16xf32>,
        %mul3A_240 = arith.mulf %gather3A, %get3A_239 : vector<16xf32>
        %add3A_241 = arith.addf %get3A_236, %mul3A_240 : vector<16xf32>
        %swap3A_242 = arith.index_cast %add3A_156 : i32 to index
        %swap3A_243 = arith.constant 112 : index
        %swap3A_244 = tpu.vector_load %arg10[%swap3A_242, %swap3A_243] {strides = array<i32>} : memref<64x128xf32, #tpu.memory_space<vmem>>, vector<16xf32>,
        tpu.vector_store %arg10[%swap3A_242, %swap3A_243], %add3A_241 {strides = array<i32>} : memref<64x128xf32, #tpu.memory_space<vmem>>, vector<16xf32>,
      }
      %scan3A_150 = arith.constant 64 : i32
      %add3A_151 = arith.addi %mul3A_0, %mul3A_143 : i32
      "tpu.region"() ({
        %run_scoped3A = tpu.sem_alloc : memref<!tpu.dma_semaphore, #tpu.memory_space<semaphore_mem>>
        %dma_start3A = arith.constant 0 : i32
        %dma_start3A_152 = arith.constant 0 : i32
        %dma_start3A_153 = tpu.memref_slice %arg10[%dma_start3A, %dma_start3A_152] : memref<64x128xf32, #tpu.memory_space<vmem>> -> memref<64x128xf32, #tpu.memory_space<vmem>>
        %dma_start3A_154 = arith.constant 0 : i32
        %dma_start3A_155 = tpu.memref_slice %arg5[%arg0, %add3A_151, %dma_start3A_154] : memref<2x10112x128xf32, #tpu.memory_space<hbm>> -> memref<1x64x128xf32, #tpu.memory_space<hbm>>
        %dma_start3A_156 = tpu.memref_squeeze %dma_start3A_155 : memref<1x64x128xf32, #tpu.memory_space<hbm>> -> memref<64x128xf32, #tpu.memory_space<hbm>>
        %dma_start3A_157 = arith.constant 0 : i32
        %dma_start3A_158 = tpu.memref_slice %arg5[%arg0, %add3A_151, %dma_start3A_157] : memref<2x10112x128xf32, #tpu.memory_space<hbm>> -> memref<1x64x128xf32, #tpu.memory_space<hbm>>
        %dma_start3A_159 = tpu.memref_squeeze %dma_start3A_158 : memref<1x64x128xf32, #tpu.memory_space<hbm>> -> memref<64x128xf32, #tpu.memory_space<hbm>>
        %dma_start3A_160 = arith.constant 0 : i32
        %dma_start3A_161 = arith.constant 0 : i32
        %dma_start3A_162 = tpu.memref_slice %arg10[%dma_start3A_160, %dma_start3A_161] : memref<64x128xf32, #tpu.memory_space<vmem>> -> memref<64x128xf32, #tpu.memory_space<vmem>>
        tpu.enqueue_dma source(%dma_start3A_162 : memref<64x128xf32, #tpu.memory_space<vmem>>) target(%dma_start3A_159 : memref<64x128xf32, #tpu.memory_space<hbm>>) target_semaphore(%run_scoped3A : memref<!tpu.dma_semaphore, #tpu.memory_space<semaphore_mem>>)
        %dma_wait3A = arith.constant 0 : i32
        %dma_wait3A_163 = arith.constant 0 : i32
        %dma_wait3A_164 = tpu.memref_slice %arg10[%dma_wait3A, %dma_wait3A_163] : memref<64x128xf32, #tpu.memory_space<vmem>> -> memref<64x128xf32, #tpu.memory_space<vmem>>
        %dma_wait3A_165 = arith.constant 0 : i32
        %dma_wait3A_166 = tpu.memref_slice %arg5[%arg0, %add3A_151, %dma_wait3A_165] : memref<2x10112x128xf32, #tpu.memory_space<hbm>> -> memref<1x64x128xf32, #tpu.memory_space<hbm>>
        %dma_wait3A_167 = tpu.memref_squeeze %dma_wait3A_166 : memref<1x64x128xf32, #tpu.memory_space<hbm>> -> memref<64x128xf32, #tpu.memory_space<hbm>>
        %dma_wait3A_168 = arith.constant 0 : i32
        %dma_wait3A_169 = tpu.memref_slice %arg5[%arg0, %add3A_151, %dma_wait3A_168] : memref<2x10112x128xf32, #tpu.memory_space<hbm>> -> memref<1x64x128xf32, #tpu.memory_space<hbm>>
        %dma_wait3A_170 = tpu.memref_squeeze %dma_wait3A_169 : memref<1x64x128xf32, #tpu.memory_space<hbm>> -> memref<64x128xf32, #tpu.memory_space<hbm>>
        %dma_wait3A_171 = arith.constant 0 : i32
        %dma_wait3A_172 = arith.constant 0 : i32
        %dma_wait3A_173 = tpu.memref_slice %arg10[%dma_wait3A_171, %dma_wait3A_172] : memref<64x128xf32, #tpu.memory_space<vmem>> -> memref<64x128xf32, #tpu.memory_space<vmem>>
        tpu.wait_dma2 semaphore(%run_scoped3A : memref<!tpu.dma_semaphore, #tpu.memory_space<semaphore_mem>>) src(%dma_wait3A_173 : memref<64x128xf32, #tpu.memory_space<vmem>>) dst(%dma_wait3A_170 : memref<64x128xf32, #tpu.memory_space<hbm>>)
        tpu.yield
      }) : () -> ()
    }
    %scan3A_125 = arith.constant 9 : i32
    %add3A_126 = arith.constant 576 : i32
    %add3A_127 = arith.addi %mul3A_0, %add3A_126 : i32
    "tpu.region"() ({
      %run_scoped3A = tpu.sem_alloc : memref<!tpu.dma_semaphore, #tpu.memory_space<semaphore_mem>>
      %dma_start3A = arith.constant 0 : i32
      %dma_start3A_137 = arith.constant 0 : i32
      %dma_start3A_138 = tpu.memref_slice %arg9[%dma_start3A, %dma_start3A_137] : memref<64x128xf32, #tpu.memory_space<vmem>> -> memref<56x128xf32, #tpu.memory_space<vmem>>
      %dma_start3A_139 = arith.constant 0 : i32
      %dma_start3A_140 = tpu.memref_slice %arg15[%add3A_127, %dma_start3A_139] : memref<10112x128xf32, #tpu.memory_space<vmem_shared>> -> memref<56x128xf32, #tpu.memory_space<vmem_shared>>
      %dma_start3A_141 = arith.constant 0 : i32
      %dma_start3A_142 = arith.constant 0 : i32
      %dma_start3A_143 = tpu.memref_slice %arg9[%dma_start3A_141, %dma_start3A_142] : memref<64x128xf32, #tpu.memory_space<vmem>> -> memref<56x128xf32, #tpu.memory_space<vmem>>
      %dma_start3A_144 = arith.constant 0 : i32
      %dma_start3A_145 = tpu.memref_slice %arg15[%add3A_127, %dma_start3A_144] : memref<10112x128xf32, #tpu.memory_space<vmem_shared>> -> memref<56x128xf32, #tpu.memory_space<vmem_shared>>
      tpu.enqueue_dma source(%dma_start3A_145 : memref<56x128xf32, #tpu.memory_space<vmem_shared>>) target(%dma_start3A_143 : memref<56x128xf32, #tpu.memory_space<vmem>>) target_semaphore(%run_scoped3A : memref<!tpu.dma_semaphore, #tpu.memory_space<semaphore_mem>>)
      %dma_wait3A = arith.constant 0 : i32
      %dma_wait3A_146 = arith.constant 0 : i32
      %dma_wait3A_147 = tpu.memref_slice %arg9[%dma_wait3A, %dma_wait3A_146] : memref<64x128xf32, #tpu.memory_space<vmem>> -> memref<56x128xf32, #tpu.memory_space<vmem>>
      %dma_wait3A_148 = arith.constant 0 : i32
      %dma_wait3A_149 = tpu.memref_slice %arg15[%add3A_127, %dma_wait3A_148] : memref<10112x128xf32, #tpu.memory_space<vmem_shared>> -> memref<56x128xf32, #tpu.memory_space<vmem_shared>>
      %dma_wait3A_150 = arith.constant 0 : i32
      %dma_wait3A_151 = arith.constant 0 : i32
      %dma_wait3A_152 = tpu.memref_slice %arg9[%dma_wait3A_150, %dma_wait3A_151] : memref<64x128xf32, #tpu.memory_space<vmem>> -> memref<56x128xf32, #tpu.memory_space<vmem>>
      %dma_wait3A_153 = arith.constant 0 : i32
      %dma_wait3A_154 = tpu.memref_slice %arg15[%add3A_127, %dma_wait3A_153] : memref<10112x128xf32, #tpu.memory_space<vmem_shared>> -> memref<56x128xf32, #tpu.memory_space<vmem_shared>>
      tpu.wait_dma2 semaphore(%run_scoped3A : memref<!tpu.dma_semaphore, #tpu.memory_space<semaphore_mem>>) src(%dma_wait3A_154 : memref<56x128xf32, #tpu.memory_space<vmem_shared>>) dst(%dma_wait3A_152 : memref<56x128xf32, #tpu.memory_space<vmem>>)
      tpu.yield
    }) : () -> ()
    %add3A_128 = arith.constant 576 : i32
    %add3A_129 = arith.addi %mul3A_0, %add3A_128 : i32
    "tpu.region"() ({
      %run_scoped3A = tpu.sem_alloc : memref<!tpu.dma_semaphore, #tpu.memory_space<semaphore_mem>>
      %dma_start3A = arith.constant 0 : i32
      %dma_start3A_137 = arith.constant 0 : i32
      %dma_start3A_138 = tpu.memref_slice %arg10[%dma_start3A, %dma_start3A_137] : memref<64x128xf32, #tpu.memory_space<vmem>> -> memref<56x128xf32, #tpu.memory_space<vmem>>
      %dma_start3A_139 = arith.constant 0 : i32
      %dma_start3A_140 = tpu.memref_slice %arg5[%arg0, %add3A_129, %dma_start3A_139] : memref<2x10112x128xf32, #tpu.memory_space<hbm>> -> memref<1x56x128xf32, #tpu.memory_space<hbm>>
      %dma_start3A_141 = tpu.memref_squeeze %dma_start3A_140 : memref<1x56x128xf32, #tpu.memory_space<hbm>> -> memref<56x128xf32, #tpu.memory_space<hbm>>
      %dma_start3A_142 = arith.constant 0 : i32
      %dma_start3A_143 = arith.constant 0 : i32
      %dma_start3A_144 = tpu.memref_slice %arg10[%dma_start3A_142, %dma_start3A_143] : memref<64x128xf32, #tpu.memory_space<vmem>> -> memref<56x128xf32, #tpu.memory_space<vmem>>
      %dma_start3A_145 = arith.constant 0 : i32
      %dma_start3A_146 = tpu.memref_slice %arg5[%arg0, %add3A_129, %dma_start3A_145] : memref<2x10112x128xf32, #tpu.memory_space<hbm>> -> memref<1x56x128xf32, #tpu.memory_space<hbm>>
      %dma_start3A_147 = tpu.memref_squeeze %dma_start3A_146 : memref<1x56x128xf32, #tpu.memory_space<hbm>> -> memref<56x128xf32, #tpu.memory_space<hbm>>
      tpu.enqueue_dma source(%dma_start3A_147 : memref<56x128xf32, #tpu.memory_space<hbm>>) target(%dma_start3A_144 : memref<56x128xf32, #tpu.memory_space<vmem>>) target_semaphore(%run_scoped3A : memref<!tpu.dma_semaphore, #tpu.memory_space<semaphore_mem>>)
      %dma_wait3A = arith.constant 0 : i32
      %dma_wait3A_148 = arith.constant 0 : i32
      %dma_wait3A_149 = tpu.memref_slice %arg10[%dma_wait3A, %dma_wait3A_148] : memref<64x128xf32, #tpu.memory_space<vmem>> -> memref<56x128xf32, #tpu.memory_space<vmem>>
      %dma_wait3A_150 = arith.constant 0 : i32
      %dma_wait3A_151 = tpu.memref_slice %arg5[%arg0, %add3A_129, %dma_wait3A_150] : memref<2x10112x128xf32, #tpu.memory_space<hbm>> -> memref<1x56x128xf32, #tpu.memory_space<hbm>>
      %dma_wait3A_152 = tpu.memref_squeeze %dma_wait3A_151 : memref<1x56x128xf32, #tpu.memory_space<hbm>> -> memref<56x128xf32, #tpu.memory_space<hbm>>
      %dma_wait3A_153 = arith.constant 0 : i32
      %dma_wait3A_154 = arith.constant 0 : i32
      %dma_wait3A_155 = tpu.memref_slice %arg10[%dma_wait3A_153, %dma_wait3A_154] : memref<64x128xf32, #tpu.memory_space<vmem>> -> memref<56x128xf32, #tpu.memory_space<vmem>>
      %dma_wait3A_156 = arith.constant 0 : i32
      %dma_wait3A_157 = tpu.memref_slice %arg5[%arg0, %add3A_129, %dma_wait3A_156] : memref<2x10112x128xf32, #tpu.memory_space<hbm>> -> memref<1x56x128xf32, #tpu.memory_space<hbm>>
      %dma_wait3A_158 = tpu.memref_squeeze %dma_wait3A_157 : memref<1x56x128xf32, #tpu.memory_space<hbm>> -> memref<56x128xf32, #tpu.memory_space<hbm>>
      tpu.wait_dma2 semaphore(%run_scoped3A : memref<!tpu.dma_semaphore, #tpu.memory_space<semaphore_mem>>) src(%dma_wait3A_158 : memref<56x128xf32, #tpu.memory_space<hbm>>) dst(%dma_wait3A_155 : memref<56x128xf32, #tpu.memory_space<vmem>>)
      tpu.yield
    }) : () -> ()
    %scan3A_130 = arith.constant 0 : i32
    %scan3A_131 = arith.constant 56 : i32
    %scan3A_132 = arith.addi %scan3A_130, %scan3A_131 : i32
    %scan3A_133 = arith.constant 1 : i32
    scf.for %scan3A_137 = %scan3A_130 to %scan3A_132 step %scan3A_133  : i32 {
      %mul3A_138 = arith.constant 1 : i32
      %mul3A_139 = arith.muli %scan3A_137, %mul3A_138 : i32
      %add3A_140 = arith.constant 0 : i32
      %add3A_141 = arith.addi %add3A_140, %mul3A_139 : i32
      %add3A_142 = arith.constant 576 : i32
      %add3A_143 = arith.addi %add3A_142, %add3A_141 : i32
      %broadcast_in_dim3A_144 = vector.broadcast %add3A_143 : i32 to vector<16xi32>
      %gather3A = tpu.vector_load_idx %arg13[%broadcast_in_dim3A_144] : memref<632xf32, #tpu.memory_space<vmem>>[vector<16xi32>], vector<16xf32>,
      %get3A = arith.index_cast %add3A_141 : i32 to index
      %get3A_145 = arith.constant 0 : index
      %get3A_146 = tpu.vector_load %arg10[%get3A, %get3A_145] {strides = array<i32>} : memref<64x128xf32, #tpu.memory_space<vmem>>, vector<16xf32>,
      %get3A_147 = arith.index_cast %add3A_141 : i32 to index
      %get3A_148 = arith.constant 0 : index
      %get3A_149 = tpu.vector_load %arg9[%get3A_147, %get3A_148] {strides = array<i32>} : memref<64x128xf32, #tpu.memory_space<vmem>>, vector<16xf32>,
      %mul3A_150 = arith.mulf %gather3A, %get3A_149 : vector<16xf32>
      %add3A_151 = arith.addf %get3A_146, %mul3A_150 : vector<16xf32>
      %swap3A = arith.index_cast %add3A_141 : i32 to index
      %swap3A_152 = arith.constant 0 : index
      %swap3A_153 = tpu.vector_load %arg10[%swap3A, %swap3A_152] {strides = array<i32>} : memref<64x128xf32, #tpu.memory_space<vmem>>, vector<16xf32>,
      tpu.vector_store %arg10[%swap3A, %swap3A_152], %add3A_151 {strides = array<i32>} : memref<64x128xf32, #tpu.memory_space<vmem>>, vector<16xf32>,
      %get3A_154 = arith.index_cast %add3A_141 : i32 to index
      %get3A_155 = arith.constant 16 : index
      %get3A_156 = tpu.vector_load %arg10[%get3A_154, %get3A_155] {strides = array<i32>} : memref<64x128xf32, #tpu.memory_space<vmem>>, vector<16xf32>,
      %get3A_157 = arith.index_cast %add3A_141 : i32 to index
      %get3A_158 = arith.constant 16 : index
      %get3A_159 = tpu.vector_load %arg9[%get3A_157, %get3A_158] {strides = array<i32>} : memref<64x128xf32, #tpu.memory_space<vmem>>, vector<16xf32>,
      %mul3A_160 = arith.mulf %gather3A, %get3A_159 : vector<16xf32>
      %add3A_161 = arith.addf %get3A_156, %mul3A_160 : vector<16xf32>
      %swap3A_162 = arith.index_cast %add3A_141 : i32 to index
      %swap3A_163 = arith.constant 16 : index
      %swap3A_164 = tpu.vector_load %arg10[%swap3A_162, %swap3A_163] {strides = array<i32>} : memref<64x128xf32, #tpu.memory_space<vmem>>, vector<16xf32>,
      tpu.vector_store %arg10[%swap3A_162, %swap3A_163], %add3A_161 {strides = array<i32>} : memref<64x128xf32, #tpu.memory_space<vmem>>, vector<16xf32>,
      %get3A_165 = arith.index_cast %add3A_141 : i32 to index
      %get3A_166 = arith.constant 32 : index
      %get3A_167 = tpu.vector_load %arg10[%get3A_165, %get3A_166] {strides = array<i32>} : memref<64x128xf32, #tpu.memory_space<vmem>>, vector<16xf32>,
      %get3A_168 = arith.index_cast %add3A_141 : i32 to index
      %get3A_169 = arith.constant 32 : index
      %get3A_170 = tpu.vector_load %arg9[%get3A_168, %get3A_169] {strides = array<i32>} : memref<64x128xf32, #tpu.memory_space<vmem>>, vector<16xf32>,
      %mul3A_171 = arith.mulf %gather3A, %get3A_170 : vector<16xf32>
      %add3A_172 = arith.addf %get3A_167, %mul3A_171 : vector<16xf32>
      %swap3A_173 = arith.index_cast %add3A_141 : i32 to index
      %swap3A_174 = arith.constant 32 : index
      %swap3A_175 = tpu.vector_load %arg10[%swap3A_173, %swap3A_174] {strides = array<i32>} : memref<64x128xf32, #tpu.memory_space<vmem>>, vector<16xf32>,
      tpu.vector_store %arg10[%swap3A_173, %swap3A_174], %add3A_172 {strides = array<i32>} : memref<64x128xf32, #tpu.memory_space<vmem>>, vector<16xf32>,
      %get3A_176 = arith.index_cast %add3A_141 : i32 to index
      %get3A_177 = arith.constant 48 : index
      %get3A_178 = tpu.vector_load %arg10[%get3A_176, %get3A_177] {strides = array<i32>} : memref<64x128xf32, #tpu.memory_space<vmem>>, vector<16xf32>,
      %get3A_179 = arith.index_cast %add3A_141 : i32 to index
      %get3A_180 = arith.constant 48 : index
      %get3A_181 = tpu.vector_load %arg9[%get3A_179, %get3A_180] {strides = array<i32>} : memref<64x128xf32, #tpu.memory_space<vmem>>, vector<16xf32>,
      %mul3A_182 = arith.mulf %gather3A, %get3A_181 : vector<16xf32>
      %add3A_183 = arith.addf %get3A_178, %mul3A_182 : vector<16xf32>
      %swap3A_184 = arith.index_cast %add3A_141 : i32 to index
      %swap3A_185 = arith.constant 48 : index
      %swap3A_186 = tpu.vector_load %arg10[%swap3A_184, %swap3A_185] {strides = array<i32>} : memref<64x128xf32, #tpu.memory_space<vmem>>, vector<16xf32>,
      tpu.vector_store %arg10[%swap3A_184, %swap3A_185], %add3A_183 {strides = array<i32>} : memref<64x128xf32, #tpu.memory_space<vmem>>, vector<16xf32>,
      %get3A_187 = arith.index_cast %add3A_141 : i32 to index
      %get3A_188 = arith.constant 64 : index
      %get3A_189 = tpu.vector_load %arg10[%get3A_187, %get3A_188] {strides = array<i32>} : memref<64x128xf32, #tpu.memory_space<vmem>>, vector<16xf32>,
      %get3A_190 = arith.index_cast %add3A_141 : i32 to index
      %get3A_191 = arith.constant 64 : index
      %get3A_192 = tpu.vector_load %arg9[%get3A_190, %get3A_191] {strides = array<i32>} : memref<64x128xf32, #tpu.memory_space<vmem>>, vector<16xf32>,
      %mul3A_193 = arith.mulf %gather3A, %get3A_192 : vector<16xf32>
      %add3A_194 = arith.addf %get3A_189, %mul3A_193 : vector<16xf32>
      %swap3A_195 = arith.index_cast %add3A_141 : i32 to index
      %swap3A_196 = arith.constant 64 : index
      %swap3A_197 = tpu.vector_load %arg10[%swap3A_195, %swap3A_196] {strides = array<i32>} : memref<64x128xf32, #tpu.memory_space<vmem>>, vector<16xf32>,
      tpu.vector_store %arg10[%swap3A_195, %swap3A_196], %add3A_194 {strides = array<i32>} : memref<64x128xf32, #tpu.memory_space<vmem>>, vector<16xf32>,
      %get3A_198 = arith.index_cast %add3A_141 : i32 to index
      %get3A_199 = arith.constant 80 : index
      %get3A_200 = tpu.vector_load %arg10[%get3A_198, %get3A_199] {strides = array<i32>} : memref<64x128xf32, #tpu.memory_space<vmem>>, vector<16xf32>,
      %get3A_201 = arith.index_cast %add3A_141 : i32 to index
      %get3A_202 = arith.constant 80 : index
      %get3A_203 = tpu.vector_load %arg9[%get3A_201, %get3A_202] {strides = array<i32>} : memref<64x128xf32, #tpu.memory_space<vmem>>, vector<16xf32>,
      %mul3A_204 = arith.mulf %gather3A, %get3A_203 : vector<16xf32>
      %add3A_205 = arith.addf %get3A_200, %mul3A_204 : vector<16xf32>
      %swap3A_206 = arith.index_cast %add3A_141 : i32 to index
      %swap3A_207 = arith.constant 80 : index
      %swap3A_208 = tpu.vector_load %arg10[%swap3A_206, %swap3A_207] {strides = array<i32>} : memref<64x128xf32, #tpu.memory_space<vmem>>, vector<16xf32>,
      tpu.vector_store %arg10[%swap3A_206, %swap3A_207], %add3A_205 {strides = array<i32>} : memref<64x128xf32, #tpu.memory_space<vmem>>, vector<16xf32>,
      %get3A_209 = arith.index_cast %add3A_141 : i32 to index
      %get3A_210 = arith.constant 96 : index
      %get3A_211 = tpu.vector_load %arg10[%get3A_209, %get3A_210] {strides = array<i32>} : memref<64x128xf32, #tpu.memory_space<vmem>>, vector<16xf32>,
      %get3A_212 = arith.index_cast %add3A_141 : i32 to index
      %get3A_213 = arith.constant 96 : index
      %get3A_214 = tpu.vector_load %arg9[%get3A_212, %get3A_213] {strides = array<i32>} : memref<64x128xf32, #tpu.memory_space<vmem>>, vector<16xf32>,
      %mul3A_215 = arith.mulf %gather3A, %get3A_214 : vector<16xf32>
      %add3A_216 = arith.addf %get3A_211, %mul3A_215 : vector<16xf32>
      %swap3A_217 = arith.index_cast %add3A_141 : i32 to index
      %swap3A_218 = arith.constant 96 : index
      %swap3A_219 = tpu.vector_load %arg10[%swap3A_217, %swap3A_218] {strides = array<i32>} : memref<64x128xf32, #tpu.memory_space<vmem>>, vector<16xf32>,
      tpu.vector_store %arg10[%swap3A_217, %swap3A_218], %add3A_216 {strides = array<i32>} : memref<64x128xf32, #tpu.memory_space<vmem>>, vector<16xf32>,
      %get3A_220 = arith.index_cast %add3A_141 : i32 to index
      %get3A_221 = arith.constant 112 : index
      %get3A_222 = tpu.vector_load %arg10[%get3A_220, %get3A_221] {strides = array<i32>} : memref<64x128xf32, #tpu.memory_space<vmem>>, vector<16xf32>,
      %get3A_223 = arith.index_cast %add3A_141 : i32 to index
      %get3A_224 = arith.constant 112 : index
      %get3A_225 = tpu.vector_load %arg9[%get3A_223, %get3A_224] {strides = array<i32>} : memref<64x128xf32, #tpu.memory_space<vmem>>, vector<16xf32>,
      %mul3A_226 = arith.mulf %gather3A, %get3A_225 : vector<16xf32>
      %add3A_227 = arith.addf %get3A_222, %mul3A_226 : vector<16xf32>
      %swap3A_228 = arith.index_cast %add3A_141 : i32 to index
      %swap3A_229 = arith.constant 112 : index
      %swap3A_230 = tpu.vector_load %arg10[%swap3A_228, %swap3A_229] {strides = array<i32>} : memref<64x128xf32, #tpu.memory_space<vmem>>, vector<16xf32>,
      tpu.vector_store %arg10[%swap3A_228, %swap3A_229], %add3A_227 {strides = array<i32>} : memref<64x128xf32, #tpu.memory_space<vmem>>, vector<16xf32>,
    }
    %scan3A_134 = arith.constant 56 : i32
    %add3A_135 = arith.constant 576 : i32
    %add3A_136 = arith.addi %mul3A_0, %add3A_135 : i32
    "tpu.region"() ({
      %run_scoped3A = tpu.sem_alloc : memref<!tpu.dma_semaphore, #tpu.memory_space<semaphore_mem>>
      %dma_start3A = arith.constant 0 : i32
      %dma_start3A_137 = arith.constant 0 : i32
      %dma_start3A_138 = tpu.memref_slice %arg10[%dma_start3A, %dma_start3A_137] : memref<64x128xf32, #tpu.memory_space<vmem>> -> memref<56x128xf32, #tpu.memory_space<vmem>>
      %dma_start3A_139 = arith.constant 0 : i32
      %dma_start3A_140 = tpu.memref_slice %arg5[%arg0, %add3A_136, %dma_start3A_139] : memref<2x10112x128xf32, #tpu.memory_space<hbm>> -> memref<1x56x128xf32, #tpu.memory_space<hbm>>
      %dma_start3A_141 = tpu.memref_squeeze %dma_start3A_140 : memref<1x56x128xf32, #tpu.memory_space<hbm>> -> memref<56x128xf32, #tpu.memory_space<hbm>>
      %dma_start3A_142 = arith.constant 0 : i32
      %dma_start3A_143 = tpu.memref_slice %arg5[%arg0, %add3A_136, %dma_start3A_142] : memref<2x10112x128xf32, #tpu.memory_space<hbm>> -> memref<1x56x128xf32, #tpu.memory_space<hbm>>
      %dma_start3A_144 = tpu.memref_squeeze %dma_start3A_143 : memref<1x56x128xf32, #tpu.memory_space<hbm>> -> memref<56x128xf32, #tpu.memory_space<hbm>>
      %dma_start3A_145 = arith.constant 0 : i32
      %dma_start3A_146 = arith.constant 0 : i32
      %dma_start3A_147 = tpu.memref_slice %arg10[%dma_start3A_145, %dma_start3A_146] : memref<64x128xf32, #tpu.memory_space<vmem>> -> memref<56x128xf32, #tpu.memory_space<vmem>>
      tpu.enqueue_dma source(%dma_start3A_147 : memref<56x128xf32, #tpu.memory_space<vmem>>) target(%dma_start3A_144 : memref<56x128xf32, #tpu.memory_space<hbm>>) target_semaphore(%run_scoped3A : memref<!tpu.dma_semaphore, #tpu.memory_space<semaphore_mem>>)
      %dma_wait3A = arith.constant 0 : i32
      %dma_wait3A_148 = arith.constant 0 : i32
      %dma_wait3A_149 = tpu.memref_slice %arg10[%dma_wait3A, %dma_wait3A_148] : memref<64x128xf32, #tpu.memory_space<vmem>> -> memref<56x128xf32, #tpu.memory_space<vmem>>
      %dma_wait3A_150 = arith.constant 0 : i32
      %dma_wait3A_151 = tpu.memref_slice %arg5[%arg0, %add3A_136, %dma_wait3A_150] : memref<2x10112x128xf32, #tpu.memory_space<hbm>> -> memref<1x56x128xf32, #tpu.memory_space<hbm>>
      %dma_wait3A_152 = tpu.memref_squeeze %dma_wait3A_151 : memref<1x56x128xf32, #tpu.memory_space<hbm>> -> memref<56x128xf32, #tpu.memory_space<hbm>>
      %dma_wait3A_153 = arith.constant 0 : i32
      %dma_wait3A_154 = tpu.memref_slice %arg5[%arg0, %add3A_136, %dma_wait3A_153] : memref<2x10112x128xf32, #tpu.memory_space<hbm>> -> memref<1x56x128xf32, #tpu.memory_space<hbm>>
      %dma_wait3A_155 = tpu.memref_squeeze %dma_wait3A_154 : memref<1x56x128xf32, #tpu.memory_space<hbm>> -> memref<56x128xf32, #tpu.memory_space<hbm>>
      %dma_wait3A_156 = arith.constant 0 : i32
      %dma_wait3A_157 = arith.constant 0 : i32
      %dma_wait3A_158 = tpu.memref_slice %arg10[%dma_wait3A_156, %dma_wait3A_157] : memref<64x128xf32, #tpu.memory_space<vmem>> -> memref<56x128xf32, #tpu.memory_space<vmem>>
      tpu.wait_dma2 semaphore(%run_scoped3A : memref<!tpu.dma_semaphore, #tpu.memory_space<semaphore_mem>>) src(%dma_wait3A_158 : memref<56x128xf32, #tpu.memory_space<vmem>>) dst(%dma_wait3A_155 : memref<56x128xf32, #tpu.memory_space<hbm>>)
      tpu.yield
    }) : () -> ()
    return
  }
}

module attributes {stable_mosaic.version = 14 : i64} {
  func.func @_tc_fc_body(%arg0: i32, %arg1: memref<632x128xf32, #tpu.memory_space<vmem>>, %arg2: memref<128x128xf32, #tpu.memory_space<vmem>>, %arg3: memref<1x128xf32, #tpu.memory_space<vmem>>, %arg4: memref<632x128xf32, #tpu.memory_space<vmem>>) attributes {dimension_semantics = [#tpu.dimension_semantics<arbitrary>], iteration_bounds = array<i64: 16>, scalar_prefetch = 0 : i64, scratch_operands = 0 : i64, tpu.core_type = #tpu.core_type<tc>, window_params = [{transform_indices = @transform_0, window_bounds = array<i64: 632, 128>}, {pipeline_mode = #tpu.pipeline_mode<synchronous>, transform_indices = @transform_1, window_bounds = array<i64: 128, 128>}, {pipeline_mode = #tpu.pipeline_mode<synchronous>, transform_indices = @transform_2, window_bounds = array<i64: 1, 128>}, {transform_indices = @transform_3, window_bounds = array<i64: 632, 128>}]} {
    %get3A = arith.constant 0 : index
    %get3A_0 = arith.constant 0 : index
    %get3A_1 = vector.load %arg1[%get3A, %get3A_0] : memref<632x128xf32, #tpu.memory_space<vmem>>, vector<632x128xf32>
    %get3A_2 = arith.constant 0 : index
    %get3A_3 = arith.constant 0 : index
    %get3A_4 = vector.load %arg2[%get3A_2, %get3A_3] : memref<128x128xf32, #tpu.memory_space<vmem>>, vector<128x128xf32>
    %dot_general3A = arith.constant dense<0.000000e+00> : vector<632x128xf32>
    %dot_general3A_5 = tpu.matmul %get3A_1, %get3A_4, %dot_general3A {dimension_numbers = #tpu.dot_dimension_numbers<[1], [0], [0], [1], [0, 0, 1, 1], [], []>, transpose_lhs_hint = false} : vector<632x128xf32>, vector<128x128xf32>, vector<632x128xf32> -> vector<632x128xf32>
    %get3A_6 = arith.constant 0 : index
    %get3A_7 = arith.constant 0 : index
    %get3A_8 = vector.load %arg3[%get3A_6, %get3A_7] : memref<1x128xf32, #tpu.memory_space<vmem>>, vector<1x128xf32>
    %add3A = vector.broadcast %get3A_8 : vector<1x128xf32> to vector<632x128xf32>
    %add3A_9 = arith.addf %dot_general3A_5, %add3A : vector<632x128xf32>
    %swap3A = arith.constant 0 : index
    %swap3A_10 = arith.constant 0 : index
    %swap3A_11 = vector.load %arg4[%swap3A, %swap3A_10] : memref<632x128xf32, #tpu.memory_space<vmem>>, vector<632x128xf32>
    tpu.vector_store %arg4[%swap3A, %swap3A_10], %add3A_9 {strides = array<i32>} : memref<632x128xf32, #tpu.memory_space<vmem>>, vector<632x128xf32>,
    return
  }
  func.func @transform_0(%arg0: i32) -> (i32, i32) {
    %c0_i32 = arith.constant 0 : i32
    %c0_i32_0 = arith.constant 0 : i32
    return %arg0, %c0_i32 : i32, i32
  }
  func.func @transform_1(%arg0: i32) -> (i32, i32) {
    %c0_i32 = arith.constant 0 : i32
    %c0_i32_0 = arith.constant 0 : i32
    %c0_i32_1 = arith.constant 0 : i32
    return %c0_i32, %c0_i32_0 : i32, i32
  }
  func.func @transform_2(%arg0: i32) -> (i32, i32) {
    %c0_i32 = arith.constant 0 : i32
    %c0_i32_0 = arith.constant 0 : i32
    %c0_i32_1 = arith.constant 0 : i32
    return %c0_i32, %c0_i32_0 : i32, i32
  }
  func.func @transform_3(%arg0: i32) -> (i32, i32) {
    %c0_i32 = arith.constant 0 : i32
    %c0_i32_0 = arith.constant 0 : i32
    return %arg0, %c0_i32 : i32, i32
  }
}

module attributes {stable_mosaic.version = 14 : i64} {
  func.func @_tc_head_body(%arg0: i32, %arg1: memref<2x2000x128xf32, #tpu.memory_space<vmem>>, %arg2: memref<1x128xf32, #tpu.memory_space<vmem>>, %arg3: memref<1x128xf32, #tpu.memory_space<vmem>>, %arg4: memref<128x128xf32, #tpu.memory_space<vmem>>, %arg5: memref<1x128xf32, #tpu.memory_space<vmem>>, %arg6: memref<1x128xf32, #tpu.memory_space<vmem>>, %arg7: memref<1x128xf32, #tpu.memory_space<vmem>>, %arg8: memref<128x64xf32, #tpu.memory_space<vmem>>, %arg9: memref<1x64xf32, #tpu.memory_space<vmem>>, %arg10: memref<2000x64xf32, #tpu.memory_space<vmem>>) attributes {dimension_semantics = [#tpu.dimension_semantics<arbitrary>], iteration_bounds = array<i64: 5>, scalar_prefetch = 0 : i64, scratch_operands = 0 : i64, tpu.core_type = #tpu.core_type<tc>, window_params = [{transform_indices = @transform_0, window_bounds = array<i64: 2, 2000, 128>}, {pipeline_mode = #tpu.pipeline_mode<synchronous>, transform_indices = @transform_1, window_bounds = array<i64: 1, 128>}, {pipeline_mode = #tpu.pipeline_mode<synchronous>, transform_indices = @transform_2, window_bounds = array<i64: 1, 128>}, {pipeline_mode = #tpu.pipeline_mode<synchronous>, transform_indices = @transform_3, window_bounds = array<i64: 128, 128>}, {pipeline_mode = #tpu.pipeline_mode<synchronous>, transform_indices = @transform_4, window_bounds = array<i64: 1, 128>}, {pipeline_mode = #tpu.pipeline_mode<synchronous>, transform_indices = @transform_5, window_bounds = array<i64: 1, 128>}, {pipeline_mode = #tpu.pipeline_mode<synchronous>, transform_indices = @transform_6, window_bounds = array<i64: 1, 128>}, {pipeline_mode = #tpu.pipeline_mode<synchronous>, transform_indices = @transform_7, window_bounds = array<i64: 128, 64>}, {pipeline_mode = #tpu.pipeline_mode<synchronous>, transform_indices = @transform_8, window_bounds = array<i64: 1, 64>}, {transform_indices = @transform_9, window_bounds = array<i64: 2000, 64>}]} {
    %get3A = arith.constant 0 : index
    %get3A_0 = arith.constant 0 : index
    %get3A_1 = arith.constant 0 : index
    %get3A_2 = vector.load %arg1[%get3A, %get3A_0, %get3A_1] : memref<2x2000x128xf32, #tpu.memory_space<vmem>>, vector<1x2000x128xf32>
    %get3A_3 = vector.shape_cast %get3A_2 : vector<1x2000x128xf32> to vector<2000x128xf32>
    %slice3A = vector.extract_strided_slice %get3A_3 {offsets = [0, 0], sizes = [2000, 64], strides = [1, 1]} : vector<2000x128xf32> to vector<2000x64xf32>
    %get3A_4 = arith.constant 1 : index
    %get3A_5 = arith.constant 0 : index
    %get3A_6 = arith.constant 0 : index
    %get3A_7 = vector.load %arg1[%get3A_4, %get3A_5, %get3A_6] : memref<2x2000x128xf32, #tpu.memory_space<vmem>>, vector<1x2000x128xf32>
    %get3A_8 = vector.shape_cast %get3A_7 : vector<1x2000x128xf32> to vector<2000x128xf32>
    %slice3A_9 = vector.extract_strided_slice %get3A_8 {offsets = [0, 64], sizes = [2000, 64], strides = [1, 1]} : vector<2000x128xf32> to vector<2000x64xf32>
    %concatenate3A = tpu.concatenate %slice3A, %slice3A_9 in 1 : vector<2000x64xf32>, vector<2000x64xf32> -> vector<2000x128xf32>
    %mul3A = arith.constant 2.000000e-01 : f32
    %mul3A_10 = vector.broadcast %mul3A : f32 to vector<2000x128xf32>
    %mul3A_11 = arith.mulf %concatenate3A, %mul3A_10 : vector<2000x128xf32>
    %reduce_sum3A = arith.constant dense<0.000000e+00> : vector<2000xf32>
    %reduce_sum3A_12 = vector.multi_reduction <add>, %mul3A_11, %reduce_sum3A [1] : vector<2000x128xf32> to vector<2000xf32>
    %broadcast_in_dim3A = vector.shape_cast %reduce_sum3A_12 : vector<2000xf32> to vector<2000x1xf32>
    %div3A = arith.constant 1.280000e+02 : f32
    %div3A_13 = vector.broadcast %div3A : f32 to vector<2000x1xf32>
    %div3A_14 = arith.divf %broadcast_in_dim3A, %div3A_13 : vector<2000x1xf32>
    %sub3A = vector.broadcast %div3A_14 : vector<2000x1xf32> to vector<2000x128xf32>
    %sub3A_15 = arith.subf %mul3A_11, %sub3A : vector<2000x128xf32>
    %sub3A_16 = vector.broadcast %div3A_14 : vector<2000x1xf32> to vector<2000x128xf32>
    %sub3A_17 = arith.subf %mul3A_11, %sub3A_16 : vector<2000x128xf32>
    %mul3A_18 = arith.mulf %sub3A_15, %sub3A_17 : vector<2000x128xf32>
    %reduce_sum3A_19 = arith.constant dense<0.000000e+00> : vector<2000xf32>
    %reduce_sum3A_20 = vector.multi_reduction <add>, %mul3A_18, %reduce_sum3A_19 [1] : vector<2000x128xf32> to vector<2000xf32>
    %broadcast_in_dim3A_21 = vector.shape_cast %reduce_sum3A_20 : vector<2000xf32> to vector<2000x1xf32>
    %div3A_22 = arith.constant 1.280000e+02 : f32
    %div3A_23 = vector.broadcast %div3A_22 : f32 to vector<2000x1xf32>
    %div3A_24 = arith.divf %broadcast_in_dim3A_21, %div3A_23 : vector<2000x1xf32>
    %sub3A_25 = vector.broadcast %div3A_14 : vector<2000x1xf32> to vector<2000x128xf32>
    %sub3A_26 = arith.subf %mul3A_11, %sub3A_25 : vector<2000x128xf32>
    %add3A = arith.constant 9.99999974E-6 : f32
    %add3A_27 = vector.broadcast %add3A : f32 to vector<2000x1xf32>
    %add3A_28 = arith.addf %div3A_24, %add3A_27 : vector<2000x1xf32>
    %rsqrt3A = math.rsqrt %add3A_28 : vector<2000x1xf32>
    %mul3A_29 = vector.broadcast %rsqrt3A : vector<2000x1xf32> to vector<2000x128xf32>
    %mul3A_30 = arith.mulf %sub3A_26, %mul3A_29 : vector<2000x128xf32>
    %get3A_31 = arith.constant 0 : index
    %get3A_32 = arith.constant 0 : index
    %get3A_33 = vector.load %arg2[%get3A_31, %get3A_32] : memref<1x128xf32, #tpu.memory_space<vmem>>, vector<1x128xf32>
    %mul3A_34 = vector.broadcast %get3A_33 : vector<1x128xf32> to vector<2000x128xf32>
    %mul3A_35 = arith.mulf %mul3A_30, %mul3A_34 : vector<2000x128xf32>
    %get3A_36 = arith.constant 0 : index
    %get3A_37 = arith.constant 0 : index
    %get3A_38 = vector.load %arg3[%get3A_36, %get3A_37] : memref<1x128xf32, #tpu.memory_space<vmem>>, vector<1x128xf32>
    %add3A_39 = vector.broadcast %get3A_38 : vector<1x128xf32> to vector<2000x128xf32>
    %add3A_40 = arith.addf %mul3A_35, %add3A_39 : vector<2000x128xf32>
    %get3A_41 = arith.constant 0 : index
    %get3A_42 = arith.constant 0 : index
    %get3A_43 = vector.load %arg4[%get3A_41, %get3A_42] : memref<128x128xf32, #tpu.memory_space<vmem>>, vector<128x128xf32>
    %dot_general3A = arith.constant dense<0.000000e+00> : vector<2000x128xf32>
    %dot_general3A_44 = tpu.matmul %add3A_40, %get3A_43, %dot_general3A {dimension_numbers = #tpu.dot_dimension_numbers<[1], [0], [0], [1], [0, 0, 1, 1], [], []>, transpose_lhs_hint = false} : vector<2000x128xf32>, vector<128x128xf32>, vector<2000x128xf32> -> vector<2000x128xf32>
    %get3A_45 = arith.constant 0 : index
    %get3A_46 = arith.constant 0 : index
    %get3A_47 = vector.load %arg5[%get3A_45, %get3A_46] : memref<1x128xf32, #tpu.memory_space<vmem>>, vector<1x128xf32>
    %add3A_48 = vector.broadcast %get3A_47 : vector<1x128xf32> to vector<2000x128xf32>
    %add3A_49 = arith.addf %dot_general3A_44, %add3A_48 : vector<2000x128xf32>
    %gt3A = arith.constant 0.000000e+00 : f32
    %gt3A_50 = vector.broadcast %gt3A : f32 to vector<2000x128xf32>
    %gt3A_51 = arith.cmpf ogt, %add3A_49, %gt3A_50 : vector<2000x128xf32>
    %min3A = arith.constant 0.000000e+00 : f32
    %min3A_52 = vector.broadcast %min3A : f32 to vector<2000x128xf32>
    %min3A_53 = arith.minimumf %add3A_49, %min3A_52 : vector<2000x128xf32>
    %exp3A = math.exp %min3A_53 : vector<2000x128xf32>
    %sub3A_54 = arith.constant 1.000000e+00 : f32
    %sub3A_55 = vector.broadcast %sub3A_54 : f32 to vector<2000x128xf32>
    %sub3A_56 = arith.subf %exp3A, %sub3A_55 : vector<2000x128xf32>
    %select_n3A = arith.select %gt3A_51, %add3A_49, %sub3A_56 : vector<2000x128xi1>, vector<2000x128xf32>
    %reduce_sum3A_57 = arith.constant dense<0.000000e+00> : vector<2000xf32>
    %reduce_sum3A_58 = vector.multi_reduction <add>, %select_n3A, %reduce_sum3A_57 [1] : vector<2000x128xf32> to vector<2000xf32>
    %broadcast_in_dim3A_59 = vector.shape_cast %reduce_sum3A_58 : vector<2000xf32> to vector<2000x1xf32>
    %div3A_60 = arith.constant 1.280000e+02 : f32
    %div3A_61 = vector.broadcast %div3A_60 : f32 to vector<2000x1xf32>
    %div3A_62 = arith.divf %broadcast_in_dim3A_59, %div3A_61 : vector<2000x1xf32>
    %sub3A_63 = vector.broadcast %div3A_62 : vector<2000x1xf32> to vector<2000x128xf32>
    %sub3A_64 = arith.subf %select_n3A, %sub3A_63 : vector<2000x128xf32>
    %sub3A_65 = vector.broadcast %div3A_62 : vector<2000x1xf32> to vector<2000x128xf32>
    %sub3A_66 = arith.subf %select_n3A, %sub3A_65 : vector<2000x128xf32>
    %mul3A_67 = arith.mulf %sub3A_64, %sub3A_66 : vector<2000x128xf32>
    %reduce_sum3A_68 = arith.constant dense<0.000000e+00> : vector<2000xf32>
    %reduce_sum3A_69 = vector.multi_reduction <add>, %mul3A_67, %reduce_sum3A_68 [1] : vector<2000x128xf32> to vector<2000xf32>
    %broadcast_in_dim3A_70 = vector.shape_cast %reduce_sum3A_69 : vector<2000xf32> to vector<2000x1xf32>
    %div3A_71 = arith.constant 1.280000e+02 : f32
    %div3A_72 = vector.broadcast %div3A_71 : f32 to vector<2000x1xf32>
    %div3A_73 = arith.divf %broadcast_in_dim3A_70, %div3A_72 : vector<2000x1xf32>
    %sub3A_74 = vector.broadcast %div3A_62 : vector<2000x1xf32> to vector<2000x128xf32>
    %sub3A_75 = arith.subf %select_n3A, %sub3A_74 : vector<2000x128xf32>
    %add3A_76 = arith.constant 9.99999974E-6 : f32
    %add3A_77 = vector.broadcast %add3A_76 : f32 to vector<2000x1xf32>
    %add3A_78 = arith.addf %div3A_73, %add3A_77 : vector<2000x1xf32>
    %rsqrt3A_79 = math.rsqrt %add3A_78 : vector<2000x1xf32>
    %mul3A_80 = vector.broadcast %rsqrt3A_79 : vector<2000x1xf32> to vector<2000x128xf32>
    %mul3A_81 = arith.mulf %sub3A_75, %mul3A_80 : vector<2000x128xf32>
    %get3A_82 = arith.constant 0 : index
    %get3A_83 = arith.constant 0 : index
    %get3A_84 = vector.load %arg6[%get3A_82, %get3A_83] : memref<1x128xf32, #tpu.memory_space<vmem>>, vector<1x128xf32>
    %mul3A_85 = vector.broadcast %get3A_84 : vector<1x128xf32> to vector<2000x128xf32>
    %mul3A_86 = arith.mulf %mul3A_81, %mul3A_85 : vector<2000x128xf32>
    %get3A_87 = arith.constant 0 : index
    %get3A_88 = arith.constant 0 : index
    %get3A_89 = vector.load %arg7[%get3A_87, %get3A_88] : memref<1x128xf32, #tpu.memory_space<vmem>>, vector<1x128xf32>
    %add3A_90 = vector.broadcast %get3A_89 : vector<1x128xf32> to vector<2000x128xf32>
    %add3A_91 = arith.addf %mul3A_86, %add3A_90 : vector<2000x128xf32>
    %get3A_92 = arith.constant 0 : index
    %get3A_93 = arith.constant 0 : index
    %get3A_94 = vector.load %arg8[%get3A_92, %get3A_93] : memref<128x64xf32, #tpu.memory_space<vmem>>, vector<128x64xf32>
    %dot_general3A_95 = arith.constant dense<0.000000e+00> : vector<2000x64xf32>
    %dot_general3A_96 = tpu.matmul %add3A_91, %get3A_94, %dot_general3A_95 {dimension_numbers = #tpu.dot_dimension_numbers<[1], [0], [0], [1], [0, 0, 1, 1], [], []>, transpose_lhs_hint = false} : vector<2000x128xf32>, vector<128x64xf32>, vector<2000x64xf32> -> vector<2000x64xf32>
    %get3A_97 = arith.constant 0 : index
    %get3A_98 = arith.constant 0 : index
    %get3A_99 = vector.load %arg9[%get3A_97, %get3A_98] : memref<1x64xf32, #tpu.memory_space<vmem>>, vector<1x64xf32>
    %add3A_100 = vector.broadcast %get3A_99 : vector<1x64xf32> to vector<2000x64xf32>
    %add3A_101 = arith.addf %dot_general3A_96, %add3A_100 : vector<2000x64xf32>
    %mul3A_102 = arith.mulf %add3A_101, %add3A_101 : vector<2000x64xf32>
    %reduce_sum3A_103 = arith.constant dense<0.000000e+00> : vector<2000xf32>
    %reduce_sum3A_104 = vector.multi_reduction <add>, %mul3A_102, %reduce_sum3A_103 [1] : vector<2000x64xf32> to vector<2000xf32>
    %broadcast_in_dim3A_105 = vector.shape_cast %reduce_sum3A_104 : vector<2000xf32> to vector<2000x1xf32>
    %sqrt3A = math.sqrt %broadcast_in_dim3A_105 : vector<2000x1xf32>
    %max3A = arith.constant 9.99999996E-13 : f32
    %max3A_106 = vector.broadcast %max3A : f32 to vector<2000x1xf32>
    %max3A_107 = arith.maximumf %sqrt3A, %max3A_106 : vector<2000x1xf32>
    %div3A_108 = vector.broadcast %max3A_107 : vector<2000x1xf32> to vector<2000x64xf32>
    %div3A_109 = arith.divf %add3A_101, %div3A_108 : vector<2000x64xf32>
    %swap3A = arith.constant 0 : index
    %swap3A_110 = arith.constant 0 : index
    %swap3A_111 = vector.load %arg10[%swap3A, %swap3A_110] : memref<2000x64xf32, #tpu.memory_space<vmem>>, vector<2000x64xf32>
    tpu.vector_store %arg10[%swap3A, %swap3A_110], %div3A_109 {strides = array<i32>} : memref<2000x64xf32, #tpu.memory_space<vmem>>, vector<2000x64xf32>,
    return
  }
  func.func @transform_0(%arg0: i32) -> (i32, i32, i32) {
    %c0_i32 = arith.constant 0 : i32
    %c0_i32_0 = arith.constant 0 : i32
    %c0_i32_1 = arith.constant 0 : i32
    return %c0_i32, %arg0, %c0_i32_0 : i32, i32, i32
  }
  func.func @transform_1(%arg0: i32) -> (i32, i32) {
    %c0_i32 = arith.constant 0 : i32
    %c0_i32_0 = arith.constant 0 : i32
    %c0_i32_1 = arith.constant 0 : i32
    return %c0_i32, %c0_i32_0 : i32, i32
  }
  func.func @transform_2(%arg0: i32) -> (i32, i32) {
    %c0_i32 = arith.constant 0 : i32
    %c0_i32_0 = arith.constant 0 : i32
    %c0_i32_1 = arith.constant 0 : i32
    return %c0_i32, %c0_i32_0 : i32, i32
  }
  func.func @transform_3(%arg0: i32) -> (i32, i32) {
    %c0_i32 = arith.constant 0 : i32
    %c0_i32_0 = arith.constant 0 : i32
    %c0_i32_1 = arith.constant 0 : i32
    return %c0_i32, %c0_i32_0 : i32, i32
  }
  func.func @transform_4(%arg0: i32) -> (i32, i32) {
    %c0_i32 = arith.constant 0 : i32
    %c0_i32_0 = arith.constant 0 : i32
    %c0_i32_1 = arith.constant 0 : i32
    return %c0_i32, %c0_i32_0 : i32, i32
  }
  func.func @transform_5(%arg0: i32) -> (i32, i32) {
    %c0_i32 = arith.constant 0 : i32
    %c0_i32_0 = arith.constant 0 : i32
    %c0_i32_1 = arith.constant 0 : i32
    return %c0_i32, %c0_i32_0 : i32, i32
  }
  func.func @transform_6(%arg0: i32) -> (i32, i32) {
    %c0_i32 = arith.constant 0 : i32
    %c0_i32_0 = arith.constant 0 : i32
    %c0_i32_1 = arith.constant 0 : i32
    return %c0_i32, %c0_i32_0 : i32, i32
  }
  func.func @transform_7(%arg0: i32) -> (i32, i32) {
    %c0_i32 = arith.constant 0 : i32
    %c0_i32_0 = arith.constant 0 : i32
    %c0_i32_1 = arith.constant 0 : i32
    return %c0_i32, %c0_i32_0 : i32, i32
  }
  func.func @transform_8(%arg0: i32) -> (i32, i32) {
    %c0_i32 = arith.constant 0 : i32
    %c0_i32_0 = arith.constant 0 : i32
    %c0_i32_1 = arith.constant 0 : i32
    return %c0_i32, %c0_i32_0 : i32, i32
  }
  func.func @transform_9(%arg0: i32) -> (i32, i32) {
    %c0_i32 = arith.constant 0 : i32
    %c0_i32_0 = arith.constant 0 : i32
    return %arg0, %c0_i32 : i32, i32
  }
}

</mosaic_0001>

<sc_bundles>
// kernel: kernel.5.cloned.1.call-start
scs
__scs_entry_jumppad:
0x0: {  	(pc) =	sbr.rel $0x88, $3  }
0x1: {  	(tag) =	ssettag $0x0;
	lr =	simm.s32 $0x1  }
0x2: {  	[smem:$0x3F95] =	sst lr;
	_ =	strace $0xD0000000  }
0x3: {  	_ = 	snop  }
0x4: {  	_ = 	snop  }
0x5: {  	_ = 	snop  }
0x6: {  	_ = 	snop  }
0x7: {  	_ = 	snop  }
__scs_overlays_trampoline_lowered:
0x8: {  	[smem:$0x3FA4] =	sst s0  }
0x9: {  	[smem:$0x3FA5] =	sst s1  }
0xa: {  	[smem:$0x3FA6] =	sst s2  }
0xb: {  	[smem:$0x3FA7] =	sst s3  }
0xc: {  	[smem:$0x3FA8] =	sst s4  }
0xd: {  	[smem:$0x3FA9] =	sst s5  }
0xe: {  	[smem:$0x3FAA] =	sst s6  }
0xf: {  	[smem:$0x3FAB] =	sst s7  }
0x10: {  	[smem:$0x3FAC] =	sst s8  }
0x11: {  	[smem:$0x3FAD] =	sst s9;
	s0 =	simm.s32 @!p0 $0x0  }
0x12: {  	s1 =	sld [smem:$0x3F93];
	s0 =	simm.s32 @p0 $0x1  }
0x13: {  	[smem:$0x3FAE] =	sst s0;
	s0 =	simm.s32 @!p1 $0x0  }
0x14: {  	s2 =	sld [smem:$0x3F92];
	s0 =	simm.s32 @p1 $0x1  }
0x15: {  	[smem:$0x3FAF] =	sst s0;
	s0 =	simm.s32 @!p2 $0x0  }
0x16: {  	s3 =	sld [smem:$0x3FDB];
	s0 =	simm.s32 @p2 $0x1  }
0x17: {  	s4 =	simm.s32 $0x1BF5;
	[smem:$0x3FB1] =	sst s0  }
0x18: {  	s0 =	sld [smem:$0x3F94];
	_ =	swait.ge [sflag:s4], $0x0  }
0x19: {  	s7 =	sld [smem:$0x3F95]  }
0x1a: {  	s8 =	sadd.s32 $0xFFFFE003, lr  }
0x1b: {  	s9 =	sadd.s32 $0xFFFFFEF7, lr;
	s5 =	simm.s32 $0xFFFFFFFF;
	p2 =	slt.u32 s8, $0xFFFFF086  }
0x1c: {  	p1 =	slt.u32 s9, $0xF7A;
	s5 =	simm.s32 @!p2 $0x0  }
0x1d: {  	s5 =	simm.s32 @p1 $0x1;
	p0 =	seq.s32 s7, s2  }
0x1e: {  	s7 =	smul.u32 @!p0 $0xF7A, s2;
	p2 =	seq.s32 @!p0 s5, $0x0  }
0x1f: {  	s9 =	smul.u32 $0xF7A, s1;
	s8 =	simm.s32 @!p0 $0x1BF5;
	p2 =	por !p2, p0  }
0x20: {  	[sflag:s8] =	ssyncset.s32 @!p0 $0xFFFFF086;
	s6 =	sadd.s32 @!p0 s3, s7;
	s7 =	simm.s32 @!p0 $0x108  }
0x21: {  	s3 =	sadd.s32 s3, s9;
	s6 =	sadd.s32 @!p0 $0x88, s6;
	s7 =	simm.s32 @p2 $0x1082  }
0x22: {  	[simem:s7], [sflag:s8] =	dma.local @!p0 [hbm:s6], $0xF7A  }
0x23: {  	s9 =	sor.u32 $0xD0000000, s2;
	s6 =	simm.s32 $0x108;
	_ =	swait.ge @!p0 [sflag:s8], $0x0  }
0x24: {  	s3 =	sadd.s32 $0x88, s3;
	s6 =	simm.s32 @!p1 $0x1082;
	[sflag:s4] =	ssyncset.s32 $0xFFFFF086  }
0x25: {  	[simem:s6], [sflag:s4] =	dma.local [hbm:s3], $0xF7A  }
0x26: {  	[smem:$0x3F95] =	sst s1;
	(tag) =	ssettag s2;
	_ =	strace s9  }
0x27: {  	s1 =	sld [smem:$0x3FA5]  }
0x28: {  	s2 =	sld [smem:$0x3FA6]  }
0x29: {  	s4 =	sld [smem:$0x3FA8]  }
0x2a: {  	p0 =	seq.s32 s5, $0x0;
	s5 =	sld [smem:$0x3FA9]  }
0x2b: {  	s6 =	sld [smem:$0x3FAA]  }
0x2c: {  	s7 =	sld [smem:$0x3FAB]  }
0x2d: {  	s3 =	simm.s32 $0x108;
	s8 =	sld [smem:$0x3FAC]  }
0x2e: {  	s3 =	simm.s32 @!p0 $0x1082;
	s9 =	sld [smem:$0x3FAD]  }
0x2f: {  	lr =	sadd.s32 s0, s3;
	s0 =	sld [smem:$0x3FA4]  }
0x30: {  	s3 =	sld [smem:$0x3FA7]  }
0x31: {  	[smem:$0x3FB0] =	sst s10  }
0x32: {  	s10 =	sld [smem:$0x3FAE];
	_ =	sdelay $0x3  }
0x33: {  	p0 =	seq.s32 s10, $0x1;
	s10 =	sld [smem:$0x3FB0];
	_ =	sdelay $0x3  }
0x34: {  	[smem:$0x3FB0] =	sst s10  }
0x35: {  	s10 =	sld [smem:$0x3FAF];
	_ =	sdelay $0x3  }
0x36: {  	p1 =	seq.s32 s10, $0x1;
	s10 =	sld [smem:$0x3FB0];
	_ =	sdelay $0x3  }
0x37: {  	[smem:$0x3FB0] =	sst s10  }
0x38: {  	s10 =	sld [smem:$0x3FB1]  }
0x39: {  	_ = 	snop;
	(pc) =	sbr.ind lr, $3  }
0x3a: {  	_ = 	snop  }
0x3b: {  	_ = 	snop  }
0x3c: {  	p2 =	seq.s32 s10, $0x1;
	s10 =	sld [smem:$0x3FB0]  }
0x3d: {  	_ =	shalt  }
0x3e: {  	_ =	shalt  }
0x3f: {  	_ =	shalt  }
0x40: {  	_ =	shalt  }
0x41: {  	_ =	shalt  }
0x42: {  	_ =	shalt  }
0x43: {  	_ =	shalt  }
0x44: {  	_ =	shalt  }
0x45: {  	_ =	shalt  }
0x46: {  	_ =	shalt  }
0x47: {  	_ =	shalt  }
0x48: {  	_ =	shalt  }
0x49: {  	_ =	shalt  }
0x4a: {  	_ =	shalt  }
0x4b: {  	_ =	shalt  }
0x4c: {  	_ =	shalt  }
0x4d: {  	_ =	shalt  }
0x4e: {  	_ =	shalt  }
0x4f: {  	_ =	shalt  }
0x50: {  	_ =	shalt  }
0x51: {  	_ =	shalt  }
0x52: {  	_ =	shalt  }
0x53: {  	_ =	shalt  }
0x54: {  	_ =	shalt  }
0x55: {  	_ =	shalt  }
0x56: {  	_ =	shalt  }
0x57: {  	_ =	shalt  }
0x58: {  	_ =	shalt  }
0x59: {  	_ =	shalt  }
0x5a: {  	_ =	shalt  }
0x5b: {  	_ =	shalt  }
0x5c: {  	_ =	shalt  }
0x5d: {  	_ =	shalt  }
0x5e: {  	_ =	shalt  }
0x5f: {  	_ =	shalt  }
0x60: {  	_ =	shalt  }
0x61: {  	_ =	shalt  }
0x62: {  	_ =	shalt  }
0x63: {  	_ =	shalt  }
0x64: {  	_ =	shalt  }
0x65: {  	_ =	shalt  }
0x66: {  	_ =	shalt  }
0x67: {  	_ =	shalt  }
0x68: {  	_ =	shalt  }
0x69: {  	_ =	shalt  }
0x6a: {  	_ =	shalt  }
0x6b: {  	_ =	shalt  }
0x6c: {  	_ =	shalt  }
0x6d: {  	_ =	shalt  }
0x6e: {  	_ =	shalt  }
0x6f: {  	_ =	shalt  }
0x70: {  	_ =	shalt  }
0x71: {  	_ =	shalt  }
0x72: {  	_ =	shalt  }
0x73: {  	_ =	shalt  }
0x74: {  	_ =	shalt  }
0x75: {  	_ =	shalt  }
0x76: {  	_ =	shalt  }
0x77: {  	_ =	shalt  }
0x78: {  	_ =	shalt  }
0x79: {  	_ =	shalt  }
0x7a: {  	_ =	shalt  }
0x7b: {  	_ =	shalt  }
0x7c: {  	_ =	shalt  }
0x7d: {  	_ =	shalt  }
0x7e: {  	_ =	shalt  }
0x7f: {  	_ =	shalt  }
0x80: {  	_ =	shalt  }
0x81: {  	_ =	shalt  }
0x82: {  	_ =	shalt  }
0x83: {  	_ =	shalt  }
0x84: {  	_ =	shalt  }
0x85: {  	_ =	shalt  }
0x86: {  	_ =	shalt  }
0x87: {  	_ =	shalt  }
.Lfunc_end0:
.L_simem_size_0:
called_computation_lowered:
.L_overlay_start_0:
0x88: {  	s2 =	sld [smem:$0x3FD9]  }
0x89: {  	s3 =	sld [smem:$0x3FFE];
	_ =	sdelay $0x1  }
0x8a: {  	s1 =	srdreg.scid  }
0x8b: {  	s0 =	sand.u32 $0x1, s1  }
0x8c: {  	s16 =	sshll.u32 s0, $0xA;
	s2 =	sadd.s32 s3, s2  }
0x8d: {  	s2 =	sadd.s32 s2, s16  }
0x8e: {  	[smem:$0x3FBC] =	sst s2  }
0x8f: {  	_ = 	snop  }
0x90: {  	(tm) =	ssettm $0x1  }
0x91: {  	s17 =	sld [smem:$0x3FFB];
	_ =	sdelay $0x3  }
0x92: {  	_ =	strace s17  }
0x93: {  	s2 =	sld [smem:$0x3FFC];
	_ =	sdelay $0x3  }
0x94: {  	_ =	strace s2  }
0x95: {  	s2 =	sld [smem:$0x3FFD];
	_ =	sdelay $0x3  }
0x96: {  	_ =	strace s2  }
0x97: {  	_ =	strace $0x8FFFFFFF  }
0x98: {  	s18 =	sld [smem:$0x3FDB];
	_ =	sdelay $0x1  }
0x99: {  	s19 =	simm.s32 $_scs_section_size  }
0x9a: {  	s4 =	simm.s32 $_size__tile_overlayer_lowered;
	s5 =	simm.s32 $_tile_overlayer_lowered  }
0x9b: {  	s22 =	simm.s32 $0x1BFF;
	s21 =	sshll.u32 s5, $0x1;
	s2 =	sadd.s32 s19, s18  }
0x9c: {  	s6 =	simm.s32 $0x0;
	s20 =	sshll.u32 s4, $0x1;
	s4 =	sadd.s32 s21, s2  }
0x9d: {  	[timem:s6], [sflag:s22] =	dma.local [hbm:s4], s20  }
0x9e: {  	_ =	swait.ge [sflag:s22], s20  }
0x9f: {  	s3 =	ssub.s32 $0x0, s20;
	[sflag:s22] =	ssyncset.done $0x0  }
0xa0: {  	[sflag:s22] =	ssyncadd.s32 s3;
	_ =	sdelay $0x1  }
0xa1: {  	s23 =	simm.s32 $0x1B8B  }
0xa2: {  	_ =	swait.ge [sflag:s23], $0x1  }
0xa3: {  	[sflag:s23] =	ssyncset.done $0x0  }
0xa4: {  	s25 =	simm.s32 $0x1B8E;
	s24 =	sld [smem:$0x3FFE];
	[sflag:s23] =	ssyncadd.s32 $0xFFFFFFFF  }
0xa5: {  	s26 =	simm.s32 $execute0_lowered;
	[smem:$0x3FD2] =	sst s25  }
0xa6: {  	s4 =	sshll.u32 s26, $0x1;
	_ =	strace $0x80000046;
	[dreg:$0x1] =	wrdreg $0xFFFFFFFF  }
0xa7: {  	s28 =	simm.s32 $_size_execute0_lowered;
	s2 =	sadd.s32 s2, s4;
	[dreg:$0x0] =	wrdreg $0x0  }
0xa8: {  	s4 =	sshll.u32 s28, $0x1;
	[dreg:$0x2] =	wrdreg s2  }
0xa9: {  	[dreg:$0x3] =	wrdreg s4  }
0xaa: {  	[dreg:$0x4] =	wrdreg $0xC0  }
0xab: {  	_ =	task [dreg:s6], $0x5FFFF  }
0xac: {  	[dreg:$0x1] =	wrdreg $0xFFFFFFFF  }
0xad: {  	[dreg:$0x0] =	wrdreg $0x60  }
0xae: {  	[dreg:$0x2] =	wrdreg s24  }
0xaf: {  	[dreg:$0x3] =	wrdreg $0xA7800  }
0xb0: {  	[dreg:$0x4] =	wrdreg $0x9  }
0xb1: {  	_ =	task.clear_ibuf [dreg:s6], $0x5FFFF;
	_ =	strace $0x90000046  }
0xb2: {  	s29 =	simm.s32 $0x9;
	_ =	strace $0x80000048  }
0xb3: {  	_ =	swait.ge [sflag:s29], $0x1  }
0xb4: {  	[sflag:s29] =	ssyncadd.s32 $0xFFFFFFFF  }
0xb5: {  	_ =	strace $0x90000048  }
0xb6: {  	_ =	sfence  }
0xb7: {  	s30 =	sld [smem:$0x0];
	_ =	sdelay $0x2  }
0xb8: {  	s31 =	sshll.u32 s1, $0xD;
	s1 =	sshrl.u32 s1, $0x2  }
0xb9: {  	s3 =	sand.u32 $0x4000, s31;
	s1 =	sadd.s32 s1, s30  }
0xba: {  	s0 =	sor.u32 s3, s0;
	s1 =	sshll.u32 s1, $0x11  }
0xbb: {  	s0 =	sor.u32 s1, s0  }
0xbc: {  	s0 =	sadd.s32 $0x8F2B, s0  }
0xbd: {  	[sflag:s0] =	ssyncadd.remote.s32 $0x1  }
0xbe: {  	_ =	sfence.sel $0xFFFF  }
0xbf: {  	[dreg:$0x0] =	wrdreg $0xFFFFFFFF;
	(pc) =	sbr.abs _section_cstart, $3  }
0xc0: {  	[dreg:$0x1] =	wrdreg $0xFFFFFFFF  }
0xc1: {  	_ =	task.clear_ibuf [dreg:s6], $0x2FFFF;
	_ =	strace $0x9FFFFFFF  }
0xc2: {  	(tm) =	ssettm $0x7FFFFFFF  }
0xc3: {  	_ =	shalt  }
tec
execute0_lowered:
.L_overlay_start_1:
0x0: {  	(tag) =	ssettag $0x1  }
0x1: {  	s0 =	rddreg [dreg:$0x0]  }
0x2: {  	s1 =	rddreg [dreg:$0x1];
	s2 =	simm.s32 $0x0  }
0x3: {  	s3 =	srdreg.scid;
	s13 =	stileid.u32;
	s28 =	simm.s32 $0x4000  }
0x4: {  	s29 =	simm.s32 $0x4;
	s31 =	simm.s32 $0x40;
	[smem:$0x7FF] =	sst s2  }
0x5: {  	s15 =	sadd.s32 $0x2A200, s0;
	s3 =	sand.u32 $0x1, s3;
	s6 =	smul.u32 $0x278, s13  }
0x6: {  	s5 =	sadd.s32 $0x16200, s0;
	s7 =	sadd.s32 $0x2200, s0;
	s11 =	smul.u32 $0x4F000, s13  }
0x7: {  	s8 =	sadd.s32 $0xA0A00, s0;
	s9 =	sadd.s32 $0x51A00, s0;
	_ =	strace $0x80000047  }
0x8: {  	s4 =	ssub.s32 $0x2, s3;
	s12 =	smul.u32 $0x2780, s3;
	[dreg:$0x3] =	wrdreg s15  }
0x9: {  	s10 =	sshrl.u32 s4, $0x1;
	s21 =	sshrl.u32 s11, $0x2;
	s22 =	sadd.s32 $0x240, s6  }
0xa: {  	s11 =	smul.u32 $0x13C000, s3;
	s16 =	sadd.s32 s21, s1;
	s24 =	sshll.u32 s22, $0x4  }
0xb: {  	s20 =	ssub.s32 s4, s10;
	s3 =	sadd.s32 s15, s24;
	[dreg:$0x4] =	wrdreg s16  }
0xc: {  	s13 =	smul.u32 $0xA000, s13;
	s0 =	smax.u32 s20, $0x1;
	[dreg:$0x6] =	wrdreg s3  }
0xd: {  	s23 =	sshll.u32 s22, $0x7;
	s18 =	sadd.s32 $0x2000, s16;
	[dreg:$0x9] =	wrdreg s0  }
0xe: {  	s14 =	sadd.s32 s6, s12;
	s19 =	sadd.s32 $0x4000, s16;
	[dreg:$0xa] =	wrdreg s18  }
0xf: {  	s10 =	simm.s32 $0x3;
	s20 =	sadd.s32 $0x6000, s16;
	[dreg:$0xb] =	wrdreg s19  }
0x10: {  	s26 =	sadd.s32 s23, s1;
	s21 =	sadd.s32 $0x8000, s16;
	[dreg:$0xc] =	wrdreg s20  }
0x11: {  	s4 =	sadd.s32 s11, s23;
	s22 =	sadd.s32 $0xA000, s16;
	[dreg:$0xd] =	wrdreg s21  }
0x12: {  	s25 =	sshll.u32 s14, $0x4;
	s23 =	sadd.s32 $0xC000, s16;
	[dreg:$0xe] =	wrdreg s22  }
0x13: {  	s24 =	sadd.s32 $0xE000, s16;
	s4 =	sshrl.u32 s4, $0x3;
	[dreg:$0xf] =	wrdreg s23  }
0x14: {  	s15 =	sadd.s32 s25, s9;
	[dreg:$0x10] =	wrdreg s24;
	s25 =	sadd.s32 $0x10000, s16  }
0x15: {  	s23 =	simm.s32 $0x2000;
	s0 =	simm.s32 $0x6000;
	s24 =	simm.s32 $0x2080  }
0x16: {  	s19 =	simm.s32 $0x2100;
	s22 =	simm.s32 $0x2180;
	s18 =	simm.s32 $0xA000  }
0x17: {  	s3 =	simm.s32 $0xA500;
	s20 =	simm.s32 $0x8000;
	[dreg:$0x5] =	wrdreg s26  }
0x18: {  	s21 =	simm.s32 $0x2;
	s17 =	sadd.s32 $0x2400, s15;
	[dreg:$0x11] =	wrdreg s25  }
0x19: {  	s16 =	simm.s32 $0x0;
	s30 =	sadd.s32 s8, s4;
	[dreg:$0x8] =	wrdreg s17  }
0x1a: {  	v1 =	vimm.f32 $0.0e+00;
	v2 =	vimm.f32 $1.000000000e+00;
	v0 =	vmov s12;
	s15 =	simm.s32 $0x1;
	s4 =	simm.s32 $0xA280;
	[dreg:$0x7] =	wrdreg s30  }
.LBB2_1:
0x1b: {  	[dreg:$0x12] =	wrdreg s16;
	s12 =	simm.s32 $0x0;
	s16 =	simm.s32 $0x200  }
.LBB2_2:
0x1c: {  	p0 =	sne.s32 s16, $0x7E00;
	[tilespmem:s12+$0x4070] =	vst v1  }
0x1d: {  	[tilespmem:s12+$0x4000] =	vst v1  }
0x1e: {  	[tilespmem:s12+$0x4010] =	vst v1  }
.Ltmp0:
0x1f: {  	[tilespmem:s12+$0x4020] =	vst v1;
	(pc) =	sbr.rel @p0 .LBB2_2-.Ltmp0, $4  }
0x20: {  	[tilespmem:s12+$0x4030] =	vst v1  }
0x21: {  	[tilespmem:s12+$0x4040] =	vst v1  }
0x22: {  	[tilespmem:s12+$0x4050] =	vst v1  }
0x23: {  	[tilespmem:s12+$0x4060] =	vst v1;
	s12 =	sshra.s32 s16, $0x2;
	s16 =	sadd.s32 $0x200, s16  }
0x24: {  	[tilespmem:s12+$0x4070] =	vst v1  }
0x25: {  	[tilespmem:s12+$0x4000] =	vst v1  }
0x26: {  	[tilespmem:s12+$0x4010] =	vst v1  }
0x27: {  	[tilespmem:s12+$0x4020] =	vst v1  }
0x28: {  	[tilespmem:s12+$0x4030] =	vst v1  }
0x29: {  	[tilespmem:s12+$0x4040] =	vst v1  }
0x2a: {  	[tilespmem:s12+$0x4050] =	vst v1  }
0x2b: {  	[tilespmem:s12+$0x4060] =	vst v1;
	s16 =	rddreg [dreg:$0x4]  }
0x2c: {  	[spmem:s16] =	stream.linear.scatter [tilespmem:s28], [sflag:$0x4], $0x2000, $0x38;
	[tilespmem:$0x1E380] =	vst v63  }
0x2d: {  	_ =	swait.ge [sflag:s29], $0x2000  }
0x2e: {  	[sflag:s29] =	ssyncset.done $0x0  }
0x2f: {  	s17 =	rddreg [dreg:$0xa];
	[sflag:s29] =	ssyncadd.s32 $0xFFFFE000  }
0x30: {  	[spmem:s17] =	stream.linear.scatter [tilespmem:s28], [sflag:$0x4], $0x2000, $0x38;
	[tilespmem:$0x1E380] =	vst v63  }
0x31: {  	_ =	swait.ge [sflag:s29], $0x2000  }
0x32: {  	[sflag:s29] =	ssyncset.done $0x0  }
0x33: {  	s25 =	rddreg [dreg:$0xb];
	[sflag:s29] =	ssyncadd.s32 $0xFFFFE000  }
0x34: {  	[spmem:s25] =	stream.linear.scatter [tilespmem:s28], [sflag:$0x4], $0x2000, $0x38;
	[tilespmem:$0x1E380] =	vst v63  }
0x35: {  	_ =	swait.ge [sflag:s29], $0x2000  }
0x36: {  	[sflag:s29] =	ssyncset.done $0x0  }
0x37: {  	s16 =	rddreg [dreg:$0xc];
	[sflag:s29] =	ssyncadd.s32 $0xFFFFE000  }
0x38: {  	[spmem:s16] =	stream.linear.scatter [tilespmem:s28], [sflag:$0x4], $0x2000, $0x38;
	[tilespmem:$0x1E380] =	vst v63  }
0x39: {  	_ =	swait.ge [sflag:s29], $0x2000  }
0x3a: {  	[sflag:s29] =	ssyncset.done $0x0  }
0x3b: {  	s17 =	rddreg [dreg:$0xd];
	[sflag:s29] =	ssyncadd.s32 $0xFFFFE000  }
0x3c: {  	[spmem:s17] =	stream.linear.scatter [tilespmem:s28], [sflag:$0x4], $0x2000, $0x38;
	[tilespmem:$0x1E380] =	vst v63  }
0x3d: {  	_ =	swait.ge [sflag:s29], $0x2000  }
0x3e: {  	[sflag:s29] =	ssyncset.done $0x0  }
0x3f: {  	s25 =	rddreg [dreg:$0xe];
	[sflag:s29] =	ssyncadd.s32 $0xFFFFE000  }
0x40: {  	[spmem:s25] =	stream.linear.scatter [tilespmem:s28], [sflag:$0x4], $0x2000, $0x38;
	[tilespmem:$0x1E380] =	vst v63  }
0x41: {  	_ =	swait.ge [sflag:s29], $0x2000  }
0x42: {  	[sflag:s29] =	ssyncset.done $0x0  }
0x43: {  	s16 =	rddreg [dreg:$0xf];
	[sflag:s29] =	ssyncadd.s32 $0xFFFFE000  }
0x44: {  	[spmem:s16] =	stream.linear.scatter [tilespmem:s28], [sflag:$0x4], $0x2000, $0x38;
	[tilespmem:$0x1E380] =	vst v63  }
0x45: {  	_ =	swait.ge [sflag:s29], $0x2000  }
0x46: {  	[sflag:s29] =	ssyncset.done $0x0  }
0x47: {  	s17 =	rddreg [dreg:$0x10];
	[sflag:s29] =	ssyncadd.s32 $0xFFFFE000  }
0x48: {  	[spmem:s17] =	stream.linear.scatter [tilespmem:s28], [sflag:$0x4], $0x2000, $0x38;
	[tilespmem:$0x1E380] =	vst v63  }
0x49: {  	_ =	swait.ge [sflag:s29], $0x2000  }
0x4a: {  	[sflag:s29] =	ssyncset.done $0x0  }
0x4b: {  	s25 =	rddreg [dreg:$0x11];
	[sflag:s29] =	ssyncadd.s32 $0xFFFFE000  }
0x4c: {  	[spmem:s25] =	stream.linear.scatter [tilespmem:s28], [sflag:$0x4], $0x2000, $0x38;
	[tilespmem:$0x1E380] =	vst v63  }
0x4d: {  	_ =	swait.ge [sflag:s29], $0x2000  }
0x4e: {  	[sflag:s29] =	ssyncset.done $0x0  }
0x4f: {  	[sflag:s29] =	ssyncadd.s32 $0xFFFFE000  }
0x50: {  	[spmem:s26] =	stream.linear.scatter [tilespmem:s28], [sflag:$0x4], $0x1C00, $0x38;
	[tilespmem:$0x1E380] =	vst v63  }
0x51: {  	_ =	swait.ge [sflag:s29], $0x1C00  }
0x52: {  	[sflag:s29] =	ssyncset.done $0x0  }
0x53: {  	s12 =	simm.s32 $0x0;
	[sflag:s29] =	ssyncadd.s32 $0xFFFFE400  }
0x54: {  	s16 =	simm.s32 $0x0;
	s17 =	simm.s32 $0x200;
	[bflag:$0x0] =	sbarrier.arrive $0xFFFF  }
.LBB2_4:
0x55: {  	p0 =	sne.s32 s17, $0x7E00;
	[tilespmem:s16+$0x6070] =	vst v2  }
0x56: {  	[tilespmem:s16+$0x6000] =	vst v2  }
0x57: {  	[tilespmem:s16+$0x6010] =	vst v2  }
.Ltmp1:
0x58: {  	[tilespmem:s16+$0x6020] =	vst v2;
	(pc) =	sbr.rel @p0 .LBB2_4-.Ltmp1, $4  }
0x59: {  	[tilespmem:s16+$0x6030] =	vst v2  }
0x5a: {  	[tilespmem:s16+$0x6040] =	vst v2  }
0x5b: {  	[tilespmem:s16+$0x6050] =	vst v2  }
0x5c: {  	[tilespmem:s16+$0x6060] =	vst v2;
	s16 =	sshra.s32 s17, $0x2;
	s17 =	sadd.s32 $0x200, s17  }
0x5d: {  	[tilespmem:s16+$0x6070] =	vst v2  }
0x5e: {  	[tilespmem:s16+$0x6000] =	vst v2  }
0x5f: {  	[tilespmem:s16+$0x6010] =	vst v2  }
0x60: {  	[tilespmem:s16+$0x6020] =	vst v2  }
0x61: {  	[tilespmem:s16+$0x6030] =	vst v2  }
0x62: {  	[tilespmem:s16+$0x6040] =	vst v2  }
0x63: {  	[tilespmem:s16+$0x6050] =	vst v2  }
0x64: {  	[tilespmem:s16+$0x6060] =	vst v2  }
.LBB2_6:
0x65: {  	s16 =	sshll.u32 s12, $0xD  }
0x66: {  	s16 =	sadd.s32 s13, s16  }
0x67: {  	s16 =	sshrl.u32 s16, $0x3  }
0x68: {  	s16 =	sadd.s32 s5, s16  }
0x69: {  	[tilespmem:s23], [sflag:$0x4] =	stream.linear.gather [hbm4b:s16+s2], $0x2000, $0x38;
	[tilespmem:$0x1E380] =	vst v63  }
0x6a: {  	_ =	swait.ge [sflag:s29], $0x2000  }
0x6b: {  	[sflag:s29] =	ssyncset.done $0x0  }
0x6c: {  	[sflag:s29] =	ssyncadd.s32 $0xFFFFE000  }
0x6d: {  	[spmem:s1] =	stream.indirect.scatter.add.f32 [tilespmem:s0], [sflag:$0x1], $0x80, s23, s31, $0xb8;
	[tilespmem:$0x1E380] =	vst v63  }
0x6e: {  	_ = 	snop  }
0x6f: {  	[spmem:s1] =	stream.indirect.scatter.add.f32 [tilespmem:s0], [sflag:$0x1], $0x80, s24, s31, $0xb8;
	[tilespmem:$0x1E380] =	vst v63  }
0x70: {  	_ = 	snop  }
0x71: {  	[spmem:s1] =	stream.indirect.scatter.add.f32 [tilespmem:s0], [sflag:$0x1], $0x80, s19, s31, $0xb8;
	[tilespmem:$0x1E380] =	vst v63  }
0x72: {  	_ = 	snop  }
0x73: {  	[spmem:s1] =	stream.indirect.scatter.add.f32 [tilespmem:s0], [sflag:$0x1], $0x80, s22, s31, $0xb8;
	[tilespmem:$0x1E380] =	vst v63  }
0x74: {  	s17 =	simm.s32 $0x2200  }
0x75: {  	[spmem:s1] =	stream.indirect.scatter.add.f32 [tilespmem:s0], [sflag:$0x1], $0x80, s17, s31, $0xb8;
	[tilespmem:$0x1E380] =	vst v63  }
0x76: {  	s25 =	simm.s32 $0x2280  }
0x77: {  	[spmem:s1] =	stream.indirect.scatter.add.f32 [tilespmem:s0], [sflag:$0x1], $0x80, s25, s31, $0xb8;
	[tilespmem:$0x1E380] =	vst v63  }
0x78: {  	_ =	swait.ge [sflag:s15], $0x2000  }
0x79: {  	[sflag:s15] =	ssyncset.done $0x0  }
0x7a: {  	s16 =	simm.s32 $0xE00;
	s17 =	simm.s32 $0x2300;
	[sflag:s15] =	ssyncadd.s32 $0xFFFFE000  }
.LBB2_7:
0x7b: {  	[spmem:s1] =	stream.indirect.scatter.add.f32 [tilespmem:s0], [sflag:$0x1], $0x80, s17, s31, $0xb8;
	[tilespmem:$0x1E380] =	vst v63  }
0x7c: {  	s17 =	smov.u32 s16;
	p0 =	sne.s32 s16, $0x7E00  }
.Ltmp2:
0x7d: {  	s16 =	sadd.s32 $0x200, s16;
	(pc) =	sbr.rel @p0 .LBB2_7-.Ltmp2, $4  }
0x7e: {  	_ = 	snop  }
0x7f: {  	_ =	swait.ge [sflag:s15], $0x2000  }
0x80: {  	s17 =	sshra.s32 s17, $0x2;
	[sflag:s15] =	ssyncset.done $0x0  }
0x81: {  	s17 =	sadd.s32 $0x2000, s17;
	[sflag:s15] =	ssyncadd.s32 $0xFFFFE000  }
0x82: {  	[spmem:s1] =	stream.indirect.scatter.add.f32 [tilespmem:s0], [sflag:$0x1], $0x80, s17, s31, $0xb8;
	[tilespmem:$0x1E380] =	vst v63  }
0x83: {  	_ =	swait.ge [sflag:s15], $0x2000  }
0x84: {  	[sflag:s15] =	ssyncset.done $0x0  }
0x85: {  	[sflag:s15] =	ssyncadd.s32 $0xFFFFE000  }
0x86: {  	_ =	swait.ge [sflag:s15], $0x2000  }
0x87: {  	[sflag:s15] =	ssyncset.done $0x0  }
0x88: {  	[sflag:s15] =	ssyncadd.s32 $0xFFFFE000  }
0x89: {  	_ =	swait.ge [sflag:s15], $0x2000  }
0x8a: {  	[sflag:s15] =	ssyncset.done $0x0  }
0x8b: {  	[sflag:s15] =	ssyncadd.s32 $0xFFFFE000  }
0x8c: {  	_ =	swait.ge [sflag:s15], $0x2000  }
0x8d: {  	[sflag:s15] =	ssyncset.done $0x0  }
0x8e: {  	s12 =	sadd.s32 $0x1, s12;
	[sflag:s15] =	ssyncadd.s32 $0xFFFFE000  }
0x8f: {  	p0 =	sne.s32 s12, $0x5;
	_ =	swait.ge [sflag:s15], $0x2000  }
.Ltmp3:
0x90: {  	[sflag:s15] =	ssyncset.done $0x0;
	(pc) =	sbr.rel @p0 .LBB2_6-.Ltmp3, $4  }
0x91: {  	[sflag:s15] =	ssyncadd.s32 $0xFFFFE000  }
0x92: {  	_ =	swait.ge [sflag:s15], $0x2000  }
0x93: {  	[sflag:s15] =	ssyncset.done $0x0  }
0x94: {  	[sflag:s15] =	ssyncadd.s32 $0xFFFFE000  }
0x95: {  	[bflag:$0x0] =	sbarrier.arrive $0xFFFF;
	s12 =	simm.s32 $0x0;
	s16 =	simm.s32 $0x0  }
.LBB2_10:
0x96: {  	s17 =	sshll.u32 s16, $0x6  }
0x97: {  	s17 =	sadd.s32 s6, s17  }
0x98: {  	s17 =	sshll.u32 s17, $0x7  }
0x99: {  	s17 =	sand.u32 $0x3FFFFF80, s17  }
0x9a: {  	s17 =	sadd.s32 s17, s1  }
0x9b: {  	[tilespmem:s28], [sflag:$0x4] =	stream.linear.gather [spmem:s17], $0x2000, $0x38;
	[tilespmem:$0x1E380] =	vst v63  }
0x9c: {  	_ =	swait.ge [sflag:s29], $0x2000  }
0x9d: {  	[sflag:s29] =	ssyncset.done $0x0  }
0x9e: {  	s25 =	simm.s32 $0x0;
	[sflag:s29] =	ssyncadd.s32 $0xFFFFE000  }
0x9f: {  	v3 =	vld [tilespmem:s25+$0x4000];
	_ =	sdelay $0x4  }
0xa0: {  	v3 =	vmax.f32 v3, $1.000000000e+00  }
0xa1: {  	v4 =	vshra.s32 v3, $0x1;
	v3 =	vmul.f32 $5.000000000e-01, v3  }
0xa2: {  	v4 =	vsub.s32 $0x5F3759DF, v4  }
0xa3: {  	v5 =	vmul.f32 v4, v3;
	_ =	sdelay $0x1  }
0xa4: {  	v5 =	vmul.f32 v4, v5;
	_ =	sdelay $0x1  }
0xa5: {  	v5 =	vsub.f32 $1.500000000e+00, v5;
	_ =	sdelay $0x1  }
0xa6: {  	v4 =	vmul.f32 v4, v5;
	_ =	sdelay $0x1  }
0xa7: {  	v5 =	vmul.f32 v4, v3;
	_ =	sdelay $0x1  }
0xa8: {  	v5 =	vmul.f32 v5, v4;
	_ =	sdelay $0x1  }
0xa9: {  	v5 =	vsub.f32 $1.500000000e+00, v5;
	_ =	sdelay $0x1  }
0xaa: {  	v4 =	vmul.f32 v5, v4;
	_ =	sdelay $0x1  }
0xab: {  	v3 =	vmul.f32 v4, v3;
	_ =	sdelay $0x1  }
0xac: {  	v3 =	vmul.f32 v3, v4  }
0xad: {  	v63 =	vmov s12  }
0xae: {  	v3 =	vsub.f32 $1.500000000e+00, v3;
	_ =	sdelay $0x1  }
0xaf: {  	v3 =	vmul.f32 v3, v4;
	_ =	sdelay $0x1  }
0xb0: {  	s22 =	simm.s32 $0x80;
	s19 =	simm.s32 $0x400;
	s17 =	smov.u32 s12;
	[tilespmem:v63+s18+$0x0] =	vst.idx.msk $0x1, v3  }
.LBB2_11:
0xb1: {  	p0 =	sne.s32 s19, $0x7E00;
	v3 =	vld [tilespmem:s22+$0x4000];
	_ =	sdelay $0x4  }
0xb2: {  	v3 =	vmax.f32 v3, $1.000000000e+00  }
0xb3: {  	v4 =	vshra.s32 v3, $0x1;
	v3 =	vmul.f32 $5.000000000e-01, v3  }
0xb4: {  	v4 =	vsub.s32 $0x5F3759DF, v4  }
0xb5: {  	v5 =	vmul.f32 v4, v3;
	_ =	sdelay $0x1  }
0xb6: {  	v5 =	vmul.f32 v4, v5;
	_ =	sdelay $0x1  }
0xb7: {  	v5 =	vsub.f32 $1.500000000e+00, v5;
	_ =	sdelay $0x1  }
0xb8: {  	v4 =	vmul.f32 v4, v5;
	_ =	sdelay $0x1  }
0xb9: {  	v5 =	vmul.f32 v4, v3;
	_ =	sdelay $0x1  }
0xba: {  	v5 =	vmul.f32 v5, v4;
	_ =	sdelay $0x1  }
0xbb: {  	v5 =	vsub.f32 $1.500000000e+00, v5;
	_ =	sdelay $0x1  }
0xbc: {  	v4 =	vmul.f32 v5, v4;
	_ =	sdelay $0x1  }
0xbd: {  	v3 =	vmul.f32 v4, v3;
	_ =	sdelay $0x1  }
0xbe: {  	s17 =	sadd.s32 $0x1, s17;
	v3 =	vmul.f32 v3, v4  }
0xbf: {  	v5 =	vmov s17  }
.Ltmp4:
0xc0: {  	v3 =	vsub.f32 $1.500000000e+00, v3;
	(pc) =	sbr.rel @p0 .LBB2_11-.Ltmp4, $3  }
0xc1: {  	_ = 	snop  }
0xc2: {  	v3 =	vmul.f32 v3, v4;
	_ =	sdelay $0x1  }
0xc3: {  	s22 =	sshra.s32 s19, $0x2;
	s19 =	sadd.s32 $0x200, s19;
	[tilespmem:v5+s18+$0x0] =	vst.idx.msk $0x1, v3  }
0xc4: {  	v3 =	vld [tilespmem:s22+$0x4000];
	_ =	sdelay $0x4  }
0xc5: {  	v3 =	vmax.f32 v3, $1.000000000e+00  }
0xc6: {  	v4 =	vshra.s32 v3, $0x1;
	v3 =	vmul.f32 $5.000000000e-01, v3  }
0xc7: {  	v4 =	vsub.s32 $0x5F3759DF, v4  }
0xc8: {  	v5 =	vmul.f32 v4, v3;
	_ =	sdelay $0x1  }
0xc9: {  	v5 =	vmul.f32 v4, v5;
	_ =	sdelay $0x1  }
0xca: {  	v5 =	vsub.f32 $1.500000000e+00, v5;
	_ =	sdelay $0x1  }
0xcb: {  	v4 =	vmul.f32 v4, v5;
	_ =	sdelay $0x1  }
0xcc: {  	v5 =	vmul.f32 v4, v3;
	_ =	sdelay $0x1  }
0xcd: {  	v5 =	vmul.f32 v5, v4;
	_ =	sdelay $0x1  }
0xce: {  	v5 =	vsub.f32 $1.500000000e+00, v5;
	_ =	sdelay $0x1  }
0xcf: {  	v4 =	vmul.f32 v5, v4;
	_ =	sdelay $0x1  }
0xd0: {  	v3 =	vmul.f32 v4, v3;
	_ =	sdelay $0x1  }
0xd1: {  	s17 =	sadd.s32 $0x1, s17;
	s16 =	sadd.s32 $0x1, s16;
	v3 =	vmul.f32 v3, v4  }
0xd2: {  	v63 =	vmov s17;
	p0 =	sne.s32 s16, $0x9  }
.Ltmp5:
0xd3: {  	v3 =	vsub.f32 $1.500000000e+00, v3;
	(pc) =	sbr.rel @p0 .LBB2_10-.Ltmp5, $3  }
0xd4: {  	_ = 	snop  }
0xd5: {  	v3 =	vmul.f32 v3, v4;
	_ =	sdelay $0x1  }
0xd6: {  	s12 =	sadd.s32 $0x40, s12;
	[tilespmem:v63+s18+$0x0] =	vst.idx.msk $0x1, v3  }
0xd7: {  	s16 =	simm.s32 $0x4000  }
0xd8: {  	[tilespmem:s16], [sflag:$0x4] =	stream.linear.gather [spmem:s26], $0x1C00, $0x38;
	[tilespmem:$0x1E380] =	vst v63  }
0xd9: {  	_ =	swait.ge [sflag:s29], $0x1C00  }
0xda: {  	[sflag:s29] =	ssyncset.done $0x0  }
0xdb: {  	[sflag:s29] =	ssyncadd.s32 $0xFFFFE400  }
0xdc: {  	s12 =	simm.s32 $0x240;
	s17 =	simm.s32 $0x241;
	v3 =	vld [tilespmem:s16+$0x0]  }
.LBB2_14:
0xdd: {  	p0 =	sne.s32 s17, $0x277;
	_ =	sdelay $0x3  }
0xde: {  	v3 =	vmax.f32 v3, $1.000000000e+00  }
0xdf: {  	v4 =	vshra.s32 v3, $0x1;
	v3 =	vmul.f32 $5.000000000e-01, v3  }
0xe0: {  	v4 =	vsub.s32 $0x5F3759DF, v4  }
0xe1: {  	v5 =	vmul.f32 v4, v3;
	_ =	sdelay $0x1  }
0xe2: {  	v5 =	vmul.f32 v4, v5;
	_ =	sdelay $0x1  }
0xe3: {  	v5 =	vsub.f32 $1.500000000e+00, v5;
	_ =	sdelay $0x1  }
0xe4: {  	v4 =	vmul.f32 v4, v5;
	_ =	sdelay $0x1  }
0xe5: {  	v5 =	vmul.f32 v4, v3;
	_ =	sdelay $0x1  }
0xe6: {  	v5 =	vmul.f32 v5, v4;
	_ =	sdelay $0x1  }
0xe7: {  	v5 =	vsub.f32 $1.500000000e+00, v5;
	_ =	sdelay $0x1  }
0xe8: {  	v4 =	vmul.f32 v5, v4;
	_ =	sdelay $0x1  }
0xe9: {  	v3 =	vmul.f32 v4, v3;
	_ =	sdelay $0x1  }
0xea: {  	v3 =	vmul.f32 v3, v4  }
0xeb: {  	v5 =	vmov s12;
	s12 =	smov.u32 s17  }
0xec: {  	v3 =	vsub.f32 $1.500000000e+00, v3  }
.Ltmp6:
0xed: {  	(pc) =	sbr.rel @p0 .LBB2_14-.Ltmp6, $3  }
0xee: {  	v3 =	vmul.f32 v3, v4;
	_ =	sdelay $0x1  }
0xef: {  	s16 =	sadd.s32 $0x80, s16;
	[tilespmem:v5+s18+$0x0] =	vst.idx.msk $0x1, v3  }
0xf0: {  	s17 =	sadd.s32 $0x1, s17;
	v3 =	vld [tilespmem:s16+$0x0]  }
0xf1: {  	_ =	sdelay $0x3  }
0xf2: {  	v3 =	vmax.f32 v3, $1.000000000e+00  }
0xf3: {  	v4 =	vshra.s32 v3, $0x1;
	v3 =	vmul.f32 $5.000000000e-01, v3  }
0xf4: {  	v4 =	vsub.s32 $0x5F3759DF, v4  }
0xf5: {  	v5 =	vmul.f32 v4, v3;
	_ =	sdelay $0x1  }
0xf6: {  	v5 =	vmul.f32 v4, v5;
	_ =	sdelay $0x1  }
0xf7: {  	v5 =	vsub.f32 $1.500000000e+00, v5;
	_ =	sdelay $0x1  }
0xf8: {  	v4 =	vmul.f32 v4, v5;
	_ =	sdelay $0x1  }
0xf9: {  	v5 =	vmul.f32 v4, v3;
	_ =	sdelay $0x1  }
0xfa: {  	v5 =	vmul.f32 v5, v4;
	_ =	sdelay $0x1  }
0xfb: {  	v5 =	vsub.f32 $1.500000000e+00, v5;
	_ =	sdelay $0x1  }
0xfc: {  	v4 =	vmul.f32 v5, v4;
	_ =	sdelay $0x1  }
0xfd: {  	v3 =	vmul.f32 v4, v3;
	_ =	sdelay $0x1  }
0xfe: {  	v3 =	vmul.f32 v3, v4  }
0xff: {  	v63 =	vmov s12  }
0x100: {  	v3 =	vsub.f32 $1.500000000e+00, v3;
	_ =	sdelay $0x1  }
0x101: {  	v3 =	vmul.f32 v3, v4;
	_ =	sdelay $0x1  }
0x102: {  	s12 =	simm.s32 $0x0;
	s16 =	simm.s32 $0x200;
	[tilespmem:v63+s18+$0x0] =	vst.idx.msk $0x1, v3  }
.LBB2_16:
0x103: {  	p0 =	sne.s32 s16, $0x7E00;
	[tilespmem:s12+$0x4070] =	vst v1  }
0x104: {  	[tilespmem:s12+$0x4000] =	vst v1  }
0x105: {  	[tilespmem:s12+$0x4010] =	vst v1  }
.Ltmp7:
0x106: {  	[tilespmem:s12+$0x4020] =	vst v1;
	(pc) =	sbr.rel @p0 .LBB2_16-.Ltmp7, $4  }
0x107: {  	[tilespmem:s12+$0x4030] =	vst v1  }
0x108: {  	[tilespmem:s12+$0x4040] =	vst v1  }
0x109: {  	[tilespmem:s12+$0x4050] =	vst v1  }
0x10a: {  	[tilespmem:s12+$0x4060] =	vst v1;
	s12 =	sshra.s32 s16, $0x2;
	s16 =	sadd.s32 $0x200, s16  }
0x10b: {  	[tilespmem:s12+$0x4070] =	vst v1  }
0x10c: {  	[tilespmem:s12+$0x4000] =	vst v1  }
0x10d: {  	[tilespmem:s12+$0x4010] =	vst v1  }
0x10e: {  	[tilespmem:s12+$0x4020] =	vst v1  }
0x10f: {  	[tilespmem:s12+$0x4030] =	vst v1  }
0x110: {  	[tilespmem:s12+$0x4040] =	vst v1  }
0x111: {  	[tilespmem:s12+$0x4050] =	vst v1  }
0x112: {  	[tilespmem:s12+$0x4060] =	vst v1;
	s17 =	rddreg [dreg:$0x4]  }
0x113: {  	[spmem:s17] =	stream.linear.scatter [tilespmem:s28], [sflag:$0x4], $0x2000, $0x38;
	[tilespmem:$0x1E380] =	vst v63  }
0x114: {  	_ =	swait.ge [sflag:s29], $0x2000  }
0x115: {  	[sflag:s29] =	ssyncset.done $0x0  }
0x116: {  	s19 =	rddreg [dreg:$0xa];
	[sflag:s29] =	ssyncadd.s32 $0xFFFFE000  }
0x117: {  	[spmem:s19] =	stream.linear.scatter [tilespmem:s28], [sflag:$0x4], $0x2000, $0x38;
	[tilespmem:$0x1E380] =	vst v63  }
0x118: {  	_ =	swait.ge [sflag:s29], $0x2000  }
0x119: {  	[sflag:s29] =	ssyncset.done $0x0  }
0x11a: {  	s22 =	rddreg [dreg:$0xb];
	[sflag:s29] =	ssyncadd.s32 $0xFFFFE000  }
0x11b: {  	[spmem:s22] =	stream.linear.scatter [tilespmem:s28], [sflag:$0x4], $0x2000, $0x38;
	[tilespmem:$0x1E380] =	vst v63  }
0x11c: {  	_ =	swait.ge [sflag:s29], $0x2000  }
0x11d: {  	[sflag:s29] =	ssyncset.done $0x0  }
0x11e: {  	s25 =	rddreg [dreg:$0xc];
	[sflag:s29] =	ssyncadd.s32 $0xFFFFE000  }
0x11f: {  	[spmem:s25] =	stream.linear.scatter [tilespmem:s28], [sflag:$0x4], $0x2000, $0x38;
	[tilespmem:$0x1E380] =	vst v63  }
0x120: {  	_ =	swait.ge [sflag:s29], $0x2000  }
0x121: {  	[sflag:s29] =	ssyncset.done $0x0  }
0x122: {  	s16 =	rddreg [dreg:$0xd];
	[sflag:s29] =	ssyncadd.s32 $0xFFFFE000  }
0x123: {  	[spmem:s16] =	stream.linear.scatter [tilespmem:s28], [sflag:$0x4], $0x2000, $0x38;
	[tilespmem:$0x1E380] =	vst v63  }
0x124: {  	_ =	swait.ge [sflag:s29], $0x2000  }
0x125: {  	[sflag:s29] =	ssyncset.done $0x0  }
0x126: {  	s17 =	rddreg [dreg:$0xe];
	[sflag:s29] =	ssyncadd.s32 $0xFFFFE000  }
0x127: {  	[spmem:s17] =	stream.linear.scatter [tilespmem:s28], [sflag:$0x4], $0x2000, $0x38;
	[tilespmem:$0x1E380] =	vst v63  }
0x128: {  	_ =	swait.ge [sflag:s29], $0x2000  }
0x129: {  	[sflag:s29] =	ssyncset.done $0x0  }
0x12a: {  	s19 =	rddreg [dreg:$0xf];
	[sflag:s29] =	ssyncadd.s32 $0xFFFFE000  }
0x12b: {  	[spmem:s19] =	stream.linear.scatter [tilespmem:s28], [sflag:$0x4], $0x2000, $0x38;
	[tilespmem:$0x1E380] =	vst v63  }
0x12c: {  	_ =	swait.ge [sflag:s29], $0x2000  }
0x12d: {  	[sflag:s29] =	ssyncset.done $0x0  }
0x12e: {  	s22 =	rddreg [dreg:$0x10];
	[sflag:s29] =	ssyncadd.s32 $0xFFFFE000  }
0x12f: {  	[spmem:s22] =	stream.linear.scatter [tilespmem:s28], [sflag:$0x4], $0x2000, $0x38;
	[tilespmem:$0x1E380] =	vst v63  }
0x130: {  	_ =	swait.ge [sflag:s29], $0x2000  }
0x131: {  	[sflag:s29] =	ssyncset.done $0x0  }
0x132: {  	s25 =	rddreg [dreg:$0x11];
	[sflag:s29] =	ssyncadd.s32 $0xFFFFE000  }
0x133: {  	[spmem:s25] =	stream.linear.scatter [tilespmem:s28], [sflag:$0x4], $0x2000, $0x38;
	[tilespmem:$0x1E380] =	vst v63  }
0x134: {  	_ =	swait.ge [sflag:s29], $0x2000  }
0x135: {  	[sflag:s29] =	ssyncset.done $0x0  }
0x136: {  	[sflag:s29] =	ssyncadd.s32 $0xFFFFE000  }
0x137: {  	[spmem:s26] =	stream.linear.scatter [tilespmem:s28], [sflag:$0x4], $0x1C00, $0x38;
	[tilespmem:$0x1E380] =	vst v63  }
0x138: {  	_ =	swait.ge [sflag:s29], $0x1C00  }
0x139: {  	s12 =	simm.s32 $0x0;
	[sflag:s29] =	ssyncset.done $0x0  }
0x13a: {  	s16 =	simm.s32 $0x0;
	s17 =	simm.s32 $0x200;
	[sflag:s29] =	ssyncadd.s32 $0xFFFFE400  }
0x13b: {  	s19 =	simm.s32 $0x2100;
	s22 =	simm.s32 $0x2180;
	[bflag:$0x0] =	sbarrier.arrive $0xFFFF  }
.LBB2_18:
0x13c: {  	p0 =	sne.s32 s17, $0x7E00;
	[tilespmem:s16+$0x6070] =	vst v2  }
0x13d: {  	[tilespmem:s16+$0x6000] =	vst v2  }
0x13e: {  	[tilespmem:s16+$0x6010] =	vst v2  }
.Ltmp8:
0x13f: {  	[tilespmem:s16+$0x6020] =	vst v2;
	(pc) =	sbr.rel @p0 .LBB2_18-.Ltmp8, $4  }
0x140: {  	[tilespmem:s16+$0x6030] =	vst v2  }
0x141: {  	[tilespmem:s16+$0x6040] =	vst v2  }
0x142: {  	[tilespmem:s16+$0x6050] =	vst v2  }
0x143: {  	[tilespmem:s16+$0x6060] =	vst v2;
	s16 =	sshra.s32 s17, $0x2;
	s17 =	sadd.s32 $0x200, s17  }
0x144: {  	[tilespmem:s16+$0x6070] =	vst v2  }
0x145: {  	[tilespmem:s16+$0x6000] =	vst v2  }
0x146: {  	[tilespmem:s16+$0x6010] =	vst v2  }
0x147: {  	[tilespmem:s16+$0x6020] =	vst v2  }
0x148: {  	[tilespmem:s16+$0x6030] =	vst v2  }
0x149: {  	[tilespmem:s16+$0x6040] =	vst v2  }
0x14a: {  	[tilespmem:s16+$0x6050] =	vst v2  }
0x14b: {  	[tilespmem:s16+$0x6060] =	vst v2  }
.LBB2_20:
0x14c: {  	s16 =	sshll.u32 s12, $0xD  }
0x14d: {  	s16 =	sadd.s32 s13, s16  }
0x14e: {  	s16 =	sshrl.u32 s16, $0x3  }
0x14f: {  	s16 =	sadd.s32 s7, s16  }
0x150: {  	[tilespmem:s23], [sflag:$0x4] =	stream.linear.gather [hbm4b:s16+s2], $0x2000, $0x38;
	[tilespmem:$0x1E380] =	vst v63  }
0x151: {  	_ =	swait.ge [sflag:s29], $0x2000  }
0x152: {  	[sflag:s29] =	ssyncset.done $0x0  }
0x153: {  	[sflag:s29] =	ssyncadd.s32 $0xFFFFE000  }
0x154: {  	[spmem:s1] =	stream.indirect.scatter.add.f32 [tilespmem:s0], [sflag:$0x1], $0x80, s23, s31, $0xb8;
	[tilespmem:$0x1E380] =	vst v63  }
0x155: {  	_ = 	snop  }
0x156: {  	[spmem:s1] =	stream.indirect.scatter.add.f32 [tilespmem:s0], [sflag:$0x1], $0x80, s24, s31, $0xb8;
	[tilespmem:$0x1E380] =	vst v63  }
0x157: {  	_ = 	snop  }
0x158: {  	[spmem:s1] =	stream.indirect.scatter.add.f32 [tilespmem:s0], [sflag:$0x1], $0x80, s19, s31, $0xb8;
	[tilespmem:$0x1E380] =	vst v63  }
0x159: {  	_ = 	snop  }
0x15a: {  	[spmem:s1] =	stream.indirect.scatter.add.f32 [tilespmem:s0], [sflag:$0x1], $0x80, s22, s31, $0xb8;
	[tilespmem:$0x1E380] =	vst v63  }
0x15b: {  	s17 =	simm.s32 $0x2200  }
0x15c: {  	[spmem:s1] =	stream.indirect.scatter.add.f32 [tilespmem:s0], [sflag:$0x1], $0x80, s17, s31, $0xb8;
	[tilespmem:$0x1E380] =	vst v63  }
0x15d: {  	s25 =	simm.s32 $0x2280  }
0x15e: {  	[spmem:s1] =	stream.indirect.scatter.add.f32 [tilespmem:s0], [sflag:$0x1], $0x80, s25, s31, $0xb8;
	[tilespmem:$0x1E380] =	vst v63  }
0x15f: {  	_ =	swait.ge [sflag:s15], $0x2000  }
0x160: {  	[sflag:s15] =	ssyncset.done $0x0  }
0x161: {  	s16 =	simm.s32 $0xE00;
	s17 =	simm.s32 $0x2300;
	[sflag:s15] =	ssyncadd.s32 $0xFFFFE000  }
.LBB2_21:
0x162: {  	[spmem:s1] =	stream.indirect.scatter.add.f32 [tilespmem:s0], [sflag:$0x1], $0x80, s17, s31, $0xb8;
	[tilespmem:$0x1E380] =	vst v63  }
0x163: {  	s17 =	smov.u32 s16;
	p0 =	sne.s32 s16, $0x7E00  }
.Ltmp9:
0x164: {  	s16 =	sadd.s32 $0x200, s16;
	(pc) =	sbr.rel @p0 .LBB2_21-.Ltmp9, $4  }
0x165: {  	_ = 	snop  }
0x166: {  	_ =	swait.ge [sflag:s15], $0x2000  }
0x167: {  	s17 =	sshra.s32 s17, $0x2;
	[sflag:s15] =	ssyncset.done $0x0  }
0x168: {  	s17 =	sadd.s32 $0x2000, s17;
	[sflag:s15] =	ssyncadd.s32 $0xFFFFE000  }
0x169: {  	[spmem:s1] =	stream.indirect.scatter.add.f32 [tilespmem:s0], [sflag:$0x1], $0x80, s17, s31, $0xb8;
	[tilespmem:$0x1E380] =	vst v63  }
0x16a: {  	_ =	swait.ge [sflag:s15], $0x2000  }
0x16b: {  	[sflag:s15] =	ssyncset.done $0x0  }
0x16c: {  	[sflag:s15] =	ssyncadd.s32 $0xFFFFE000  }
0x16d: {  	_ =	swait.ge [sflag:s15], $0x2000  }
0x16e: {  	[sflag:s15] =	ssyncset.done $0x0  }
0x16f: {  	[sflag:s15] =	ssyncadd.s32 $0xFFFFE000  }
0x170: {  	_ =	swait.ge [sflag:s15], $0x2000  }
0x171: {  	[sflag:s15] =	ssyncset.done $0x0  }
0x172: {  	[sflag:s15] =	ssyncadd.s32 $0xFFFFE000  }
0x173: {  	_ =	swait.ge [sflag:s15], $0x2000  }
0x174: {  	[sflag:s15] =	ssyncset.done $0x0  }
0x175: {  	s12 =	sadd.s32 $0x1, s12;
	[sflag:s15] =	ssyncadd.s32 $0xFFFFE000  }
0x176: {  	p0 =	sne.s32 s12, $0x5;
	_ =	swait.ge [sflag:s15], $0x2000  }
.Ltmp10:
0x177: {  	[sflag:s15] =	ssyncset.done $0x0;
	(pc) =	sbr.rel @p0 .LBB2_20-.Ltmp10, $4  }
0x178: {  	[sflag:s15] =	ssyncadd.s32 $0xFFFFE000  }
0x179: {  	_ =	swait.ge [sflag:s15], $0x2000  }
0x17a: {  	[sflag:s15] =	ssyncset.done $0x0  }
0x17b: {  	[sflag:s15] =	ssyncadd.s32 $0xFFFFE000  }
0x17c: {  	[bflag:$0x0] =	sbarrier.arrive $0xFFFF;
	s12 =	simm.s32 $0x0;
	s16 =	simm.s32 $0x0  }
.LBB2_24:
0x17d: {  	s17 =	sshll.u32 s16, $0x6  }
0x17e: {  	s17 =	sadd.s32 s6, s17  }
0x17f: {  	s17 =	sshll.u32 s17, $0x7  }
0x180: {  	s17 =	sand.u32 $0x3FFFFF80, s17  }
0x181: {  	s17 =	sadd.s32 s17, s1  }
0x182: {  	[tilespmem:s28], [sflag:$0x4] =	stream.linear.gather [spmem:s17], $0x2000, $0x38;
	[tilespmem:$0x1E380] =	vst v63  }
0x183: {  	_ =	swait.ge [sflag:s29], $0x2000  }
0x184: {  	[sflag:s29] =	ssyncset.done $0x0  }
0x185: {  	s25 =	simm.s32 $0x0;
	[sflag:s29] =	ssyncadd.s32 $0xFFFFE000  }
0x186: {  	v3 =	vld [tilespmem:s25+$0x4000];
	_ =	sdelay $0x4  }
0x187: {  	v3 =	vmax.f32 v3, $1.000000000e+00  }
0x188: {  	v4 =	vshra.s32 v3, $0x1;
	v3 =	vmul.f32 $5.000000000e-01, v3  }
0x189: {  	v4 =	vsub.s32 $0x5F3759DF, v4  }
0x18a: {  	v5 =	vmul.f32 v4, v3;
	_ =	sdelay $0x1  }
0x18b: {  	v5 =	vmul.f32 v4, v5;
	_ =	sdelay $0x1  }
0x18c: {  	v5 =	vsub.f32 $1.500000000e+00, v5;
	_ =	sdelay $0x1  }
0x18d: {  	v4 =	vmul.f32 v4, v5;
	_ =	sdelay $0x1  }
0x18e: {  	v5 =	vmul.f32 v4, v3;
	_ =	sdelay $0x1  }
0x18f: {  	v5 =	vmul.f32 v5, v4;
	_ =	sdelay $0x1  }
0x190: {  	v5 =	vsub.f32 $1.500000000e+00, v5;
	_ =	sdelay $0x1  }
0x191: {  	v4 =	vmul.f32 v5, v4;
	_ =	sdelay $0x1  }
0x192: {  	v3 =	vmul.f32 v4, v3;
	_ =	sdelay $0x1  }
0x193: {  	v5 =	vmul.f32 v3, v4  }
0x194: {  	v3 =	vmov s12  }
0x195: {  	v5 =	vsub.f32 $1.500000000e+00, v5;
	_ =	sdelay $0x1  }
0x196: {  	v4 =	vmul.f32 v5, v4;
	_ =	sdelay $0x1  }
0x197: {  	[tilespmem:v3+s4+$0x0] =	vst.idx.msk $0x1, v4  }
0x198: {  	v5 =	vld.idx.msk [tilespmem:v3+s18+$0x0], $0xffff;
	_ =	sdelay $0x4  }
0x199: {  	s19 =	simm.s32 $0x200;
	s23 =	simm.s32 $0x400;
	s17 =	smov.u32 s12;
	v4 =	vmul.f32 v4, v5  }
.LBB2_25:
0x19a: {  	s24 =	sshra.s32 s19, $0x2  }
0x19b: {  	s17 =	sadd.s32 $0x1, s17;
	s19 =	smov.u32 s23;
	s22 =	sadd.s32 $0x200, s23;
	[tilespmem:v3+s3+$0x0] =	vst.idx.msk $0x1, v4  }
0x19c: {  	p0 =	sne.s32 s23, $0x7E00;
	v3 =	vld [tilespmem:s24+$0x4000];
	_ =	sdelay $0x4  }
0x19d: {  	v3 =	vmax.f32 v3, $1.000000000e+00  }
0x19e: {  	v4 =	vshra.s32 v3, $0x1;
	v3 =	vmul.f32 $5.000000000e-01, v3  }
0x19f: {  	v4 =	vsub.s32 $0x5F3759DF, v4  }
0x1a0: {  	v5 =	vmul.f32 v4, v3;
	_ =	sdelay $0x1  }
0x1a1: {  	v5 =	vmul.f32 v4, v5;
	_ =	sdelay $0x1  }
0x1a2: {  	v5 =	vsub.f32 $1.500000000e+00, v5;
	_ =	sdelay $0x1  }
0x1a3: {  	v4 =	vmul.f32 v4, v5;
	_ =	sdelay $0x1  }
0x1a4: {  	v5 =	vmul.f32 v4, v3;
	_ =	sdelay $0x1  }
0x1a5: {  	v5 =	vmul.f32 v5, v4;
	_ =	sdelay $0x1  }
0x1a6: {  	v5 =	vsub.f32 $1.500000000e+00, v5;
	_ =	sdelay $0x1  }
0x1a7: {  	v4 =	vmul.f32 v5, v4;
	_ =	sdelay $0x1  }
0x1a8: {  	v3 =	vmul.f32 v4, v3;
	_ =	sdelay $0x1  }
0x1a9: {  	v5 =	vmul.f32 v3, v4  }
0x1aa: {  	v3 =	vmov s17  }
0x1ab: {  	v5 =	vsub.f32 $1.500000000e+00, v5;
	_ =	sdelay $0x1  }
0x1ac: {  	v4 =	vmul.f32 v5, v4;
	_ =	sdelay $0x1  }
0x1ad: {  	[tilespmem:v3+s4+$0x0] =	vst.idx.msk $0x1, v4  }
0x1ae: {  	v5 =	vld.idx.msk [tilespmem:v3+s18+$0x0], $0xffff;
	_ =	sdelay $0x1  }
.Ltmp11:
0x1af: {  	(pc) =	sbr.rel @p0 .LBB2_25-.Ltmp11, $2  }
0x1b0: {  	_ =	sdelay $0x2  }
0x1b1: {  	s23 =	smov.u32 s22;
	v4 =	vmul.f32 v4, v5  }
0x1b2: {  	_ =	sdelay $0x3  }
0x1b3: {  	s19 =	sshra.s32 s19, $0x2;
	[tilespmem:v3+s3+$0x0] =	vst.idx.msk $0x1, v4  }
0x1b4: {  	v3 =	vld [tilespmem:s19+$0x4000];
	_ =	sdelay $0x4  }
0x1b5: {  	v3 =	vmax.f32 v3, $1.000000000e+00  }
0x1b6: {  	v61 =	vshra.s32 v3, $0x1;
	v3 =	vmul.f32 $5.000000000e-01, v3  }
0x1b7: {  	v4 =	vsub.s32 $0x5F3759DF, v61  }
0x1b8: {  	v5 =	vmul.f32 v4, v3;
	_ =	sdelay $0x1  }
0x1b9: {  	v5 =	vmul.f32 v4, v5;
	_ =	sdelay $0x1  }
0x1ba: {  	v5 =	vsub.f32 $1.500000000e+00, v5;
	_ =	sdelay $0x1  }
0x1bb: {  	v4 =	vmul.f32 v4, v5;
	_ =	sdelay $0x1  }
0x1bc: {  	v5 =	vmul.f32 v4, v3;
	_ =	sdelay $0x1  }
0x1bd: {  	v5 =	vmul.f32 v5, v4;
	_ =	sdelay $0x1  }
0x1be: {  	v5 =	vsub.f32 $1.500000000e+00, v5;
	_ =	sdelay $0x1  }
0x1bf: {  	v4 =	vmul.f32 v5, v4;
	_ =	sdelay $0x1  }
0x1c0: {  	v3 =	vmul.f32 v4, v3;
	_ =	sdelay $0x1  }
0x1c1: {  	s17 =	sadd.s32 $0x1, s17;
	v3 =	vmul.f32 v3, v4  }
0x1c2: {  	v62 =	vmov s17  }
0x1c3: {  	v3 =	vsub.f32 $1.500000000e+00, v3;
	_ =	sdelay $0x1  }
0x1c4: {  	v3 =	vmul.f32 v3, v4;
	_ =	sdelay $0x1  }
0x1c5: {  	[tilespmem:v62+s4+$0x0] =	vst.idx.msk $0x1, v3  }
0x1c6: {  	v63 =	vld.idx.msk [tilespmem:v62+s18+$0x0], $0xffff  }
0x1c7: {  	s16 =	sadd.s32 $0x1, s16  }
0x1c8: {  	p0 =	sne.s32 s16, $0x9  }
.Ltmp12:
0x1c9: {  	_ = 	snop;
	(pc) =	sbr.rel @p0 .LBB2_24-.Ltmp12, $3  }
0x1ca: {  	_ = 	snop  }
0x1cb: {  	v3 =	vmul.f32 v3, v63;
	_ =	sdelay $0x1  }
0x1cc: {  	s12 =	sadd.s32 $0x40, s12;
	[tilespmem:v62+s3+$0x0] =	vst.idx.msk $0x1, v3  }
0x1cd: {  	s12 =	simm.s32 $0x4000  }
0x1ce: {  	[tilespmem:s12], [sflag:$0x4] =	stream.linear.gather [spmem:s26], $0x1C00, $0x38;
	[tilespmem:$0x1E380] =	vst v63  }
0x1cf: {  	_ =	swait.ge [sflag:s29], $0x1C00  }
0x1d0: {  	[sflag:s29] =	ssyncset.done $0x0  }
0x1d1: {  	[sflag:s29] =	ssyncadd.s32 $0xFFFFE400  }
0x1d2: {  	v3 =	vld [tilespmem:s12+$0x0];
	_ =	sdelay $0x4  }
0x1d3: {  	v3 =	vmax.f32 v3, $1.000000000e+00  }
0x1d4: {  	v4 =	vshra.s32 v3, $0x1;
	v3 =	vmul.f32 $5.000000000e-01, v3  }
0x1d5: {  	v4 =	vsub.s32 $0x5F3759DF, v4  }
0x1d6: {  	v5 =	vmul.f32 v4, v3;
	_ =	sdelay $0x1  }
0x1d7: {  	v5 =	vmul.f32 v4, v5;
	_ =	sdelay $0x1  }
0x1d8: {  	v5 =	vsub.f32 $1.500000000e+00, v5;
	_ =	sdelay $0x1  }
0x1d9: {  	v4 =	vmul.f32 v4, v5;
	_ =	sdelay $0x1  }
0x1da: {  	v5 =	vmul.f32 v4, v3;
	_ =	sdelay $0x1  }
0x1db: {  	v5 =	vmul.f32 v5, v4;
	_ =	sdelay $0x1  }
0x1dc: {  	v5 =	vsub.f32 $1.500000000e+00, v5;
	_ =	sdelay $0x1  }
0x1dd: {  	v4 =	vmul.f32 v5, v4;
	_ =	sdelay $0x1  }
0x1de: {  	v3 =	vmul.f32 v4, v3;
	_ =	sdelay $0x1  }
0x1df: {  	s16 =	simm.s32 $0x240;
	v5 =	vmul.f32 v3, v4  }
0x1e0: {  	v3 =	vmov s16  }
0x1e1: {  	v5 =	vsub.f32 $1.500000000e+00, v5;
	_ =	sdelay $0x1  }
0x1e2: {  	v4 =	vmul.f32 v5, v4;
	_ =	sdelay $0x1  }
0x1e3: {  	[tilespmem:v3+s4+$0x0] =	vst.idx.msk $0x1, v4  }
0x1e4: {  	v5 =	vld.idx.msk [tilespmem:v3+s18+$0x0], $0xffff;
	_ =	sdelay $0x4  }
0x1e5: {  	s16 =	simm.s32 $0x241;
	v4 =	vmul.f32 v4, v5  }
.LBB2_28:
0x1e6: {  	p0 =	sne.s32 s16, $0x277  }
0x1e7: {  	s12 =	sadd.s32 $0x80, s12;
	s17 =	smov.u32 s16;
	s16 =	sadd.s32 $0x1, s16;
	[tilespmem:v3+s3+$0x0] =	vst.idx.msk $0x1, v4  }
0x1e8: {  	v3 =	vld [tilespmem:s12+$0x0];
	_ =	sdelay $0x4  }
0x1e9: {  	v3 =	vmax.f32 v3, $1.000000000e+00  }
0x1ea: {  	v4 =	vshra.s32 v3, $0x1;
	v3 =	vmul.f32 $5.000000000e-01, v3  }
0x1eb: {  	v4 =	vsub.s32 $0x5F3759DF, v4  }
0x1ec: {  	v5 =	vmul.f32 v4, v3;
	_ =	sdelay $0x1  }
0x1ed: {  	v5 =	vmul.f32 v4, v5;
	_ =	sdelay $0x1  }
0x1ee: {  	v5 =	vsub.f32 $1.500000000e+00, v5;
	_ =	sdelay $0x1  }
0x1ef: {  	v4 =	vmul.f32 v4, v5;
	_ =	sdelay $0x1  }
0x1f0: {  	v5 =	vmul.f32 v4, v3;
	_ =	sdelay $0x1  }
0x1f1: {  	v5 =	vmul.f32 v5, v4;
	_ =	sdelay $0x1  }
0x1f2: {  	v5 =	vsub.f32 $1.500000000e+00, v5;
	_ =	sdelay $0x1  }
0x1f3: {  	v4 =	vmul.f32 v5, v4;
	_ =	sdelay $0x1  }
0x1f4: {  	v3 =	vmul.f32 v4, v3;
	_ =	sdelay $0x1  }
0x1f5: {  	v5 =	vmul.f32 v3, v4  }
0x1f6: {  	v3 =	vmov s17  }
0x1f7: {  	v5 =	vsub.f32 $1.500000000e+00, v5;
	_ =	sdelay $0x1  }
0x1f8: {  	v4 =	vmul.f32 v5, v4;
	_ =	sdelay $0x1  }
0x1f9: {  	[tilespmem:v3+s4+$0x0] =	vst.idx.msk $0x1, v4  }
0x1fa: {  	v5 =	vld.idx.msk [tilespmem:v3+s18+$0x0], $0xffff;
	_ =	sdelay $0x1  }
.Ltmp13:
0x1fb: {  	(pc) =	sbr.rel @p0 .LBB2_28-.Ltmp13, $2  }
0x1fc: {  	_ =	sdelay $0x2  }
0x1fd: {  	v4 =	vmul.f32 v4, v5  }
0x1fe: {  	_ =	sdelay $0x3  }
0x1ff: {  	s12 =	simm.s32 $0x0;
	s16 =	simm.s32 $0x200;
	[tilespmem:v3+s3+$0x0] =	vst.idx.msk $0x1, v4  }
.LBB2_30:
0x200: {  	p0 =	sne.s32 s16, $0x7E00;
	[tilespmem:s12+$0x4070] =	vst v1  }
0x201: {  	[tilespmem:s12+$0x4000] =	vst v1  }
0x202: {  	[tilespmem:s12+$0x4010] =	vst v1  }
.Ltmp14:
0x203: {  	[tilespmem:s12+$0x4020] =	vst v1;
	(pc) =	sbr.rel @p0 .LBB2_30-.Ltmp14, $4  }
0x204: {  	[tilespmem:s12+$0x4030] =	vst v1  }
0x205: {  	[tilespmem:s12+$0x4040] =	vst v1  }
0x206: {  	[tilespmem:s12+$0x4050] =	vst v1  }
0x207: {  	[tilespmem:s12+$0x4060] =	vst v1;
	s12 =	sshra.s32 s16, $0x2;
	s16 =	sadd.s32 $0x200, s16  }
0x208: {  	[tilespmem:s12+$0x4070] =	vst v1  }
0x209: {  	[tilespmem:s12+$0x4000] =	vst v1  }
0x20a: {  	[tilespmem:s12+$0x4010] =	vst v1  }
0x20b: {  	[tilespmem:s12+$0x4020] =	vst v1  }
0x20c: {  	[tilespmem:s12+$0x4030] =	vst v1  }
0x20d: {  	[tilespmem:s12+$0x4040] =	vst v1  }
0x20e: {  	[tilespmem:s12+$0x4050] =	vst v1  }
0x20f: {  	[tilespmem:s12+$0x4060] =	vst v1;
	s24 =	rddreg [dreg:$0x4]  }
0x210: {  	[spmem:s24] =	stream.linear.scatter [tilespmem:s28], [sflag:$0x4], $0x2000, $0x38;
	[tilespmem:$0x1E380] =	vst v63  }
0x211: {  	_ =	swait.ge [sflag:s29], $0x2000  }
0x212: {  	[sflag:s29] =	ssyncset.done $0x0  }
0x213: {  	s25 =	rddreg [dreg:$0xa];
	[sflag:s29] =	ssyncadd.s32 $0xFFFFE000  }
0x214: {  	[spmem:s25] =	stream.linear.scatter [tilespmem:s28], [sflag:$0x4], $0x2000, $0x38;
	[tilespmem:$0x1E380] =	vst v63  }
0x215: {  	_ =	swait.ge [sflag:s29], $0x2000  }
0x216: {  	[sflag:s29] =	ssyncset.done $0x0  }
0x217: {  	s16 =	rddreg [dreg:$0xb];
	[sflag:s29] =	ssyncadd.s32 $0xFFFFE000  }
0x218: {  	[spmem:s16] =	stream.linear.scatter [tilespmem:s28], [sflag:$0x4], $0x2000, $0x38;
	[tilespmem:$0x1E380] =	vst v63  }
0x219: {  	_ =	swait.ge [sflag:s29], $0x2000  }
0x21a: {  	[sflag:s29] =	ssyncset.done $0x0  }
0x21b: {  	s17 =	rddreg [dreg:$0xc];
	[sflag:s29] =	ssyncadd.s32 $0xFFFFE000  }
0x21c: {  	[spmem:s17] =	stream.linear.scatter [tilespmem:s28], [sflag:$0x4], $0x2000, $0x38;
	[tilespmem:$0x1E380] =	vst v63  }
0x21d: {  	_ =	swait.ge [sflag:s29], $0x2000  }
0x21e: {  	[sflag:s29] =	ssyncset.done $0x0  }
0x21f: {  	s19 =	rddreg [dreg:$0xd];
	[sflag:s29] =	ssyncadd.s32 $0xFFFFE000  }
0x220: {  	[spmem:s19] =	stream.linear.scatter [tilespmem:s28], [sflag:$0x4], $0x2000, $0x38;
	[tilespmem:$0x1E380] =	vst v63  }
0x221: {  	_ =	swait.ge [sflag:s29], $0x2000  }
0x222: {  	[sflag:s29] =	ssyncset.done $0x0  }
0x223: {  	s22 =	rddreg [dreg:$0xe];
	[sflag:s29] =	ssyncadd.s32 $0xFFFFE000  }
0x224: {  	[spmem:s22] =	stream.linear.scatter [tilespmem:s28], [sflag:$0x4], $0x2000, $0x38;
	[tilespmem:$0x1E380] =	vst v63  }
0x225: {  	_ =	swait.ge [sflag:s29], $0x2000  }
0x226: {  	[sflag:s29] =	ssyncset.done $0x0  }
0x227: {  	s23 =	rddreg [dreg:$0xf];
	[sflag:s29] =	ssyncadd.s32 $0xFFFFE000  }
0x228: {  	[spmem:s23] =	stream.linear.scatter [tilespmem:s28], [sflag:$0x4], $0x2000, $0x38;
	[tilespmem:$0x1E380] =	vst v63  }
0x229: {  	_ =	swait.ge [sflag:s29], $0x2000  }
0x22a: {  	[sflag:s29] =	ssyncset.done $0x0  }
0x22b: {  	s24 =	rddreg [dreg:$0x10];
	[sflag:s29] =	ssyncadd.s32 $0xFFFFE000  }
0x22c: {  	[spmem:s24] =	stream.linear.scatter [tilespmem:s28], [sflag:$0x4], $0x2000, $0x38;
	[tilespmem:$0x1E380] =	vst v63  }
0x22d: {  	_ =	swait.ge [sflag:s29], $0x2000  }
0x22e: {  	[sflag:s29] =	ssyncset.done $0x0  }
0x22f: {  	s25 =	rddreg [dreg:$0x11];
	[sflag:s29] =	ssyncadd.s32 $0xFFFFE000  }
0x230: {  	[spmem:s25] =	stream.linear.scatter [tilespmem:s28], [sflag:$0x4], $0x2000, $0x38;
	[tilespmem:$0x1E380] =	vst v63  }
0x231: {  	_ =	swait.ge [sflag:s29], $0x2000  }
0x232: {  	[sflag:s29] =	ssyncset.done $0x0  }
0x233: {  	[sflag:s29] =	ssyncadd.s32 $0xFFFFE000  }
0x234: {  	[spmem:s26] =	stream.linear.scatter [tilespmem:s28], [sflag:$0x4], $0x1C00, $0x38;
	[tilespmem:$0x1E380] =	vst v63  }
0x235: {  	_ =	swait.ge [sflag:s29], $0x1C00  }
0x236: {  	[sflag:s29] =	ssyncset.done $0x0  }
0x237: {  	s12 =	simm.s32 $0x0;
	[sflag:s29] =	ssyncadd.s32 $0xFFFFE400  }
0x238: {  	s16 =	simm.s32 $0x0;
	s17 =	simm.s32 $0x0;
	[bflag:$0x0] =	sbarrier.arrive $0xFFFF  }
.LBB2_32:
0x239: {  	s19 =	sshll.u32 s17, $0x6  }
0x23a: {  	s22 =	sadd.s32 s6, s19  }
0x23b: {  	s24 =	rddreg [dreg:$0x3];
	s23 =	sshll.u32 s22, $0x4  }
0x23c: {  	s22 =	sshll.u32 s22, $0x7;
	s23 =	sadd.s32 s24, s23  }
0x23d: {  	[tilespmem:s28], [sflag:$0x4] =	stream.linear.gather [hbm4b:s23+s12], $0x2000, $0x38;
	[tilespmem:$0x1E380] =	vst v63  }
0x23e: {  	s22 =	sadd.s32 s11, s22;
	_ =	swait.ge [sflag:s29], $0x2000  }
0x23f: {  	s22 =	sshrl.u32 s22, $0x3;
	[sflag:s29] =	ssyncset.done $0x0  }
0x240: {  	s22 =	sadd.s32 s8, s22;
	[sflag:s29] =	ssyncadd.s32 $0xFFFFE000  }
0x241: {  	[hbm4b:s22+s12] =	stream.linear.scatter [tilespmem:s28], [sflag:$0x4], $0x2000, $0x38;
	[tilespmem:$0x1E380] =	vst v63  }
0x242: {  	s26 =	sadd.s32 $0x0, s16;
	_ =	swait.ge [sflag:s29], $0x2000  }
0x243: {  	v3 =	vmov s26;
	[sflag:s29] =	ssyncset.done $0x0  }
0x244: {  	s22 =	simm.s32 $0x4040;
	[sflag:s29] =	ssyncadd.s32 $0xFFFFE000  }
0x245: {  	v7 =	vld [tilespmem:s22+$0x30]  }
0x246: {  	v10 =	vld [tilespmem:s22+$0x10]  }
0x247: {  	v8 =	vld [tilespmem:s22+$0xFFFFFFC0]  }
0x248: {  	v4 =	vld.idx.msk [tilespmem:v3+s18+$0x0], $0xffff  }
0x249: {  	v12 =	vld [tilespmem:s22+$0xFFFFFFE0]  }
0x24a: {  	v3 =	vld [tilespmem:s22+$0xFFFFFFF0]  }
0x24b: {  	v5 =	vld [tilespmem:s22+$0x20]  }
0x24c: {  	v6 =	vld [tilespmem:s22+$0xFFFFFFD0]  }
0x24d: {  	v11 =	vmul.f32 v7, v4;
	v7 =	vld [tilespmem:s22+$0x0]  }
0x24e: {  	v9 =	vmul.f32 v8, v4  }
0x24f: {  	s24 =	simm.s32 $0x4040;
	s23 =	simm.s32 $0x1;
	v8 =	vmul.f32 v12, v4;
	v10 =	vmul.f32 v10, v4  }
.LBB2_33:
0x250: {  	p0 =	sne.s32 s23, $0x3F  }
0x251: {  	v6 =	vmul.f32 v6, v4;
	v5 =	vmul.f32 v5, v4;
	[tilespmem:s22+$0x30] =	vst v11;
	s24 =	sadd.s32 $0x80, s24;
	s25 =	smov.u32 s23;
	s23 =	sadd.s32 $0x1, s23  }
0x252: {  	[tilespmem:s22+$0xFFFFFFC0] =	vst v9;
	v9 =	vmul.f32 v3, v4;
	v4 =	vmul.f32 v7, v4  }
0x253: {  	s25 =	sadd.s32 s25, s16;
	[tilespmem:s22+$0x10] =	vst v10  }
0x254: {  	v7 =	vmov s25;
	[tilespmem:s22+$0xFFFFFFE0] =	vst v8  }
0x255: {  	v3 =	vld [tilespmem:s24+$0xFFFFFFF0];
	[tilespmem:s22+$0xFFFFFFF0] =	vst v9  }
0x256: {  	v8 =	vld [tilespmem:s24+$0x30];
	[tilespmem:s22+$0x0] =	vst v4  }
0x257: {  	v10 =	vld [tilespmem:s24+$0x10];
	[tilespmem:s22+$0x20] =	vst v5  }
0x258: {  	v9 =	vld [tilespmem:s24+$0xFFFFFFC0];
	[tilespmem:s22+$0xFFFFFFD0] =	vst v6;
	s22 =	smov.u32 s24  }
0x259: {  	v4 =	vld.idx.msk [tilespmem:v7+s18+$0x0], $0xffff  }
0x25a: {  	v12 =	vld [tilespmem:s24+$0xFFFFFFE0]  }
0x25b: {  	v5 =	vld [tilespmem:s24+$0x20]  }
.Ltmp15:
0x25c: {  	v6 =	vld [tilespmem:s24+$0xFFFFFFD0];
	(pc) =	sbr.rel @p0 .LBB2_33-.Ltmp15, $3  }
0x25d: {  	v7 =	vld [tilespmem:s24+$0x0];
	_ =	sdelay $0x1  }
0x25e: {  	v9 =	vmul.f32 v9, v4;
	v11 =	vmul.f32 v8, v4  }
0x25f: {  	v10 =	vmul.f32 v10, v4;
	v8 =	vmul.f32 v12, v4  }
0x260: {  	[tilespmem:s22+$0x30] =	vst v11  }
0x261: {  	[tilespmem:s22+$0xFFFFFFC0] =	vst v9  }
0x262: {  	v3 =	vmul.f32 v3, v4;
	[tilespmem:s22+$0x10] =	vst v10  }
0x263: {  	v5 =	vmul.f32 v5, v4;
	[tilespmem:s22+$0xFFFFFFE0] =	vst v8  }
0x264: {  	v7 =	vmul.f32 v7, v4;
	[tilespmem:s22+$0xFFFFFFF0] =	vst v3  }
0x265: {  	s19 =	sadd.s32 s19, s14;
	s17 =	sadd.s32 $0x1, s17;
	v3 =	vmul.f32 v6, v4;
	[tilespmem:s22+$0x20] =	vst v5  }
0x266: {  	s19 =	sshll.u32 s19, $0x4;
	p0 =	sne.s32 s17, $0x9;
	[tilespmem:s22+$0x0] =	vst v7  }
.Ltmp16:
0x267: {  	s19 =	sadd.s32 s9, s19;
	[tilespmem:s22+$0xFFFFFFD0] =	vst v3;
	(pc) =	sbr.rel @p0 .LBB2_32-.Ltmp16, $4  }
0x268: {  	[hbm4b:s19+s2] =	stream.linear.scatter [tilespmem:s28], [sflag:$0x4], $0x2000, $0x38;
	[tilespmem:$0x1E380] =	vst v63  }
0x269: {  	_ =	swait.ge [sflag:s29], $0x2000  }
0x26a: {  	[sflag:s29] =	ssyncset.done $0x0  }
0x26b: {  	s16 =	sadd.s32 $0x40, s16;
	[sflag:s29] =	ssyncadd.s32 $0xFFFFE000  }
0x26c: {  	s12 =	rddreg [dreg:$0x6]  }
0x26d: {  	[tilespmem:s28], [sflag:$0x4] =	stream.linear.gather [hbm4b:s12+s2], $0x1C00, $0x38;
	[tilespmem:$0x1E380] =	vst v63  }
0x26e: {  	_ =	swait.ge [sflag:s29], $0x1C00  }
0x26f: {  	[sflag:s29] =	ssyncset.done $0x0  }
0x270: {  	[sflag:s29] =	ssyncadd.s32 $0xFFFFE400  }
0x271: {  	[hbm4b:s30+s2] =	stream.linear.scatter [tilespmem:s28], [sflag:$0x4], $0x1C00, $0x38;
	[tilespmem:$0x1E380] =	vst v63  }
0x272: {  	s30 =	simm.s32 $0x240;
	_ =	swait.ge [sflag:s29], $0x1C00  }
0x273: {  	v3 =	vmov s30;
	[sflag:s29] =	ssyncset.done $0x0  }
0x274: {  	s12 =	simm.s32 $0x4040;
	[sflag:s29] =	ssyncadd.s32 $0xFFFFE400  }
0x275: {  	v7 =	vld [tilespmem:s12+$0x30]  }
0x276: {  	v10 =	vld [tilespmem:s12+$0x10]  }
0x277: {  	v8 =	vld [tilespmem:s12+$0xFFFFFFC0]  }
0x278: {  	v4 =	vld.idx.msk [tilespmem:v3+s18+$0x0], $0xffff  }
0x279: {  	v12 =	vld [tilespmem:s12+$0xFFFFFFE0]  }
0x27a: {  	v5 =	vld [tilespmem:s12+$0x20]  }
0x27b: {  	v6 =	vld [tilespmem:s12+$0xFFFFFFD0]  }
0x27c: {  	v3 =	vld [tilespmem:s12+$0xFFFFFFF0]  }
0x27d: {  	v11 =	vmul.f32 v7, v4;
	v7 =	vld [tilespmem:s12+$0x0]  }
0x27e: {  	v9 =	vmul.f32 v8, v4  }
0x27f: {  	s16 =	simm.s32 $0x241;
	s17 =	simm.s32 $0x4040;
	v8 =	vmul.f32 v12, v4;
	v10 =	vmul.f32 v10, v4  }
.LBB2_36:
0x280: {  	p0 =	sne.s32 s16, $0x277  }
0x281: {  	v6 =	vmul.f32 v6, v4;
	v5 =	vmul.f32 v5, v4;
	[tilespmem:s12+$0x30] =	vst v11;
	s17 =	sadd.s32 $0x80, s17;
	s19 =	smov.u32 s16;
	s16 =	sadd.s32 $0x1, s16  }
0x282: {  	[tilespmem:s12+$0xFFFFFFC0] =	vst v9;
	v9 =	vmul.f32 v3, v4;
	v4 =	vmul.f32 v7, v4  }
0x283: {  	[tilespmem:s12+$0x10] =	vst v10  }
0x284: {  	v7 =	vmov s19;
	[tilespmem:s12+$0xFFFFFFE0] =	vst v8  }
0x285: {  	v3 =	vld [tilespmem:s17+$0xFFFFFFF0];
	[tilespmem:s12+$0xFFFFFFF0] =	vst v9  }
0x286: {  	v8 =	vld [tilespmem:s17+$0x30];
	[tilespmem:s12+$0x0] =	vst v4  }
0x287: {  	v10 =	vld [tilespmem:s17+$0x10];
	[tilespmem:s12+$0x20] =	vst v5  }
0x288: {  	v9 =	vld [tilespmem:s17+$0xFFFFFFC0];
	[tilespmem:s12+$0xFFFFFFD0] =	vst v6;
	s12 =	smov.u32 s17  }
0x289: {  	v4 =	vld.idx.msk [tilespmem:v7+s18+$0x0], $0xffff  }
0x28a: {  	v12 =	vld [tilespmem:s17+$0xFFFFFFE0]  }
0x28b: {  	v5 =	vld [tilespmem:s17+$0x20]  }
.Ltmp17:
0x28c: {  	v6 =	vld [tilespmem:s17+$0xFFFFFFD0];
	(pc) =	sbr.rel @p0 .LBB2_36-.Ltmp17, $3  }
0x28d: {  	v7 =	vld [tilespmem:s17+$0x0];
	_ =	sdelay $0x1  }
0x28e: {  	v9 =	vmul.f32 v9, v4;
	v11 =	vmul.f32 v8, v4  }
0x28f: {  	v10 =	vmul.f32 v10, v4;
	v8 =	vmul.f32 v12, v4  }
0x290: {  	[tilespmem:s12+$0x30] =	vst v11  }
0x291: {  	[tilespmem:s12+$0xFFFFFFC0] =	vst v9  }
0x292: {  	v3 =	vmul.f32 v3, v4;
	[tilespmem:s12+$0x10] =	vst v10  }
0x293: {  	v5 =	vmul.f32 v5, v4;
	[tilespmem:s12+$0xFFFFFFE0] =	vst v8  }
0x294: {  	v7 =	vmul.f32 v7, v4;
	[tilespmem:s12+$0xFFFFFFF0] =	vst v3  }
0x295: {  	v3 =	vmul.f32 v6, v4;
	[tilespmem:s12+$0x20] =	vst v5  }
0x296: {  	[tilespmem:s12+$0x0] =	vst v7  }
0x297: {  	s16 =	simm.s32 $0x0;
	s30 =	rddreg [dreg:$0x8];
	[tilespmem:s12+$0xFFFFFFD0] =	vst v3  }
0x298: {  	[hbm4b:s30+s16] =	stream.linear.scatter [tilespmem:s28], [sflag:$0x4], $0x1C00, $0x38;
	[tilespmem:$0x1E380] =	vst v63  }
0x299: {  	_ =	swait.ge [sflag:s29], $0x1C00  }
0x29a: {  	[sflag:s29] =	ssyncset.done $0x0  }
0x29b: {  	s23 =	simm.s32 $0x2000;
	[sflag:s29] =	ssyncadd.s32 $0xFFFFE400  }
0x29c: {  	s24 =	simm.s32 $0x80;
	s25 =	simm.s32 $0x100;
	[bflag:$0x0] =	sbarrier.arrive $0xFFFF  }
.LBB2_38:
0x29d: {  	[dreg:$0x13] =	wrdreg s16;
	s12 =	simm.s32 $0x0  }
0x29e: {  	s16 =	simm.s32 $0x3E00;
	s26 =	simm.s32 $0x1F80;
	s30 =	simm.s32 $0x3E80  }
.LBB2_39:
0x29f: {  	s17 =	sshll.u32 s12, $0xD  }
0x2a0: {  	s17 =	sadd.s32 s13, s17  }
0x2a1: {  	s17 =	sshrl.u32 s17, $0x3  }
0x2a2: {  	s22 =	simm.s32 $0x0;
	s19 =	sadd.s32 s5, s17  }
0x2a3: {  	[tilespmem:s22], [sflag:$0x4] =	stream.linear.gather [hbm4b:s19+s22], $0x2000, $0x38;
	[tilespmem:$0x1E380] =	vst v63  }
0x2a4: {  	_ =	swait.ge [sflag:s29], $0x2000  }
0x2a5: {  	[sflag:s29] =	ssyncset.done $0x0  }
0x2a6: {  	s17 =	sadd.s32 s7, s17;
	[sflag:s29] =	ssyncadd.s32 $0xFFFFE000  }
0x2a7: {  	[tilespmem:s23], [sflag:$0x4] =	stream.linear.gather [hbm4b:s17+s22], $0x2000, $0x38;
	[tilespmem:$0x1E380] =	vst v63  }
0x2a8: {  	_ =	swait.ge [sflag:s29], $0x2000  }
0x2a9: {  	[sflag:s29] =	ssyncset.done $0x0  }
0x2aa: {  	s17 =	simm.s32 $0x0;
	[sflag:s29] =	ssyncadd.s32 $0xFFFFE000  }
0x2ab: {  	v5 =	vld [tilespmem:s17+$0x0]  }
0x2ac: {  	v4 =	vld [tilespmem:s17+$0x10]  }
0x2ad: {  	s19 =	simm.s32 $0x200;
	v3 =	vld [tilespmem:s17+$0x20]  }
.LBB2_40:
0x2ae: {  	p0 =	sne.s32 s19, $0x7E00;
	v6 =	vld [tilespmem:s17+$0x30];
	_ =	sdelay $0x1  }
.Ltmp18:
0x2af: {  	v5 =	vadd.s32 v0, v5;
	(pc) =	sbr.rel @p0 .LBB2_40-.Ltmp18, $4  }
0x2b0: {  	s22 =	sshra.s32 s19, $0x2;
	[tilespmem:s17+$0x0] =	vst v5;
	v4 =	vadd.s32 v0, v4  }
0x2b1: {  	v5 =	vld [tilespmem:s22+$0x0];
	[tilespmem:s17+$0x10] =	vst v4;
	v3 =	vadd.s32 v0, v3  }
0x2b2: {  	v4 =	vld [tilespmem:s22+$0x10];
	[tilespmem:s17+$0x20] =	vst v3;
	v6 =	vadd.s32 v0, v6  }
0x2b3: {  	s19 =	sadd.s32 $0x200, s19;
	v3 =	vld [tilespmem:s22+$0x20];
	[tilespmem:s17+$0x30] =	vst v6;
	s17 =	smov.u32 s22  }
0x2b4: {  	v6 =	vld [tilespmem:s17+$0x30];
	_ =	sdelay $0x1  }
0x2b5: {  	v5 =	vadd.s32 v0, v5  }
0x2b6: {  	[tilespmem:s17+$0x0] =	vst v5;
	v4 =	vadd.s32 v0, v4  }
0x2b7: {  	[tilespmem:s17+$0x10] =	vst v4;
	v3 =	vadd.s32 v0, v3  }
0x2b8: {  	[tilespmem:s17+$0x20] =	vst v3;
	v3 =	vadd.s32 v0, v6  }
0x2b9: {  	s19 =	simm.s32 $0x0;
	[tilespmem:s17+$0x30] =	vst v3  }
0x2ba: {  	[tilespmem:s28], [sflag:$0x1] =	stream.indirect.gather [hbm4b:s9+s31], $0x80, s19, s31, $0xb8;
	[tilespmem:$0x1E380] =	vst v63  }
0x2bb: {  	_ = 	snop  }
0x2bc: {  	[tilespmem:s0], [sflag:$0x2] =	stream.indirect.gather [hbm4b:s9+s31], $0x80, s24, s31, $0xb8;
	[tilespmem:$0x1E380] =	vst v63  }
0x2bd: {  	_ = 	snop  }
0x2be: {  	[tilespmem:s20], [sflag:$0x3] =	stream.indirect.gather [hbm4b:s9+s31], $0x80, s25, s31, $0xb8;
	[tilespmem:$0x1E380] =	vst v63  }
0x2bf: {  	_ =	swait.ge [sflag:s15], $0x2000  }
0x2c0: {  	[sflag:s15] =	ssyncset.done $0x0  }
0x2c1: {  	s22 =	simm.s32 $0x2000;
	[sflag:s15] =	ssyncadd.s32 $0xFFFFE000  }
0x2c2: {  	[spmem:s1] =	stream.indirect.scatter.add.f32 [tilespmem:s28], [sflag:$0x4], $0x80, s22, s31, $0xb8;
	[tilespmem:$0x1E380] =	vst v63  }
0x2c3: {  	_ =	swait.ge [sflag:s29], $0x2000  }
0x2c4: {  	[sflag:s29] =	ssyncset.done $0x0  }
0x2c5: {  	s19 =	simm.s32 $0x180;
	[sflag:s29] =	ssyncadd.s32 $0xFFFFE000  }
0x2c6: {  	[tilespmem:s28], [sflag:$0x1] =	stream.indirect.gather [hbm4b:s9+s31], $0x80, s19, s31, $0xb8;
	[tilespmem:$0x1E380] =	vst v63  }
0x2c7: {  	_ =	swait.ge [sflag:s21], $0x2000  }
0x2c8: {  	[sflag:s21] =	ssyncset.done $0x0  }
0x2c9: {  	s22 =	simm.s32 $0x2080;
	[sflag:s21] =	ssyncadd.s32 $0xFFFFE000  }
0x2ca: {  	[spmem:s1] =	stream.indirect.scatter.add.f32 [tilespmem:s0], [sflag:$0x4], $0x80, s22, s31, $0xb8;
	[tilespmem:$0x1E380] =	vst v63  }
0x2cb: {  	_ =	swait.ge [sflag:s29], $0x2000  }
0x2cc: {  	[sflag:s29] =	ssyncset.done $0x0  }
0x2cd: {  	s19 =	simm.s32 $0x200;
	[sflag:s29] =	ssyncadd.s32 $0xFFFFE000  }
0x2ce: {  	[tilespmem:s0], [sflag:$0x2] =	stream.indirect.gather [hbm4b:s9+s31], $0x80, s19, s31, $0xb8;
	[tilespmem:$0x1E380] =	vst v63  }
0x2cf: {  	_ =	swait.ge [sflag:s10], $0x2000  }
0x2d0: {  	[sflag:s10] =	ssyncset.done $0x0  }
0x2d1: {  	s22 =	simm.s32 $0x2100;
	[sflag:s10] =	ssyncadd.s32 $0xFFFFE000  }
0x2d2: {  	[spmem:s1] =	stream.indirect.scatter.add.f32 [tilespmem:s20], [sflag:$0x4], $0x80, s22, s31, $0xb8;
	[tilespmem:$0x1E380] =	vst v63  }
0x2d3: {  	_ =	swait.ge [sflag:s29], $0x2000  }
0x2d4: {  	[sflag:s29] =	ssyncset.done $0x0  }
0x2d5: {  	s17 =	simm.s32 $0x600;
	s19 =	simm.s32 $0x280;
	[sflag:s29] =	ssyncadd.s32 $0xFFFFE000  }
.LBB2_42:
0x2d6: {  	[tilespmem:s20], [sflag:$0x3] =	stream.indirect.gather [hbm4b:s9+s31], $0x80, s19, s31, $0xb8;
	[tilespmem:$0x1E380] =	vst v63  }
0x2d7: {  	s19 =	smov.u32 s17  }
0x2d8: {  	p0 =	sne.s32 s17, $0x7200;
	s17 =	sadd.s32 $0x600, s17;
	_ =	swait.ge [sflag:s15], $0x2000  }
0x2d9: {  	s19 =	sshra.s32 s19, $0x2;
	[sflag:s15] =	ssyncset.done $0x0  }
0x2da: {  	s22 =	sadd.s32 $0x2000, s19;
	[sflag:s15] =	ssyncadd.s32 $0xFFFFE000  }
0x2db: {  	[spmem:s1] =	stream.indirect.scatter.add.f32 [tilespmem:s28], [sflag:$0x4], $0x80, s22, s31, $0xb8;
	[tilespmem:$0x1E380] =	vst v63  }
0x2dc: {  	_ =	swait.ge [sflag:s29], $0x2000  }
0x2dd: {  	[sflag:s29] =	ssyncset.done $0x0  }
0x2de: {  	s22 =	sadd.s32 $0x180, s19;
	[sflag:s29] =	ssyncadd.s32 $0xFFFFE000  }
0x2df: {  	[tilespmem:s28], [sflag:$0x1] =	stream.indirect.gather [hbm4b:s9+s31], $0x80, s22, s31, $0xb8;
	[tilespmem:$0x1E380] =	vst v63  }
0x2e0: {  	_ =	swait.ge [sflag:s21], $0x2000  }
0x2e1: {  	[sflag:s21] =	ssyncset.done $0x0  }
0x2e2: {  	s22 =	sadd.s32 $0x2080, s19;
	[sflag:s21] =	ssyncadd.s32 $0xFFFFE000  }
0x2e3: {  	[spmem:s1] =	stream.indirect.scatter.add.f32 [tilespmem:s0], [sflag:$0x4], $0x80, s22, s31, $0xb8;
	[tilespmem:$0x1E380] =	vst v63  }
0x2e4: {  	_ =	swait.ge [sflag:s29], $0x2000  }
0x2e5: {  	[sflag:s29] =	ssyncset.done $0x0  }
0x2e6: {  	s22 =	sadd.s32 $0x200, s19;
	[sflag:s29] =	ssyncadd.s32 $0xFFFFE000  }
0x2e7: {  	[tilespmem:s0], [sflag:$0x2] =	stream.indirect.gather [hbm4b:s9+s31], $0x80, s22, s31, $0xb8;
	[tilespmem:$0x1E380] =	vst v63  }
0x2e8: {  	_ =	swait.ge [sflag:s10], $0x2000  }
0x2e9: {  	[sflag:s10] =	ssyncset.done $0x0  }
.Ltmp19:
0x2ea: {  	s22 =	sadd.s32 $0x2100, s19;
	[sflag:s10] =	ssyncadd.s32 $0xFFFFE000;
	(pc) =	sbr.rel @p0 .LBB2_42-.Ltmp19, $4  }
0x2eb: {  	[spmem:s1] =	stream.indirect.scatter.add.f32 [tilespmem:s20], [sflag:$0x4], $0x80, s22, s31, $0xb8;
	[tilespmem:$0x1E380] =	vst v63  }
0x2ec: {  	_ =	swait.ge [sflag:s29], $0x2000  }
0x2ed: {  	[sflag:s29] =	ssyncset.done $0x0  }
0x2ee: {  	s19 =	sadd.s32 $0x280, s19;
	[sflag:s29] =	ssyncadd.s32 $0xFFFFE000  }
0x2ef: {  	[tilespmem:s20], [sflag:$0x3] =	stream.indirect.gather [hbm4b:s9+s31], $0x80, s19, s31, $0xb8;
	[tilespmem:$0x1E380] =	vst v63  }
0x2f0: {  	_ =	swait.ge [sflag:s15], $0x2000  }
0x2f1: {  	[sflag:s15] =	ssyncset.done $0x0  }
0x2f2: {  	[sflag:s15] =	ssyncadd.s32 $0xFFFFE000  }
0x2f3: {  	[spmem:s1] =	stream.indirect.scatter.add.f32 [tilespmem:s28], [sflag:$0x4], $0x80, s16, s31, $0xb8;
	[tilespmem:$0x1E380] =	vst v63  }
0x2f4: {  	_ =	swait.ge [sflag:s29], $0x2000  }
0x2f5: {  	[sflag:s29] =	ssyncset.done $0x0  }
0x2f6: {  	[sflag:s29] =	ssyncadd.s32 $0xFFFFE000  }
0x2f7: {  	[tilespmem:s28], [sflag:$0x1] =	stream.indirect.gather [hbm4b:s9+s31], $0x80, s26, s31, $0xb8;
	[tilespmem:$0x1E380] =	vst v63  }
0x2f8: {  	_ =	swait.ge [sflag:s21], $0x2000  }
0x2f9: {  	[sflag:s21] =	ssyncset.done $0x0  }
0x2fa: {  	[sflag:s21] =	ssyncadd.s32 $0xFFFFE000  }
0x2fb: {  	[spmem:s1] =	stream.indirect.scatter.add.f32 [tilespmem:s0], [sflag:$0x4], $0x80, s30, s31, $0xb8;
	[tilespmem:$0x1E380] =	vst v63  }
0x2fc: {  	_ =	swait.ge [sflag:s29], $0x2000  }
0x2fd: {  	[sflag:s29] =	ssyncset.done $0x0  }
0x2fe: {  	[sflag:s29] =	ssyncadd.s32 $0xFFFFE000  }
0x2ff: {  	_ =	swait.ge [sflag:s10], $0x2000  }
0x300: {  	[sflag:s10] =	ssyncset.done $0x0  }
0x301: {  	s17 =	simm.s32 $0x3F00;
	[sflag:s10] =	ssyncadd.s32 $0xFFFFE000  }
0x302: {  	[spmem:s1] =	stream.indirect.scatter.add.f32 [tilespmem:s20], [sflag:$0x4], $0x80, s17, s31, $0xb8;
	[tilespmem:$0x1E380] =	vst v63  }
0x303: {  	_ =	swait.ge [sflag:s29], $0x2000  }
0x304: {  	[sflag:s29] =	ssyncset.done $0x0  }
0x305: {  	[sflag:s29] =	ssyncadd.s32 $0xFFFFE000  }
0x306: {  	s12 =	sadd.s32 $0x1, s12;
	_ =	swait.ge [sflag:s15], $0x2000  }
0x307: {  	p0 =	sne.s32 s12, $0x5;
	[sflag:s15] =	ssyncset.done $0x0  }
.Ltmp20:
0x308: {  	s22 =	simm.s32 $0x3F80;
	[sflag:s15] =	ssyncadd.s32 $0xFFFFE000;
	(pc) =	sbr.rel @p0 .LBB2_39-.Ltmp20, $4  }
0x309: {  	[spmem:s1] =	stream.indirect.scatter.add.f32 [tilespmem:s28], [sflag:$0x4], $0x80, s22, s31, $0xb8;
	[tilespmem:$0x1E380] =	vst v63  }
0x30a: {  	_ =	swait.ge [sflag:s29], $0x2000  }
0x30b: {  	[sflag:s29] =	ssyncset.done $0x0  }
0x30c: {  	[sflag:s29] =	ssyncadd.s32 $0xFFFFE000  }
0x30d: {  	[bflag:$0x0] =	sbarrier.arrive $0xFFFF  }
0x30e: {  	s12 =	simm.s32 $0x0;
	s17 =	simm.s32 $0x0;
	s19 =	simm.s32 $0x0  }
.LBB2_45:
0x30f: {  	s22 =	sshll.u32 s19, $0x6  }
0x310: {  	s23 =	sadd.s32 s6, s22  }
0x311: {  	s23 =	sshll.u32 s23, $0x7  }
0x312: {  	s24 =	sand.u32 $0x3FFFFF80, s23  }
0x313: {  	s24 =	sadd.s32 s24, s1  }
0x314: {  	[tilespmem:s28], [sflag:$0x4] =	stream.linear.gather [spmem:s24], $0x2000, $0x38;
	[tilespmem:$0x1E380] =	vst v63  }
0x315: {  	s23 =	sadd.s32 s11, s23;
	_ =	swait.ge [sflag:s29], $0x2000  }
0x316: {  	s23 =	sshrl.u32 s23, $0x3;
	[sflag:s29] =	ssyncset.done $0x0  }
0x317: {  	s23 =	sadd.s32 s8, s23;
	[sflag:s29] =	ssyncadd.s32 $0xFFFFE000  }
0x318: {  	[tilespmem:s0], [sflag:$0x4] =	stream.linear.gather [hbm4b:s23+s12], $0x2000, $0x38;
	[tilespmem:$0x1E380] =	vst v63  }
0x319: {  	_ =	swait.ge [sflag:s29], $0x2000  }
0x31a: {  	[sflag:s29] =	ssyncset.done $0x0  }
0x31b: {  	v3 =	vmov s17;
	s24 =	simm.s32 $0x0;
	[sflag:s29] =	ssyncadd.s32 $0xFFFFE000  }
0x31c: {  	v4 =	vld [tilespmem:s24+$0x6030]  }
0x31d: {  	v6 =	vld [tilespmem:s24+$0x4070]  }
0x31e: {  	v7 =	vld [tilespmem:s24+$0x4040]  }
0x31f: {  	v8 =	vld [tilespmem:s24+$0x4030]  }
0x320: {  	v9 =	vld.idx.msk [tilespmem:v3+s3+$0x0], $0xffff  }
0x321: {  	v10 =	vld [tilespmem:s24+$0x4000]  }
0x322: {  	v11 =	vld.idx.msk [tilespmem:v3+s4+$0x0], $0xffff  }
0x323: {  	v3 =	vld [tilespmem:s24+$0x4060]  }
0x324: {  	v5 =	vld [tilespmem:s24+$0x6000]  }
0x325: {  	v13 =	vld [tilespmem:s24+$0x4010];
	v15 =	vmul.f32 v7, v9  }
0x326: {  	v16 =	vld [tilespmem:s24+$0x4020];
	v18 =	vmul.f32 v8, v9  }
0x327: {  	v12 =	vld [tilespmem:s24+$0x4050];
	v19 =	vmul.f32 v6, v9;
	v8 =	vmul.f32 v8, v11;
	[tilespmem:s24+$0x4040] =	vst v15  }
0x328: {  	v57 =	vld [tilespmem:s24+$0x6010];
	v20 =	vmul.f32 v3, v9;
	v59 =	vmul.f32 v10, v11;
	[tilespmem:s24+$0x4030] =	vst v18  }
0x329: {  	v17 =	vld [tilespmem:s24+$0x6020];
	[tilespmem:s24+$0x4070] =	vst v19;
	v4 =	vadd.f32 v8, v4  }
0x32a: {  	v14 =	vld [tilespmem:s24+$0x6060];
	[tilespmem:s24+$0x4060] =	vst v20;
	v5 =	vadd.f32 v59, v5  }
0x32b: {  	s25 =	simm.s32 $0x80;
	v58 =	vld [tilespmem:s24+$0x6040];
	v61 =	vmul.f32 v16, v9;
	v21 =	vmul.f32 v13, v11;
	[tilespmem:s24+$0x6030] =	vst v4  }
0x32c: {  	v13 =	vmul.f32 v13, v9;
	v16 =	vmul.f32 v16, v11;
	v4 =	vld [tilespmem:s25+$0x6030];
	[tilespmem:s24+$0x6000] =	vst v5  }
0x32d: {  	v60 =	vld [tilespmem:s24+$0x6070];
	v3 =	vmul.f32 v3, v11;
	v15 =	vadd.f32 v21, v57;
	[tilespmem:s24+$0x4020] =	vst v61  }
0x32e: {  	v16 =	vadd.f32 v16, v17;
	v5 =	vld [tilespmem:s25+$0x6000];
	[tilespmem:s24+$0x4010] =	vst v13  }
0x32f: {  	v7 =	vmul.f32 v7, v11;
	v3 =	vadd.f32 v3, v14;
	[tilespmem:s24+$0x6010] =	vst v15  }
0x330: {  	v62 =	vmul.f32 v12, v9;
	v6 =	vmul.f32 v6, v11;
	v8 =	vld [tilespmem:s24+$0x6050];
	[tilespmem:s24+$0x6020] =	vst v16  }
0x331: {  	v7 =	vadd.f32 v7, v58;
	[tilespmem:s24+$0x6060] =	vst v3  }
0x332: {  	s26 =	sadd.s32 $0x1, s17;
	v63 =	vadd.f32 v6, v60;
	[tilespmem:s24+$0x4050] =	vst v62  }
0x333: {  	v9 =	vmul.f32 v10, v9;
	v10 =	vmul.f32 v12, v11;
	v3 =	vld [tilespmem:s25+$0x4070];
	[tilespmem:s24+$0x6040] =	vst v7;
	v7 =	vmov s26  }
0x334: {  	v6 =	vld [tilespmem:s25+$0x4040];
	[tilespmem:s24+$0x6070] =	vst v63  }
0x335: {  	s30 =	simm.s32 $0x400;
	v8 =	vadd.f32 v10, v8;
	[tilespmem:s24+$0x4000] =	vst v9  }
.LBB2_46:
0x336: {  	p0 =	sne.s32 s30, $0x7E00;
	s26 =	sadd.s32 $0x1, s26  }
0x337: {  	v9 =	vld [tilespmem:s25+$0x4030];
	[tilespmem:s24+$0x6050] =	vst v8;
	s16 =	smov.u32 s30;
	s30 =	sadd.s32 $0x200, s30;
	s24 =	smov.u32 s25  }
0x338: {  	v8 =	vld.idx.msk [tilespmem:v7+s3+$0x0], $0xffff  }
0x339: {  	v10 =	vld [tilespmem:s24+$0x4000]  }
0x33a: {  	v11 =	vld.idx.msk [tilespmem:v7+s4+$0x0], $0xffff  }
0x33b: {  	v12 =	vld [tilespmem:s24+$0x4050]  }
0x33c: {  	v13 =	vld [tilespmem:s24+$0x4060]  }
0x33d: {  	v14 =	vld [tilespmem:s24+$0x4010]  }
0x33e: {  	v15 =	vmul.f32 v9, v8;
	v16 =	vmul.f32 v6, v8;
	v17 =	vld [tilespmem:s24+$0x6060]  }
0x33f: {  	v18 =	vld [tilespmem:s24+$0x4020]  }
0x340: {  	v7 =	vmov s26;
	v9 =	vmul.f32 v9, v11;
	v19 =	vld [tilespmem:s24+$0x6020];
	[tilespmem:s24+$0x4040] =	vst v16;
	v16 =	vmul.f32 v3, v8  }
0x341: {  	v20 =	vmul.f32 v10, v11;
	v21 =	vld [tilespmem:s24+$0x6010];
	[tilespmem:s24+$0x4030] =	vst v15;
	v15 =	vmul.f32 v13, v8  }
0x342: {  	v10 =	vmul.f32 v10, v8;
	v4 =	vadd.f32 v9, v4;
	v22 =	vmul.f32 v14, v11;
	v9 =	vld [tilespmem:s24+$0x6040];
	[tilespmem:s24+$0x4070] =	vst v16  }
0x343: {  	s25 =	sshra.s32 s16, $0x2;
	v5 =	vadd.f32 v20, v5;
	v20 =	vmul.f32 v12, v8;
	v14 =	vmul.f32 v14, v8;
	v16 =	vld [tilespmem:s24+$0x6050];
	[tilespmem:s24+$0x4060] =	vst v15  }
0x344: {  	v15 =	vmul.f32 v18, v11;
	v8 =	vmul.f32 v18, v8;
	[tilespmem:s24+$0x6030] =	vst v4;
	v18 =	vld [tilespmem:s24+$0x6070]  }
0x345: {  	v6 =	vmul.f32 v6, v11;
	v13 =	vmul.f32 v13, v11;
	v4 =	vld [tilespmem:s25+$0x6030];
	[tilespmem:s24+$0x6000] =	vst v5  }
0x346: {  	v21 =	vadd.f32 v22, v21;
	v15 =	vadd.f32 v15, v19;
	[tilespmem:s24+$0x4020] =	vst v8;
	v8 =	vmul.f32 v12, v11  }
0x347: {  	v3 =	vmul.f32 v3, v11;
	v5 =	vld [tilespmem:s25+$0x6000];
	[tilespmem:s24+$0x4010] =	vst v14;
	v6 =	vadd.f32 v6, v9;
	v9 =	vadd.f32 v13, v17  }
0x348: {  	[tilespmem:s24+$0x6010] =	vst v21;
	v8 =	vadd.f32 v8, v16  }
0x349: {  	[tilespmem:s24+$0x6020] =	vst v15;
	v11 =	vadd.f32 v3, v18  }
.Ltmp21:
0x34a: {  	[tilespmem:s24+$0x6060] =	vst v9;
	(pc) =	sbr.rel @p0 .LBB2_46-.Ltmp21, $4  }
0x34b: {  	[tilespmem:s24+$0x4050] =	vst v20  }
0x34c: {  	v3 =	vld [tilespmem:s25+$0x4070];
	[tilespmem:s24+$0x6040] =	vst v6  }
0x34d: {  	v6 =	vld [tilespmem:s25+$0x4040];
	[tilespmem:s24+$0x6070] =	vst v11  }
0x34e: {  	[tilespmem:s24+$0x4000] =	vst v10  }
0x34f: {  	_ =	sdelay $0x2  }
0x350: {  	v9 =	vld [tilespmem:s25+$0x4030];
	[tilespmem:s24+$0x6050] =	vst v8  }
0x351: {  	v8 =	vld.idx.msk [tilespmem:v7+s3+$0x0], $0xffff;
	_ =	sdelay $0x1  }
0x352: {  	v50 =	vld.idx.msk [tilespmem:v7+s4+$0x0], $0xffff  }
0x353: {  	v12 =	vld [tilespmem:s25+$0x4060]  }
0x354: {  	v16 =	vld [tilespmem:s25+$0x4020]  }
0x355: {  	v13 =	vld [tilespmem:s25+$0x4010];
	v15 =	vmul.f32 v6, v8  }
0x356: {  	v11 =	vld [tilespmem:s25+$0x4050];
	v18 =	vmul.f32 v9, v8  }
0x357: {  	v10 =	vld [tilespmem:s25+$0x4000];
	v19 =	vmul.f32 v3, v8;
	[tilespmem:s25+$0x4040] =	vst v15  }
0x358: {  	v20 =	vmul.f32 v12, v8;
	[tilespmem:s25+$0x4030] =	vst v18  }
0x359: {  	v56 =	vmul.f32 v16, v8;
	[tilespmem:s25+$0x4070] =	vst v19  }
0x35a: {  	v17 =	vld [tilespmem:s25+$0x6020];
	v55 =	vmul.f32 v13, v50;
	v13 =	vmul.f32 v13, v8;
	[tilespmem:s25+$0x4060] =	vst v20  }
0x35b: {  	v52 =	vld [tilespmem:s25+$0x6040];
	v9 =	vmul.f32 v9, v50;
	v61 =	vmul.f32 v11, v8;
	[tilespmem:s25+$0x4020] =	vst v56  }
0x35c: {  	v57 =	vld [tilespmem:s25+$0x6070];
	v53 =	vmul.f32 v10, v50;
	v63 =	vmul.f32 v10, v8;
	[tilespmem:s25+$0x4010] =	vst v13  }
0x35d: {  	v14 =	vld [tilespmem:s25+$0x6060];
	v16 =	vmul.f32 v16, v50;
	v4 =	vadd.f32 v9, v4;
	[tilespmem:s25+$0x4050] =	vst v61  }
0x35e: {  	v51 =	vld [tilespmem:s25+$0x6010];
	v60 =	vmul.f32 v6, v50;
	v5 =	vadd.f32 v53, v5;
	[tilespmem:s25+$0x4000] =	vst v63  }
0x35f: {  	v54 =	vld [tilespmem:s25+$0x6050];
	v3 =	vmul.f32 v3, v50;
	v59 =	vadd.f32 v16, v17;
	[tilespmem:s25+$0x6030] =	vst v4  }
0x360: {  	v58 =	vmul.f32 v12, v50;
	v6 =	vadd.f32 v60, v52;
	[tilespmem:s25+$0x6000] =	vst v5  }
0x361: {  	v3 =	vadd.f32 v3, v57;
	[tilespmem:s25+$0x6020] =	vst v59  }
0x362: {  	v62 =	vmul.f32 v11, v50;
	v5 =	vadd.f32 v58, v14;
	[tilespmem:s25+$0x6040] =	vst v6  }
0x363: {  	v4 =	vadd.f32 v55, v51;
	[tilespmem:s25+$0x6070] =	vst v3  }
0x364: {  	[tilespmem:s25+$0x6060] =	vst v5;
	v5 =	vadd.f32 v62, v54  }
0x365: {  	[tilespmem:s25+$0x6010] =	vst v4  }
0x366: {  	[tilespmem:s25+$0x6050] =	vst v5  }
0x367: {  	[hbm4b:s23+s2] =	stream.linear.scatter [tilespmem:s0], [sflag:$0x4], $0x2000, $0x38;
	[tilespmem:$0x1E380] =	vst v63  }
0x368: {  	s16 =	sadd.s32 s14, s22;
	s19 =	sadd.s32 $0x1, s19;
	_ =	swait.ge [sflag:s29], $0x2000  }
0x369: {  	s16 =	sshll.u32 s16, $0x4;
	p0 =	sne.s32 s19, $0x9;
	[sflag:s29] =	ssyncset.done $0x0  }
.Ltmp22:
0x36a: {  	s16 =	sadd.s32 s9, s16;
	[sflag:s29] =	ssyncadd.s32 $0xFFFFE000;
	(pc) =	sbr.rel @p0 .LBB2_45-.Ltmp22, $4  }
0x36b: {  	[hbm4b:s16+s2] =	stream.linear.scatter [tilespmem:s28], [sflag:$0x4], $0x2000, $0x38;
	[tilespmem:$0x1E380] =	vst v63  }
0x36c: {  	_ =	swait.ge [sflag:s29], $0x2000  }
0x36d: {  	[sflag:s29] =	ssyncset.done $0x0  }
0x36e: {  	s17 =	sadd.s32 $0x40, s17;
	[sflag:s29] =	ssyncadd.s32 $0xFFFFE000  }
0x36f: {  	s26 =	rddreg [dreg:$0x5]  }
0x370: {  	[tilespmem:s28], [sflag:$0x4] =	stream.linear.gather [spmem:s26], $0x1C00, $0x38;
	[tilespmem:$0x1E380] =	vst v63  }
0x371: {  	_ =	swait.ge [sflag:s29], $0x1C00  }
0x372: {  	s12 =	simm.s32 $0x240;
	[sflag:s29] =	ssyncset.done $0x0  }
0x373: {  	v3 =	vmov s12;
	s30 =	rddreg [dreg:$0x7];
	[sflag:s29] =	ssyncadd.s32 $0xFFFFE400  }
0x374: {  	[tilespmem:s0], [sflag:$0x4] =	stream.linear.gather [hbm4b:s30+s2], $0x1C00, $0x38;
	[tilespmem:$0x1E380] =	vst v63  }
0x375: {  	_ =	swait.ge [sflag:s29], $0x1C00  }
0x376: {  	[sflag:s29] =	ssyncset.done $0x0  }
0x377: {  	[sflag:s29] =	ssyncadd.s32 $0xFFFFE400  }
0x378: {  	s12 =	simm.s32 $0x4040;
	v4 =	vld.idx.msk [tilespmem:v3+s4+$0x0], $0xffff  }
0x379: {  	v5 =	vld [tilespmem:s12+$0xFFFFFFC0]  }
0x37a: {  	s17 =	simm.s32 $0x6040  }
0x37b: {  	v6 =	vld [tilespmem:s17+$0xFFFFFFC0];
	_ =	sdelay $0x1  }
0x37c: {  	v3 =	vld.idx.msk [tilespmem:v3+s3+$0x0], $0xffff  }
0x37d: {  	v7 =	vmul.f32 v5, v4;
	_ =	sdelay $0x1  }
0x37e: {  	v6 =	vadd.f32 v7, v6;
	_ =	sdelay $0x1  }
0x37f: {  	v5 =	vmul.f32 v5, v3;
	[tilespmem:s17+$0xFFFFFFC0] =	vst v6  }
0x380: {  	v6 =	vld [tilespmem:s12+$0xFFFFFFD0]  }
0x381: {  	[tilespmem:s12+$0xFFFFFFC0] =	vst v5  }
0x382: {  	v5 =	vld [tilespmem:s17+$0xFFFFFFD0];
	_ =	sdelay $0x2  }
0x383: {  	v7 =	vmul.f32 v6, v4;
	_ =	sdelay $0x1  }
0x384: {  	v5 =	vadd.f32 v7, v5;
	_ =	sdelay $0x1  }
0x385: {  	v6 =	vmul.f32 v6, v3;
	[tilespmem:s17+$0xFFFFFFD0] =	vst v5  }
0x386: {  	v5 =	vld [tilespmem:s12+$0xFFFFFFE0]  }
0x387: {  	[tilespmem:s12+$0xFFFFFFD0] =	vst v6  }
0x388: {  	v6 =	vld [tilespmem:s17+$0xFFFFFFE0];
	_ =	sdelay $0x2  }
0x389: {  	v7 =	vmul.f32 v5, v4;
	_ =	sdelay $0x1  }
0x38a: {  	v6 =	vadd.f32 v7, v6  }
0x38b: {  	v5 =	vmul.f32 v5, v3  }
0x38c: {  	[tilespmem:s17+$0xFFFFFFE0] =	vst v6  }
0x38d: {  	[tilespmem:s12+$0xFFFFFFE0] =	vst v5;
	v5 =	vld [tilespmem:s12+$0xFFFFFFF0];
	_ =	sdelay $0x1  }
0x38e: {  	v6 =	vld [tilespmem:s17+$0xFFFFFFF0];
	_ =	sdelay $0x2  }
0x38f: {  	v7 =	vmul.f32 v5, v4;
	_ =	sdelay $0x1  }
0x390: {  	v6 =	vadd.f32 v7, v6  }
0x391: {  	v5 =	vmul.f32 v5, v3  }
0x392: {  	[tilespmem:s17+$0xFFFFFFF0] =	vst v6  }
0x393: {  	[tilespmem:s12+$0xFFFFFFF0] =	vst v5;
	v5 =	vld [tilespmem:s12+$0x0];
	_ =	sdelay $0x1  }
0x394: {  	v6 =	vld [tilespmem:s17+$0x0];
	_ =	sdelay $0x2  }
0x395: {  	v7 =	vmul.f32 v5, v4;
	_ =	sdelay $0x1  }
0x396: {  	v6 =	vadd.f32 v7, v6  }
0x397: {  	v5 =	vmul.f32 v5, v3  }
0x398: {  	[tilespmem:s17+$0x0] =	vst v6  }
0x399: {  	[tilespmem:s12+$0x0] =	vst v5;
	v5 =	vld [tilespmem:s12+$0x10];
	_ =	sdelay $0x1  }
0x39a: {  	v6 =	vld [tilespmem:s17+$0x10];
	_ =	sdelay $0x2  }
0x39b: {  	v7 =	vmul.f32 v5, v4;
	_ =	sdelay $0x1  }
0x39c: {  	v6 =	vadd.f32 v7, v6  }
0x39d: {  	v5 =	vmul.f32 v5, v3  }
0x39e: {  	[tilespmem:s17+$0x10] =	vst v6  }
0x39f: {  	[tilespmem:s12+$0x10] =	vst v5;
	v5 =	vld [tilespmem:s12+$0x20];
	_ =	sdelay $0x1  }
0x3a0: {  	v6 =	vld [tilespmem:s17+$0x20];
	_ =	sdelay $0x2  }
0x3a1: {  	v7 =	vmul.f32 v5, v4;
	_ =	sdelay $0x1  }
0x3a2: {  	v6 =	vadd.f32 v7, v6  }
0x3a3: {  	v5 =	vmul.f32 v5, v3  }
0x3a4: {  	[tilespmem:s17+$0x20] =	vst v6  }
0x3a5: {  	[tilespmem:s12+$0x20] =	vst v5;
	v5 =	vld [tilespmem:s12+$0x30];
	_ =	sdelay $0x1  }
0x3a6: {  	v6 =	vld [tilespmem:s17+$0x30];
	_ =	sdelay $0x2  }
0x3a7: {  	v4 =	vmul.f32 v5, v4  }
0x3a8: {  	s16 =	simm.s32 $0x241  }
0x3a9: {  	v6 =	vadd.f32 v4, v6;
	v4 =	vmov s16;
	_ =	sdelay $0x1  }
0x3aa: {  	s23 =	simm.s32 $0x242;
	v3 =	vmul.f32 v5, v3;
	[tilespmem:s17+$0x30] =	vst v6  }
.LBB2_49:
0x3ab: {  	s17 =	sadd.s32 $0x80, s17  }
0x3ac: {  	[tilespmem:s12+$0x30] =	vst v3;
	s12 =	sadd.s32 $0x80, s12;
	s22 =	smov.u32 s23;
	s19 =	sadd.s32 $0x1, s23  }
0x3ad: {  	p0 =	sne.s32 s23, $0x277;
	v3 =	vld.idx.msk [tilespmem:v4+s4+$0x0], $0xffff  }
0x3ae: {  	v5 =	vld [tilespmem:s12+$0xFFFFFFC0];
	_ =	sdelay $0x1  }
0x3af: {  	v6 =	vld [tilespmem:s17+$0xFFFFFFC0]  }
0x3b0: {  	v7 =	vld.idx.msk [tilespmem:v4+s3+$0x0], $0xffff;
	_ =	sdelay $0x1  }
0x3b1: {  	v4 =	vmul.f32 v5, v3;
	_ =	sdelay $0x1  }
0x3b2: {  	v4 =	vadd.f32 v4, v6;
	_ =	sdelay $0x1  }
0x3b3: {  	[tilespmem:s17+$0xFFFFFFC0] =	vst v4;
	v4 =	vmul.f32 v5, v7  }
0x3b4: {  	v5 =	vld [tilespmem:s12+$0xFFFFFFD0]  }
0x3b5: {  	[tilespmem:s12+$0xFFFFFFC0] =	vst v4  }
0x3b6: {  	v4 =	vld [tilespmem:s17+$0xFFFFFFD0];
	_ =	sdelay $0x2  }
0x3b7: {  	v6 =	vmul.f32 v5, v3;
	v5 =	vmul.f32 v5, v7;
	_ =	sdelay $0x1  }
0x3b8: {  	v4 =	vadd.f32 v6, v4;
	_ =	sdelay $0x1  }
0x3b9: {  	[tilespmem:s17+$0xFFFFFFD0] =	vst v4  }
0x3ba: {  	v4 =	vld [tilespmem:s12+$0xFFFFFFE0]  }
0x3bb: {  	[tilespmem:s12+$0xFFFFFFD0] =	vst v5  }
0x3bc: {  	v5 =	vld [tilespmem:s17+$0xFFFFFFE0];
	_ =	sdelay $0x2  }
0x3bd: {  	v6 =	vmul.f32 v4, v3;
	_ =	sdelay $0x1  }
0x3be: {  	v5 =	vadd.f32 v6, v5  }
0x3bf: {  	v4 =	vmul.f32 v4, v7  }
0x3c0: {  	[tilespmem:s17+$0xFFFFFFE0] =	vst v5  }
0x3c1: {  	[tilespmem:s12+$0xFFFFFFE0] =	vst v4;
	v4 =	vld [tilespmem:s12+$0xFFFFFFF0]  }
0x3c2: {  	v5 =	vld [tilespmem:s17+$0xFFFFFFF0];
	_ =	sdelay $0x3  }
0x3c3: {  	v6 =	vmul.f32 v4, v3;
	_ =	sdelay $0x1  }
0x3c4: {  	v5 =	vadd.f32 v6, v5  }
0x3c5: {  	v4 =	vmul.f32 v4, v7  }
0x3c6: {  	[tilespmem:s17+$0xFFFFFFF0] =	vst v5  }
0x3c7: {  	[tilespmem:s12+$0xFFFFFFF0] =	vst v4;
	v4 =	vld [tilespmem:s12+$0x0]  }
0x3c8: {  	v5 =	vld [tilespmem:s17+$0x0];
	_ =	sdelay $0x3  }
0x3c9: {  	v6 =	vmul.f32 v4, v3;
	_ =	sdelay $0x1  }
0x3ca: {  	v5 =	vadd.f32 v6, v5  }
0x3cb: {  	v4 =	vmul.f32 v4, v7  }
0x3cc: {  	[tilespmem:s17+$0x0] =	vst v5  }
0x3cd: {  	[tilespmem:s12+$0x0] =	vst v4;
	v4 =	vld [tilespmem:s12+$0x10]  }
0x3ce: {  	v5 =	vld [tilespmem:s17+$0x10];
	_ =	sdelay $0x3  }
0x3cf: {  	v6 =	vmul.f32 v4, v3;
	_ =	sdelay $0x1  }
0x3d0: {  	v5 =	vadd.f32 v6, v5  }
0x3d1: {  	v4 =	vmul.f32 v4, v7  }
0x3d2: {  	[tilespmem:s17+$0x10] =	vst v5  }
0x3d3: {  	[tilespmem:s12+$0x10] =	vst v4;
	v4 =	vld [tilespmem:s12+$0x20]  }
0x3d4: {  	v5 =	vld [tilespmem:s17+$0x20];
	_ =	sdelay $0x3  }
0x3d5: {  	v6 =	vmul.f32 v4, v3;
	_ =	sdelay $0x1  }
0x3d6: {  	v5 =	vadd.f32 v6, v5  }
0x3d7: {  	v4 =	vmul.f32 v4, v7  }
0x3d8: {  	[tilespmem:s17+$0x20] =	vst v5  }
0x3d9: {  	[tilespmem:s12+$0x20] =	vst v4;
	v5 =	vld [tilespmem:s12+$0x30]  }
0x3da: {  	v6 =	vld [tilespmem:s17+$0x30];
	_ =	sdelay $0x3  }
.Ltmp23:
0x3db: {  	v3 =	vmul.f32 v5, v3;
	(pc) =	sbr.rel @p0 .LBB2_49-.Ltmp23, $4  }
0x3dc: {  	v4 =	vmov s22  }
0x3dd: {  	v6 =	vadd.f32 v3, v6  }
0x3de: {  	v3 =	vmul.f32 v5, v7  }
0x3df: {  	s23 =	smov.u32 s19;
	[tilespmem:s17+$0x30] =	vst v6  }
0x3e0: {  	_ =	sdelay $0x2  }
0x3e1: {  	[tilespmem:s12+$0x30] =	vst v3  }
0x3e2: {  	s23 =	sadd.s32 $0x80, s12;
	v3 =	vld.idx.msk [tilespmem:v4+s4+$0x0], $0xffff  }
0x3e3: {  	v5 =	vld [tilespmem:s23+$0xFFFFFFC0]  }
0x3e4: {  	s16 =	sadd.s32 $0x80, s17  }
0x3e5: {  	v6 =	vld [tilespmem:s16+$0xFFFFFFC0];
	_ =	sdelay $0x1  }
0x3e6: {  	v57 =	vld.idx.msk [tilespmem:v4+s3+$0x0], $0xffff  }
0x3e7: {  	v7 =	vmul.f32 v5, v3;
	_ =	sdelay $0x1  }
0x3e8: {  	v6 =	vadd.f32 v7, v6;
	_ =	sdelay $0x1  }
0x3e9: {  	v5 =	vmul.f32 v5, v57;
	[tilespmem:s16+$0xFFFFFFC0] =	vst v6  }
0x3ea: {  	v6 =	vld [tilespmem:s23+$0xFFFFFFD0]  }
0x3eb: {  	[tilespmem:s23+$0xFFFFFFC0] =	vst v5  }
0x3ec: {  	v5 =	vld [tilespmem:s16+$0xFFFFFFD0];
	_ =	sdelay $0x2  }
0x3ed: {  	v58 =	vmul.f32 v6, v3;
	_ =	sdelay $0x1  }
0x3ee: {  	v5 =	vadd.f32 v58, v5;
	_ =	sdelay $0x1  }
0x3ef: {  	v6 =	vmul.f32 v6, v57;
	[tilespmem:s16+$0xFFFFFFD0] =	vst v5  }
0x3f0: {  	v5 =	vld [tilespmem:s23+$0xFFFFFFE0]  }
0x3f1: {  	[tilespmem:s23+$0xFFFFFFD0] =	vst v6  }
0x3f2: {  	v6 =	vld [tilespmem:s16+$0xFFFFFFE0];
	_ =	sdelay $0x2  }
0x3f3: {  	v59 =	vmul.f32 v5, v3;
	_ =	sdelay $0x1  }
0x3f4: {  	v6 =	vadd.f32 v59, v6;
	_ =	sdelay $0x1  }
0x3f5: {  	v5 =	vmul.f32 v5, v57;
	[tilespmem:s16+$0xFFFFFFE0] =	vst v6  }
0x3f6: {  	v6 =	vld [tilespmem:s23+$0xFFFFFFF0]  }
0x3f7: {  	[tilespmem:s23+$0xFFFFFFE0] =	vst v5  }
0x3f8: {  	v5 =	vld [tilespmem:s16+$0xFFFFFFF0];
	_ =	sdelay $0x2  }
0x3f9: {  	v60 =	vmul.f32 v6, v3;
	_ =	sdelay $0x1  }
0x3fa: {  	v5 =	vadd.f32 v60, v5;
	_ =	sdelay $0x1  }
0x3fb: {  	v6 =	vmul.f32 v6, v57;
	[tilespmem:s16+$0xFFFFFFF0] =	vst v5  }
0x3fc: {  	v5 =	vld [tilespmem:s23+$0x0]  }
0x3fd: {  	[tilespmem:s23+$0xFFFFFFF0] =	vst v6  }
0x3fe: {  	v6 =	vld [tilespmem:s16+$0x0];
	_ =	sdelay $0x2  }
0x3ff: {  	v61 =	vmul.f32 v5, v3;
	_ =	sdelay $0x1  }
0x400: {  	v6 =	vadd.f32 v61, v6;
	_ =	sdelay $0x1  }
0x401: {  	v5 =	vmul.f32 v5, v57;
	[tilespmem:s16+$0x0] =	vst v6  }
0x402: {  	v6 =	vld [tilespmem:s23+$0x10]  }
0x403: {  	[tilespmem:s23+$0x0] =	vst v5  }
0x404: {  	v5 =	vld [tilespmem:s16+$0x10];
	_ =	sdelay $0x2  }
0x405: {  	v62 =	vmul.f32 v6, v3;
	_ =	sdelay $0x1  }
0x406: {  	v5 =	vadd.f32 v62, v5;
	_ =	sdelay $0x1  }
0x407: {  	v6 =	vmul.f32 v6, v57;
	[tilespmem:s16+$0x10] =	vst v5  }
0x408: {  	v5 =	vld [tilespmem:s23+$0x20]  }
0x409: {  	[tilespmem:s23+$0x10] =	vst v6  }
0x40a: {  	v6 =	vld [tilespmem:s16+$0x20];
	_ =	sdelay $0x2  }
0x40b: {  	v63 =	vmul.f32 v5, v3;
	_ =	sdelay $0x1  }
0x40c: {  	v6 =	vadd.f32 v63, v6;
	_ =	sdelay $0x1  }
0x40d: {  	v5 =	vmul.f32 v5, v57;
	[tilespmem:s16+$0x20] =	vst v6  }
0x40e: {  	v6 =	vld [tilespmem:s23+$0x30]  }
0x40f: {  	[tilespmem:s23+$0x20] =	vst v5  }
0x410: {  	v5 =	vld [tilespmem:s16+$0x30];
	_ =	sdelay $0x2  }
0x411: {  	v3 =	vmul.f32 v6, v3;
	_ =	sdelay $0x1  }
0x412: {  	v3 =	vadd.f32 v3, v5  }
0x413: {  	v4 =	vmul.f32 v6, v57  }
0x414: {  	[tilespmem:s16+$0x30] =	vst v3  }
0x415: {  	s24 =	simm.s32 $0x0;
	[tilespmem:s23+$0x30] =	vst v4  }
0x416: {  	[hbm4b:s30+s24] =	stream.linear.scatter [tilespmem:s0], [sflag:$0x4], $0x1C00, $0x38;
	[tilespmem:$0x1E380] =	vst v63  }
0x417: {  	_ =	swait.ge [sflag:s29], $0x1C00  }
0x418: {  	[sflag:s29] =	ssyncset.done $0x0  }
0x419: {  	s25 =	rddreg [dreg:$0x8];
	[sflag:s29] =	ssyncadd.s32 $0xFFFFE400  }
0x41a: {  	[hbm4b:s25+s24] =	stream.linear.scatter [tilespmem:s28], [sflag:$0x4], $0x1C00, $0x38;
	[tilespmem:$0x1E380] =	vst v63  }
0x41b: {  	_ =	swait.ge [sflag:s29], $0x1C00  }
0x41c: {  	[sflag:s29] =	ssyncset.done $0x0  }
0x41d: {  	s12 =	simm.s32 $0x0;
	s17 =	simm.s32 $0x200;
	[sflag:s29] =	ssyncadd.s32 $0xFFFFE400  }
.LBB2_51:
0x41e: {  	p0 =	sne.s32 s17, $0x7E00;
	[tilespmem:s12+$0x4070] =	vst v1  }
0x41f: {  	[tilespmem:s12+$0x4000] =	vst v1  }
0x420: {  	[tilespmem:s12+$0x4010] =	vst v1  }
.Ltmp24:
0x421: {  	[tilespmem:s12+$0x4020] =	vst v1;
	(pc) =	sbr.rel @p0 .LBB2_51-.Ltmp24, $4  }
0x422: {  	[tilespmem:s12+$0x4030] =	vst v1  }
0x423: {  	[tilespmem:s12+$0x4040] =	vst v1  }
0x424: {  	[tilespmem:s12+$0x4050] =	vst v1  }
0x425: {  	[tilespmem:s12+$0x4060] =	vst v1;
	s12 =	sshra.s32 s17, $0x2;
	s17 =	sadd.s32 $0x200, s17  }
0x426: {  	[tilespmem:s12+$0x4070] =	vst v1  }
0x427: {  	[tilespmem:s12+$0x4000] =	vst v1  }
0x428: {  	[tilespmem:s12+$0x4010] =	vst v1  }
0x429: {  	[tilespmem:s12+$0x4020] =	vst v1  }
0x42a: {  	[tilespmem:s12+$0x4030] =	vst v1  }
0x42b: {  	[tilespmem:s12+$0x4040] =	vst v1  }
0x42c: {  	[tilespmem:s12+$0x4050] =	vst v1  }
0x42d: {  	[tilespmem:s12+$0x4060] =	vst v1;
	s24 =	rddreg [dreg:$0x4]  }
0x42e: {  	[spmem:s24] =	stream.linear.scatter [tilespmem:s28], [sflag:$0x4], $0x2000, $0x38;
	[tilespmem:$0x1E380] =	vst v63  }
0x42f: {  	_ =	swait.ge [sflag:s29], $0x2000  }
0x430: {  	[sflag:s29] =	ssyncset.done $0x0  }
0x431: {  	s25 =	rddreg [dreg:$0xa];
	[sflag:s29] =	ssyncadd.s32 $0xFFFFE000  }
0x432: {  	[spmem:s25] =	stream.linear.scatter [tilespmem:s28], [sflag:$0x4], $0x2000, $0x38;
	[tilespmem:$0x1E380] =	vst v63  }
0x433: {  	_ =	swait.ge [sflag:s29], $0x2000  }
0x434: {  	[sflag:s29] =	ssyncset.done $0x0  }
0x435: {  	s16 =	rddreg [dreg:$0xb];
	[sflag:s29] =	ssyncadd.s32 $0xFFFFE000  }
0x436: {  	[spmem:s16] =	stream.linear.scatter [tilespmem:s28], [sflag:$0x4], $0x2000, $0x38;
	[tilespmem:$0x1E380] =	vst v63  }
0x437: {  	_ =	swait.ge [sflag:s29], $0x2000  }
0x438: {  	[sflag:s29] =	ssyncset.done $0x0  }
0x439: {  	s17 =	rddreg [dreg:$0xc];
	[sflag:s29] =	ssyncadd.s32 $0xFFFFE000  }
0x43a: {  	[spmem:s17] =	stream.linear.scatter [tilespmem:s28], [sflag:$0x4], $0x2000, $0x38;
	[tilespmem:$0x1E380] =	vst v63  }
0x43b: {  	_ =	swait.ge [sflag:s29], $0x2000  }
0x43c: {  	[sflag:s29] =	ssyncset.done $0x0  }
0x43d: {  	s19 =	rddreg [dreg:$0xd];
	[sflag:s29] =	ssyncadd.s32 $0xFFFFE000  }
0x43e: {  	[spmem:s19] =	stream.linear.scatter [tilespmem:s28], [sflag:$0x4], $0x2000, $0x38;
	[tilespmem:$0x1E380] =	vst v63  }
0x43f: {  	_ =	swait.ge [sflag:s29], $0x2000  }
0x440: {  	[sflag:s29] =	ssyncset.done $0x0  }
0x441: {  	s22 =	rddreg [dreg:$0xe];
	[sflag:s29] =	ssyncadd.s32 $0xFFFFE000  }
0x442: {  	[spmem:s22] =	stream.linear.scatter [tilespmem:s28], [sflag:$0x4], $0x2000, $0x38;
	[tilespmem:$0x1E380] =	vst v63  }
0x443: {  	_ =	swait.ge [sflag:s29], $0x2000  }
0x444: {  	[sflag:s29] =	ssyncset.done $0x0  }
0x445: {  	s23 =	rddreg [dreg:$0xf];
	[sflag:s29] =	ssyncadd.s32 $0xFFFFE000  }
0x446: {  	[spmem:s23] =	stream.linear.scatter [tilespmem:s28], [sflag:$0x4], $0x2000, $0x38;
	[tilespmem:$0x1E380] =	vst v63  }
0x447: {  	_ =	swait.ge [sflag:s29], $0x2000  }
0x448: {  	[sflag:s29] =	ssyncset.done $0x0  }
0x449: {  	s24 =	rddreg [dreg:$0x10];
	[sflag:s29] =	ssyncadd.s32 $0xFFFFE000  }
0x44a: {  	[spmem:s24] =	stream.linear.scatter [tilespmem:s28], [sflag:$0x4], $0x2000, $0x38;
	[tilespmem:$0x1E380] =	vst v63  }
0x44b: {  	_ =	swait.ge [sflag:s29], $0x2000  }
0x44c: {  	[sflag:s29] =	ssyncset.done $0x0  }
0x44d: {  	s25 =	rddreg [dreg:$0x11];
	[sflag:s29] =	ssyncadd.s32 $0xFFFFE000  }
0x44e: {  	[spmem:s25] =	stream.linear.scatter [tilespmem:s28], [sflag:$0x4], $0x2000, $0x38;
	[tilespmem:$0x1E380] =	vst v63  }
0x44f: {  	_ =	swait.ge [sflag:s29], $0x2000  }
0x450: {  	[sflag:s29] =	ssyncset.done $0x0  }
0x451: {  	[sflag:s29] =	ssyncadd.s32 $0xFFFFE000  }
0x452: {  	[spmem:s26] =	stream.linear.scatter [tilespmem:s28], [sflag:$0x4], $0x1C00, $0x38;
	[tilespmem:$0x1E380] =	vst v63  }
0x453: {  	_ =	swait.ge [sflag:s29], $0x1C00  }
0x454: {  	s16 =	rddreg [dreg:$0x13]  }
0x455: {  	s16 =	sadd.s32 $0x1, s16  }
0x456: {  	p0 =	sne.s32 s16, $0x3  }
.Ltmp25:
0x457: {  	_ = 	snop;
	(pc) =	sbr.rel @p0 .LBB2_38-.Ltmp25, $4  }
0x458: {  	[sflag:s29] =	ssyncset.done $0x0  }
0x459: {  	[sflag:s29] =	ssyncadd.s32 $0xFFFFE400  }
0x45a: {  	s12 =	simm.s32 $0x0;
	[bflag:$0x0] =	sbarrier.arrive $0xFFFF  }
0x45b: {  	s23 =	simm.s32 $0x2000;
	s24 =	simm.s32 $0x80;
	s25 =	simm.s32 $0x100  }
0x45c: {  	s16 =	simm.s32 $0x0  }
.LBB2_54:
0x45d: {  	s17 =	sshll.u32 s16, $0xD  }
0x45e: {  	s17 =	sadd.s32 s13, s17  }
0x45f: {  	s17 =	sshrl.u32 s17, $0x3  }
0x460: {  	s19 =	sadd.s32 s5, s17  }
0x461: {  	[tilespmem:s12], [sflag:$0x4] =	stream.linear.gather [hbm4b:s19+s12], $0x2000, $0x38;
	[tilespmem:$0x1E380] =	vst v63  }
0x462: {  	_ =	swait.ge [sflag:s29], $0x2000  }
0x463: {  	[sflag:s29] =	ssyncset.done $0x0  }
0x464: {  	s17 =	sadd.s32 s7, s17;
	[sflag:s29] =	ssyncadd.s32 $0xFFFFE000  }
0x465: {  	[tilespmem:s23], [sflag:$0x4] =	stream.linear.gather [hbm4b:s17+s12], $0x2000, $0x38;
	[tilespmem:$0x1E380] =	vst v63  }
0x466: {  	_ =	swait.ge [sflag:s29], $0x2000  }
0x467: {  	[sflag:s29] =	ssyncset.done $0x0  }
0x468: {  	s17 =	simm.s32 $0x0;
	[sflag:s29] =	ssyncadd.s32 $0xFFFFE000  }
0x469: {  	v5 =	vld [tilespmem:s17+$0x0]  }
0x46a: {  	v4 =	vld [tilespmem:s17+$0x10]  }
0x46b: {  	s19 =	simm.s32 $0x200;
	v3 =	vld [tilespmem:s17+$0x20]  }
.LBB2_55:
0x46c: {  	p0 =	sne.s32 s19, $0x7E00;
	v6 =	vld [tilespmem:s17+$0x30];
	_ =	sdelay $0x1  }
.Ltmp26:
0x46d: {  	v5 =	vadd.s32 v0, v5;
	(pc) =	sbr.rel @p0 .LBB2_55-.Ltmp26, $4  }
0x46e: {  	s22 =	sshra.s32 s19, $0x2;
	[tilespmem:s17+$0x0] =	vst v5;
	v4 =	vadd.s32 v0, v4  }
0x46f: {  	v5 =	vld [tilespmem:s22+$0x0];
	[tilespmem:s17+$0x10] =	vst v4;
	v3 =	vadd.s32 v0, v3  }
0x470: {  	v4 =	vld [tilespmem:s22+$0x10];
	[tilespmem:s17+$0x20] =	vst v3;
	v6 =	vadd.s32 v0, v6  }
0x471: {  	s19 =	sadd.s32 $0x200, s19;
	v3 =	vld [tilespmem:s22+$0x20];
	[tilespmem:s17+$0x30] =	vst v6;
	s17 =	smov.u32 s22  }
0x472: {  	v6 =	vld [tilespmem:s17+$0x30];
	_ =	sdelay $0x1  }
0x473: {  	v5 =	vadd.s32 v0, v5  }
0x474: {  	[tilespmem:s17+$0x0] =	vst v5;
	v4 =	vadd.s32 v0, v4  }
0x475: {  	[tilespmem:s17+$0x10] =	vst v4;
	v3 =	vadd.s32 v0, v3  }
0x476: {  	[tilespmem:s17+$0x20] =	vst v3;
	v3 =	vadd.s32 v0, v6  }
0x477: {  	s19 =	simm.s32 $0x0;
	[tilespmem:s17+$0x30] =	vst v3  }
0x478: {  	[tilespmem:s28], [sflag:$0x1] =	stream.indirect.gather [hbm4b:s9+s31], $0x80, s19, s31, $0xb8;
	[tilespmem:$0x1E380] =	vst v63  }
0x479: {  	_ = 	snop  }
0x47a: {  	[tilespmem:s0], [sflag:$0x2] =	stream.indirect.gather [hbm4b:s9+s31], $0x80, s24, s31, $0xb8;
	[tilespmem:$0x1E380] =	vst v63  }
0x47b: {  	_ = 	snop  }
0x47c: {  	[tilespmem:s20], [sflag:$0x3] =	stream.indirect.gather [hbm4b:s9+s31], $0x80, s25, s31, $0xb8;
	[tilespmem:$0x1E380] =	vst v63  }
0x47d: {  	_ =	swait.ge [sflag:s15], $0x2000  }
0x47e: {  	[sflag:s15] =	ssyncset.done $0x0  }
0x47f: {  	s22 =	simm.s32 $0x2000;
	[sflag:s15] =	ssyncadd.s32 $0xFFFFE000  }
0x480: {  	[spmem:s1] =	stream.indirect.scatter.add.f32 [tilespmem:s28], [sflag:$0x4], $0x80, s22, s31, $0xb8;
	[tilespmem:$0x1E380] =	vst v63  }
0x481: {  	_ =	swait.ge [sflag:s29], $0x2000  }
0x482: {  	[sflag:s29] =	ssyncset.done $0x0  }
0x483: {  	s19 =	simm.s32 $0x180;
	[sflag:s29] =	ssyncadd.s32 $0xFFFFE000  }
0x484: {  	[tilespmem:s28], [sflag:$0x1] =	stream.indirect.gather [hbm4b:s9+s31], $0x80, s19, s31, $0xb8;
	[tilespmem:$0x1E380] =	vst v63  }
0x485: {  	_ =	swait.ge [sflag:s21], $0x2000  }
0x486: {  	[sflag:s21] =	ssyncset.done $0x0  }
0x487: {  	s22 =	simm.s32 $0x2080;
	[sflag:s21] =	ssyncadd.s32 $0xFFFFE000  }
0x488: {  	[spmem:s1] =	stream.indirect.scatter.add.f32 [tilespmem:s0], [sflag:$0x4], $0x80, s22, s31, $0xb8;
	[tilespmem:$0x1E380] =	vst v63  }
0x489: {  	_ =	swait.ge [sflag:s29], $0x2000  }
0x48a: {  	[sflag:s29] =	ssyncset.done $0x0  }
0x48b: {  	s19 =	simm.s32 $0x200;
	[sflag:s29] =	ssyncadd.s32 $0xFFFFE000  }
0x48c: {  	[tilespmem:s0], [sflag:$0x2] =	stream.indirect.gather [hbm4b:s9+s31], $0x80, s19, s31, $0xb8;
	[tilespmem:$0x1E380] =	vst v63  }
0x48d: {  	_ =	swait.ge [sflag:s10], $0x2000  }
0x48e: {  	[sflag:s10] =	ssyncset.done $0x0  }
0x48f: {  	s22 =	simm.s32 $0x2100;
	[sflag:s10] =	ssyncadd.s32 $0xFFFFE000  }
0x490: {  	[spmem:s1] =	stream.indirect.scatter.add.f32 [tilespmem:s20], [sflag:$0x4], $0x80, s22, s31, $0xb8;
	[tilespmem:$0x1E380] =	vst v63  }
0x491: {  	_ =	swait.ge [sflag:s29], $0x2000  }
0x492: {  	[sflag:s29] =	ssyncset.done $0x0  }
0x493: {  	s17 =	simm.s32 $0x600;
	s19 =	simm.s32 $0x280;
	[sflag:s29] =	ssyncadd.s32 $0xFFFFE000  }
.LBB2_57:
0x494: {  	[tilespmem:s20], [sflag:$0x3] =	stream.indirect.gather [hbm4b:s9+s31], $0x80, s19, s31, $0xb8;
	[tilespmem:$0x1E380] =	vst v63  }
0x495: {  	s19 =	smov.u32 s17  }
0x496: {  	p0 =	sne.s32 s17, $0x7200;
	s17 =	sadd.s32 $0x600, s17;
	_ =	swait.ge [sflag:s15], $0x2000  }
0x497: {  	s19 =	sshra.s32 s19, $0x2;
	[sflag:s15] =	ssyncset.done $0x0  }
0x498: {  	s22 =	sadd.s32 $0x2000, s19;
	[sflag:s15] =	ssyncadd.s32 $0xFFFFE000  }
0x499: {  	[spmem:s1] =	stream.indirect.scatter.add.f32 [tilespmem:s28], [sflag:$0x4], $0x80, s22, s31, $0xb8;
	[tilespmem:$0x1E380] =	vst v63  }
0x49a: {  	_ =	swait.ge [sflag:s29], $0x2000  }
0x49b: {  	[sflag:s29] =	ssyncset.done $0x0  }
0x49c: {  	s22 =	sadd.s32 $0x180, s19;
	[sflag:s29] =	ssyncadd.s32 $0xFFFFE000  }
0x49d: {  	[tilespmem:s28], [sflag:$0x1] =	stream.indirect.gather [hbm4b:s9+s31], $0x80, s22, s31, $0xb8;
	[tilespmem:$0x1E380] =	vst v63  }
0x49e: {  	_ =	swait.ge [sflag:s21], $0x2000  }
0x49f: {  	[sflag:s21] =	ssyncset.done $0x0  }
0x4a0: {  	s22 =	sadd.s32 $0x2080, s19;
	[sflag:s21] =	ssyncadd.s32 $0xFFFFE000  }
0x4a1: {  	[spmem:s1] =	stream.indirect.scatter.add.f32 [tilespmem:s0], [sflag:$0x4], $0x80, s22, s31, $0xb8;
	[tilespmem:$0x1E380] =	vst v63  }
0x4a2: {  	_ =	swait.ge [sflag:s29], $0x2000  }
0x4a3: {  	[sflag:s29] =	ssyncset.done $0x0  }
0x4a4: {  	s22 =	sadd.s32 $0x200, s19;
	[sflag:s29] =	ssyncadd.s32 $0xFFFFE000  }
0x4a5: {  	[tilespmem:s0], [sflag:$0x2] =	stream.indirect.gather [hbm4b:s9+s31], $0x80, s22, s31, $0xb8;
	[tilespmem:$0x1E380] =	vst v63  }
0x4a6: {  	_ =	swait.ge [sflag:s10], $0x2000  }
0x4a7: {  	[sflag:s10] =	ssyncset.done $0x0  }
.Ltmp27:
0x4a8: {  	s22 =	sadd.s32 $0x2100, s19;
	[sflag:s10] =	ssyncadd.s32 $0xFFFFE000;
	(pc) =	sbr.rel @p0 .LBB2_57-.Ltmp27, $4  }
0x4a9: {  	[spmem:s1] =	stream.indirect.scatter.add.f32 [tilespmem:s20], [sflag:$0x4], $0x80, s22, s31, $0xb8;
	[tilespmem:$0x1E380] =	vst v63  }
0x4aa: {  	_ =	swait.ge [sflag:s29], $0x2000  }
0x4ab: {  	[sflag:s29] =	ssyncset.done $0x0  }
0x4ac: {  	s19 =	sadd.s32 $0x280, s19;
	[sflag:s29] =	ssyncadd.s32 $0xFFFFE000  }
0x4ad: {  	[tilespmem:s20], [sflag:$0x3] =	stream.indirect.gather [hbm4b:s9+s31], $0x80, s19, s31, $0xb8;
	[tilespmem:$0x1E380] =	vst v63  }
0x4ae: {  	_ =	swait.ge [sflag:s15], $0x2000  }
0x4af: {  	[sflag:s15] =	ssyncset.done $0x0  }
0x4b0: {  	s17 =	simm.s32 $0x3E00;
	[sflag:s15] =	ssyncadd.s32 $0xFFFFE000  }
0x4b1: {  	[spmem:s1] =	stream.indirect.scatter.add.f32 [tilespmem:s28], [sflag:$0x4], $0x80, s17, s31, $0xb8;
	[tilespmem:$0x1E380] =	vst v63  }
0x4b2: {  	_ =	swait.ge [sflag:s29], $0x2000  }
0x4b3: {  	[sflag:s29] =	ssyncset.done $0x0  }
0x4b4: {  	s19 =	simm.s32 $0x1F80;
	[sflag:s29] =	ssyncadd.s32 $0xFFFFE000  }
0x4b5: {  	[tilespmem:s28], [sflag:$0x1] =	stream.indirect.gather [hbm4b:s9+s31], $0x80, s19, s31, $0xb8;
	[tilespmem:$0x1E380] =	vst v63  }
0x4b6: {  	_ =	swait.ge [sflag:s21], $0x2000  }
0x4b7: {  	[sflag:s21] =	ssyncset.done $0x0  }
0x4b8: {  	s22 =	simm.s32 $0x3E80;
	[sflag:s21] =	ssyncadd.s32 $0xFFFFE000  }
0x4b9: {  	[spmem:s1] =	stream.indirect.scatter.add.f32 [tilespmem:s0], [sflag:$0x4], $0x80, s22, s31, $0xb8;
	[tilespmem:$0x1E380] =	vst v63  }
0x4ba: {  	_ =	swait.ge [sflag:s29], $0x2000  }
0x4bb: {  	[sflag:s29] =	ssyncset.done $0x0  }
0x4bc: {  	[sflag:s29] =	ssyncadd.s32 $0xFFFFE000  }
0x4bd: {  	_ =	swait.ge [sflag:s10], $0x2000  }
0x4be: {  	[sflag:s10] =	ssyncset.done $0x0  }
0x4bf: {  	s19 =	simm.s32 $0x3F00;
	[sflag:s10] =	ssyncadd.s32 $0xFFFFE000  }
0x4c0: {  	[spmem:s1] =	stream.indirect.scatter.add.f32 [tilespmem:s20], [sflag:$0x4], $0x80, s19, s31, $0xb8;
	[tilespmem:$0x1E380] =	vst v63  }
0x4c1: {  	_ =	swait.ge [sflag:s29], $0x2000  }
0x4c2: {  	[sflag:s29] =	ssyncset.done $0x0  }
0x4c3: {  	[sflag:s29] =	ssyncadd.s32 $0xFFFFE000  }
0x4c4: {  	s16 =	sadd.s32 $0x1, s16;
	_ =	swait.ge [sflag:s15], $0x2000  }
0x4c5: {  	p0 =	sne.s32 s16, $0x5;
	[sflag:s15] =	ssyncset.done $0x0  }
.Ltmp28:
0x4c6: {  	s22 =	simm.s32 $0x3F80;
	[sflag:s15] =	ssyncadd.s32 $0xFFFFE000;
	(pc) =	sbr.rel @p0 .LBB2_54-.Ltmp28, $4  }
0x4c7: {  	[spmem:s1] =	stream.indirect.scatter.add.f32 [tilespmem:s28], [sflag:$0x4], $0x80, s22, s31, $0xb8;
	[tilespmem:$0x1E380] =	vst v63  }
0x4c8: {  	_ =	swait.ge [sflag:s29], $0x2000  }
0x4c9: {  	[sflag:s29] =	ssyncset.done $0x0  }
0x4ca: {  	[sflag:s29] =	ssyncadd.s32 $0xFFFFE000  }
0x4cb: {  	[bflag:$0x0] =	sbarrier.arrive $0xFFFF  }
0x4cc: {  	s12 =	simm.s32 $0x0;
	s16 =	simm.s32 $0x0;
	s17 =	simm.s32 $0x0  }
.LBB2_60:
0x4cd: {  	s19 =	sshll.u32 s17, $0x6  }
0x4ce: {  	s19 =	sadd.s32 s6, s19  }
0x4cf: {  	s19 =	sshll.u32 s19, $0x7  }
0x4d0: {  	s22 =	sand.u32 $0x3FFFFF80, s19  }
0x4d1: {  	s22 =	sadd.s32 s22, s1  }
0x4d2: {  	[tilespmem:s28], [sflag:$0x4] =	stream.linear.gather [spmem:s22], $0x2000, $0x38;
	[tilespmem:$0x1E380] =	vst v63  }
0x4d3: {  	s19 =	sadd.s32 s11, s19;
	_ =	swait.ge [sflag:s29], $0x2000  }
0x4d4: {  	s19 =	sshrl.u32 s19, $0x3;
	[sflag:s29] =	ssyncset.done $0x0  }
0x4d5: {  	s19 =	sadd.s32 s8, s19;
	[sflag:s29] =	ssyncadd.s32 $0xFFFFE000  }
0x4d6: {  	[tilespmem:s0], [sflag:$0x4] =	stream.linear.gather [hbm4b:s19+s12], $0x2000, $0x38;
	[tilespmem:$0x1E380] =	vst v63  }
0x4d7: {  	_ =	swait.ge [sflag:s29], $0x2000  }
0x4d8: {  	[sflag:s29] =	ssyncset.done $0x0  }
0x4d9: {  	s22 =	simm.s32 $0x0;
	[sflag:s29] =	ssyncadd.s32 $0xFFFFE000  }
0x4da: {  	v4 =	vld [tilespmem:s22+$0x4040]  }
0x4db: {  	v3 =	vld [tilespmem:s22+$0x4070]  }
0x4dc: {  	v6 =	vld [tilespmem:s22+$0x6000]  }
0x4dd: {  	v7 =	vld [tilespmem:s22+$0x6060]  }
0x4de: {  	v8 =	vmov s16;
	v12 =	vld [tilespmem:s22+$0x4060]  }
0x4df: {  	v5 =	vld [tilespmem:s22+$0x4010]  }
0x4e0: {  	v11 =	vld [tilespmem:s22+$0x6020]  }
0x4e1: {  	v9 =	vld [tilespmem:s22+$0x4050]  }
0x4e2: {  	v15 =	vld [tilespmem:s22+$0x4000]  }
0x4e3: {  	v10 =	vld.idx.msk [tilespmem:v8+s4+$0x0], $0xffff  }
0x4e4: {  	v8 =	vld [tilespmem:s22+$0x6070]  }
0x4e5: {  	v16 =	vld [tilespmem:s22+$0x4020]  }
0x4e6: {  	v14 =	vld [tilespmem:s22+$0x4030]  }
0x4e7: {  	s23 =	simm.s32 $0x200;
	s24 =	sadd.s32 $0x1, s16;
	v13 =	vld [tilespmem:s22+$0x6040]  }
.LBB2_61:
0x4e8: {  	v17 =	vmov s24;
	p0 =	sne.s32 s23, $0x7E00;
	v18 =	vld [tilespmem:s22+$0x6030];
	s25 =	smov.u32 s23;
	s23 =	sadd.s32 $0x200, s23  }
0x4e9: {  	v15 =	vmul.f32 v15, v10;
	v12 =	vmul.f32 v12, v10;
	v19 =	vld [tilespmem:s22+$0x6010]  }
0x4ea: {  	v20 =	vmul.f32 v4, v10;
	v16 =	vmul.f32 v16, v10;
	v21 =	vld [tilespmem:s22+$0x6050]  }
0x4eb: {  	s25 =	sshra.s32 s25, $0x2;
	v6 =	vadd.f32 v15, v6;
	v7 =	vadd.f32 v12, v7;
	v14 =	vmul.f32 v14, v10  }
0x4ec: {  	v5 =	vmul.f32 v5, v10;
	v4 =	vld [tilespmem:s25+$0x4040];
	v11 =	vadd.f32 v16, v11;
	v13 =	vadd.f32 v20, v13  }
0x4ed: {  	v9 =	vmul.f32 v9, v10;
	v10 =	vmul.f32 v3, v10;
	[tilespmem:s22+$0x6000] =	vst v6;
	v14 =	vadd.f32 v14, v18;
	v3 =	vld [tilespmem:s25+$0x4070]  }
0x4ee: {  	v6 =	vld [tilespmem:s25+$0x6000];
	v16 =	vadd.f32 v5, v19;
	[tilespmem:s22+$0x6060] =	vst v7  }
0x4ef: {  	v8 =	vadd.f32 v10, v8;
	v7 =	vld [tilespmem:s25+$0x6060];
	[tilespmem:s22+$0x6020] =	vst v11;
	v15 =	vadd.f32 v9, v21  }
0x4f0: {  	v12 =	vld [tilespmem:s25+$0x4060];
	[tilespmem:s22+$0x6030] =	vst v14  }
0x4f1: {  	v5 =	vld [tilespmem:s25+$0x4010];
	[tilespmem:s22+$0x6070] =	vst v8  }
0x4f2: {  	v11 =	vld [tilespmem:s25+$0x6020];
	[tilespmem:s22+$0x6040] =	vst v13  }
0x4f3: {  	v9 =	vld [tilespmem:s25+$0x4050];
	[tilespmem:s22+$0x6050] =	vst v15  }
0x4f4: {  	v15 =	vld [tilespmem:s25+$0x4000];
	[tilespmem:s22+$0x6010] =	vst v16;
	s22 =	smov.u32 s25  }
.Ltmp29:
0x4f5: {  	v10 =	vld.idx.msk [tilespmem:v17+s4+$0x0], $0xffff;
	(pc) =	sbr.rel @p0 .LBB2_61-.Ltmp29, $4  }
0x4f6: {  	v8 =	vld [tilespmem:s22+$0x6070]  }
0x4f7: {  	v16 =	vld [tilespmem:s22+$0x4020]  }
0x4f8: {  	v14 =	vld [tilespmem:s22+$0x4030]  }
0x4f9: {  	s24 =	sadd.s32 $0x1, s24;
	v13 =	vld [tilespmem:s22+$0x6040]  }
0x4fa: {  	v15 =	vmul.f32 v15, v10  }
0x4fb: {  	v12 =	vmul.f32 v12, v10  }
0x4fc: {  	v17 =	vld [tilespmem:s22+$0x6030];
	v3 =	vmul.f32 v3, v10;
	v6 =	vadd.f32 v15, v6  }
0x4fd: {  	v60 =	vld [tilespmem:s22+$0x6050];
	v16 =	vmul.f32 v16, v10;
	v7 =	vadd.f32 v12, v7  }
0x4fe: {  	v18 =	vld [tilespmem:s22+$0x6010];
	v4 =	vmul.f32 v4, v10;
	v3 =	vadd.f32 v3, v8;
	[tilespmem:s22+$0x6000] =	vst v6  }
0x4ff: {  	v14 =	vmul.f32 v14, v10;
	v11 =	vadd.f32 v16, v11;
	[tilespmem:s22+$0x6060] =	vst v7  }
0x500: {  	v62 =	vmul.f32 v9, v10;
	v4 =	vadd.f32 v4, v13;
	[tilespmem:s22+$0x6070] =	vst v3  }
0x501: {  	v5 =	vmul.f32 v5, v10;
	v61 =	vadd.f32 v14, v17;
	[tilespmem:s22+$0x6020] =	vst v11  }
0x502: {  	v63 =	vadd.f32 v62, v60;
	[tilespmem:s22+$0x6040] =	vst v4  }
0x503: {  	s17 =	sadd.s32 $0x1, s17;
	v3 =	vadd.f32 v5, v18;
	[tilespmem:s22+$0x6030] =	vst v61  }
0x504: {  	p0 =	sne.s32 s17, $0x9;
	[tilespmem:s22+$0x6050] =	vst v63  }
.Ltmp30:
0x505: {  	[tilespmem:s22+$0x6010] =	vst v3;
	(pc) =	sbr.rel @p0 .LBB2_60-.Ltmp30, $4  }
0x506: {  	[hbm4b:s19+s2] =	stream.linear.scatter [tilespmem:s0], [sflag:$0x4], $0x2000, $0x38;
	[tilespmem:$0x1E380] =	vst v63  }
0x507: {  	_ =	swait.ge [sflag:s29], $0x2000  }
0x508: {  	[sflag:s29] =	ssyncset.done $0x0  }
0x509: {  	s16 =	sadd.s32 $0x40, s16;
	[sflag:s29] =	ssyncadd.s32 $0xFFFFE000  }
0x50a: {  	[tilespmem:s28], [sflag:$0x4] =	stream.linear.gather [spmem:s26], $0x1C00, $0x38;
	[tilespmem:$0x1E380] =	vst v63  }
0x50b: {  	_ =	swait.ge [sflag:s29], $0x1C00  }
0x50c: {  	s12 =	simm.s32 $0x240;
	[sflag:s29] =	ssyncset.done $0x0  }
0x50d: {  	v3 =	vmov s12;
	[sflag:s29] =	ssyncadd.s32 $0xFFFFE400  }
0x50e: {  	[tilespmem:s0], [sflag:$0x4] =	stream.linear.gather [hbm4b:s30+s2], $0x1C00, $0x38;
	[tilespmem:$0x1E380] =	vst v63  }
0x50f: {  	_ =	swait.ge [sflag:s29], $0x1C00  }
0x510: {  	[sflag:s29] =	ssyncset.done $0x0  }
0x511: {  	[sflag:s29] =	ssyncadd.s32 $0xFFFFE400  }
0x512: {  	s12 =	simm.s32 $0x4040;
	v5 =	vld.idx.msk [tilespmem:v3+s4+$0x0], $0xffff  }
0x513: {  	v3 =	vld [tilespmem:s12+$0xFFFFFFC0]  }
0x514: {  	s16 =	simm.s32 $0x6040  }
0x515: {  	v4 =	vld [tilespmem:s16+$0xFFFFFFC0];
	_ =	sdelay $0x2  }
0x516: {  	v3 =	vmul.f32 v3, v5;
	_ =	sdelay $0x1  }
0x517: {  	v3 =	vadd.f32 v3, v4;
	_ =	sdelay $0x1  }
0x518: {  	[tilespmem:s16+$0xFFFFFFC0] =	vst v3  }
0x519: {  	v3 =	vld [tilespmem:s12+$0xFFFFFFD0];
	_ =	sdelay $0x1  }
0x51a: {  	v4 =	vld [tilespmem:s16+$0xFFFFFFD0];
	_ =	sdelay $0x2  }
0x51b: {  	v3 =	vmul.f32 v3, v5;
	_ =	sdelay $0x1  }
0x51c: {  	v3 =	vadd.f32 v3, v4;
	_ =	sdelay $0x1  }
0x51d: {  	[tilespmem:s16+$0xFFFFFFD0] =	vst v3  }
0x51e: {  	v3 =	vld [tilespmem:s12+$0xFFFFFFE0];
	_ =	sdelay $0x1  }
0x51f: {  	v4 =	vld [tilespmem:s16+$0xFFFFFFE0];
	_ =	sdelay $0x2  }
0x520: {  	v3 =	vmul.f32 v3, v5;
	_ =	sdelay $0x1  }
0x521: {  	v3 =	vadd.f32 v3, v4;
	_ =	sdelay $0x1  }
0x522: {  	[tilespmem:s16+$0xFFFFFFE0] =	vst v3  }
0x523: {  	v3 =	vld [tilespmem:s12+$0xFFFFFFF0];
	_ =	sdelay $0x1  }
0x524: {  	v4 =	vld [tilespmem:s16+$0xFFFFFFF0];
	_ =	sdelay $0x2  }
0x525: {  	v3 =	vmul.f32 v3, v5;
	_ =	sdelay $0x1  }
0x526: {  	v3 =	vadd.f32 v3, v4;
	_ =	sdelay $0x1  }
0x527: {  	[tilespmem:s16+$0xFFFFFFF0] =	vst v3  }
0x528: {  	v3 =	vld [tilespmem:s12+$0x0];
	_ =	sdelay $0x1  }
0x529: {  	v4 =	vld [tilespmem:s16+$0x0];
	_ =	sdelay $0x2  }
0x52a: {  	v3 =	vmul.f32 v3, v5;
	_ =	sdelay $0x1  }
0x52b: {  	v3 =	vadd.f32 v3, v4;
	_ =	sdelay $0x1  }
0x52c: {  	[tilespmem:s16+$0x0] =	vst v3  }
0x52d: {  	v3 =	vld [tilespmem:s12+$0x10];
	_ =	sdelay $0x1  }
0x52e: {  	v4 =	vld [tilespmem:s16+$0x10];
	_ =	sdelay $0x2  }
0x52f: {  	v3 =	vmul.f32 v3, v5;
	_ =	sdelay $0x1  }
0x530: {  	v3 =	vadd.f32 v3, v4;
	_ =	sdelay $0x1  }
0x531: {  	[tilespmem:s16+$0x10] =	vst v3  }
0x532: {  	v3 =	vld [tilespmem:s12+$0x20];
	_ =	sdelay $0x1  }
0x533: {  	v4 =	vld [tilespmem:s16+$0x20];
	_ =	sdelay $0x2  }
0x534: {  	v3 =	vmul.f32 v3, v5;
	_ =	sdelay $0x1  }
0x535: {  	v3 =	vadd.f32 v3, v4;
	_ =	sdelay $0x1  }
0x536: {  	[tilespmem:s16+$0x20] =	vst v3  }
0x537: {  	v6 =	vld [tilespmem:s12+$0x30];
	_ =	sdelay $0x1  }
0x538: {  	v4 =	vld [tilespmem:s16+$0x30];
	_ =	sdelay $0x1  }
0x539: {  	s17 =	simm.s32 $0x241  }
0x53a: {  	v3 =	vmov s17;
	s17 =	simm.s32 $0x242;
	v5 =	vmul.f32 v6, v5  }
.LBB2_64:
0x53b: {  	p0 =	sne.s32 s17, $0x277  }
0x53c: {  	v4 =	vadd.f32 v5, v4;
	_ =	sdelay $0x1  }
0x53d: {  	[tilespmem:s16+$0x30] =	vst v4  }
0x53e: {  	s12 =	sadd.s32 $0x80, s12;
	v5 =	vld.idx.msk [tilespmem:v3+s4+$0x0], $0xffff  }
0x53f: {  	v3 =	vld [tilespmem:s12+$0xFFFFFFC0]  }
0x540: {  	s16 =	sadd.s32 $0x80, s16  }
0x541: {  	v4 =	vld [tilespmem:s16+$0xFFFFFFC0];
	_ =	sdelay $0x2  }
0x542: {  	v3 =	vmul.f32 v3, v5;
	_ =	sdelay $0x1  }
0x543: {  	v3 =	vadd.f32 v3, v4;
	_ =	sdelay $0x1  }
0x544: {  	[tilespmem:s16+$0xFFFFFFC0] =	vst v3  }
0x545: {  	v3 =	vld [tilespmem:s12+$0xFFFFFFD0];
	_ =	sdelay $0x1  }
0x546: {  	v4 =	vld [tilespmem:s16+$0xFFFFFFD0];
	_ =	sdelay $0x2  }
0x547: {  	v3 =	vmul.f32 v3, v5;
	_ =	sdelay $0x1  }
0x548: {  	v3 =	vadd.f32 v3, v4;
	_ =	sdelay $0x1  }
0x549: {  	[tilespmem:s16+$0xFFFFFFD0] =	vst v3  }
0x54a: {  	v3 =	vld [tilespmem:s12+$0xFFFFFFE0];
	_ =	sdelay $0x1  }
0x54b: {  	v4 =	vld [tilespmem:s16+$0xFFFFFFE0];
	_ =	sdelay $0x2  }
0x54c: {  	v3 =	vmul.f32 v3, v5;
	_ =	sdelay $0x1  }
0x54d: {  	v3 =	vadd.f32 v3, v4;
	_ =	sdelay $0x1  }
0x54e: {  	[tilespmem:s16+$0xFFFFFFE0] =	vst v3  }
0x54f: {  	v3 =	vld [tilespmem:s12+$0xFFFFFFF0];
	_ =	sdelay $0x1  }
0x550: {  	v4 =	vld [tilespmem:s16+$0xFFFFFFF0];
	_ =	sdelay $0x2  }
0x551: {  	v3 =	vmul.f32 v3, v5;
	_ =	sdelay $0x1  }
0x552: {  	v3 =	vadd.f32 v3, v4;
	_ =	sdelay $0x1  }
0x553: {  	[tilespmem:s16+$0xFFFFFFF0] =	vst v3  }
0x554: {  	v3 =	vld [tilespmem:s12+$0x0];
	_ =	sdelay $0x1  }
0x555: {  	v4 =	vld [tilespmem:s16+$0x0];
	_ =	sdelay $0x2  }
0x556: {  	v3 =	vmul.f32 v3, v5;
	_ =	sdelay $0x1  }
0x557: {  	v3 =	vadd.f32 v3, v4;
	_ =	sdelay $0x1  }
0x558: {  	[tilespmem:s16+$0x0] =	vst v3  }
0x559: {  	v3 =	vld [tilespmem:s12+$0x10];
	_ =	sdelay $0x1  }
0x55a: {  	v4 =	vld [tilespmem:s16+$0x10];
	_ =	sdelay $0x2  }
0x55b: {  	v3 =	vmul.f32 v3, v5;
	_ =	sdelay $0x1  }
0x55c: {  	v3 =	vadd.f32 v3, v4;
	_ =	sdelay $0x1  }
0x55d: {  	[tilespmem:s16+$0x10] =	vst v3  }
0x55e: {  	v3 =	vld [tilespmem:s12+$0x20];
	_ =	sdelay $0x1  }
0x55f: {  	v4 =	vld [tilespmem:s16+$0x20];
	_ =	sdelay $0x2  }
0x560: {  	v3 =	vmul.f32 v3, v5;
	_ =	sdelay $0x1  }
0x561: {  	v3 =	vadd.f32 v3, v4;
	_ =	sdelay $0x1  }
0x562: {  	[tilespmem:s16+$0x20] =	vst v3  }
0x563: {  	v6 =	vld [tilespmem:s12+$0x30]  }
.Ltmp31:
0x564: {  	(pc) =	sbr.rel @p0 .LBB2_64-.Ltmp31, $2  }
0x565: {  	v4 =	vld [tilespmem:s16+$0x30];
	_ =	sdelay $0x2  }
0x566: {  	v3 =	vmov s17;
	s17 =	sadd.s32 $0x1, s17;
	v5 =	vmul.f32 v6, v5  }
0x567: {  	_ = 	snop  }
0x568: {  	v4 =	vadd.f32 v5, v4;
	_ =	sdelay $0x1  }
0x569: {  	[tilespmem:s16+$0x30] =	vst v4  }
0x56a: {  	s12 =	sadd.s32 $0x80, s12;
	v3 =	vld.idx.msk [tilespmem:v3+s4+$0x0], $0xffff  }
0x56b: {  	v4 =	vld [tilespmem:s12+$0xFFFFFFC0]  }
0x56c: {  	s23 =	sadd.s32 $0x80, s16  }
0x56d: {  	v56 =	vld [tilespmem:s23+$0xFFFFFFC0];
	_ =	sdelay $0x2  }
0x56e: {  	v4 =	vmul.f32 v4, v3;
	_ =	sdelay $0x1  }
0x56f: {  	v4 =	vadd.f32 v4, v56;
	_ =	sdelay $0x1  }
0x570: {  	[tilespmem:s23+$0xFFFFFFC0] =	vst v4  }
0x571: {  	v4 =	vld [tilespmem:s12+$0xFFFFFFD0];
	_ =	sdelay $0x1  }
0x572: {  	v57 =	vld [tilespmem:s23+$0xFFFFFFD0];
	_ =	sdelay $0x2  }
0x573: {  	v4 =	vmul.f32 v4, v3;
	_ =	sdelay $0x1  }
0x574: {  	v4 =	vadd.f32 v4, v57;
	_ =	sdelay $0x1  }
0x575: {  	[tilespmem:s23+$0xFFFFFFD0] =	vst v4  }
0x576: {  	v4 =	vld [tilespmem:s12+$0xFFFFFFE0];
	_ =	sdelay $0x1  }
0x577: {  	v58 =	vld [tilespmem:s23+$0xFFFFFFE0];
	_ =	sdelay $0x2  }
0x578: {  	v4 =	vmul.f32 v4, v3;
	_ =	sdelay $0x1  }
0x579: {  	v4 =	vadd.f32 v4, v58;
	_ =	sdelay $0x1  }
0x57a: {  	[tilespmem:s23+$0xFFFFFFE0] =	vst v4  }
0x57b: {  	v4 =	vld [tilespmem:s12+$0xFFFFFFF0];
	_ =	sdelay $0x1  }
0x57c: {  	v59 =	vld [tilespmem:s23+$0xFFFFFFF0];
	_ =	sdelay $0x2  }
0x57d: {  	v4 =	vmul.f32 v4, v3;
	_ =	sdelay $0x1  }
0x57e: {  	v4 =	vadd.f32 v4, v59;
	_ =	sdelay $0x1  }
0x57f: {  	[tilespmem:s23+$0xFFFFFFF0] =	vst v4  }
0x580: {  	v4 =	vld [tilespmem:s12+$0x0];
	_ =	sdelay $0x1  }
0x581: {  	v60 =	vld [tilespmem:s23+$0x0];
	_ =	sdelay $0x2  }
0x582: {  	v4 =	vmul.f32 v4, v3;
	_ =	sdelay $0x1  }
0x583: {  	v4 =	vadd.f32 v4, v60;
	_ =	sdelay $0x1  }
0x584: {  	[tilespmem:s23+$0x0] =	vst v4  }
0x585: {  	v4 =	vld [tilespmem:s12+$0x10];
	_ =	sdelay $0x1  }
0x586: {  	v61 =	vld [tilespmem:s23+$0x10];
	_ =	sdelay $0x2  }
0x587: {  	v4 =	vmul.f32 v4, v3;
	_ =	sdelay $0x1  }
0x588: {  	v4 =	vadd.f32 v4, v61;
	_ =	sdelay $0x1  }
0x589: {  	[tilespmem:s23+$0x10] =	vst v4  }
0x58a: {  	v4 =	vld [tilespmem:s12+$0x20];
	_ =	sdelay $0x1  }
0x58b: {  	v62 =	vld [tilespmem:s23+$0x20];
	_ =	sdelay $0x2  }
0x58c: {  	v4 =	vmul.f32 v4, v3;
	_ =	sdelay $0x1  }
0x58d: {  	v4 =	vadd.f32 v4, v62;
	_ =	sdelay $0x1  }
0x58e: {  	[tilespmem:s23+$0x20] =	vst v4  }
0x58f: {  	v4 =	vld [tilespmem:s12+$0x30];
	_ =	sdelay $0x1  }
0x590: {  	v63 =	vld [tilespmem:s23+$0x30];
	_ =	sdelay $0x2  }
0x591: {  	v3 =	vmul.f32 v4, v3;
	_ =	sdelay $0x1  }
0x592: {  	v3 =	vadd.f32 v3, v63;
	_ =	sdelay $0x1  }
0x593: {  	[tilespmem:s23+$0x30] =	vst v3  }
0x594: {  	[hbm4b:s30+s2] =	stream.linear.scatter [tilespmem:s0], [sflag:$0x4], $0x1C00, $0x38;
	[tilespmem:$0x1E380] =	vst v63  }
0x595: {  	_ =	swait.ge [sflag:s29], $0x1C00  }
0x596: {  	s24 =	rddreg [dreg:$0x12]  }
0x597: {  	s25 =	rddreg [dreg:$0x9];
	s16 =	sadd.s32 $0x1, s24  }
0x598: {  	p0 =	sne.s32 s16, s25  }
.Ltmp32:
0x599: {  	_ = 	snop;
	(pc) =	sbr.rel @p0 .LBB2_1-.Ltmp32, $3  }
0x59a: {  	_ =	sdelay $0x1  }
0x59b: {  	s19 =	simm.s32 $0x2100;
	s22 =	simm.s32 $0x2180;
	[sflag:s29] =	ssyncset.done $0x0  }
0x59c: {  	s23 =	simm.s32 $0x2000;
	[sflag:s29] =	ssyncadd.s32 $0xFFFFE400;
	s24 =	simm.s32 $0x2080  }
0x59d: {  	_ =	sfence.sel $0x180000  }
0x59e: {  	[bflag:$0x0] =	sbarrier.arrive $0xFFFF  }
0x59f: {  	_ =	strace $0x90000047  }
0x5a0: {  	s0 =	stileid.u32;
	[bflag:$0x2] =	sbarrier.arrive $0xFFFF  }
0x5a1: {  	p0 =	sne.s32 s0, $0x0;
	s0 =	rddreg [dreg:$0x2]  }
0x5a2: {  	s0 =	sadd.s32 @!p0 $0x100000, s0  }
0x5a3: {  	[sflag:s0] =	ssyncadd.tile.s32 @!p0 $0x1;
	_ =	shalt  }
.Lfunc_end2:
_tile_overlayer_lowered:
.L_overlay_start_2:
0x5a4: {  	(tag) =	ssettag $0x2  }
0x5a5: {  	s0 =	rddreg [dreg:$0x0];
	s2 =	stileid.u32  }
0x5a6: {  	s1 =	rddreg [dreg:$0x1];
	p0 =	sne.s32 s2, $0x0  }
0x5a7: {  	s3 =	rddreg [dreg:$0x2];
	[bflag:$0x3] =	sbarrier.arrive $0xFFFF;
	s2 =	simm.s32 @!p0 $0x1C04  }
0x5a8: {  	[timem:s3], [sflag:s2] =	dma.local @!p0 [hbm:s0], s1  }
0x5a9: {  	s0 =	simm.s32 @!p0 $0x4  }
0x5aa: {  	_ =	swait.ge @!p0 [sflag:s0], s1  }
0x5ab: {  	s1 =	ssub.s32 @!p0 $0x0, s1;
	[sflag:s0] =	ssyncset.done @!p0 $0x0  }
0x5ac: {  	[sflag:s0] =	ssyncadd.s32 @!p0 s1  }
0x5ad: {  	[bflag:$0x3] =	sbarrier.arrive $0xFFFF  }
0x5ae: {  	_ =	shalt  }

</sc_bundles>
